<compile_context>
chip_gen: v7x
topology: tpu7x:2x2x1
jax: 0.10.2.dev20260603
libtpu: 0.0.44.dev20260713+nightly
codegen_flags: <defaults>
</compile_context>

<pallas_src>
import jax
import jax.numpy as jnp
from jax import lax
from jax.experimental import pallas as pl
from jax.experimental.pallas import tpu as pltpu
from jax.experimental.pallas import tpu_sc as plsc

N = 10000
E = 320000
D = 128
H = 128
Z = 64
DH = 256
OUT = 231
G = 64

NC = 2
NS = 16
NW = NC * NS
CH = 128
NCH = E // CH
CPW = 80
NPA = 10240
RPS = NPA // NS
NPD = 10240
BR = 2560
NBLK = NPA // BR

_mesh = plsc.VectorSubcoreMesh(core_axis_name="c", subcore_axis_name="s")


def _zero_rows(buf, nrows):
    z = jnp.zeros((16,), jnp.float32)

    @pl.loop(0, nrows)
    def _(r):
        for k in range(8):
            buf[r, pl.ds(k * 16, 16)] = z


_OUT_CHUNKS = [(0, 128), (128, 128), (256, 128), (384, 128), (512, 128)]


def _stage_dst_table(ei_hbm, didx_t, wid, semi, wait):
    last = NW - 1

    @pl.when(wid < last)
    def _():
        off = pl.multiple_of(wid * CPW, 8)
        if wait:
            pltpu.make_async_copy(ei_hbm.at[1, pl.ds(off, CPW)], didx_t,
                                  semi).wait()
        else:
            pltpu.async_copy(ei_hbm.at[1, pl.ds(off, CPW)], didx_t, semi)

    @pl.when(wid == last)
    def _():
        ops = [(ei_hbm.at[1, pl.ds(NCH - 20, 16)], didx_t.at[pl.ds(0, 16)])]
        ops += [(ei_hbm.at[1, NCH - 4 + k], didx_t.at[16 + k])
                for k in range(4)]
        for src, dst in ops:
            if wait:
                pltpu.make_async_copy(src, dst, semi).wait()
            else:
                pltpu.async_copy(src, dst, semi)


def _deg_body(ei_hbm, deg_out, didx_t, ones_v, zrow_v, deg_sp, semi, semd):
    c = lax.axis_index("c")
    s = lax.axis_index("s")
    wid = s * NC + c
    cb = jnp.minimum(wid * CPW, NCH - 20)
    nch = jnp.where(wid == NW - 1, 20, CPW)

    _stage_dst_table(ei_hbm, didx_t, wid, semi, wait=False)

    @pl.loop(0, NPD // NS // 16)
    def _(r):
        zrow_v[pl.ds(r * 16, 16)] = jnp.zeros((16,), jnp.float32)
    for k in range(8):
        ones_v[pl.ds(k * 16, 16)] = jnp.ones((16,), jnp.float32)
    pltpu.sync_copy(zrow_v,
                    deg_sp.at[pl.ds(pl.multiple_of(s * (NPD // NS), 8),
                                    NPD // NS)])
    _stage_dst_table(ei_hbm, didx_t, wid, semi, wait=True)
    plsc.subcore_barrier()

    @pl.loop(0, nch // 2)
    def _(jj):
        j = jj * 2
        pltpu.async_copy(ones_v, deg_sp.at[didx_t.at[j]], semi, add=True)
        pltpu.async_copy(ones_v, deg_sp.at[didx_t.at[j + 1]], semd, add=True)
        pltpu.make_async_copy(ones_v, deg_sp.at[didx_t.at[j]], semi).wait()
        pltpu.make_async_copy(ones_v, deg_sp.at[didx_t.at[j + 1]],
                              semd).wait()

    plsc.subcore_barrier()
    pltpu.sync_copy(
        deg_sp.at[pl.ds(pl.multiple_of(s * (NPD // NS), 8), NPD // NS)],
        zrow_v)
    pltpu.sync_copy(
        zrow_v,
        deg_out.at[c, pl.ds(pl.multiple_of(s * (NPD // NS), 8), NPD // NS)])


_deg_call = pl.kernel(
    _deg_body,
    out_type=jax.ShapeDtypeStruct((NC, NPD), jnp.float32),
    mesh=_mesh,
    scratch_types=[
        pltpu.VMEM((CPW, CH), jnp.int32),
        pltpu.VMEM((CH,), jnp.float32),
        pltpu.VMEM((NPD // NS,), jnp.float32),
        pltpu.VMEM_SHARED((NPD,), jnp.float32),
        pltpu.SemaphoreType.DMA,
        pltpu.SemaphoreType.DMA,
    ],
)


def _spmm_body(h_hbm, ei_hbm, out_hbm,
               sidx_a, sidx_b, didx_t, rows_a, rows_b, acc_sp,
               semg_a, semg_b, sems_a, sems_b, semi):
    c = lax.axis_index("c")
    s = lax.axis_index("s")
    wid = s * NC + c
    cb = jnp.minimum(wid * CPW, NCH - 20)
    npair = jnp.where(wid == NW - 1, 10, CPW // 2)

    _stage_dst_table(ei_hbm, didx_t, wid, semi, wait=False)
    pltpu.sync_copy(ei_hbm.at[0, cb], sidx_a)
    pltpu.async_copy(h_hbm.at[sidx_a], rows_a, semg_a)

    _zero_rows(rows_b, CH)
    for (r0, rn) in _OUT_CHUNKS:
        off = pl.multiple_of(s * RPS + r0, 8)
        pltpu.async_copy(rows_b, acc_sp.at[pl.ds(off, rn)], sems_b)
    for (r0, rn) in _OUT_CHUNKS:
        off = pl.multiple_of(s * RPS + r0, 8)
        pltpu.make_async_copy(rows_b, acc_sp.at[pl.ds(off, rn)],
                              sems_b).wait()
    _stage_dst_table(ei_hbm, didx_t, wid, semi, wait=True)
    plsc.subcore_barrier()

    @pl.loop(0, npair)
    def _(jj):
        j = jj * 2
        pltpu.sync_copy(ei_hbm.at[0, cb + j + 1], sidx_b)

        @pl.when(jj > 0)
        def _():
            pltpu.make_async_copy(rows_b, acc_sp.at[didx_t.at[j - 1]],
                                  sems_b).wait()
        pltpu.async_copy(h_hbm.at[sidx_b], rows_b, semg_b)
        pltpu.make_async_copy(h_hbm.at[sidx_a], rows_a, semg_a).wait()
        pltpu.async_copy(rows_a, acc_sp.at[didx_t.at[j]], sems_a,
                         add=True)

        @pl.when(jj < npair - 1)
        def _():
            pltpu.sync_copy(ei_hbm.at[0, cb + j + 2], sidx_a)
            pltpu.make_async_copy(rows_a, acc_sp.at[didx_t.at[j]],
                                  sems_a).wait()
            pltpu.async_copy(h_hbm.at[sidx_a], rows_a, semg_a)

        @pl.when(jj == npair - 1)
        def _():
            pltpu.make_async_copy(rows_a, acc_sp.at[didx_t.at[j]],
                                  sems_a).wait()
        pltpu.make_async_copy(h_hbm.at[sidx_b], rows_b, semg_b).wait()
        pltpu.async_copy(rows_b, acc_sp.at[didx_t.at[j + 1]], sems_b,
                         add=True)

    pltpu.make_async_copy(rows_b, acc_sp.at[didx_t.at[2 * npair - 1]],
                          sems_b).wait()
    plsc.subcore_barrier()

    bufs = (rows_a, rows_b)
    sems = (sems_a, sems_b)

    def _o(r0):
        return pl.multiple_of(s * RPS + r0, 8)

    for i, (r0, rn) in enumerate(_OUT_CHUNKS):
        buf, sem = bufs[i % 2], sems[i % 2]
        if i >= 2:
            p0, pn = _OUT_CHUNKS[i - 2]
            pltpu.make_async_copy(buf, out_hbm.at[c, pl.ds(_o(p0), pn)],
                                  sem).wait()
        pltpu.sync_copy(acc_sp.at[pl.ds(_o(r0), rn)], buf)
        pltpu.async_copy(buf, out_hbm.at[c, pl.ds(_o(r0), rn)], sem)
    for i in (3, 4):
        r0, rn = _OUT_CHUNKS[i]
        pltpu.make_async_copy(bufs[i % 2],
                              out_hbm.at[c, pl.ds(_o(r0), rn)],
                              sems[i % 2]).wait()


_spmm_call = pl.kernel(
    _spmm_body,
    out_type=jax.ShapeDtypeStruct((NC, NPA, H), jnp.float32),
    mesh=_mesh,
    scratch_types=[
        pltpu.VMEM((CH,), jnp.int32),
        pltpu.VMEM((CH,), jnp.int32),
        pltpu.VMEM((CPW, CH), jnp.int32),
        pltpu.VMEM((CH, H), jnp.float32),
        pltpu.VMEM((CH, H), jnp.float32),
        pltpu.VMEM_SHARED((NPA, H), jnp.float32),
        pltpu.SemaphoreType.DMA,
        pltpu.SemaphoreType.DMA,
        pltpu.SemaphoreType.DMA,
        pltpu.SemaphoreType.DMA,
        pltpu.SemaphoreType.DMA,
    ],
)


def _silu(v):
    return v / (1.0 + jnp.exp(-v))


def _dinv_of(deg_ref):
    return lax.rsqrt(deg_ref[0] + deg_ref[1] + 1.0)


def _tcA_body(deg_ref, x_ref, w_ref, o_ref):
    dinv = _dinv_of(deg_ref)
    h = jnp.dot(x_ref[...], w_ref[...], preferred_element_type=jnp.float32)
    o_ref[...] = h * dinv[:, None]


def _tcB_body(deg_ref, acc_ref, hp_ref, b_ref, w_ref, o_ref):
    dinv = _dinv_of(deg_ref)
    y = (acc_ref[0] + acc_ref[1] + hp_ref[...]) * dinv[:, None] + b_ref[...]
    h1 = _silu(y)
    o_ref[...] = jnp.dot(h1, w_ref[...],
                         preferred_element_type=jnp.float32) * dinv[:, None]


def _tcC_body(deg_ref, acc_ref, hp_ref, b_ref, o_ref):
    dinv = _dinv_of(deg_ref)
    y = (acc_ref[0] + acc_ref[1] + hp_ref[...]) * dinv[:, None] + b_ref[...]
    o_ref[...] = _silu(y) * dinv[:, None]


def _tcD_body(deg_ref, acc_ref, hp_ref, bt_ref,
              muw_ref, mub_ref, lvw_ref, lvb_ref, eps_ref,
              d0w_ref, d0b_ref, d1w_ref, d1b_ref, mxw_ref, mxb_ref, lx_ref,
              omu_ref, olv_ref, omx_ref, olx_ref, qp_ref, cnt_ref):
    i = pl.program_id(0)

    @pl.when(i == 0)
    def _():
        qp_ref[...] = jnp.zeros_like(qp_ref)
        cnt_ref[...] = jnp.zeros_like(cnt_ref)

    dinv = _dinv_of(deg_ref)
    y3 = (acc_ref[0] + acc_ref[1] + hp_ref[...]) * dinv[:, None]
    gids = lax.broadcasted_iota(jnp.int32, (G, BR), 0)
    msk = (bt_ref[...] == gids).astype(jnp.float32)
    qp_ref[...] += jnp.dot(msk, y3, preferred_element_type=jnp.float32)
    cnt_ref[...] += jnp.sum(msk, axis=1)[None, :]

    @pl.when(i == NBLK - 1)
    def _():
        qp = qp_ref[...] / jnp.maximum(cnt_ref[0], 1.0)[:, None]
        mu = jnp.dot(qp, muw_ref[...],
                     preferred_element_type=jnp.float32) + mub_ref[...]
        lv = jnp.dot(qp, lvw_ref[...],
                     preferred_element_type=jnp.float32) + lvb_ref[...]
        z = mu + jnp.exp(0.5 * lv) * eps_ref[...]
        hd = jnp.tanh(jnp.dot(z, d0w_ref[...],
                              preferred_element_type=jnp.float32) + d0b_ref[...])
        hd = jnp.tanh(jnp.dot(hd, d1w_ref[...],
                              preferred_element_type=jnp.float32) + d1b_ref[...])
        mx = jnp.dot(hd, mxw_ref[...],
                     preferred_element_type=jnp.float32) + mxb_ref[...]
        omu_ref[...] = mu
        olv_ref[...] = lv
        omx_ref[...] = mx
        olx_ref[...] = jnp.broadcast_to(lx_ref[...], (G, OUT))


def _whole(shape):
    nd = len(shape)
    return pl.BlockSpec(shape, lambda i: (0,) * nd)


_deg_spec = pl.BlockSpec((2, BR), lambda i: (0, i))
_row_spec = pl.BlockSpec((BR, H), lambda i: (i, 0))
_acc_spec = pl.BlockSpec((2, BR, H), lambda i: (0, i, 0))

_tcA_call = pl.pallas_call(
    _tcA_body,
    grid=(NBLK,),
    in_specs=[_deg_spec, _row_spec, _whole((D, H))],
    out_specs=_row_spec,
    out_shape=jax.ShapeDtypeStruct((NPA, H), jnp.float32),
)

_tcB_call = pl.pallas_call(
    _tcB_body,
    grid=(NBLK,),
    in_specs=[_deg_spec, _acc_spec, _row_spec, _whole((1, H)), _whole((H, H))],
    out_specs=_row_spec,
    out_shape=jax.ShapeDtypeStruct((NPA, H), jnp.float32),
)

_tcC_call = pl.pallas_call(
    _tcC_body,
    grid=(NBLK,),
    in_specs=[_deg_spec, _acc_spec, _row_spec, _whole((1, H))],
    out_specs=_row_spec,
    out_shape=jax.ShapeDtypeStruct((NPA, H), jnp.float32),
)

_tcD_call = pl.pallas_call(
    _tcD_body,
    grid=(NBLK,),
    in_specs=[_deg_spec, _acc_spec, _row_spec,
              pl.BlockSpec((1, BR), lambda i: (0, i)),
              _whole((H, Z)), _whole((1, Z)), _whole((H, Z)), _whole((1, Z)),
              _whole((G, Z)),
              _whole((Z, DH)), _whole((1, DH)), _whole((DH, DH)),
              _whole((1, DH)), _whole((DH, OUT)), _whole((1, OUT)),
              _whole((1, OUT))],
    out_specs=[_whole((G, Z)), _whole((G, Z)), _whole((G, OUT)),
               _whole((G, OUT))],
    out_shape=[jax.ShapeDtypeStruct((G, Z), jnp.float32),
               jax.ShapeDtypeStruct((G, Z), jnp.float32),
               jax.ShapeDtypeStruct((G, OUT), jnp.float32),
               jax.ShapeDtypeStruct((G, OUT), jnp.float32)],
    scratch_shapes=[pltpu.VMEM((G, H), jnp.float32),
                    pltpu.VMEM((1, G), jnp.float32)],
)


def kernel(x, edge_index, batch, gc0_w, gc0_b, gc1_w, gc1_b, mu_w, mu_b,
           lv_w, lv_b, d0_w, d0_b, d1_w, d1_b, mx_w, mx_b, logvar_x_param):
    xp = jnp.pad(x, ((0, NPA - N), (0, 0)))
    bt = jnp.pad(batch, (0, NPA - N), constant_values=G).reshape(1, NPA)
    ei3 = edge_index.reshape(2, NCH, CH)
    eps = jax.random.normal(jax.random.key(42), (G, Z), jnp.float32)
    b0 = gc0_b.reshape(1, H)
    b1 = gc1_b.reshape(1, H)

    degs = _deg_call(ei3)
    h0p = _tcA_call(degs, xp, gc0_w)
    acc1 = _spmm_call(h0p, ei3)
    h1p = _tcB_call(degs, acc1, h0p, b0, gc1_w)
    acc2 = _spmm_call(h1p, ei3)
    h2p = _tcC_call(degs, acc2, h1p, b1)
    acc3 = _spmm_call(h2p, ei3)
    mu_zp, logvar_zp, mu_x, logvar_x = _tcD_call(
        degs, acc3, h2p, bt,
        mu_w, mu_b.reshape(1, Z), lv_w, lv_b.reshape(1, Z), eps,
        d0_w, d0_b.reshape(1, DH), d1_w, d1_b.reshape(1, DH),
        mx_w, mx_b.reshape(1, OUT), logvar_x_param.reshape(1, OUT))
    return (mu_zp, logvar_zp, mu_x, logvar_x)

# --- scband reference (transcript-rebuilt; emitter-appended) ---
"""Pipeline reference for scband-graph-vae-19542101197381 (READ-ONLY COPY).

The authoritative reference and input builder live on the scoring server;
editing this copy changes nothing except your own understanding.
"""

import jax, jax.numpy as jnp
import numpy as np

N = 10000
E = 320000
D = 128
H = 128
Z = 64
DH = 256
OUT = 231  # n_atoms*(n_atoms-1)/2 with n_atoms=22
G = 64


def _lin_init(key, fan_in, fan_out):
    return jax.random.normal(key, (fan_in, fan_out), dtype=jnp.float32) * (1.0 / np.sqrt(fan_in))


def setup_inputs(seed: int = 0) -> dict:
    key = jax.random.key(seed)
    ks = jax.random.split(key, 24)
    x = jax.random.normal(ks[0], (N, D), dtype=jnp.float32)
    edge_index = jax.random.randint(ks[1], (2, E), 0, N, dtype=jnp.int32)
    batch = jnp.sort(jax.random.randint(ks[2], (N,), 0, G, dtype=jnp.int32))
    inp = {
        'x': x,
        'edge_index': edge_index,
        'batch': batch,
        # encoder GCN layers
        'gc0_w': _lin_init(ks[3], D, H), 'gc0_b': jnp.zeros((H,), jnp.float32),
        'gc1_w': _lin_init(ks[4], H, H), 'gc1_b': jnp.zeros((H,), jnp.float32),
        'mu_w': _lin_init(ks[5], H, Z), 'mu_b': jnp.zeros((Z,), jnp.float32),
        'lv_w': _lin_init(ks[6], H, Z), 'lv_b': jnp.zeros((Z,), jnp.float32),
        # decoder MLP
        'd0_w': _lin_init(ks[7], Z, DH), 'd0_b': jnp.zeros((DH,), jnp.float32),
        'd1_w': _lin_init(ks[8], DH, DH), 'd1_b': jnp.zeros((DH,), jnp.float32),
        'mx_w': _lin_init(ks[9], DH, OUT), 'mx_b': jnp.zeros((OUT,), jnp.float32),
        'logvar_x_param': jnp.zeros((OUT,), jnp.float32),
    }
    return inp


def gcn_conv(x, edge_index, W, b):
    n = x.shape[0]
    loop = jnp.arange(n, dtype=edge_index.dtype)
    src = jnp.concatenate([edge_index[0], loop])
    dst = jnp.concatenate([edge_index[1], loop])
    deg = jnp.zeros((n,), x.dtype).at[dst].add(1.0)
    dinv = jnp.where(deg > 0, jax.lax.rsqrt(jnp.maximum(deg, 1e-12)), 0.0)
    norm = dinv[src] * dinv[dst]
    h = x @ W
    msg = h[src] * norm[:, None]
    out = jax.ops.segment_sum(msg, dst, num_segments=n)
    return out + b


def global_mean_pool(x, batch, num_graphs):
    sums = jax.ops.segment_sum(x, batch, num_segments=num_graphs)
    cnts = jax.ops.segment_sum(jnp.ones((x.shape[0],), x.dtype), batch, num_segments=num_graphs)
    return sums / jnp.maximum(cnts, 1.0)[:, None]


def reference(x, edge_index, batch, gc0_w, gc0_b, gc1_w, gc1_b, mu_w, mu_b, lv_w, lv_b,
              d0_w, d0_b, d1_w, d1_b, mx_w, mx_b, logvar_x_param):
    # Encoder (GCN stack with SiLU activations)
    h = jax.nn.silu(gcn_conv(x, edge_index, gc0_w, gc0_b))
    h = jax.nn.silu(gcn_conv(h, edge_index, gc1_w, gc1_b))
    mu_z = gcn_conv(h, edge_index, mu_w, mu_b)
    logvar_z = gcn_conv(h, edge_index, lv_w, lv_b)
    # Global mean pool per graph
    mu_zp = global_mean_pool(mu_z, batch, G)
    logvar_zp = global_mean_pool(logvar_z, batch, G)
    # Reparameterize (fixed-seed noise, mirrors torch.randn_like)
    sigma = jnp.exp(0.5 * logvar_zp)
    eps = jax.random.normal(jax.random.key(42), sigma.shape, dtype=sigma.dtype)
    z = mu_zp + sigma * eps
    # Decoder (tanh MLP)
    hd = jnp.tanh(z @ d0_w + d0_b)
    hd = jnp.tanh(hd @ d1_w + d1_b)
    mu_x = hd @ mx_w + mx_b
    logvar_x = jnp.tile(logvar_x_param[None, :], (mu_x.shape[0], 1))
    return (mu_zp, logvar_zp, mu_x, logvar_x)

if __name__ == "__main__":
    import jax
    _d = setup_inputs()
    print(jax.jit(kernel)(*tuple(_d.values())))

</pallas_src>

<mosaic_0001>
#map = affine_map<(d0, d1) -> (0, 0)>
#map1 = affine_map<(d0, d1) -> (0, 0, 0)>
module attributes {stable_mosaic.version = 14 : i64} {
  func.func @_spmm_body(%arg0: i32, %arg1: i32, %arg2: memref<10240x128xf32, #tpu.memory_space<hbm>>, %arg3: memref<2x2500x128xi32, #tpu.memory_space<hbm>>, %arg4: memref<2x10240x128xf32, #tpu.memory_space<hbm>>, %arg5: memref<128xi32, #tpu.memory_space<vmem>>, %arg6: memref<128xi32, #tpu.memory_space<vmem>>, %arg7: memref<80x128xi32, #tpu.memory_space<vmem>>, %arg8: memref<128x128xf32, #tpu.memory_space<vmem>>, %arg9: memref<128x128xf32, #tpu.memory_space<vmem>>, %arg10: memref<10240x128xf32, #tpu.memory_space<vmem_shared>>, %arg11: memref<!tpu.dma_semaphore, #tpu.memory_space<semaphore_mem>>, %arg12: memref<!tpu.dma_semaphore, #tpu.memory_space<semaphore_mem>>, %arg13: memref<!tpu.dma_semaphore, #tpu.memory_space<semaphore_mem>>, %arg14: memref<!tpu.dma_semaphore, #tpu.memory_space<semaphore_mem>>, %arg15: memref<!tpu.dma_semaphore, #tpu.memory_space<semaphore_mem>>) attributes {dimension_semantics = [#tpu.dimension_semantics<core_parallel>, #tpu.dimension_semantics<subcore_parallel>], iteration_bounds = array<i64: 2, 16>, scalar_prefetch = 0 : i64, scratch_operands = 11 : i64, tpu.core_type = #tpu.core_type<sc_vector_subcore>, window_params = [{transform_indices = #map}, {transform_indices = #map1}, {transform_indices = #map1}]} {
    %mul3A = arith.constant 2 : i32
    %mul3A_0 = arith.muli %arg1, %mul3A : i32
    %add3A = arith.addi %mul3A_0, %arg0 : i32
    %mul3A_1 = arith.constant 80 : i32
    %mul3A_2 = arith.muli %add3A, %mul3A_1 : i32
    %min3A = arith.constant 2480 : i32
    %min3A_3 = arith.minsi %mul3A_2, %min3A : i32
    %eq3A = arith.constant 31 : i32
    %eq3A_4 = arith.cmpi eq, %add3A, %eq3A : i32
    %jit3A = arith.constant 10 : i32
    %jit3A_5 = arith.constant 40 : i32
    %select_n3A = arith.select %eq3A_4, %jit3A, %jit3A_5 : i32
    %lt3A = arith.constant 31 : i32
    %lt3A_6 = arith.cmpi slt, %add3A, %lt3A : i32
    %convert_element_type3A = arith.extui %lt3A_6 : i1 to i32
    %cond3A = arith.constant 0 : i32
    %cond3A_7 = arith.cmpi ne, %convert_element_type3A, %cond3A : i32
    scf.if %cond3A_7 {
      %mul3A_280 = arith.constant 80 : i32
      %mul3A_281 = arith.muli %add3A, %mul3A_280 : i32
      %multiple_of3A_282 = tpu.assume_multiple %mul3A_281, 8 : i32
      %dma_start3A_283 = arith.constant 1 : i32
      %dma_start3A_284 = arith.constant 0 : i32
      %dma_start3A_285 = tpu.memref_slice %arg3[%dma_start3A_283, %multiple_of3A_282, %dma_start3A_284] : memref<2x2500x128xi32, #tpu.memory_space<hbm>> -> memref<1x80x128xi32, #tpu.memory_space<hbm>>
      %dma_start3A_286 = tpu.memref_squeeze %dma_start3A_285 : memref<1x80x128xi32, #tpu.memory_space<hbm>> -> memref<80x128xi32, #tpu.memory_space<hbm>>
      %dma_start3A_287 = arith.constant 0 : i32
      %dma_start3A_288 = tpu.memref_slice %arg3[%dma_start3A_283, %multiple_of3A_282, %dma_start3A_287] : memref<2x2500x128xi32, #tpu.memory_space<hbm>> -> memref<1x80x128xi32, #tpu.memory_space<hbm>>
      %dma_start3A_289 = tpu.memref_squeeze %dma_start3A_288 : memref<1x80x128xi32, #tpu.memory_space<hbm>> -> memref<80x128xi32, #tpu.memory_space<hbm>>
      tpu.enqueue_dma source(%dma_start3A_289 : memref<80x128xi32, #tpu.memory_space<hbm>>) target(%arg7 : memref<80x128xi32, #tpu.memory_space<vmem>>) target_semaphore(%arg15 : memref<!tpu.dma_semaphore, #tpu.memory_space<semaphore_mem>>)
    } else {
    }
    %eq3A_8 = arith.constant 31 : i32
    %eq3A_9 = arith.cmpi eq, %add3A, %eq3A_8 : i32
    %convert_element_type3A_10 = arith.extui %eq3A_9 : i1 to i32
    %cond3A_11 = arith.constant 0 : i32
    %cond3A_12 = arith.cmpi ne, %convert_element_type3A_10, %cond3A_11 : i32
    scf.if %cond3A_12 {
      %dma_start3A_280 = arith.constant 1 : i32
      %dma_start3A_281 = arith.constant 0 : i32
      %dma_start3A_282 = arith.constant 0 : i32
      %dma_start3A_283 = tpu.memref_slice %arg7[%dma_start3A_281, %dma_start3A_282] : memref<80x128xi32, #tpu.memory_space<vmem>> -> memref<16x128xi32, #tpu.memory_space<vmem>>
      %dma_start3A_284 = arith.constant 2480 : i32
      %dma_start3A_285 = arith.constant 0 : i32
      %dma_start3A_286 = tpu.memref_slice %arg3[%dma_start3A_280, %dma_start3A_284, %dma_start3A_285] : memref<2x2500x128xi32, #tpu.memory_space<hbm>> -> memref<1x16x128xi32, #tpu.memory_space<hbm>>
      %dma_start3A_287 = tpu.memref_squeeze %dma_start3A_286 : memref<1x16x128xi32, #tpu.memory_space<hbm>> -> memref<16x128xi32, #tpu.memory_space<hbm>>
      %dma_start3A_288 = arith.constant 0 : i32
      %dma_start3A_289 = arith.constant 0 : i32
      %dma_start3A_290 = tpu.memref_slice %arg7[%dma_start3A_288, %dma_start3A_289] : memref<80x128xi32, #tpu.memory_space<vmem>> -> memref<16x128xi32, #tpu.memory_space<vmem>>
      %dma_start3A_291 = arith.constant 2480 : i32
      %dma_start3A_292 = arith.constant 0 : i32
      %dma_start3A_293 = tpu.memref_slice %arg3[%dma_start3A_280, %dma_start3A_291, %dma_start3A_292] : memref<2x2500x128xi32, #tpu.memory_space<hbm>> -> memref<1x16x128xi32, #tpu.memory_space<hbm>>
      %dma_start3A_294 = tpu.memref_squeeze %dma_start3A_293 : memref<1x16x128xi32, #tpu.memory_space<hbm>> -> memref<16x128xi32, #tpu.memory_space<hbm>>
      tpu.enqueue_dma source(%dma_start3A_294 : memref<16x128xi32, #tpu.memory_space<hbm>>) target(%dma_start3A_290 : memref<16x128xi32, #tpu.memory_space<vmem>>) target_semaphore(%arg15 : memref<!tpu.dma_semaphore, #tpu.memory_space<semaphore_mem>>)
      %dma_start3A_295 = arith.constant 1 : i32
      %dma_start3A_296 = arith.constant 2496 : i32
      %dma_start3A_297 = arith.constant 16 : i32
      %dma_start3A_298 = arith.constant 0 : i32
      %dma_start3A_299 = tpu.memref_slice %arg7[%dma_start3A_297, %dma_start3A_298] : memref<80x128xi32, #tpu.memory_space<vmem>> -> memref<1x128xi32, #tpu.memory_space<vmem>>
      %dma_start3A_300 = tpu.memref_squeeze %dma_start3A_299 : memref<1x128xi32, #tpu.memory_space<vmem>> -> memref<128xi32, #tpu.memory_space<vmem>>
      %dma_start3A_301 = arith.constant 0 : i32
      %dma_start3A_302 = tpu.memref_slice %arg3[%dma_start3A_295, %dma_start3A_296, %dma_start3A_301] : memref<2x2500x128xi32, #tpu.memory_space<hbm>> -> memref<1x1x128xi32, #tpu.memory_space<hbm>>
      %dma_start3A_303 = tpu.memref_squeeze %dma_start3A_302 : memref<1x1x128xi32, #tpu.memory_space<hbm>> -> memref<128xi32, #tpu.memory_space<hbm>>
      %dma_start3A_304 = arith.constant 0 : i32
      %dma_start3A_305 = tpu.memref_slice %arg7[%dma_start3A_297, %dma_start3A_304] : memref<80x128xi32, #tpu.memory_space<vmem>> -> memref<1x128xi32, #tpu.memory_space<vmem>>
      %dma_start3A_306 = tpu.memref_squeeze %dma_start3A_305 : memref<1x128xi32, #tpu.memory_space<vmem>> -> memref<128xi32, #tpu.memory_space<vmem>>
      %dma_start3A_307 = arith.constant 0 : i32
      %dma_start3A_308 = tpu.memref_slice %arg3[%dma_start3A_295, %dma_start3A_296, %dma_start3A_307] : memref<2x2500x128xi32, #tpu.memory_space<hbm>> -> memref<1x1x128xi32, #tpu.memory_space<hbm>>
      %dma_start3A_309 = tpu.memref_squeeze %dma_start3A_308 : memref<1x1x128xi32, #tpu.memory_space<hbm>> -> memref<128xi32, #tpu.memory_space<hbm>>
      tpu.enqueue_dma source(%dma_start3A_309 : memref<128xi32, #tpu.memory_space<hbm>>) target(%dma_start3A_306 : memref<128xi32, #tpu.memory_space<vmem>>) target_semaphore(%arg15 : memref<!tpu.dma_semaphore, #tpu.memory_space<semaphore_mem>>)
      %dma_start3A_310 = arith.constant 1 : i32
      %dma_start3A_311 = arith.constant 2497 : i32
      %dma_start3A_312 = arith.constant 17 : i32
      %dma_start3A_313 = arith.constant 0 : i32
      %dma_start3A_314 = tpu.memref_slice %arg7[%dma_start3A_312, %dma_start3A_313] : memref<80x128xi32, #tpu.memory_space<vmem>> -> memref<1x128xi32, #tpu.memory_space<vmem>>
      %dma_start3A_315 = tpu.memref_squeeze %dma_start3A_314 : memref<1x128xi32, #tpu.memory_space<vmem>> -> memref<128xi32, #tpu.memory_space<vmem>>
      %dma_start3A_316 = arith.constant 0 : i32
      %dma_start3A_317 = tpu.memref_slice %arg3[%dma_start3A_310, %dma_start3A_311, %dma_start3A_316] : memref<2x2500x128xi32, #tpu.memory_space<hbm>> -> memref<1x1x128xi32, #tpu.memory_space<hbm>>
      %dma_start3A_318 = tpu.memref_squeeze %dma_start3A_317 : memref<1x1x128xi32, #tpu.memory_space<hbm>> -> memref<128xi32, #tpu.memory_space<hbm>>
      %dma_start3A_319 = arith.constant 0 : i32
      %dma_start3A_320 = tpu.memref_slice %arg7[%dma_start3A_312, %dma_start3A_319] : memref<80x128xi32, #tpu.memory_space<vmem>> -> memref<1x128xi32, #tpu.memory_space<vmem>>
      %dma_start3A_321 = tpu.memref_squeeze %dma_start3A_320 : memref<1x128xi32, #tpu.memory_space<vmem>> -> memref<128xi32, #tpu.memory_space<vmem>>
      %dma_start3A_322 = arith.constant 0 : i32
      %dma_start3A_323 = tpu.memref_slice %arg3[%dma_start3A_310, %dma_start3A_311, %dma_start3A_322] : memref<2x2500x128xi32, #tpu.memory_space<hbm>> -> memref<1x1x128xi32, #tpu.memory_space<hbm>>
      %dma_start3A_324 = tpu.memref_squeeze %dma_start3A_323 : memref<1x1x128xi32, #tpu.memory_space<hbm>> -> memref<128xi32, #tpu.memory_space<hbm>>
      tpu.enqueue_dma source(%dma_start3A_324 : memref<128xi32, #tpu.memory_space<hbm>>) target(%dma_start3A_321 : memref<128xi32, #tpu.memory_space<vmem>>) target_semaphore(%arg15 : memref<!tpu.dma_semaphore, #tpu.memory_space<semaphore_mem>>)
      %dma_start3A_325 = arith.constant 1 : i32
      %dma_start3A_326 = arith.constant 2498 : i32
      %dma_start3A_327 = arith.constant 18 : i32
      %dma_start3A_328 = arith.constant 0 : i32
      %dma_start3A_329 = tpu.memref_slice %arg7[%dma_start3A_327, %dma_start3A_328] : memref<80x128xi32, #tpu.memory_space<vmem>> -> memref<1x128xi32, #tpu.memory_space<vmem>>
      %dma_start3A_330 = tpu.memref_squeeze %dma_start3A_329 : memref<1x128xi32, #tpu.memory_space<vmem>> -> memref<128xi32, #tpu.memory_space<vmem>>
      %dma_start3A_331 = arith.constant 0 : i32
      %dma_start3A_332 = tpu.memref_slice %arg3[%dma_start3A_325, %dma_start3A_326, %dma_start3A_331] : memref<2x2500x128xi32, #tpu.memory_space<hbm>> -> memref<1x1x128xi32, #tpu.memory_space<hbm>>
      %dma_start3A_333 = tpu.memref_squeeze %dma_start3A_332 : memref<1x1x128xi32, #tpu.memory_space<hbm>> -> memref<128xi32, #tpu.memory_space<hbm>>
      %dma_start3A_334 = arith.constant 0 : i32
      %dma_start3A_335 = tpu.memref_slice %arg7[%dma_start3A_327, %dma_start3A_334] : memref<80x128xi32, #tpu.memory_space<vmem>> -> memref<1x128xi32, #tpu.memory_space<vmem>>
      %dma_start3A_336 = tpu.memref_squeeze %dma_start3A_335 : memref<1x128xi32, #tpu.memory_space<vmem>> -> memref<128xi32, #tpu.memory_space<vmem>>
      %dma_start3A_337 = arith.constant 0 : i32
      %dma_start3A_338 = tpu.memref_slice %arg3[%dma_start3A_325, %dma_start3A_326, %dma_start3A_337] : memref<2x2500x128xi32, #tpu.memory_space<hbm>> -> memref<1x1x128xi32, #tpu.memory_space<hbm>>
      %dma_start3A_339 = tpu.memref_squeeze %dma_start3A_338 : memref<1x1x128xi32, #tpu.memory_space<hbm>> -> memref<128xi32, #tpu.memory_space<hbm>>
      tpu.enqueue_dma source(%dma_start3A_339 : memref<128xi32, #tpu.memory_space<hbm>>) target(%dma_start3A_336 : memref<128xi32, #tpu.memory_space<vmem>>) target_semaphore(%arg15 : memref<!tpu.dma_semaphore, #tpu.memory_space<semaphore_mem>>)
      %dma_start3A_340 = arith.constant 1 : i32
      %dma_start3A_341 = arith.constant 2499 : i32
      %dma_start3A_342 = arith.constant 19 : i32
      %dma_start3A_343 = arith.constant 0 : i32
      %dma_start3A_344 = tpu.memref_slice %arg7[%dma_start3A_342, %dma_start3A_343] : memref<80x128xi32, #tpu.memory_space<vmem>> -> memref<1x128xi32, #tpu.memory_space<vmem>>
      %dma_start3A_345 = tpu.memref_squeeze %dma_start3A_344 : memref<1x128xi32, #tpu.memory_space<vmem>> -> memref<128xi32, #tpu.memory_space<vmem>>
      %dma_start3A_346 = arith.constant 0 : i32
      %dma_start3A_347 = tpu.memref_slice %arg3[%dma_start3A_340, %dma_start3A_341, %dma_start3A_346] : memref<2x2500x128xi32, #tpu.memory_space<hbm>> -> memref<1x1x128xi32, #tpu.memory_space<hbm>>
      %dma_start3A_348 = tpu.memref_squeeze %dma_start3A_347 : memref<1x1x128xi32, #tpu.memory_space<hbm>> -> memref<128xi32, #tpu.memory_space<hbm>>
      %dma_start3A_349 = arith.constant 0 : i32
      %dma_start3A_350 = tpu.memref_slice %arg7[%dma_start3A_342, %dma_start3A_349] : memref<80x128xi32, #tpu.memory_space<vmem>> -> memref<1x128xi32, #tpu.memory_space<vmem>>
      %dma_start3A_351 = tpu.memref_squeeze %dma_start3A_350 : memref<1x128xi32, #tpu.memory_space<vmem>> -> memref<128xi32, #tpu.memory_space<vmem>>
      %dma_start3A_352 = arith.constant 0 : i32
      %dma_start3A_353 = tpu.memref_slice %arg3[%dma_start3A_340, %dma_start3A_341, %dma_start3A_352] : memref<2x2500x128xi32, #tpu.memory_space<hbm>> -> memref<1x1x128xi32, #tpu.memory_space<hbm>>
      %dma_start3A_354 = tpu.memref_squeeze %dma_start3A_353 : memref<1x1x128xi32, #tpu.memory_space<hbm>> -> memref<128xi32, #tpu.memory_space<hbm>>
      tpu.enqueue_dma source(%dma_start3A_354 : memref<128xi32, #tpu.memory_space<hbm>>) target(%dma_start3A_351 : memref<128xi32, #tpu.memory_space<vmem>>) target_semaphore(%arg15 : memref<!tpu.dma_semaphore, #tpu.memory_space<semaphore_mem>>)
    } else {
    }
    %run_scoped3A = arith.constant 0 : i32
    "tpu.region"() ({
      %run_scoped3A_280 = tpu.sem_alloc : memref<!tpu.dma_semaphore, #tpu.memory_space<semaphore_mem>>
      %dma_start3A_281 = arith.constant 0 : i32
      %dma_start3A_282 = tpu.memref_slice %arg3[%run_scoped3A, %min3A_3, %dma_start3A_281] : memref<2x2500x128xi32, #tpu.memory_space<hbm>> -> memref<1x1x128xi32, #tpu.memory_space<hbm>>
      %dma_start3A_283 = tpu.memref_squeeze %dma_start3A_282 : memref<1x1x128xi32, #tpu.memory_space<hbm>> -> memref<128xi32, #tpu.memory_space<hbm>>
      %dma_start3A_284 = arith.constant 0 : i32
      %dma_start3A_285 = tpu.memref_slice %arg3[%run_scoped3A, %min3A_3, %dma_start3A_284] : memref<2x2500x128xi32, #tpu.memory_space<hbm>> -> memref<1x1x128xi32, #tpu.memory_space<hbm>>
      %dma_start3A_286 = tpu.memref_squeeze %dma_start3A_285 : memref<1x1x128xi32, #tpu.memory_space<hbm>> -> memref<128xi32, #tpu.memory_space<hbm>>
      tpu.enqueue_dma source(%dma_start3A_286 : memref<128xi32, #tpu.memory_space<hbm>>) target(%arg5 : memref<128xi32, #tpu.memory_space<vmem>>) target_semaphore(%run_scoped3A_280 : memref<!tpu.dma_semaphore, #tpu.memory_space<semaphore_mem>>)
      %dma_wait3A_287 = arith.constant 0 : i32
      %dma_wait3A_288 = tpu.memref_slice %arg3[%run_scoped3A, %min3A_3, %dma_wait3A_287] : memref<2x2500x128xi32, #tpu.memory_space<hbm>> -> memref<1x1x128xi32, #tpu.memory_space<hbm>>
      %dma_wait3A_289 = tpu.memref_squeeze %dma_wait3A_288 : memref<1x1x128xi32, #tpu.memory_space<hbm>> -> memref<128xi32, #tpu.memory_space<hbm>>
      %dma_wait3A_290 = arith.constant 0 : i32
      %dma_wait3A_291 = tpu.memref_slice %arg3[%run_scoped3A, %min3A_3, %dma_wait3A_290] : memref<2x2500x128xi32, #tpu.memory_space<hbm>> -> memref<1x1x128xi32, #tpu.memory_space<hbm>>
      %dma_wait3A_292 = tpu.memref_squeeze %dma_wait3A_291 : memref<1x1x128xi32, #tpu.memory_space<hbm>> -> memref<128xi32, #tpu.memory_space<hbm>>
      tpu.wait_dma2 semaphore(%run_scoped3A_280 : memref<!tpu.dma_semaphore, #tpu.memory_space<semaphore_mem>>) src(%dma_wait3A_292 : memref<128xi32, #tpu.memory_space<hbm>>) dst(%arg5 : memref<128xi32, #tpu.memory_space<vmem>>)
      tpu.yield
    }) : () -> ()
    %dma_start3A = arith.constant 0 : i32
    %dma_start3A_13 = arith.constant 0 : i32
    %dma_start3A_14 = tpu.memref_slice %arg2[%dma_start3A, %dma_start3A_13] : memref<10240x128xf32, #tpu.memory_space<hbm>> -> memref<10240x128xf32, #tpu.memory_space<hbm>>
    tpu.enqueue_indirect_dma source(%dma_start3A_14 : memref<10240x128xf32, #tpu.memory_space<hbm>>) target(%arg8 : memref<128x128xf32, #tpu.memory_space<vmem>>) offsets(%arg5 : memref<128xi32, #tpu.memory_space<vmem>>) semaphore(%arg11 : memref<!tpu.dma_semaphore, #tpu.memory_space<semaphore_mem>>)
    %broadcast_in_dim3A = arith.constant 0.000000e+00 : f32
    %broadcast_in_dim3A_15 = vector.broadcast %broadcast_in_dim3A : f32 to vector<16xf32>
    %scan3A = arith.constant 0 : i32
    %scan3A_16 = arith.constant 128 : i32
    %scan3A_17 = arith.addi %scan3A, %scan3A_16 : i32
    %scan3A_18 = arith.constant 1 : i32
    scf.for %scan3A_280 = %scan3A to %scan3A_17 step %scan3A_18  : i32 {
      %mul3A_281 = arith.constant 1 : i32
      %mul3A_282 = arith.muli %scan3A_280, %mul3A_281 : i32
      %add3A_283 = arith.constant 0 : i32
      %add3A_284 = arith.addi %add3A_283, %mul3A_282 : i32
      %swap3A = arith.index_cast %add3A_284 : i32 to index
      %swap3A_285 = arith.constant 0 : index
      %swap3A_286 = tpu.vector_load %arg9[%swap3A, %swap3A_285] {strides = array<i32>} : memref<128x128xf32, #tpu.memory_space<vmem>>, vector<1x16xf32>,
      %swap3A_287 = vector.shape_cast %swap3A_286 : vector<1x16xf32> to vector<16xf32>
      %swap3A_288 = vector.shape_cast %broadcast_in_dim3A_15 : vector<16xf32> to vector<1x16xf32>
      tpu.vector_store %arg9[%swap3A, %swap3A_285], %swap3A_288 {strides = array<i32>} : memref<128x128xf32, #tpu.memory_space<vmem>>, vector<1x16xf32>,
      %swap3A_289 = arith.index_cast %add3A_284 : i32 to index
      %swap3A_290 = arith.constant 16 : index
      %swap3A_291 = tpu.vector_load %arg9[%swap3A_289, %swap3A_290] {strides = array<i32>} : memref<128x128xf32, #tpu.memory_space<vmem>>, vector<1x16xf32>,
      %swap3A_292 = vector.shape_cast %swap3A_291 : vector<1x16xf32> to vector<16xf32>
      %swap3A_293 = vector.shape_cast %broadcast_in_dim3A_15 : vector<16xf32> to vector<1x16xf32>
      tpu.vector_store %arg9[%swap3A_289, %swap3A_290], %swap3A_293 {strides = array<i32>} : memref<128x128xf32, #tpu.memory_space<vmem>>, vector<1x16xf32>,
      %swap3A_294 = arith.index_cast %add3A_284 : i32 to index
      %swap3A_295 = arith.constant 32 : index
      %swap3A_296 = tpu.vector_load %arg9[%swap3A_294, %swap3A_295] {strides = array<i32>} : memref<128x128xf32, #tpu.memory_space<vmem>>, vector<1x16xf32>,
      %swap3A_297 = vector.shape_cast %swap3A_296 : vector<1x16xf32> to vector<16xf32>
      %swap3A_298 = vector.shape_cast %broadcast_in_dim3A_15 : vector<16xf32> to vector<1x16xf32>
      tpu.vector_store %arg9[%swap3A_294, %swap3A_295], %swap3A_298 {strides = array<i32>} : memref<128x128xf32, #tpu.memory_space<vmem>>, vector<1x16xf32>,
      %swap3A_299 = arith.index_cast %add3A_284 : i32 to index
      %swap3A_300 = arith.constant 48 : index
      %swap3A_301 = tpu.vector_load %arg9[%swap3A_299, %swap3A_300] {strides = array<i32>} : memref<128x128xf32, #tpu.memory_space<vmem>>, vector<1x16xf32>,
      %swap3A_302 = vector.shape_cast %swap3A_301 : vector<1x16xf32> to vector<16xf32>
      %swap3A_303 = vector.shape_cast %broadcast_in_dim3A_15 : vector<16xf32> to vector<1x16xf32>
      tpu.vector_store %arg9[%swap3A_299, %swap3A_300], %swap3A_303 {strides = array<i32>} : memref<128x128xf32, #tpu.memory_space<vmem>>, vector<1x16xf32>,
      %swap3A_304 = arith.index_cast %add3A_284 : i32 to index
      %swap3A_305 = arith.constant 64 : index
      %swap3A_306 = tpu.vector_load %arg9[%swap3A_304, %swap3A_305] {strides = array<i32>} : memref<128x128xf32, #tpu.memory_space<vmem>>, vector<1x16xf32>,
      %swap3A_307 = vector.shape_cast %swap3A_306 : vector<1x16xf32> to vector<16xf32>
      %swap3A_308 = vector.shape_cast %broadcast_in_dim3A_15 : vector<16xf32> to vector<1x16xf32>
      tpu.vector_store %arg9[%swap3A_304, %swap3A_305], %swap3A_308 {strides = array<i32>} : memref<128x128xf32, #tpu.memory_space<vmem>>, vector<1x16xf32>,
      %swap3A_309 = arith.index_cast %add3A_284 : i32 to index
      %swap3A_310 = arith.constant 80 : index
      %swap3A_311 = tpu.vector_load %arg9[%swap3A_309, %swap3A_310] {strides = array<i32>} : memref<128x128xf32, #tpu.memory_space<vmem>>, vector<1x16xf32>,
      %swap3A_312 = vector.shape_cast %swap3A_311 : vector<1x16xf32> to vector<16xf32>
      %swap3A_313 = vector.shape_cast %broadcast_in_dim3A_15 : vector<16xf32> to vector<1x16xf32>
      tpu.vector_store %arg9[%swap3A_309, %swap3A_310], %swap3A_313 {strides = array<i32>} : memref<128x128xf32, #tpu.memory_space<vmem>>, vector<1x16xf32>,
      %swap3A_314 = arith.index_cast %add3A_284 : i32 to index
      %swap3A_315 = arith.constant 96 : index
      %swap3A_316 = tpu.vector_load %arg9[%swap3A_314, %swap3A_315] {strides = array<i32>} : memref<128x128xf32, #tpu.memory_space<vmem>>, vector<1x16xf32>,
      %swap3A_317 = vector.shape_cast %swap3A_316 : vector<1x16xf32> to vector<16xf32>
      %swap3A_318 = vector.shape_cast %broadcast_in_dim3A_15 : vector<16xf32> to vector<1x16xf32>
      tpu.vector_store %arg9[%swap3A_314, %swap3A_315], %swap3A_318 {strides = array<i32>} : memref<128x128xf32, #tpu.memory_space<vmem>>, vector<1x16xf32>,
      %swap3A_319 = arith.index_cast %add3A_284 : i32 to index
      %swap3A_320 = arith.constant 112 : index
      %swap3A_321 = tpu.vector_load %arg9[%swap3A_319, %swap3A_320] {strides = array<i32>} : memref<128x128xf32, #tpu.memory_space<vmem>>, vector<1x16xf32>,
      %swap3A_322 = vector.shape_cast %swap3A_321 : vector<1x16xf32> to vector<16xf32>
      %swap3A_323 = vector.shape_cast %broadcast_in_dim3A_15 : vector<16xf32> to vector<1x16xf32>
      tpu.vector_store %arg9[%swap3A_319, %swap3A_320], %swap3A_323 {strides = array<i32>} : memref<128x128xf32, #tpu.memory_space<vmem>>, vector<1x16xf32>,
    }
    %scan3A_19 = arith.constant 128 : i32
    %mul3A_20 = arith.constant 640 : i32
    %mul3A_21 = arith.muli %arg1, %mul3A_20 : i32
    %add3A_22 = arith.constant 0 : i32
    %add3A_23 = arith.addi %mul3A_21, %add3A_22 : i32
    %multiple_of3A = tpu.assume_multiple %add3A_23, 8 : i32
    %dma_start3A_24 = arith.constant 0 : i32
    %dma_start3A_25 = tpu.memref_slice %arg10[%multiple_of3A, %dma_start3A_24] : memref<10240x128xf32, #tpu.memory_space<vmem_shared>> -> memref<128x128xf32, #tpu.memory_space<vmem_shared>>
    %dma_start3A_26 = arith.constant 0 : i32
    %dma_start3A_27 = tpu.memref_slice %arg10[%multiple_of3A, %dma_start3A_26] : memref<10240x128xf32, #tpu.memory_space<vmem_shared>> -> memref<128x128xf32, #tpu.memory_space<vmem_shared>>
    tpu.enqueue_dma source(%arg9 : memref<128x128xf32, #tpu.memory_space<vmem>>) target(%dma_start3A_27 : memref<128x128xf32, #tpu.memory_space<vmem_shared>>) target_semaphore(%arg14 : memref<!tpu.dma_semaphore, #tpu.memory_space<semaphore_mem>>)
    %mul3A_28 = arith.constant 640 : i32
    %mul3A_29 = arith.muli %arg1, %mul3A_28 : i32
    %add3A_30 = arith.constant 128 : i32
    %add3A_31 = arith.addi %mul3A_29, %add3A_30 : i32
    %multiple_of3A_32 = tpu.assume_multiple %add3A_31, 8 : i32
    %dma_start3A_33 = arith.constant 0 : i32
    %dma_start3A_34 = tpu.memref_slice %arg10[%multiple_of3A_32, %dma_start3A_33] : memref<10240x128xf32, #tpu.memory_space<vmem_shared>> -> memref<128x128xf32, #tpu.memory_space<vmem_shared>>
    %dma_start3A_35 = arith.constant 0 : i32
    %dma_start3A_36 = tpu.memref_slice %arg10[%multiple_of3A_32, %dma_start3A_35] : memref<10240x128xf32, #tpu.memory_space<vmem_shared>> -> memref<128x128xf32, #tpu.memory_space<vmem_shared>>
    tpu.enqueue_dma source(%arg9 : memref<128x128xf32, #tpu.memory_space<vmem>>) target(%dma_start3A_36 : memref<128x128xf32, #tpu.memory_space<vmem_shared>>) target_semaphore(%arg14 : memref<!tpu.dma_semaphore, #tpu.memory_space<semaphore_mem>>)
    %mul3A_37 = arith.constant 640 : i32
    %mul3A_38 = arith.muli %arg1, %mul3A_37 : i32
    %add3A_39 = arith.constant 256 : i32
    %add3A_40 = arith.addi %mul3A_38, %add3A_39 : i32
    %multiple_of3A_41 = tpu.assume_multiple %add3A_40, 8 : i32
    %dma_start3A_42 = arith.constant 0 : i32
    %dma_start3A_43 = tpu.memref_slice %arg10[%multiple_of3A_41, %dma_start3A_42] : memref<10240x128xf32, #tpu.memory_space<vmem_shared>> -> memref<128x128xf32, #tpu.memory_space<vmem_shared>>
    %dma_start3A_44 = arith.constant 0 : i32
    %dma_start3A_45 = tpu.memref_slice %arg10[%multiple_of3A_41, %dma_start3A_44] : memref<10240x128xf32, #tpu.memory_space<vmem_shared>> -> memref<128x128xf32, #tpu.memory_space<vmem_shared>>
    tpu.enqueue_dma source(%arg9 : memref<128x128xf32, #tpu.memory_space<vmem>>) target(%dma_start3A_45 : memref<128x128xf32, #tpu.memory_space<vmem_shared>>) target_semaphore(%arg14 : memref<!tpu.dma_semaphore, #tpu.memory_space<semaphore_mem>>)
    %mul3A_46 = arith.constant 640 : i32
    %mul3A_47 = arith.muli %arg1, %mul3A_46 : i32
    %add3A_48 = arith.constant 384 : i32
    %add3A_49 = arith.addi %mul3A_47, %add3A_48 : i32
    %multiple_of3A_50 = tpu.assume_multiple %add3A_49, 8 : i32
    %dma_start3A_51 = arith.constant 0 : i32
    %dma_start3A_52 = tpu.memref_slice %arg10[%multiple_of3A_50, %dma_start3A_51] : memref<10240x128xf32, #tpu.memory_space<vmem_shared>> -> memref<128x128xf32, #tpu.memory_space<vmem_shared>>
    %dma_start3A_53 = arith.constant 0 : i32
    %dma_start3A_54 = tpu.memref_slice %arg10[%multiple_of3A_50, %dma_start3A_53] : memref<10240x128xf32, #tpu.memory_space<vmem_shared>> -> memref<128x128xf32, #tpu.memory_space<vmem_shared>>
    tpu.enqueue_dma source(%arg9 : memref<128x128xf32, #tpu.memory_space<vmem>>) target(%dma_start3A_54 : memref<128x128xf32, #tpu.memory_space<vmem_shared>>) target_semaphore(%arg14 : memref<!tpu.dma_semaphore, #tpu.memory_space<semaphore_mem>>)
    %mul3A_55 = arith.constant 640 : i32
    %mul3A_56 = arith.muli %arg1, %mul3A_55 : i32
    %add3A_57 = arith.constant 512 : i32
    %add3A_58 = arith.addi %mul3A_56, %add3A_57 : i32
    %multiple_of3A_59 = tpu.assume_multiple %add3A_58, 8 : i32
    %dma_start3A_60 = arith.constant 0 : i32
    %dma_start3A_61 = tpu.memref_slice %arg10[%multiple_of3A_59, %dma_start3A_60] : memref<10240x128xf32, #tpu.memory_space<vmem_shared>> -> memref<128x128xf32, #tpu.memory_space<vmem_shared>>
    %dma_start3A_62 = arith.constant 0 : i32
    %dma_start3A_63 = tpu.memref_slice %arg10[%multiple_of3A_59, %dma_start3A_62] : memref<10240x128xf32, #tpu.memory_space<vmem_shared>> -> memref<128x128xf32, #tpu.memory_space<vmem_shared>>
    tpu.enqueue_dma source(%arg9 : memref<128x128xf32, #tpu.memory_space<vmem>>) target(%dma_start3A_63 : memref<128x128xf32, #tpu.memory_space<vmem_shared>>) target_semaphore(%arg14 : memref<!tpu.dma_semaphore, #tpu.memory_space<semaphore_mem>>)
    %mul3A_64 = arith.constant 640 : i32
    %mul3A_65 = arith.muli %arg1, %mul3A_64 : i32
    %add3A_66 = arith.constant 0 : i32
    %add3A_67 = arith.addi %mul3A_65, %add3A_66 : i32
    %multiple_of3A_68 = tpu.assume_multiple %add3A_67, 8 : i32
    %dma_wait3A = arith.constant 0 : i32
    %dma_wait3A_69 = tpu.memref_slice %arg10[%multiple_of3A_68, %dma_wait3A] : memref<10240x128xf32, #tpu.memory_space<vmem_shared>> -> memref<128x128xf32, #tpu.memory_space<vmem_shared>>
    %dma_wait3A_70 = arith.constant 0 : i32
    %dma_wait3A_71 = tpu.memref_slice %arg10[%multiple_of3A_68, %dma_wait3A_70] : memref<10240x128xf32, #tpu.memory_space<vmem_shared>> -> memref<128x128xf32, #tpu.memory_space<vmem_shared>>
    tpu.wait_dma2 semaphore(%arg14 : memref<!tpu.dma_semaphore, #tpu.memory_space<semaphore_mem>>) src(%arg9 : memref<128x128xf32, #tpu.memory_space<vmem>>) dst(%dma_wait3A_71 : memref<128x128xf32, #tpu.memory_space<vmem_shared>>)
    %mul3A_72 = arith.constant 640 : i32
    %mul3A_73 = arith.muli %arg1, %mul3A_72 : i32
    %add3A_74 = arith.constant 128 : i32
    %add3A_75 = arith.addi %mul3A_73, %add3A_74 : i32
    %multiple_of3A_76 = tpu.assume_multiple %add3A_75, 8 : i32
    %dma_wait3A_77 = arith.constant 0 : i32
    %dma_wait3A_78 = tpu.memref_slice %arg10[%multiple_of3A_76, %dma_wait3A_77] : memref<10240x128xf32, #tpu.memory_space<vmem_shared>> -> memref<128x128xf32, #tpu.memory_space<vmem_shared>>
    %dma_wait3A_79 = arith.constant 0 : i32
    %dma_wait3A_80 = tpu.memref_slice %arg10[%multiple_of3A_76, %dma_wait3A_79] : memref<10240x128xf32, #tpu.memory_space<vmem_shared>> -> memref<128x128xf32, #tpu.memory_space<vmem_shared>>
    tpu.wait_dma2 semaphore(%arg14 : memref<!tpu.dma_semaphore, #tpu.memory_space<semaphore_mem>>) src(%arg9 : memref<128x128xf32, #tpu.memory_space<vmem>>) dst(%dma_wait3A_80 : memref<128x128xf32, #tpu.memory_space<vmem_shared>>)
    %mul3A_81 = arith.constant 640 : i32
    %mul3A_82 = arith.muli %arg1, %mul3A_81 : i32
    %add3A_83 = arith.constant 256 : i32
    %add3A_84 = arith.addi %mul3A_82, %add3A_83 : i32
    %multiple_of3A_85 = tpu.assume_multiple %add3A_84, 8 : i32
    %dma_wait3A_86 = arith.constant 0 : i32
    %dma_wait3A_87 = tpu.memref_slice %arg10[%multiple_of3A_85, %dma_wait3A_86] : memref<10240x128xf32, #tpu.memory_space<vmem_shared>> -> memref<128x128xf32, #tpu.memory_space<vmem_shared>>
    %dma_wait3A_88 = arith.constant 0 : i32
    %dma_wait3A_89 = tpu.memref_slice %arg10[%multiple_of3A_85, %dma_wait3A_88] : memref<10240x128xf32, #tpu.memory_space<vmem_shared>> -> memref<128x128xf32, #tpu.memory_space<vmem_shared>>
    tpu.wait_dma2 semaphore(%arg14 : memref<!tpu.dma_semaphore, #tpu.memory_space<semaphore_mem>>) src(%arg9 : memref<128x128xf32, #tpu.memory_space<vmem>>) dst(%dma_wait3A_89 : memref<128x128xf32, #tpu.memory_space<vmem_shared>>)
    %mul3A_90 = arith.constant 640 : i32
    %mul3A_91 = arith.muli %arg1, %mul3A_90 : i32
    %add3A_92 = arith.constant 384 : i32
    %add3A_93 = arith.addi %mul3A_91, %add3A_92 : i32
    %multiple_of3A_94 = tpu.assume_multiple %add3A_93, 8 : i32
    %dma_wait3A_95 = arith.constant 0 : i32
    %dma_wait3A_96 = tpu.memref_slice %arg10[%multiple_of3A_94, %dma_wait3A_95] : memref<10240x128xf32, #tpu.memory_space<vmem_shared>> -> memref<128x128xf32, #tpu.memory_space<vmem_shared>>
    %dma_wait3A_97 = arith.constant 0 : i32
    %dma_wait3A_98 = tpu.memref_slice %arg10[%multiple_of3A_94, %dma_wait3A_97] : memref<10240x128xf32, #tpu.memory_space<vmem_shared>> -> memref<128x128xf32, #tpu.memory_space<vmem_shared>>
    tpu.wait_dma2 semaphore(%arg14 : memref<!tpu.dma_semaphore, #tpu.memory_space<semaphore_mem>>) src(%arg9 : memref<128x128xf32, #tpu.memory_space<vmem>>) dst(%dma_wait3A_98 : memref<128x128xf32, #tpu.memory_space<vmem_shared>>)
    %mul3A_99 = arith.constant 640 : i32
    %mul3A_100 = arith.muli %arg1, %mul3A_99 : i32
    %add3A_101 = arith.constant 512 : i32
    %add3A_102 = arith.addi %mul3A_100, %add3A_101 : i32
    %multiple_of3A_103 = tpu.assume_multiple %add3A_102, 8 : i32
    %dma_wait3A_104 = arith.constant 0 : i32
    %dma_wait3A_105 = tpu.memref_slice %arg10[%multiple_of3A_103, %dma_wait3A_104] : memref<10240x128xf32, #tpu.memory_space<vmem_shared>> -> memref<128x128xf32, #tpu.memory_space<vmem_shared>>
    %dma_wait3A_106 = arith.constant 0 : i32
    %dma_wait3A_107 = tpu.memref_slice %arg10[%multiple_of3A_103, %dma_wait3A_106] : memref<10240x128xf32, #tpu.memory_space<vmem_shared>> -> memref<128x128xf32, #tpu.memory_space<vmem_shared>>
    tpu.wait_dma2 semaphore(%arg14 : memref<!tpu.dma_semaphore, #tpu.memory_space<semaphore_mem>>) src(%arg9 : memref<128x128xf32, #tpu.memory_space<vmem>>) dst(%dma_wait3A_107 : memref<128x128xf32, #tpu.memory_space<vmem_shared>>)
    %lt3A_108 = arith.constant 31 : i32
    %lt3A_109 = arith.cmpi slt, %add3A, %lt3A_108 : i32
    %convert_element_type3A_110 = arith.extui %lt3A_109 : i1 to i32
    %cond3A_111 = arith.constant 0 : i32
    %cond3A_112 = arith.cmpi ne, %convert_element_type3A_110, %cond3A_111 : i32
    scf.if %cond3A_112 {
      %mul3A_280 = arith.constant 80 : i32
      %mul3A_281 = arith.muli %add3A, %mul3A_280 : i32
      %multiple_of3A_282 = tpu.assume_multiple %mul3A_281, 8 : i32
      %dma_wait3A_283 = arith.constant 1 : i32
      %dma_wait3A_284 = arith.constant 0 : i32
      %dma_wait3A_285 = tpu.memref_slice %arg3[%dma_wait3A_283, %multiple_of3A_282, %dma_wait3A_284] : memref<2x2500x128xi32, #tpu.memory_space<hbm>> -> memref<1x80x128xi32, #tpu.memory_space<hbm>>
      %dma_wait3A_286 = tpu.memref_squeeze %dma_wait3A_285 : memref<1x80x128xi32, #tpu.memory_space<hbm>> -> memref<80x128xi32, #tpu.memory_space<hbm>>
      %dma_wait3A_287 = arith.constant 0 : i32
      %dma_wait3A_288 = tpu.memref_slice %arg3[%dma_wait3A_283, %multiple_of3A_282, %dma_wait3A_287] : memref<2x2500x128xi32, #tpu.memory_space<hbm>> -> memref<1x80x128xi32, #tpu.memory_space<hbm>>
      %dma_wait3A_289 = tpu.memref_squeeze %dma_wait3A_288 : memref<1x80x128xi32, #tpu.memory_space<hbm>> -> memref<80x128xi32, #tpu.memory_space<hbm>>
      tpu.wait_dma2 semaphore(%arg15 : memref<!tpu.dma_semaphore, #tpu.memory_space<semaphore_mem>>) src(%dma_wait3A_289 : memref<80x128xi32, #tpu.memory_space<hbm>>) dst(%arg7 : memref<80x128xi32, #tpu.memory_space<vmem>>)
    } else {
    }
    %eq3A_113 = arith.constant 31 : i32
    %eq3A_114 = arith.cmpi eq, %add3A, %eq3A_113 : i32
    %convert_element_type3A_115 = arith.extui %eq3A_114 : i1 to i32
    %cond3A_116 = arith.constant 0 : i32
    %cond3A_117 = arith.cmpi ne, %convert_element_type3A_115, %cond3A_116 : i32
    scf.if %cond3A_117 {
      %dma_wait3A_280 = arith.constant 1 : i32
      %dma_wait3A_281 = arith.constant 0 : i32
      %dma_wait3A_282 = arith.constant 0 : i32
      %dma_wait3A_283 = tpu.memref_slice %arg7[%dma_wait3A_281, %dma_wait3A_282] : memref<80x128xi32, #tpu.memory_space<vmem>> -> memref<16x128xi32, #tpu.memory_space<vmem>>
      %dma_wait3A_284 = arith.constant 2480 : i32
      %dma_wait3A_285 = arith.constant 0 : i32
      %dma_wait3A_286 = tpu.memref_slice %arg3[%dma_wait3A_280, %dma_wait3A_284, %dma_wait3A_285] : memref<2x2500x128xi32, #tpu.memory_space<hbm>> -> memref<1x16x128xi32, #tpu.memory_space<hbm>>
      %dma_wait3A_287 = tpu.memref_squeeze %dma_wait3A_286 : memref<1x16x128xi32, #tpu.memory_space<hbm>> -> memref<16x128xi32, #tpu.memory_space<hbm>>
      %dma_wait3A_288 = arith.constant 0 : i32
      %dma_wait3A_289 = arith.constant 0 : i32
      %dma_wait3A_290 = tpu.memref_slice %arg7[%dma_wait3A_288, %dma_wait3A_289] : memref<80x128xi32, #tpu.memory_space<vmem>> -> memref<16x128xi32, #tpu.memory_space<vmem>>
      %dma_wait3A_291 = arith.constant 2480 : i32
      %dma_wait3A_292 = arith.constant 0 : i32
      %dma_wait3A_293 = tpu.memref_slice %arg3[%dma_wait3A_280, %dma_wait3A_291, %dma_wait3A_292] : memref<2x2500x128xi32, #tpu.memory_space<hbm>> -> memref<1x16x128xi32, #tpu.memory_space<hbm>>
      %dma_wait3A_294 = tpu.memref_squeeze %dma_wait3A_293 : memref<1x16x128xi32, #tpu.memory_space<hbm>> -> memref<16x128xi32, #tpu.memory_space<hbm>>
      tpu.wait_dma2 semaphore(%arg15 : memref<!tpu.dma_semaphore, #tpu.memory_space<semaphore_mem>>) src(%dma_wait3A_294 : memref<16x128xi32, #tpu.memory_space<hbm>>) dst(%dma_wait3A_290 : memref<16x128xi32, #tpu.memory_space<vmem>>)
      %dma_wait3A_295 = arith.constant 1 : i32
      %dma_wait3A_296 = arith.constant 2496 : i32
      %dma_wait3A_297 = arith.constant 16 : i32
      %dma_wait3A_298 = arith.constant 0 : i32
      %dma_wait3A_299 = tpu.memref_slice %arg7[%dma_wait3A_297, %dma_wait3A_298] : memref<80x128xi32, #tpu.memory_space<vmem>> -> memref<1x128xi32, #tpu.memory_space<vmem>>
      %dma_wait3A_300 = tpu.memref_squeeze %dma_wait3A_299 : memref<1x128xi32, #tpu.memory_space<vmem>> -> memref<128xi32, #tpu.memory_space<vmem>>
      %dma_wait3A_301 = arith.constant 0 : i32
      %dma_wait3A_302 = tpu.memref_slice %arg3[%dma_wait3A_295, %dma_wait3A_296, %dma_wait3A_301] : memref<2x2500x128xi32, #tpu.memory_space<hbm>> -> memref<1x1x128xi32, #tpu.memory_space<hbm>>
      %dma_wait3A_303 = tpu.memref_squeeze %dma_wait3A_302 : memref<1x1x128xi32, #tpu.memory_space<hbm>> -> memref<128xi32, #tpu.memory_space<hbm>>
      %dma_wait3A_304 = arith.constant 0 : i32
      %dma_wait3A_305 = tpu.memref_slice %arg7[%dma_wait3A_297, %dma_wait3A_304] : memref<80x128xi32, #tpu.memory_space<vmem>> -> memref<1x128xi32, #tpu.memory_space<vmem>>
      %dma_wait3A_306 = tpu.memref_squeeze %dma_wait3A_305 : memref<1x128xi32, #tpu.memory_space<vmem>> -> memref<128xi32, #tpu.memory_space<vmem>>
      %dma_wait3A_307 = arith.constant 0 : i32
      %dma_wait3A_308 = tpu.memref_slice %arg3[%dma_wait3A_295, %dma_wait3A_296, %dma_wait3A_307] : memref<2x2500x128xi32, #tpu.memory_space<hbm>> -> memref<1x1x128xi32, #tpu.memory_space<hbm>>
      %dma_wait3A_309 = tpu.memref_squeeze %dma_wait3A_308 : memref<1x1x128xi32, #tpu.memory_space<hbm>> -> memref<128xi32, #tpu.memory_space<hbm>>
      tpu.wait_dma2 semaphore(%arg15 : memref<!tpu.dma_semaphore, #tpu.memory_space<semaphore_mem>>) src(%dma_wait3A_309 : memref<128xi32, #tpu.memory_space<hbm>>) dst(%dma_wait3A_306 : memref<128xi32, #tpu.memory_space<vmem>>)
      %dma_wait3A_310 = arith.constant 1 : i32
      %dma_wait3A_311 = arith.constant 2497 : i32
      %dma_wait3A_312 = arith.constant 17 : i32
      %dma_wait3A_313 = arith.constant 0 : i32
      %dma_wait3A_314 = tpu.memref_slice %arg7[%dma_wait3A_312, %dma_wait3A_313] : memref<80x128xi32, #tpu.memory_space<vmem>> -> memref<1x128xi32, #tpu.memory_space<vmem>>
      %dma_wait3A_315 = tpu.memref_squeeze %dma_wait3A_314 : memref<1x128xi32, #tpu.memory_space<vmem>> -> memref<128xi32, #tpu.memory_space<vmem>>
      %dma_wait3A_316 = arith.constant 0 : i32
      %dma_wait3A_317 = tpu.memref_slice %arg3[%dma_wait3A_310, %dma_wait3A_311, %dma_wait3A_316] : memref<2x2500x128xi32, #tpu.memory_space<hbm>> -> memref<1x1x128xi32, #tpu.memory_space<hbm>>
      %dma_wait3A_318 = tpu.memref_squeeze %dma_wait3A_317 : memref<1x1x128xi32, #tpu.memory_space<hbm>> -> memref<128xi32, #tpu.memory_space<hbm>>
      %dma_wait3A_319 = arith.constant 0 : i32
      %dma_wait3A_320 = tpu.memref_slice %arg7[%dma_wait3A_312, %dma_wait3A_319] : memref<80x128xi32, #tpu.memory_space<vmem>> -> memref<1x128xi32, #tpu.memory_space<vmem>>
      %dma_wait3A_321 = tpu.memref_squeeze %dma_wait3A_320 : memref<1x128xi32, #tpu.memory_space<vmem>> -> memref<128xi32, #tpu.memory_space<vmem>>
      %dma_wait3A_322 = arith.constant 0 : i32
      %dma_wait3A_323 = tpu.memref_slice %arg3[%dma_wait3A_310, %dma_wait3A_311, %dma_wait3A_322] : memref<2x2500x128xi32, #tpu.memory_space<hbm>> -> memref<1x1x128xi32, #tpu.memory_space<hbm>>
      %dma_wait3A_324 = tpu.memref_squeeze %dma_wait3A_323 : memref<1x1x128xi32, #tpu.memory_space<hbm>> -> memref<128xi32, #tpu.memory_space<hbm>>
      tpu.wait_dma2 semaphore(%arg15 : memref<!tpu.dma_semaphore, #tpu.memory_space<semaphore_mem>>) src(%dma_wait3A_324 : memref<128xi32, #tpu.memory_space<hbm>>) dst(%dma_wait3A_321 : memref<128xi32, #tpu.memory_space<vmem>>)
      %dma_wait3A_325 = arith.constant 1 : i32
      %dma_wait3A_326 = arith.constant 2498 : i32
      %dma_wait3A_327 = arith.constant 18 : i32
      %dma_wait3A_328 = arith.constant 0 : i32
      %dma_wait3A_329 = tpu.memref_slice %arg7[%dma_wait3A_327, %dma_wait3A_328] : memref<80x128xi32, #tpu.memory_space<vmem>> -> memref<1x128xi32, #tpu.memory_space<vmem>>
      %dma_wait3A_330 = tpu.memref_squeeze %dma_wait3A_329 : memref<1x128xi32, #tpu.memory_space<vmem>> -> memref<128xi32, #tpu.memory_space<vmem>>
      %dma_wait3A_331 = arith.constant 0 : i32
      %dma_wait3A_332 = tpu.memref_slice %arg3[%dma_wait3A_325, %dma_wait3A_326, %dma_wait3A_331] : memref<2x2500x128xi32, #tpu.memory_space<hbm>> -> memref<1x1x128xi32, #tpu.memory_space<hbm>>
      %dma_wait3A_333 = tpu.memref_squeeze %dma_wait3A_332 : memref<1x1x128xi32, #tpu.memory_space<hbm>> -> memref<128xi32, #tpu.memory_space<hbm>>
      %dma_wait3A_334 = arith.constant 0 : i32
      %dma_wait3A_335 = tpu.memref_slice %arg7[%dma_wait3A_327, %dma_wait3A_334] : memref<80x128xi32, #tpu.memory_space<vmem>> -> memref<1x128xi32, #tpu.memory_space<vmem>>
      %dma_wait3A_336 = tpu.memref_squeeze %dma_wait3A_335 : memref<1x128xi32, #tpu.memory_space<vmem>> -> memref<128xi32, #tpu.memory_space<vmem>>
      %dma_wait3A_337 = arith.constant 0 : i32
      %dma_wait3A_338 = tpu.memref_slice %arg3[%dma_wait3A_325, %dma_wait3A_326, %dma_wait3A_337] : memref<2x2500x128xi32, #tpu.memory_space<hbm>> -> memref<1x1x128xi32, #tpu.memory_space<hbm>>
      %dma_wait3A_339 = tpu.memref_squeeze %dma_wait3A_338 : memref<1x1x128xi32, #tpu.memory_space<hbm>> -> memref<128xi32, #tpu.memory_space<hbm>>
      tpu.wait_dma2 semaphore(%arg15 : memref<!tpu.dma_semaphore, #tpu.memory_space<semaphore_mem>>) src(%dma_wait3A_339 : memref<128xi32, #tpu.memory_space<hbm>>) dst(%dma_wait3A_336 : memref<128xi32, #tpu.memory_space<vmem>>)
      %dma_wait3A_340 = arith.constant 1 : i32
      %dma_wait3A_341 = arith.constant 2499 : i32
      %dma_wait3A_342 = arith.constant 19 : i32
      %dma_wait3A_343 = arith.constant 0 : i32
      %dma_wait3A_344 = tpu.memref_slice %arg7[%dma_wait3A_342, %dma_wait3A_343] : memref<80x128xi32, #tpu.memory_space<vmem>> -> memref<1x128xi32, #tpu.memory_space<vmem>>
      %dma_wait3A_345 = tpu.memref_squeeze %dma_wait3A_344 : memref<1x128xi32, #tpu.memory_space<vmem>> -> memref<128xi32, #tpu.memory_space<vmem>>
      %dma_wait3A_346 = arith.constant 0 : i32
      %dma_wait3A_347 = tpu.memref_slice %arg3[%dma_wait3A_340, %dma_wait3A_341, %dma_wait3A_346] : memref<2x2500x128xi32, #tpu.memory_space<hbm>> -> memref<1x1x128xi32, #tpu.memory_space<hbm>>
      %dma_wait3A_348 = tpu.memref_squeeze %dma_wait3A_347 : memref<1x1x128xi32, #tpu.memory_space<hbm>> -> memref<128xi32, #tpu.memory_space<hbm>>
      %dma_wait3A_349 = arith.constant 0 : i32
      %dma_wait3A_350 = tpu.memref_slice %arg7[%dma_wait3A_342, %dma_wait3A_349] : memref<80x128xi32, #tpu.memory_space<vmem>> -> memref<1x128xi32, #tpu.memory_space<vmem>>
      %dma_wait3A_351 = tpu.memref_squeeze %dma_wait3A_350 : memref<1x128xi32, #tpu.memory_space<vmem>> -> memref<128xi32, #tpu.memory_space<vmem>>
      %dma_wait3A_352 = arith.constant 0 : i32
      %dma_wait3A_353 = tpu.memref_slice %arg3[%dma_wait3A_340, %dma_wait3A_341, %dma_wait3A_352] : memref<2x2500x128xi32, #tpu.memory_space<hbm>> -> memref<1x1x128xi32, #tpu.memory_space<hbm>>
      %dma_wait3A_354 = tpu.memref_squeeze %dma_wait3A_353 : memref<1x1x128xi32, #tpu.memory_space<hbm>> -> memref<128xi32, #tpu.memory_space<hbm>>
      tpu.wait_dma2 semaphore(%arg15 : memref<!tpu.dma_semaphore, #tpu.memory_space<semaphore_mem>>) src(%dma_wait3A_354 : memref<128xi32, #tpu.memory_space<hbm>>) dst(%dma_wait3A_351 : memref<128xi32, #tpu.memory_space<vmem>>)
    } else {
    }
    %barrier3A = arith.constant 0 : index
    tpu.barrier barrier_id(%barrier3A)
    %sub3A = arith.constant 0 : i32
    %sub3A_118 = arith.subi %select_n3A, %sub3A : i32
    %sub3A_119 = arith.constant 1 : i32
    %sub3A_120 = arith.constant 1 : i32
    %sub3A_121 = arith.subi %sub3A_119, %sub3A_120 : i32
    %add3A_122 = arith.addi %sub3A_118, %sub3A_121 : i32
    %div3A = arith.constant 1 : i32
    %div3A_123 = arith.divsi %add3A_122, %div3A : i32
    %while3A = arith.constant 1 : i32
    %while3A_124 = arith.constant 0 : i32
    %while3A_125 = arith.constant 0 : i32
    %while3A_126 = arith.subi %div3A_123, %while3A_125 : i32
    %while3A_127 = arith.addi %while3A_125, %while3A_126 : i32
    %while3A_128 = arith.constant 1 : i32
    %while3A_129 = arith.divsi %while3A_126, %while3A_128 : i32
    %while3A_130 = arith.muli %while3A_129, %while3A_128 : i32
    %while3A_131 = arith.addi %while3A_125, %while3A_130 : i32
    %while3A_132 = arith.constant 1 : i32
    scf.for %while3A_280 = %while3A_125 to %while3A_131 step %while3A_132  : i32 {
      %mul3A_281 = arith.muli %while3A_280, %while3A : i32
      %add3A_282 = arith.addi %while3A_124, %mul3A_281 : i32
      %mul3A_283 = arith.constant 2 : i32
      %mul3A_284 = arith.muli %add3A_282, %mul3A_283 : i32
      %add3A_285 = arith.addi %min3A_3, %mul3A_284 : i32
      %add3A_286 = arith.constant 1 : i32
      %add3A_287 = arith.addi %add3A_285, %add3A_286 : i32
      %run_scoped3A_288 = arith.constant 0 : i32
      "tpu.region"() ({
        %run_scoped3A_328 = tpu.sem_alloc : memref<!tpu.dma_semaphore, #tpu.memory_space<semaphore_mem>>
        %dma_start3A_329 = arith.constant 0 : i32
        %dma_start3A_330 = tpu.memref_slice %arg3[%run_scoped3A_288, %add3A_287, %dma_start3A_329] : memref<2x2500x128xi32, #tpu.memory_space<hbm>> -> memref<1x1x128xi32, #tpu.memory_space<hbm>>
        %dma_start3A_331 = tpu.memref_squeeze %dma_start3A_330 : memref<1x1x128xi32, #tpu.memory_space<hbm>> -> memref<128xi32, #tpu.memory_space<hbm>>
        %dma_start3A_332 = arith.constant 0 : i32
        %dma_start3A_333 = tpu.memref_slice %arg3[%run_scoped3A_288, %add3A_287, %dma_start3A_332] : memref<2x2500x128xi32, #tpu.memory_space<hbm>> -> memref<1x1x128xi32, #tpu.memory_space<hbm>>
        %dma_start3A_334 = tpu.memref_squeeze %dma_start3A_333 : memref<1x1x128xi32, #tpu.memory_space<hbm>> -> memref<128xi32, #tpu.memory_space<hbm>>
        tpu.enqueue_dma source(%dma_start3A_334 : memref<128xi32, #tpu.memory_space<hbm>>) target(%arg6 : memref<128xi32, #tpu.memory_space<vmem>>) target_semaphore(%run_scoped3A_328 : memref<!tpu.dma_semaphore, #tpu.memory_space<semaphore_mem>>)
        %dma_wait3A_335 = arith.constant 0 : i32
        %dma_wait3A_336 = tpu.memref_slice %arg3[%run_scoped3A_288, %add3A_287, %dma_wait3A_335] : memref<2x2500x128xi32, #tpu.memory_space<hbm>> -> memref<1x1x128xi32, #tpu.memory_space<hbm>>
        %dma_wait3A_337 = tpu.memref_squeeze %dma_wait3A_336 : memref<1x1x128xi32, #tpu.memory_space<hbm>> -> memref<128xi32, #tpu.memory_space<hbm>>
        %dma_wait3A_338 = arith.constant 0 : i32
        %dma_wait3A_339 = tpu.memref_slice %arg3[%run_scoped3A_288, %add3A_287, %dma_wait3A_338] : memref<2x2500x128xi32, #tpu.memory_space<hbm>> -> memref<1x1x128xi32, #tpu.memory_space<hbm>>
        %dma_wait3A_340 = tpu.memref_squeeze %dma_wait3A_339 : memref<1x1x128xi32, #tpu.memory_space<hbm>> -> memref<128xi32, #tpu.memory_space<hbm>>
        tpu.wait_dma2 semaphore(%run_scoped3A_328 : memref<!tpu.dma_semaphore, #tpu.memory_space<semaphore_mem>>) src(%dma_wait3A_340 : memref<128xi32, #tpu.memory_space<hbm>>) dst(%arg6 : memref<128xi32, #tpu.memory_space<vmem>>)
        tpu.yield
      }) : () -> ()
      %gt3A = arith.constant 0 : i32
      %gt3A_289 = arith.cmpi sgt, %add3A_282, %gt3A : i32
      %convert_element_type3A_290 = arith.extui %gt3A_289 : i1 to i32
      %cond3A_291 = arith.constant 0 : i32
      %cond3A_292 = arith.cmpi ne, %convert_element_type3A_290, %cond3A_291 : i32
      scf.if %cond3A_292 {
        %sub3A_328 = arith.constant 1 : i32
        %sub3A_329 = arith.subi %mul3A_284, %sub3A_328 : i32
        %dma_wait3A_330 = arith.constant 0 : i32
        %dma_wait3A_331 = tpu.memref_slice %arg7[%sub3A_329, %dma_wait3A_330] : memref<80x128xi32, #tpu.memory_space<vmem>> -> memref<1x128xi32, #tpu.memory_space<vmem>>
        %dma_wait3A_332 = tpu.memref_squeeze %dma_wait3A_331 : memref<1x128xi32, #tpu.memory_space<vmem>> -> memref<128xi32, #tpu.memory_space<vmem>>
        %dma_wait3A_333 = arith.constant 0 : i32
        %dma_wait3A_334 = arith.constant 0 : i32
        %dma_wait3A_335 = tpu.memref_slice %arg10[%dma_wait3A_333, %dma_wait3A_334] : memref<10240x128xf32, #tpu.memory_space<vmem_shared>> -> memref<10240x128xf32, #tpu.memory_space<vmem_shared>>
        tpu.wait_indirect_dma semaphore(%arg14 : memref<!tpu.dma_semaphore, #tpu.memory_space<semaphore_mem>>) src(%arg9 : memref<128x128xf32, #tpu.memory_space<vmem>>) dst(%dma_wait3A_335 : memref<10240x128xf32, #tpu.memory_space<vmem_shared>>)
      } else {
      }
      %dma_start3A_293 = arith.constant 0 : i32
      %dma_start3A_294 = arith.constant 0 : i32
      %dma_start3A_295 = tpu.memref_slice %arg2[%dma_start3A_293, %dma_start3A_294] : memref<10240x128xf32, #tpu.memory_space<hbm>> -> memref<10240x128xf32, #tpu.memory_space<hbm>>
      tpu.enqueue_indirect_dma source(%dma_start3A_295 : memref<10240x128xf32, #tpu.memory_space<hbm>>) target(%arg9 : memref<128x128xf32, #tpu.memory_space<vmem>>) offsets(%arg6 : memref<128xi32, #tpu.memory_space<vmem>>) semaphore(%arg12 : memref<!tpu.dma_semaphore, #tpu.memory_space<semaphore_mem>>)
      %dma_wait3A_296 = arith.constant 0 : i32
      %dma_wait3A_297 = arith.constant 0 : i32
      %dma_wait3A_298 = tpu.memref_slice %arg2[%dma_wait3A_296, %dma_wait3A_297] : memref<10240x128xf32, #tpu.memory_space<hbm>> -> memref<10240x128xf32, #tpu.memory_space<hbm>>
      tpu.wait_indirect_dma semaphore(%arg11 : memref<!tpu.dma_semaphore, #tpu.memory_space<semaphore_mem>>) src(%dma_wait3A_298 : memref<10240x128xf32, #tpu.memory_space<hbm>>) dst(%arg8 : memref<128x128xf32, #tpu.memory_space<vmem>>)
      %dma_start3A_299 = arith.constant 0 : i32
      %dma_start3A_300 = tpu.memref_slice %arg7[%mul3A_284, %dma_start3A_299] : memref<80x128xi32, #tpu.memory_space<vmem>> -> memref<1x128xi32, #tpu.memory_space<vmem>>
      %dma_start3A_301 = tpu.memref_squeeze %dma_start3A_300 : memref<1x128xi32, #tpu.memory_space<vmem>> -> memref<128xi32, #tpu.memory_space<vmem>>
      %dma_start3A_302 = arith.constant 0 : i32
      %dma_start3A_303 = arith.constant 0 : i32
      %dma_start3A_304 = tpu.memref_slice %arg10[%dma_start3A_302, %dma_start3A_303] : memref<10240x128xf32, #tpu.memory_space<vmem_shared>> -> memref<10240x128xf32, #tpu.memory_space<vmem_shared>>
      tpu.enqueue_indirect_dma source(%arg8 : memref<128x128xf32, #tpu.memory_space<vmem>>) target(%dma_start3A_304 : memref<10240x128xf32, #tpu.memory_space<vmem_shared>>) offsets(%dma_start3A_301 : memref<128xi32, #tpu.memory_space<vmem>>) semaphore(%arg13 : memref<!tpu.dma_semaphore, #tpu.memory_space<semaphore_mem>>) {add = true}
      %sub3A_305 = arith.constant 1 : i32
      %sub3A_306 = arith.subi %select_n3A, %sub3A_305 : i32
      %lt3A_307 = arith.cmpi slt, %add3A_282, %sub3A_306 : i32
      %convert_element_type3A_308 = arith.extui %lt3A_307 : i1 to i32
      %cond3A_309 = arith.constant 0 : i32
      %cond3A_310 = arith.cmpi ne, %convert_element_type3A_308, %cond3A_309 : i32
      scf.if %cond3A_310 {
        %add3A_328 = arith.addi %min3A_3, %mul3A_284 : i32
        %add3A_329 = arith.constant 2 : i32
        %add3A_330 = arith.addi %add3A_328, %add3A_329 : i32
        %run_scoped3A_331 = arith.constant 0 : i32
        "tpu.region"() ({
          %run_scoped3A_341 = tpu.sem_alloc : memref<!tpu.dma_semaphore, #tpu.memory_space<semaphore_mem>>
          %dma_start3A_342 = arith.constant 0 : i32
          %dma_start3A_343 = tpu.memref_slice %arg3[%run_scoped3A_331, %add3A_330, %dma_start3A_342] : memref<2x2500x128xi32, #tpu.memory_space<hbm>> -> memref<1x1x128xi32, #tpu.memory_space<hbm>>
          %dma_start3A_344 = tpu.memref_squeeze %dma_start3A_343 : memref<1x1x128xi32, #tpu.memory_space<hbm>> -> memref<128xi32, #tpu.memory_space<hbm>>
          %dma_start3A_345 = arith.constant 0 : i32
          %dma_start3A_346 = tpu.memref_slice %arg3[%run_scoped3A_331, %add3A_330, %dma_start3A_345] : memref<2x2500x128xi32, #tpu.memory_space<hbm>> -> memref<1x1x128xi32, #tpu.memory_space<hbm>>
          %dma_start3A_347 = tpu.memref_squeeze %dma_start3A_346 : memref<1x1x128xi32, #tpu.memory_space<hbm>> -> memref<128xi32, #tpu.memory_space<hbm>>
          tpu.enqueue_dma source(%dma_start3A_347 : memref<128xi32, #tpu.memory_space<hbm>>) target(%arg5 : memref<128xi32, #tpu.memory_space<vmem>>) target_semaphore(%run_scoped3A_341 : memref<!tpu.dma_semaphore, #tpu.memory_space<semaphore_mem>>)
          %dma_wait3A_348 = arith.constant 0 : i32
          %dma_wait3A_349 = tpu.memref_slice %arg3[%run_scoped3A_331, %add3A_330, %dma_wait3A_348] : memref<2x2500x128xi32, #tpu.memory_space<hbm>> -> memref<1x1x128xi32, #tpu.memory_space<hbm>>
          %dma_wait3A_350 = tpu.memref_squeeze %dma_wait3A_349 : memref<1x1x128xi32, #tpu.memory_space<hbm>> -> memref<128xi32, #tpu.memory_space<hbm>>
          %dma_wait3A_351 = arith.constant 0 : i32
          %dma_wait3A_352 = tpu.memref_slice %arg3[%run_scoped3A_331, %add3A_330, %dma_wait3A_351] : memref<2x2500x128xi32, #tpu.memory_space<hbm>> -> memref<1x1x128xi32, #tpu.memory_space<hbm>>
          %dma_wait3A_353 = tpu.memref_squeeze %dma_wait3A_352 : memref<1x1x128xi32, #tpu.memory_space<hbm>> -> memref<128xi32, #tpu.memory_space<hbm>>
          tpu.wait_dma2 semaphore(%run_scoped3A_341 : memref<!tpu.dma_semaphore, #tpu.memory_space<semaphore_mem>>) src(%dma_wait3A_353 : memref<128xi32, #tpu.memory_space<hbm>>) dst(%arg5 : memref<128xi32, #tpu.memory_space<vmem>>)
          tpu.yield
        }) : () -> ()
        %dma_wait3A_332 = arith.constant 0 : i32
        %dma_wait3A_333 = tpu.memref_slice %arg7[%mul3A_284, %dma_wait3A_332] : memref<80x128xi32, #tpu.memory_space<vmem>> -> memref<1x128xi32, #tpu.memory_space<vmem>>
        %dma_wait3A_334 = tpu.memref_squeeze %dma_wait3A_333 : memref<1x128xi32, #tpu.memory_space<vmem>> -> memref<128xi32, #tpu.memory_space<vmem>>
        %dma_wait3A_335 = arith.constant 0 : i32
        %dma_wait3A_336 = arith.constant 0 : i32
        %dma_wait3A_337 = tpu.memref_slice %arg10[%dma_wait3A_335, %dma_wait3A_336] : memref<10240x128xf32, #tpu.memory_space<vmem_shared>> -> memref<10240x128xf32, #tpu.memory_space<vmem_shared>>
        tpu.wait_indirect_dma semaphore(%arg13 : memref<!tpu.dma_semaphore, #tpu.memory_space<semaphore_mem>>) src(%arg8 : memref<128x128xf32, #tpu.memory_space<vmem>>) dst(%dma_wait3A_337 : memref<10240x128xf32, #tpu.memory_space<vmem_shared>>)
        %dma_start3A_338 = arith.constant 0 : i32
        %dma_start3A_339 = arith.constant 0 : i32
        %dma_start3A_340 = tpu.memref_slice %arg2[%dma_start3A_338, %dma_start3A_339] : memref<10240x128xf32, #tpu.memory_space<hbm>> -> memref<10240x128xf32, #tpu.memory_space<hbm>>
        tpu.enqueue_indirect_dma source(%dma_start3A_340 : memref<10240x128xf32, #tpu.memory_space<hbm>>) target(%arg8 : memref<128x128xf32, #tpu.memory_space<vmem>>) offsets(%arg5 : memref<128xi32, #tpu.memory_space<vmem>>) semaphore(%arg11 : memref<!tpu.dma_semaphore, #tpu.memory_space<semaphore_mem>>)
      } else {
      }
      %sub3A_311 = arith.constant 1 : i32
      %sub3A_312 = arith.subi %select_n3A, %sub3A_311 : i32
      %eq3A_313 = arith.cmpi eq, %add3A_282, %sub3A_312 : i32
      %convert_element_type3A_314 = arith.extui %eq3A_313 : i1 to i32
      %cond3A_315 = arith.constant 0 : i32
      %cond3A_316 = arith.cmpi ne, %convert_element_type3A_314, %cond3A_315 : i32
      scf.if %cond3A_316 {
        %dma_wait3A_328 = arith.constant 0 : i32
        %dma_wait3A_329 = tpu.memref_slice %arg7[%mul3A_284, %dma_wait3A_328] : memref<80x128xi32, #tpu.memory_space<vmem>> -> memref<1x128xi32, #tpu.memory_space<vmem>>
        %dma_wait3A_330 = tpu.memref_squeeze %dma_wait3A_329 : memref<1x128xi32, #tpu.memory_space<vmem>> -> memref<128xi32, #tpu.memory_space<vmem>>
        %dma_wait3A_331 = arith.constant 0 : i32
        %dma_wait3A_332 = arith.constant 0 : i32
        %dma_wait3A_333 = tpu.memref_slice %arg10[%dma_wait3A_331, %dma_wait3A_332] : memref<10240x128xf32, #tpu.memory_space<vmem_shared>> -> memref<10240x128xf32, #tpu.memory_space<vmem_shared>>
        tpu.wait_indirect_dma semaphore(%arg13 : memref<!tpu.dma_semaphore, #tpu.memory_space<semaphore_mem>>) src(%arg8 : memref<128x128xf32, #tpu.memory_space<vmem>>) dst(%dma_wait3A_333 : memref<10240x128xf32, #tpu.memory_space<vmem_shared>>)
      } else {
      }
      %dma_wait3A_317 = arith.constant 0 : i32
      %dma_wait3A_318 = arith.constant 0 : i32
      %dma_wait3A_319 = tpu.memref_slice %arg2[%dma_wait3A_317, %dma_wait3A_318] : memref<10240x128xf32, #tpu.memory_space<hbm>> -> memref<10240x128xf32, #tpu.memory_space<hbm>>
      tpu.wait_indirect_dma semaphore(%arg12 : memref<!tpu.dma_semaphore, #tpu.memory_space<semaphore_mem>>) src(%dma_wait3A_319 : memref<10240x128xf32, #tpu.memory_space<hbm>>) dst(%arg9 : memref<128x128xf32, #tpu.memory_space<vmem>>)
      %add3A_320 = arith.constant 1 : i32
      %add3A_321 = arith.addi %mul3A_284, %add3A_320 : i32
      %dma_start3A_322 = arith.constant 0 : i32
      %dma_start3A_323 = tpu.memref_slice %arg7[%add3A_321, %dma_start3A_322] : memref<80x128xi32, #tpu.memory_space<vmem>> -> memref<1x128xi32, #tpu.memory_space<vmem>>
      %dma_start3A_324 = tpu.memref_squeeze %dma_start3A_323 : memref<1x128xi32, #tpu.memory_space<vmem>> -> memref<128xi32, #tpu.memory_space<vmem>>
      %dma_start3A_325 = arith.constant 0 : i32
      %dma_start3A_326 = arith.constant 0 : i32
      %dma_start3A_327 = tpu.memref_slice %arg10[%dma_start3A_325, %dma_start3A_326] : memref<10240x128xf32, #tpu.memory_space<vmem_shared>> -> memref<10240x128xf32, #tpu.memory_space<vmem_shared>>
      tpu.enqueue_indirect_dma source(%arg9 : memref<128x128xf32, #tpu.memory_space<vmem>>) target(%dma_start3A_327 : memref<10240x128xf32, #tpu.memory_space<vmem_shared>>) offsets(%dma_start3A_324 : memref<128xi32, #tpu.memory_space<vmem>>) semaphore(%arg14 : memref<!tpu.dma_semaphore, #tpu.memory_space<semaphore_mem>>) {add = true}
    }
    %while3A_133 = arith.constant 1 : i32
    scf.for %while3A_280 = %while3A_131 to %while3A_127 step %while3A_133  : i32 {
      %mul3A_281 = arith.muli %while3A_280, %while3A : i32
      %add3A_282 = arith.addi %while3A_124, %mul3A_281 : i32
      %mul3A_283 = arith.constant 2 : i32
      %mul3A_284 = arith.muli %add3A_282, %mul3A_283 : i32
      %add3A_285 = arith.addi %min3A_3, %mul3A_284 : i32
      %add3A_286 = arith.constant 1 : i32
      %add3A_287 = arith.addi %add3A_285, %add3A_286 : i32
      %run_scoped3A_288 = arith.constant 0 : i32
      "tpu.region"() ({
        %run_scoped3A_328 = tpu.sem_alloc : memref<!tpu.dma_semaphore, #tpu.memory_space<semaphore_mem>>
        %dma_start3A_329 = arith.constant 0 : i32
        %dma_start3A_330 = tpu.memref_slice %arg3[%run_scoped3A_288, %add3A_287, %dma_start3A_329] : memref<2x2500x128xi32, #tpu.memory_space<hbm>> -> memref<1x1x128xi32, #tpu.memory_space<hbm>>
        %dma_start3A_331 = tpu.memref_squeeze %dma_start3A_330 : memref<1x1x128xi32, #tpu.memory_space<hbm>> -> memref<128xi32, #tpu.memory_space<hbm>>
        %dma_start3A_332 = arith.constant 0 : i32
        %dma_start3A_333 = tpu.memref_slice %arg3[%run_scoped3A_288, %add3A_287, %dma_start3A_332] : memref<2x2500x128xi32, #tpu.memory_space<hbm>> -> memref<1x1x128xi32, #tpu.memory_space<hbm>>
        %dma_start3A_334 = tpu.memref_squeeze %dma_start3A_333 : memref<1x1x128xi32, #tpu.memory_space<hbm>> -> memref<128xi32, #tpu.memory_space<hbm>>
        tpu.enqueue_dma source(%dma_start3A_334 : memref<128xi32, #tpu.memory_space<hbm>>) target(%arg6 : memref<128xi32, #tpu.memory_space<vmem>>) target_semaphore(%run_scoped3A_328 : memref<!tpu.dma_semaphore, #tpu.memory_space<semaphore_mem>>)
        %dma_wait3A_335 = arith.constant 0 : i32
        %dma_wait3A_336 = tpu.memref_slice %arg3[%run_scoped3A_288, %add3A_287, %dma_wait3A_335] : memref<2x2500x128xi32, #tpu.memory_space<hbm>> -> memref<1x1x128xi32, #tpu.memory_space<hbm>>
        %dma_wait3A_337 = tpu.memref_squeeze %dma_wait3A_336 : memref<1x1x128xi32, #tpu.memory_space<hbm>> -> memref<128xi32, #tpu.memory_space<hbm>>
        %dma_wait3A_338 = arith.constant 0 : i32
        %dma_wait3A_339 = tpu.memref_slice %arg3[%run_scoped3A_288, %add3A_287, %dma_wait3A_338] : memref<2x2500x128xi32, #tpu.memory_space<hbm>> -> memref<1x1x128xi32, #tpu.memory_space<hbm>>
        %dma_wait3A_340 = tpu.memref_squeeze %dma_wait3A_339 : memref<1x1x128xi32, #tpu.memory_space<hbm>> -> memref<128xi32, #tpu.memory_space<hbm>>
        tpu.wait_dma2 semaphore(%run_scoped3A_328 : memref<!tpu.dma_semaphore, #tpu.memory_space<semaphore_mem>>) src(%dma_wait3A_340 : memref<128xi32, #tpu.memory_space<hbm>>) dst(%arg6 : memref<128xi32, #tpu.memory_space<vmem>>)
        tpu.yield
      }) : () -> ()
      %gt3A = arith.constant 0 : i32
      %gt3A_289 = arith.cmpi sgt, %add3A_282, %gt3A : i32
      %convert_element_type3A_290 = arith.extui %gt3A_289 : i1 to i32
      %cond3A_291 = arith.constant 0 : i32
      %cond3A_292 = arith.cmpi ne, %convert_element_type3A_290, %cond3A_291 : i32
      scf.if %cond3A_292 {
        %sub3A_328 = arith.constant 1 : i32
        %sub3A_329 = arith.subi %mul3A_284, %sub3A_328 : i32
        %dma_wait3A_330 = arith.constant 0 : i32
        %dma_wait3A_331 = tpu.memref_slice %arg7[%sub3A_329, %dma_wait3A_330] : memref<80x128xi32, #tpu.memory_space<vmem>> -> memref<1x128xi32, #tpu.memory_space<vmem>>
        %dma_wait3A_332 = tpu.memref_squeeze %dma_wait3A_331 : memref<1x128xi32, #tpu.memory_space<vmem>> -> memref<128xi32, #tpu.memory_space<vmem>>
        %dma_wait3A_333 = arith.constant 0 : i32
        %dma_wait3A_334 = arith.constant 0 : i32
        %dma_wait3A_335 = tpu.memref_slice %arg10[%dma_wait3A_333, %dma_wait3A_334] : memref<10240x128xf32, #tpu.memory_space<vmem_shared>> -> memref<10240x128xf32, #tpu.memory_space<vmem_shared>>
        tpu.wait_indirect_dma semaphore(%arg14 : memref<!tpu.dma_semaphore, #tpu.memory_space<semaphore_mem>>) src(%arg9 : memref<128x128xf32, #tpu.memory_space<vmem>>) dst(%dma_wait3A_335 : memref<10240x128xf32, #tpu.memory_space<vmem_shared>>)
      } else {
      }
      %dma_start3A_293 = arith.constant 0 : i32
      %dma_start3A_294 = arith.constant 0 : i32
      %dma_start3A_295 = tpu.memref_slice %arg2[%dma_start3A_293, %dma_start3A_294] : memref<10240x128xf32, #tpu.memory_space<hbm>> -> memref<10240x128xf32, #tpu.memory_space<hbm>>
      tpu.enqueue_indirect_dma source(%dma_start3A_295 : memref<10240x128xf32, #tpu.memory_space<hbm>>) target(%arg9 : memref<128x128xf32, #tpu.memory_space<vmem>>) offsets(%arg6 : memref<128xi32, #tpu.memory_space<vmem>>) semaphore(%arg12 : memref<!tpu.dma_semaphore, #tpu.memory_space<semaphore_mem>>)
      %dma_wait3A_296 = arith.constant 0 : i32
      %dma_wait3A_297 = arith.constant 0 : i32
      %dma_wait3A_298 = tpu.memref_slice %arg2[%dma_wait3A_296, %dma_wait3A_297] : memref<10240x128xf32, #tpu.memory_space<hbm>> -> memref<10240x128xf32, #tpu.memory_space<hbm>>
      tpu.wait_indirect_dma semaphore(%arg11 : memref<!tpu.dma_semaphore, #tpu.memory_space<semaphore_mem>>) src(%dma_wait3A_298 : memref<10240x128xf32, #tpu.memory_space<hbm>>) dst(%arg8 : memref<128x128xf32, #tpu.memory_space<vmem>>)
      %dma_start3A_299 = arith.constant 0 : i32
      %dma_start3A_300 = tpu.memref_slice %arg7[%mul3A_284, %dma_start3A_299] : memref<80x128xi32, #tpu.memory_space<vmem>> -> memref<1x128xi32, #tpu.memory_space<vmem>>
      %dma_start3A_301 = tpu.memref_squeeze %dma_start3A_300 : memref<1x128xi32, #tpu.memory_space<vmem>> -> memref<128xi32, #tpu.memory_space<vmem>>
      %dma_start3A_302 = arith.constant 0 : i32
      %dma_start3A_303 = arith.constant 0 : i32
      %dma_start3A_304 = tpu.memref_slice %arg10[%dma_start3A_302, %dma_start3A_303] : memref<10240x128xf32, #tpu.memory_space<vmem_shared>> -> memref<10240x128xf32, #tpu.memory_space<vmem_shared>>
      tpu.enqueue_indirect_dma source(%arg8 : memref<128x128xf32, #tpu.memory_space<vmem>>) target(%dma_start3A_304 : memref<10240x128xf32, #tpu.memory_space<vmem_shared>>) offsets(%dma_start3A_301 : memref<128xi32, #tpu.memory_space<vmem>>) semaphore(%arg13 : memref<!tpu.dma_semaphore, #tpu.memory_space<semaphore_mem>>) {add = true}
      %sub3A_305 = arith.constant 1 : i32
      %sub3A_306 = arith.subi %select_n3A, %sub3A_305 : i32
      %lt3A_307 = arith.cmpi slt, %add3A_282, %sub3A_306 : i32
      %convert_element_type3A_308 = arith.extui %lt3A_307 : i1 to i32
      %cond3A_309 = arith.constant 0 : i32
      %cond3A_310 = arith.cmpi ne, %convert_element_type3A_308, %cond3A_309 : i32
      scf.if %cond3A_310 {
        %add3A_328 = arith.addi %min3A_3, %mul3A_284 : i32
        %add3A_329 = arith.constant 2 : i32
        %add3A_330 = arith.addi %add3A_328, %add3A_329 : i32
        %run_scoped3A_331 = arith.constant 0 : i32
        "tpu.region"() ({
          %run_scoped3A_341 = tpu.sem_alloc : memref<!tpu.dma_semaphore, #tpu.memory_space<semaphore_mem>>
          %dma_start3A_342 = arith.constant 0 : i32
          %dma_start3A_343 = tpu.memref_slice %arg3[%run_scoped3A_331, %add3A_330, %dma_start3A_342] : memref<2x2500x128xi32, #tpu.memory_space<hbm>> -> memref<1x1x128xi32, #tpu.memory_space<hbm>>
          %dma_start3A_344 = tpu.memref_squeeze %dma_start3A_343 : memref<1x1x128xi32, #tpu.memory_space<hbm>> -> memref<128xi32, #tpu.memory_space<hbm>>
          %dma_start3A_345 = arith.constant 0 : i32
          %dma_start3A_346 = tpu.memref_slice %arg3[%run_scoped3A_331, %add3A_330, %dma_start3A_345] : memref<2x2500x128xi32, #tpu.memory_space<hbm>> -> memref<1x1x128xi32, #tpu.memory_space<hbm>>
          %dma_start3A_347 = tpu.memref_squeeze %dma_start3A_346 : memref<1x1x128xi32, #tpu.memory_space<hbm>> -> memref<128xi32, #tpu.memory_space<hbm>>
          tpu.enqueue_dma source(%dma_start3A_347 : memref<128xi32, #tpu.memory_space<hbm>>) target(%arg5 : memref<128xi32, #tpu.memory_space<vmem>>) target_semaphore(%run_scoped3A_341 : memref<!tpu.dma_semaphore, #tpu.memory_space<semaphore_mem>>)
          %dma_wait3A_348 = arith.constant 0 : i32
          %dma_wait3A_349 = tpu.memref_slice %arg3[%run_scoped3A_331, %add3A_330, %dma_wait3A_348] : memref<2x2500x128xi32, #tpu.memory_space<hbm>> -> memref<1x1x128xi32, #tpu.memory_space<hbm>>
          %dma_wait3A_350 = tpu.memref_squeeze %dma_wait3A_349 : memref<1x1x128xi32, #tpu.memory_space<hbm>> -> memref<128xi32, #tpu.memory_space<hbm>>
          %dma_wait3A_351 = arith.constant 0 : i32
          %dma_wait3A_352 = tpu.memref_slice %arg3[%run_scoped3A_331, %add3A_330, %dma_wait3A_351] : memref<2x2500x128xi32, #tpu.memory_space<hbm>> -> memref<1x1x128xi32, #tpu.memory_space<hbm>>
          %dma_wait3A_353 = tpu.memref_squeeze %dma_wait3A_352 : memref<1x1x128xi32, #tpu.memory_space<hbm>> -> memref<128xi32, #tpu.memory_space<hbm>>
          tpu.wait_dma2 semaphore(%run_scoped3A_341 : memref<!tpu.dma_semaphore, #tpu.memory_space<semaphore_mem>>) src(%dma_wait3A_353 : memref<128xi32, #tpu.memory_space<hbm>>) dst(%arg5 : memref<128xi32, #tpu.memory_space<vmem>>)
          tpu.yield
        }) : () -> ()
        %dma_wait3A_332 = arith.constant 0 : i32
        %dma_wait3A_333 = tpu.memref_slice %arg7[%mul3A_284, %dma_wait3A_332] : memref<80x128xi32, #tpu.memory_space<vmem>> -> memref<1x128xi32, #tpu.memory_space<vmem>>
        %dma_wait3A_334 = tpu.memref_squeeze %dma_wait3A_333 : memref<1x128xi32, #tpu.memory_space<vmem>> -> memref<128xi32, #tpu.memory_space<vmem>>
        %dma_wait3A_335 = arith.constant 0 : i32
        %dma_wait3A_336 = arith.constant 0 : i32
        %dma_wait3A_337 = tpu.memref_slice %arg10[%dma_wait3A_335, %dma_wait3A_336] : memref<10240x128xf32, #tpu.memory_space<vmem_shared>> -> memref<10240x128xf32, #tpu.memory_space<vmem_shared>>
        tpu.wait_indirect_dma semaphore(%arg13 : memref<!tpu.dma_semaphore, #tpu.memory_space<semaphore_mem>>) src(%arg8 : memref<128x128xf32, #tpu.memory_space<vmem>>) dst(%dma_wait3A_337 : memref<10240x128xf32, #tpu.memory_space<vmem_shared>>)
        %dma_start3A_338 = arith.constant 0 : i32
        %dma_start3A_339 = arith.constant 0 : i32
        %dma_start3A_340 = tpu.memref_slice %arg2[%dma_start3A_338, %dma_start3A_339] : memref<10240x128xf32, #tpu.memory_space<hbm>> -> memref<10240x128xf32, #tpu.memory_space<hbm>>
        tpu.enqueue_indirect_dma source(%dma_start3A_340 : memref<10240x128xf32, #tpu.memory_space<hbm>>) target(%arg8 : memref<128x128xf32, #tpu.memory_space<vmem>>) offsets(%arg5 : memref<128xi32, #tpu.memory_space<vmem>>) semaphore(%arg11 : memref<!tpu.dma_semaphore, #tpu.memory_space<semaphore_mem>>)
      } else {
      }
      %sub3A_311 = arith.constant 1 : i32
      %sub3A_312 = arith.subi %select_n3A, %sub3A_311 : i32
      %eq3A_313 = arith.cmpi eq, %add3A_282, %sub3A_312 : i32
      %convert_element_type3A_314 = arith.extui %eq3A_313 : i1 to i32
      %cond3A_315 = arith.constant 0 : i32
      %cond3A_316 = arith.cmpi ne, %convert_element_type3A_314, %cond3A_315 : i32
      scf.if %cond3A_316 {
        %dma_wait3A_328 = arith.constant 0 : i32
        %dma_wait3A_329 = tpu.memref_slice %arg7[%mul3A_284, %dma_wait3A_328] : memref<80x128xi32, #tpu.memory_space<vmem>> -> memref<1x128xi32, #tpu.memory_space<vmem>>
        %dma_wait3A_330 = tpu.memref_squeeze %dma_wait3A_329 : memref<1x128xi32, #tpu.memory_space<vmem>> -> memref<128xi32, #tpu.memory_space<vmem>>
        %dma_wait3A_331 = arith.constant 0 : i32
        %dma_wait3A_332 = arith.constant 0 : i32
        %dma_wait3A_333 = tpu.memref_slice %arg10[%dma_wait3A_331, %dma_wait3A_332] : memref<10240x128xf32, #tpu.memory_space<vmem_shared>> -> memref<10240x128xf32, #tpu.memory_space<vmem_shared>>
        tpu.wait_indirect_dma semaphore(%arg13 : memref<!tpu.dma_semaphore, #tpu.memory_space<semaphore_mem>>) src(%arg8 : memref<128x128xf32, #tpu.memory_space<vmem>>) dst(%dma_wait3A_333 : memref<10240x128xf32, #tpu.memory_space<vmem_shared>>)
      } else {
      }
      %dma_wait3A_317 = arith.constant 0 : i32
      %dma_wait3A_318 = arith.constant 0 : i32
      %dma_wait3A_319 = tpu.memref_slice %arg2[%dma_wait3A_317, %dma_wait3A_318] : memref<10240x128xf32, #tpu.memory_space<hbm>> -> memref<10240x128xf32, #tpu.memory_space<hbm>>
      tpu.wait_indirect_dma semaphore(%arg12 : memref<!tpu.dma_semaphore, #tpu.memory_space<semaphore_mem>>) src(%dma_wait3A_319 : memref<10240x128xf32, #tpu.memory_space<hbm>>) dst(%arg9 : memref<128x128xf32, #tpu.memory_space<vmem>>)
      %add3A_320 = arith.constant 1 : i32
      %add3A_321 = arith.addi %mul3A_284, %add3A_320 : i32
      %dma_start3A_322 = arith.constant 0 : i32
      %dma_start3A_323 = tpu.memref_slice %arg7[%add3A_321, %dma_start3A_322] : memref<80x128xi32, #tpu.memory_space<vmem>> -> memref<1x128xi32, #tpu.memory_space<vmem>>
      %dma_start3A_324 = tpu.memref_squeeze %dma_start3A_323 : memref<1x128xi32, #tpu.memory_space<vmem>> -> memref<128xi32, #tpu.memory_space<vmem>>
      %dma_start3A_325 = arith.constant 0 : i32
      %dma_start3A_326 = arith.constant 0 : i32
      %dma_start3A_327 = tpu.memref_slice %arg10[%dma_start3A_325, %dma_start3A_326] : memref<10240x128xf32, #tpu.memory_space<vmem_shared>> -> memref<10240x128xf32, #tpu.memory_space<vmem_shared>>
      tpu.enqueue_indirect_dma source(%arg9 : memref<128x128xf32, #tpu.memory_space<vmem>>) target(%dma_start3A_327 : memref<10240x128xf32, #tpu.memory_space<vmem_shared>>) offsets(%dma_start3A_324 : memref<128xi32, #tpu.memory_space<vmem>>) semaphore(%arg14 : memref<!tpu.dma_semaphore, #tpu.memory_space<semaphore_mem>>) {add = true}
    }
    %mul3A_134 = arith.constant 2 : i32
    %mul3A_135 = arith.muli %mul3A_134, %select_n3A : i32
    %sub3A_136 = arith.constant 1 : i32
    %sub3A_137 = arith.subi %mul3A_135, %sub3A_136 : i32
    %dma_wait3A_138 = arith.constant 0 : i32
    %dma_wait3A_139 = tpu.memref_slice %arg7[%sub3A_137, %dma_wait3A_138] : memref<80x128xi32, #tpu.memory_space<vmem>> -> memref<1x128xi32, #tpu.memory_space<vmem>>
    %dma_wait3A_140 = tpu.memref_squeeze %dma_wait3A_139 : memref<1x128xi32, #tpu.memory_space<vmem>> -> memref<128xi32, #tpu.memory_space<vmem>>
    %dma_wait3A_141 = arith.constant 0 : i32
    %dma_wait3A_142 = arith.constant 0 : i32
    %dma_wait3A_143 = tpu.memref_slice %arg10[%dma_wait3A_141, %dma_wait3A_142] : memref<10240x128xf32, #tpu.memory_space<vmem_shared>> -> memref<10240x128xf32, #tpu.memory_space<vmem_shared>>
    tpu.wait_indirect_dma semaphore(%arg14 : memref<!tpu.dma_semaphore, #tpu.memory_space<semaphore_mem>>) src(%arg9 : memref<128x128xf32, #tpu.memory_space<vmem>>) dst(%dma_wait3A_143 : memref<10240x128xf32, #tpu.memory_space<vmem_shared>>)
    %barrier3A_144 = arith.constant 0 : index
    tpu.barrier barrier_id(%barrier3A_144)
    %mul3A_145 = arith.constant 640 : i32
    %mul3A_146 = arith.muli %arg1, %mul3A_145 : i32
    %add3A_147 = arith.constant 0 : i32
    %add3A_148 = arith.addi %mul3A_146, %add3A_147 : i32
    %multiple_of3A_149 = tpu.assume_multiple %add3A_148, 8 : i32
    "tpu.region"() ({
      %run_scoped3A_280 = tpu.sem_alloc : memref<!tpu.dma_semaphore, #tpu.memory_space<semaphore_mem>>
      %dma_start3A_281 = arith.constant 0 : i32
      %dma_start3A_282 = tpu.memref_slice %arg10[%multiple_of3A_149, %dma_start3A_281] : memref<10240x128xf32, #tpu.memory_space<vmem_shared>> -> memref<128x128xf32, #tpu.memory_space<vmem_shared>>
      %dma_start3A_283 = arith.constant 0 : i32
      %dma_start3A_284 = tpu.memref_slice %arg10[%multiple_of3A_149, %dma_start3A_283] : memref<10240x128xf32, #tpu.memory_space<vmem_shared>> -> memref<128x128xf32, #tpu.memory_space<vmem_shared>>
      tpu.enqueue_dma source(%dma_start3A_284 : memref<128x128xf32, #tpu.memory_space<vmem_shared>>) target(%arg8 : memref<128x128xf32, #tpu.memory_space<vmem>>) target_semaphore(%run_scoped3A_280 : memref<!tpu.dma_semaphore, #tpu.memory_space<semaphore_mem>>)
      %dma_wait3A_285 = arith.constant 0 : i32
      %dma_wait3A_286 = tpu.memref_slice %arg10[%multiple_of3A_149, %dma_wait3A_285] : memref<10240x128xf32, #tpu.memory_space<vmem_shared>> -> memref<128x128xf32, #tpu.memory_space<vmem_shared>>
      %dma_wait3A_287 = arith.constant 0 : i32
      %dma_wait3A_288 = tpu.memref_slice %arg10[%multiple_of3A_149, %dma_wait3A_287] : memref<10240x128xf32, #tpu.memory_space<vmem_shared>> -> memref<128x128xf32, #tpu.memory_space<vmem_shared>>
      tpu.wait_dma2 semaphore(%run_scoped3A_280 : memref<!tpu.dma_semaphore, #tpu.memory_space<semaphore_mem>>) src(%dma_wait3A_288 : memref<128x128xf32, #tpu.memory_space<vmem_shared>>) dst(%arg8 : memref<128x128xf32, #tpu.memory_space<vmem>>)
      tpu.yield
    }) : () -> ()
    %mul3A_150 = arith.constant 640 : i32
    %mul3A_151 = arith.muli %arg1, %mul3A_150 : i32
    %add3A_152 = arith.constant 0 : i32
    %add3A_153 = arith.addi %mul3A_151, %add3A_152 : i32
    %multiple_of3A_154 = tpu.assume_multiple %add3A_153, 8 : i32
    %dma_start3A_155 = arith.constant 0 : i32
    %dma_start3A_156 = tpu.memref_slice %arg4[%arg0, %multiple_of3A_154, %dma_start3A_155] : memref<2x10240x128xf32, #tpu.memory_space<hbm>> -> memref<1x128x128xf32, #tpu.memory_space<hbm>>
    %dma_start3A_157 = tpu.memref_squeeze %dma_start3A_156 : memref<1x128x128xf32, #tpu.memory_space<hbm>> -> memref<128x128xf32, #tpu.memory_space<hbm>>
    %dma_start3A_158 = arith.constant 0 : i32
    %dma_start3A_159 = tpu.memref_slice %arg4[%arg0, %multiple_of3A_154, %dma_start3A_158] : memref<2x10240x128xf32, #tpu.memory_space<hbm>> -> memref<1x128x128xf32, #tpu.memory_space<hbm>>
    %dma_start3A_160 = tpu.memref_squeeze %dma_start3A_159 : memref<1x128x128xf32, #tpu.memory_space<hbm>> -> memref<128x128xf32, #tpu.memory_space<hbm>>
    tpu.enqueue_dma source(%arg8 : memref<128x128xf32, #tpu.memory_space<vmem>>) target(%dma_start3A_160 : memref<128x128xf32, #tpu.memory_space<hbm>>) target_semaphore(%arg13 : memref<!tpu.dma_semaphore, #tpu.memory_space<semaphore_mem>>)
    %mul3A_161 = arith.constant 640 : i32
    %mul3A_162 = arith.muli %arg1, %mul3A_161 : i32
    %add3A_163 = arith.constant 128 : i32
    %add3A_164 = arith.addi %mul3A_162, %add3A_163 : i32
    %multiple_of3A_165 = tpu.assume_multiple %add3A_164, 8 : i32
    "tpu.region"() ({
      %run_scoped3A_280 = tpu.sem_alloc : memref<!tpu.dma_semaphore, #tpu.memory_space<semaphore_mem>>
      %dma_start3A_281 = arith.constant 0 : i32
      %dma_start3A_282 = tpu.memref_slice %arg10[%multiple_of3A_165, %dma_start3A_281] : memref<10240x128xf32, #tpu.memory_space<vmem_shared>> -> memref<128x128xf32, #tpu.memory_space<vmem_shared>>
      %dma_start3A_283 = arith.constant 0 : i32
      %dma_start3A_284 = tpu.memref_slice %arg10[%multiple_of3A_165, %dma_start3A_283] : memref<10240x128xf32, #tpu.memory_space<vmem_shared>> -> memref<128x128xf32, #tpu.memory_space<vmem_shared>>
      tpu.enqueue_dma source(%dma_start3A_284 : memref<128x128xf32, #tpu.memory_space<vmem_shared>>) target(%arg9 : memref<128x128xf32, #tpu.memory_space<vmem>>) target_semaphore(%run_scoped3A_280 : memref<!tpu.dma_semaphore, #tpu.memory_space<semaphore_mem>>)
      %dma_wait3A_285 = arith.constant 0 : i32
      %dma_wait3A_286 = tpu.memref_slice %arg10[%multiple_of3A_165, %dma_wait3A_285] : memref<10240x128xf32, #tpu.memory_space<vmem_shared>> -> memref<128x128xf32, #tpu.memory_space<vmem_shared>>
      %dma_wait3A_287 = arith.constant 0 : i32
      %dma_wait3A_288 = tpu.memref_slice %arg10[%multiple_of3A_165, %dma_wait3A_287] : memref<10240x128xf32, #tpu.memory_space<vmem_shared>> -> memref<128x128xf32, #tpu.memory_space<vmem_shared>>
      tpu.wait_dma2 semaphore(%run_scoped3A_280 : memref<!tpu.dma_semaphore, #tpu.memory_space<semaphore_mem>>) src(%dma_wait3A_288 : memref<128x128xf32, #tpu.memory_space<vmem_shared>>) dst(%arg9 : memref<128x128xf32, #tpu.memory_space<vmem>>)
      tpu.yield
    }) : () -> ()
    %mul3A_166 = arith.constant 640 : i32
    %mul3A_167 = arith.muli %arg1, %mul3A_166 : i32
    %add3A_168 = arith.constant 128 : i32
    %add3A_169 = arith.addi %mul3A_167, %add3A_168 : i32
    %multiple_of3A_170 = tpu.assume_multiple %add3A_169, 8 : i32
    %dma_start3A_171 = arith.constant 0 : i32
    %dma_start3A_172 = tpu.memref_slice %arg4[%arg0, %multiple_of3A_170, %dma_start3A_171] : memref<2x10240x128xf32, #tpu.memory_space<hbm>> -> memref<1x128x128xf32, #tpu.memory_space<hbm>>
    %dma_start3A_173 = tpu.memref_squeeze %dma_start3A_172 : memref<1x128x128xf32, #tpu.memory_space<hbm>> -> memref<128x128xf32, #tpu.memory_space<hbm>>
    %dma_start3A_174 = arith.constant 0 : i32
    %dma_start3A_175 = tpu.memref_slice %arg4[%arg0, %multiple_of3A_170, %dma_start3A_174] : memref<2x10240x128xf32, #tpu.memory_space<hbm>> -> memref<1x128x128xf32, #tpu.memory_space<hbm>>
    %dma_start3A_176 = tpu.memref_squeeze %dma_start3A_175 : memref<1x128x128xf32, #tpu.memory_space<hbm>> -> memref<128x128xf32, #tpu.memory_space<hbm>>
    tpu.enqueue_dma source(%arg9 : memref<128x128xf32, #tpu.memory_space<vmem>>) target(%dma_start3A_176 : memref<128x128xf32, #tpu.memory_space<hbm>>) target_semaphore(%arg14 : memref<!tpu.dma_semaphore, #tpu.memory_space<semaphore_mem>>)
    %mul3A_177 = arith.constant 640 : i32
    %mul3A_178 = arith.muli %arg1, %mul3A_177 : i32
    %add3A_179 = arith.constant 0 : i32
    %add3A_180 = arith.addi %mul3A_178, %add3A_179 : i32
    %multiple_of3A_181 = tpu.assume_multiple %add3A_180, 8 : i32
    %dma_wait3A_182 = arith.constant 0 : i32
    %dma_wait3A_183 = tpu.memref_slice %arg4[%arg0, %multiple_of3A_181, %dma_wait3A_182] : memref<2x10240x128xf32, #tpu.memory_space<hbm>> -> memref<1x128x128xf32, #tpu.memory_space<hbm>>
    %dma_wait3A_184 = tpu.memref_squeeze %dma_wait3A_183 : memref<1x128x128xf32, #tpu.memory_space<hbm>> -> memref<128x128xf32, #tpu.memory_space<hbm>>
    %dma_wait3A_185 = arith.constant 0 : i32
    %dma_wait3A_186 = tpu.memref_slice %arg4[%arg0, %multiple_of3A_181, %dma_wait3A_185] : memref<2x10240x128xf32, #tpu.memory_space<hbm>> -> memref<1x128x128xf32, #tpu.memory_space<hbm>>
    %dma_wait3A_187 = tpu.memref_squeeze %dma_wait3A_186 : memref<1x128x128xf32, #tpu.memory_space<hbm>> -> memref<128x128xf32, #tpu.memory_space<hbm>>
    tpu.wait_dma2 semaphore(%arg13 : memref<!tpu.dma_semaphore, #tpu.memory_space<semaphore_mem>>) src(%arg8 : memref<128x128xf32, #tpu.memory_space<vmem>>) dst(%dma_wait3A_187 : memref<128x128xf32, #tpu.memory_space<hbm>>)
    %mul3A_188 = arith.constant 640 : i32
    %mul3A_189 = arith.muli %arg1, %mul3A_188 : i32
    %add3A_190 = arith.constant 256 : i32
    %add3A_191 = arith.addi %mul3A_189, %add3A_190 : i32
    %multiple_of3A_192 = tpu.assume_multiple %add3A_191, 8 : i32
    "tpu.region"() ({
      %run_scoped3A_280 = tpu.sem_alloc : memref<!tpu.dma_semaphore, #tpu.memory_space<semaphore_mem>>
      %dma_start3A_281 = arith.constant 0 : i32
      %dma_start3A_282 = tpu.memref_slice %arg10[%multiple_of3A_192, %dma_start3A_281] : memref<10240x128xf32, #tpu.memory_space<vmem_shared>> -> memref<128x128xf32, #tpu.memory_space<vmem_shared>>
      %dma_start3A_283 = arith.constant 0 : i32
      %dma_start3A_284 = tpu.memref_slice %arg10[%multiple_of3A_192, %dma_start3A_283] : memref<10240x128xf32, #tpu.memory_space<vmem_shared>> -> memref<128x128xf32, #tpu.memory_space<vmem_shared>>
      tpu.enqueue_dma source(%dma_start3A_284 : memref<128x128xf32, #tpu.memory_space<vmem_shared>>) target(%arg8 : memref<128x128xf32, #tpu.memory_space<vmem>>) target_semaphore(%run_scoped3A_280 : memref<!tpu.dma_semaphore, #tpu.memory_space<semaphore_mem>>)
      %dma_wait3A_285 = arith.constant 0 : i32
      %dma_wait3A_286 = tpu.memref_slice %arg10[%multiple_of3A_192, %dma_wait3A_285] : memref<10240x128xf32, #tpu.memory_space<vmem_shared>> -> memref<128x128xf32, #tpu.memory_space<vmem_shared>>
      %dma_wait3A_287 = arith.constant 0 : i32
      %dma_wait3A_288 = tpu.memref_slice %arg10[%multiple_of3A_192, %dma_wait3A_287] : memref<10240x128xf32, #tpu.memory_space<vmem_shared>> -> memref<128x128xf32, #tpu.memory_space<vmem_shared>>
      tpu.wait_dma2 semaphore(%run_scoped3A_280 : memref<!tpu.dma_semaphore, #tpu.memory_space<semaphore_mem>>) src(%dma_wait3A_288 : memref<128x128xf32, #tpu.memory_space<vmem_shared>>) dst(%arg8 : memref<128x128xf32, #tpu.memory_space<vmem>>)
      tpu.yield
    }) : () -> ()
    %mul3A_193 = arith.constant 640 : i32
    %mul3A_194 = arith.muli %arg1, %mul3A_193 : i32
    %add3A_195 = arith.constant 256 : i32
    %add3A_196 = arith.addi %mul3A_194, %add3A_195 : i32
    %multiple_of3A_197 = tpu.assume_multiple %add3A_196, 8 : i32
    %dma_start3A_198 = arith.constant 0 : i32
    %dma_start3A_199 = tpu.memref_slice %arg4[%arg0, %multiple_of3A_197, %dma_start3A_198] : memref<2x10240x128xf32, #tpu.memory_space<hbm>> -> memref<1x128x128xf32, #tpu.memory_space<hbm>>
    %dma_start3A_200 = tpu.memref_squeeze %dma_start3A_199 : memref<1x128x128xf32, #tpu.memory_space<hbm>> -> memref<128x128xf32, #tpu.memory_space<hbm>>
    %dma_start3A_201 = arith.constant 0 : i32
    %dma_start3A_202 = tpu.memref_slice %arg4[%arg0, %multiple_of3A_197, %dma_start3A_201] : memref<2x10240x128xf32, #tpu.memory_space<hbm>> -> memref<1x128x128xf32, #tpu.memory_space<hbm>>
    %dma_start3A_203 = tpu.memref_squeeze %dma_start3A_202 : memref<1x128x128xf32, #tpu.memory_space<hbm>> -> memref<128x128xf32, #tpu.memory_space<hbm>>
    tpu.enqueue_dma source(%arg8 : memref<128x128xf32, #tpu.memory_space<vmem>>) target(%dma_start3A_203 : memref<128x128xf32, #tpu.memory_space<hbm>>) target_semaphore(%arg13 : memref<!tpu.dma_semaphore, #tpu.memory_space<semaphore_mem>>)
    %mul3A_204 = arith.constant 640 : i32
    %mul3A_205 = arith.muli %arg1, %mul3A_204 : i32
    %add3A_206 = arith.constant 128 : i32
    %add3A_207 = arith.addi %mul3A_205, %add3A_206 : i32
    %multiple_of3A_208 = tpu.assume_multiple %add3A_207, 8 : i32
    %dma_wait3A_209 = arith.constant 0 : i32
    %dma_wait3A_210 = tpu.memref_slice %arg4[%arg0, %multiple_of3A_208, %dma_wait3A_209] : memref<2x10240x128xf32, #tpu.memory_space<hbm>> -> memref<1x128x128xf32, #tpu.memory_space<hbm>>
    %dma_wait3A_211 = tpu.memref_squeeze %dma_wait3A_210 : memref<1x128x128xf32, #tpu.memory_space<hbm>> -> memref<128x128xf32, #tpu.memory_space<hbm>>
    %dma_wait3A_212 = arith.constant 0 : i32
    %dma_wait3A_213 = tpu.memref_slice %arg4[%arg0, %multiple_of3A_208, %dma_wait3A_212] : memref<2x10240x128xf32, #tpu.memory_space<hbm>> -> memref<1x128x128xf32, #tpu.memory_space<hbm>>
    %dma_wait3A_214 = tpu.memref_squeeze %dma_wait3A_213 : memref<1x128x128xf32, #tpu.memory_space<hbm>> -> memref<128x128xf32, #tpu.memory_space<hbm>>
    tpu.wait_dma2 semaphore(%arg14 : memref<!tpu.dma_semaphore, #tpu.memory_space<semaphore_mem>>) src(%arg9 : memref<128x128xf32, #tpu.memory_space<vmem>>) dst(%dma_wait3A_214 : memref<128x128xf32, #tpu.memory_space<hbm>>)
    %mul3A_215 = arith.constant 640 : i32
    %mul3A_216 = arith.muli %arg1, %mul3A_215 : i32
    %add3A_217 = arith.constant 384 : i32
    %add3A_218 = arith.addi %mul3A_216, %add3A_217 : i32
    %multiple_of3A_219 = tpu.assume_multiple %add3A_218, 8 : i32
    "tpu.region"() ({
      %run_scoped3A_280 = tpu.sem_alloc : memref<!tpu.dma_semaphore, #tpu.memory_space<semaphore_mem>>
      %dma_start3A_281 = arith.constant 0 : i32
      %dma_start3A_282 = tpu.memref_slice %arg10[%multiple_of3A_219, %dma_start3A_281] : memref<10240x128xf32, #tpu.memory_space<vmem_shared>> -> memref<128x128xf32, #tpu.memory_space<vmem_shared>>
      %dma_start3A_283 = arith.constant 0 : i32
      %dma_start3A_284 = tpu.memref_slice %arg10[%multiple_of3A_219, %dma_start3A_283] : memref<10240x128xf32, #tpu.memory_space<vmem_shared>> -> memref<128x128xf32, #tpu.memory_space<vmem_shared>>
      tpu.enqueue_dma source(%dma_start3A_284 : memref<128x128xf32, #tpu.memory_space<vmem_shared>>) target(%arg9 : memref<128x128xf32, #tpu.memory_space<vmem>>) target_semaphore(%run_scoped3A_280 : memref<!tpu.dma_semaphore, #tpu.memory_space<semaphore_mem>>)
      %dma_wait3A_285 = arith.constant 0 : i32
      %dma_wait3A_286 = tpu.memref_slice %arg10[%multiple_of3A_219, %dma_wait3A_285] : memref<10240x128xf32, #tpu.memory_space<vmem_shared>> -> memref<128x128xf32, #tpu.memory_space<vmem_shared>>
      %dma_wait3A_287 = arith.constant 0 : i32
      %dma_wait3A_288 = tpu.memref_slice %arg10[%multiple_of3A_219, %dma_wait3A_287] : memref<10240x128xf32, #tpu.memory_space<vmem_shared>> -> memref<128x128xf32, #tpu.memory_space<vmem_shared>>
      tpu.wait_dma2 semaphore(%run_scoped3A_280 : memref<!tpu.dma_semaphore, #tpu.memory_space<semaphore_mem>>) src(%dma_wait3A_288 : memref<128x128xf32, #tpu.memory_space<vmem_shared>>) dst(%arg9 : memref<128x128xf32, #tpu.memory_space<vmem>>)
      tpu.yield
    }) : () -> ()
    %mul3A_220 = arith.constant 640 : i32
    %mul3A_221 = arith.muli %arg1, %mul3A_220 : i32
    %add3A_222 = arith.constant 384 : i32
    %add3A_223 = arith.addi %mul3A_221, %add3A_222 : i32
    %multiple_of3A_224 = tpu.assume_multiple %add3A_223, 8 : i32
    %dma_start3A_225 = arith.constant 0 : i32
    %dma_start3A_226 = tpu.memref_slice %arg4[%arg0, %multiple_of3A_224, %dma_start3A_225] : memref<2x10240x128xf32, #tpu.memory_space<hbm>> -> memref<1x128x128xf32, #tpu.memory_space<hbm>>
    %dma_start3A_227 = tpu.memref_squeeze %dma_start3A_226 : memref<1x128x128xf32, #tpu.memory_space<hbm>> -> memref<128x128xf32, #tpu.memory_space<hbm>>
    %dma_start3A_228 = arith.constant 0 : i32
    %dma_start3A_229 = tpu.memref_slice %arg4[%arg0, %multiple_of3A_224, %dma_start3A_228] : memref<2x10240x128xf32, #tpu.memory_space<hbm>> -> memref<1x128x128xf32, #tpu.memory_space<hbm>>
    %dma_start3A_230 = tpu.memref_squeeze %dma_start3A_229 : memref<1x128x128xf32, #tpu.memory_space<hbm>> -> memref<128x128xf32, #tpu.memory_space<hbm>>
    tpu.enqueue_dma source(%arg9 : memref<128x128xf32, #tpu.memory_space<vmem>>) target(%dma_start3A_230 : memref<128x128xf32, #tpu.memory_space<hbm>>) target_semaphore(%arg14 : memref<!tpu.dma_semaphore, #tpu.memory_space<semaphore_mem>>)
    %mul3A_231 = arith.constant 640 : i32
    %mul3A_232 = arith.muli %arg1, %mul3A_231 : i32
    %add3A_233 = arith.constant 256 : i32
    %add3A_234 = arith.addi %mul3A_232, %add3A_233 : i32
    %multiple_of3A_235 = tpu.assume_multiple %add3A_234, 8 : i32
    %dma_wait3A_236 = arith.constant 0 : i32
    %dma_wait3A_237 = tpu.memref_slice %arg4[%arg0, %multiple_of3A_235, %dma_wait3A_236] : memref<2x10240x128xf32, #tpu.memory_space<hbm>> -> memref<1x128x128xf32, #tpu.memory_space<hbm>>
    %dma_wait3A_238 = tpu.memref_squeeze %dma_wait3A_237 : memref<1x128x128xf32, #tpu.memory_space<hbm>> -> memref<128x128xf32, #tpu.memory_space<hbm>>
    %dma_wait3A_239 = arith.constant 0 : i32
    %dma_wait3A_240 = tpu.memref_slice %arg4[%arg0, %multiple_of3A_235, %dma_wait3A_239] : memref<2x10240x128xf32, #tpu.memory_space<hbm>> -> memref<1x128x128xf32, #tpu.memory_space<hbm>>
    %dma_wait3A_241 = tpu.memref_squeeze %dma_wait3A_240 : memref<1x128x128xf32, #tpu.memory_space<hbm>> -> memref<128x128xf32, #tpu.memory_space<hbm>>
    tpu.wait_dma2 semaphore(%arg13 : memref<!tpu.dma_semaphore, #tpu.memory_space<semaphore_mem>>) src(%arg8 : memref<128x128xf32, #tpu.memory_space<vmem>>) dst(%dma_wait3A_241 : memref<128x128xf32, #tpu.memory_space<hbm>>)
    %mul3A_242 = arith.constant 640 : i32
    %mul3A_243 = arith.muli %arg1, %mul3A_242 : i32
    %add3A_244 = arith.constant 512 : i32
    %add3A_245 = arith.addi %mul3A_243, %add3A_244 : i32
    %multiple_of3A_246 = tpu.assume_multiple %add3A_245, 8 : i32
    "tpu.region"() ({
      %run_scoped3A_280 = tpu.sem_alloc : memref<!tpu.dma_semaphore, #tpu.memory_space<semaphore_mem>>
      %dma_start3A_281 = arith.constant 0 : i32
      %dma_start3A_282 = tpu.memref_slice %arg10[%multiple_of3A_246, %dma_start3A_281] : memref<10240x128xf32, #tpu.memory_space<vmem_shared>> -> memref<128x128xf32, #tpu.memory_space<vmem_shared>>
      %dma_start3A_283 = arith.constant 0 : i32
      %dma_start3A_284 = tpu.memref_slice %arg10[%multiple_of3A_246, %dma_start3A_283] : memref<10240x128xf32, #tpu.memory_space<vmem_shared>> -> memref<128x128xf32, #tpu.memory_space<vmem_shared>>
      tpu.enqueue_dma source(%dma_start3A_284 : memref<128x128xf32, #tpu.memory_space<vmem_shared>>) target(%arg8 : memref<128x128xf32, #tpu.memory_space<vmem>>) target_semaphore(%run_scoped3A_280 : memref<!tpu.dma_semaphore, #tpu.memory_space<semaphore_mem>>)
      %dma_wait3A_285 = arith.constant 0 : i32
      %dma_wait3A_286 = tpu.memref_slice %arg10[%multiple_of3A_246, %dma_wait3A_285] : memref<10240x128xf32, #tpu.memory_space<vmem_shared>> -> memref<128x128xf32, #tpu.memory_space<vmem_shared>>
      %dma_wait3A_287 = arith.constant 0 : i32
      %dma_wait3A_288 = tpu.memref_slice %arg10[%multiple_of3A_246, %dma_wait3A_287] : memref<10240x128xf32, #tpu.memory_space<vmem_shared>> -> memref<128x128xf32, #tpu.memory_space<vmem_shared>>
      tpu.wait_dma2 semaphore(%run_scoped3A_280 : memref<!tpu.dma_semaphore, #tpu.memory_space<semaphore_mem>>) src(%dma_wait3A_288 : memref<128x128xf32, #tpu.memory_space<vmem_shared>>) dst(%arg8 : memref<128x128xf32, #tpu.memory_space<vmem>>)
      tpu.yield
    }) : () -> ()
    %mul3A_247 = arith.constant 640 : i32
    %mul3A_248 = arith.muli %arg1, %mul3A_247 : i32
    %add3A_249 = arith.constant 512 : i32
    %add3A_250 = arith.addi %mul3A_248, %add3A_249 : i32
    %multiple_of3A_251 = tpu.assume_multiple %add3A_250, 8 : i32
    %dma_start3A_252 = arith.constant 0 : i32
    %dma_start3A_253 = tpu.memref_slice %arg4[%arg0, %multiple_of3A_251, %dma_start3A_252] : memref<2x10240x128xf32, #tpu.memory_space<hbm>> -> memref<1x128x128xf32, #tpu.memory_space<hbm>>
    %dma_start3A_254 = tpu.memref_squeeze %dma_start3A_253 : memref<1x128x128xf32, #tpu.memory_space<hbm>> -> memref<128x128xf32, #tpu.memory_space<hbm>>
    %dma_start3A_255 = arith.constant 0 : i32
    %dma_start3A_256 = tpu.memref_slice %arg4[%arg0, %multiple_of3A_251, %dma_start3A_255] : memref<2x10240x128xf32, #tpu.memory_space<hbm>> -> memref<1x128x128xf32, #tpu.memory_space<hbm>>
    %dma_start3A_257 = tpu.memref_squeeze %dma_start3A_256 : memref<1x128x128xf32, #tpu.memory_space<hbm>> -> memref<128x128xf32, #tpu.memory_space<hbm>>
    tpu.enqueue_dma source(%arg8 : memref<128x128xf32, #tpu.memory_space<vmem>>) target(%dma_start3A_257 : memref<128x128xf32, #tpu.memory_space<hbm>>) target_semaphore(%arg13 : memref<!tpu.dma_semaphore, #tpu.memory_space<semaphore_mem>>)
    %mul3A_258 = arith.constant 640 : i32
    %mul3A_259 = arith.muli %arg1, %mul3A_258 : i32
    %add3A_260 = arith.constant 384 : i32
    %add3A_261 = arith.addi %mul3A_259, %add3A_260 : i32
    %multiple_of3A_262 = tpu.assume_multiple %add3A_261, 8 : i32
    %dma_wait3A_263 = arith.constant 0 : i32
    %dma_wait3A_264 = tpu.memref_slice %arg4[%arg0, %multiple_of3A_262, %dma_wait3A_263] : memref<2x10240x128xf32, #tpu.memory_space<hbm>> -> memref<1x128x128xf32, #tpu.memory_space<hbm>>
    %dma_wait3A_265 = tpu.memref_squeeze %dma_wait3A_264 : memref<1x128x128xf32, #tpu.memory_space<hbm>> -> memref<128x128xf32, #tpu.memory_space<hbm>>
    %dma_wait3A_266 = arith.constant 0 : i32
    %dma_wait3A_267 = tpu.memref_slice %arg4[%arg0, %multiple_of3A_262, %dma_wait3A_266] : memref<2x10240x128xf32, #tpu.memory_space<hbm>> -> memref<1x128x128xf32, #tpu.memory_space<hbm>>
    %dma_wait3A_268 = tpu.memref_squeeze %dma_wait3A_267 : memref<1x128x128xf32, #tpu.memory_space<hbm>> -> memref<128x128xf32, #tpu.memory_space<hbm>>
    tpu.wait_dma2 semaphore(%arg14 : memref<!tpu.dma_semaphore, #tpu.memory_space<semaphore_mem>>) src(%arg9 : memref<128x128xf32, #tpu.memory_space<vmem>>) dst(%dma_wait3A_268 : memref<128x128xf32, #tpu.memory_space<hbm>>)
    %mul3A_269 = arith.constant 640 : i32
    %mul3A_270 = arith.muli %arg1, %mul3A_269 : i32
    %add3A_271 = arith.constant 512 : i32
    %add3A_272 = arith.addi %mul3A_270, %add3A_271 : i32
    %multiple_of3A_273 = tpu.assume_multiple %add3A_272, 8 : i32
    %dma_wait3A_274 = arith.constant 0 : i32
    %dma_wait3A_275 = tpu.memref_slice %arg4[%arg0, %multiple_of3A_273, %dma_wait3A_274] : memref<2x10240x128xf32, #tpu.memory_space<hbm>> -> memref<1x128x128xf32, #tpu.memory_space<hbm>>
    %dma_wait3A_276 = tpu.memref_squeeze %dma_wait3A_275 : memref<1x128x128xf32, #tpu.memory_space<hbm>> -> memref<128x128xf32, #tpu.memory_space<hbm>>
    %dma_wait3A_277 = arith.constant 0 : i32
    %dma_wait3A_278 = tpu.memref_slice %arg4[%arg0, %multiple_of3A_273, %dma_wait3A_277] : memref<2x10240x128xf32, #tpu.memory_space<hbm>> -> memref<1x128x128xf32, #tpu.memory_space<hbm>>
    %dma_wait3A_279 = tpu.memref_squeeze %dma_wait3A_278 : memref<1x128x128xf32, #tpu.memory_space<hbm>> -> memref<128x128xf32, #tpu.memory_space<hbm>>
    tpu.wait_dma2 semaphore(%arg13 : memref<!tpu.dma_semaphore, #tpu.memory_space<semaphore_mem>>) src(%arg8 : memref<128x128xf32, #tpu.memory_space<vmem>>) dst(%dma_wait3A_279 : memref<128x128xf32, #tpu.memory_space<hbm>>)
    return
  }
}

#map = affine_map<(d0, d1) -> (0, 0)>
#map1 = affine_map<(d0, d1) -> (0, 0, 0)>
module attributes {stable_mosaic.version = 14 : i64} {
  func.func @_spmm_body(%arg0: i32, %arg1: i32, %arg2: memref<10240x128xf32, #tpu.memory_space<hbm>>, %arg3: memref<2x2500x128xi32, #tpu.memory_space<hbm>>, %arg4: memref<2x10240x128xf32, #tpu.memory_space<hbm>>, %arg5: memref<128xi32, #tpu.memory_space<vmem>>, %arg6: memref<128xi32, #tpu.memory_space<vmem>>, %arg7: memref<80x128xi32, #tpu.memory_space<vmem>>, %arg8: memref<128x128xf32, #tpu.memory_space<vmem>>, %arg9: memref<128x128xf32, #tpu.memory_space<vmem>>, %arg10: memref<10240x128xf32, #tpu.memory_space<vmem_shared>>, %arg11: memref<!tpu.dma_semaphore, #tpu.memory_space<semaphore_mem>>, %arg12: memref<!tpu.dma_semaphore, #tpu.memory_space<semaphore_mem>>, %arg13: memref<!tpu.dma_semaphore, #tpu.memory_space<semaphore_mem>>, %arg14: memref<!tpu.dma_semaphore, #tpu.memory_space<semaphore_mem>>, %arg15: memref<!tpu.dma_semaphore, #tpu.memory_space<semaphore_mem>>) attributes {dimension_semantics = [#tpu.dimension_semantics<core_parallel>, #tpu.dimension_semantics<subcore_parallel>], iteration_bounds = array<i64: 2, 16>, scalar_prefetch = 0 : i64, scratch_operands = 11 : i64, tpu.core_type = #tpu.core_type<sc_vector_subcore>, window_params = [{transform_indices = #map}, {transform_indices = #map1}, {transform_indices = #map1}]} {
    %mul3A = arith.constant 2 : i32
    %mul3A_0 = arith.muli %arg1, %mul3A : i32
    %add3A = arith.addi %mul3A_0, %arg0 : i32
    %mul3A_1 = arith.constant 80 : i32
    %mul3A_2 = arith.muli %add3A, %mul3A_1 : i32
    %min3A = arith.constant 2480 : i32
    %min3A_3 = arith.minsi %mul3A_2, %min3A : i32
    %eq3A = arith.constant 31 : i32
    %eq3A_4 = arith.cmpi eq, %add3A, %eq3A : i32
    %jit3A = arith.constant 10 : i32
    %jit3A_5 = arith.constant 40 : i32
    %select_n3A = arith.select %eq3A_4, %jit3A, %jit3A_5 : i32
    %lt3A = arith.constant 31 : i32
    %lt3A_6 = arith.cmpi slt, %add3A, %lt3A : i32
    %convert_element_type3A = arith.extui %lt3A_6 : i1 to i32
    %cond3A = arith.constant 0 : i32
    %cond3A_7 = arith.cmpi ne, %convert_element_type3A, %cond3A : i32
    scf.if %cond3A_7 {
      %mul3A_280 = arith.constant 80 : i32
      %mul3A_281 = arith.muli %add3A, %mul3A_280 : i32
      %multiple_of3A_282 = tpu.assume_multiple %mul3A_281, 8 : i32
      %dma_start3A_283 = arith.constant 1 : i32
      %dma_start3A_284 = arith.constant 0 : i32
      %dma_start3A_285 = tpu.memref_slice %arg3[%dma_start3A_283, %multiple_of3A_282, %dma_start3A_284] : memref<2x2500x128xi32, #tpu.memory_space<hbm>> -> memref<1x80x128xi32, #tpu.memory_space<hbm>>
      %dma_start3A_286 = tpu.memref_squeeze %dma_start3A_285 : memref<1x80x128xi32, #tpu.memory_space<hbm>> -> memref<80x128xi32, #tpu.memory_space<hbm>>
      %dma_start3A_287 = arith.constant 0 : i32
      %dma_start3A_288 = tpu.memref_slice %arg3[%dma_start3A_283, %multiple_of3A_282, %dma_start3A_287] : memref<2x2500x128xi32, #tpu.memory_space<hbm>> -> memref<1x80x128xi32, #tpu.memory_space<hbm>>
      %dma_start3A_289 = tpu.memref_squeeze %dma_start3A_288 : memref<1x80x128xi32, #tpu.memory_space<hbm>> -> memref<80x128xi32, #tpu.memory_space<hbm>>
      tpu.enqueue_dma source(%dma_start3A_289 : memref<80x128xi32, #tpu.memory_space<hbm>>) target(%arg7 : memref<80x128xi32, #tpu.memory_space<vmem>>) target_semaphore(%arg15 : memref<!tpu.dma_semaphore, #tpu.memory_space<semaphore_mem>>)
    } else {
    }
    %eq3A_8 = arith.constant 31 : i32
    %eq3A_9 = arith.cmpi eq, %add3A, %eq3A_8 : i32
    %convert_element_type3A_10 = arith.extui %eq3A_9 : i1 to i32
    %cond3A_11 = arith.constant 0 : i32
    %cond3A_12 = arith.cmpi ne, %convert_element_type3A_10, %cond3A_11 : i32
    scf.if %cond3A_12 {
      %dma_start3A_280 = arith.constant 1 : i32
      %dma_start3A_281 = arith.constant 0 : i32
      %dma_start3A_282 = arith.constant 0 : i32
      %dma_start3A_283 = tpu.memref_slice %arg7[%dma_start3A_281, %dma_start3A_282] : memref<80x128xi32, #tpu.memory_space<vmem>> -> memref<16x128xi32, #tpu.memory_space<vmem>>
      %dma_start3A_284 = arith.constant 2480 : i32
      %dma_start3A_285 = arith.constant 0 : i32
      %dma_start3A_286 = tpu.memref_slice %arg3[%dma_start3A_280, %dma_start3A_284, %dma_start3A_285] : memref<2x2500x128xi32, #tpu.memory_space<hbm>> -> memref<1x16x128xi32, #tpu.memory_space<hbm>>
      %dma_start3A_287 = tpu.memref_squeeze %dma_start3A_286 : memref<1x16x128xi32, #tpu.memory_space<hbm>> -> memref<16x128xi32, #tpu.memory_space<hbm>>
      %dma_start3A_288 = arith.constant 0 : i32
      %dma_start3A_289 = arith.constant 0 : i32
      %dma_start3A_290 = tpu.memref_slice %arg7[%dma_start3A_288, %dma_start3A_289] : memref<80x128xi32, #tpu.memory_space<vmem>> -> memref<16x128xi32, #tpu.memory_space<vmem>>
      %dma_start3A_291 = arith.constant 2480 : i32
      %dma_start3A_292 = arith.constant 0 : i32
      %dma_start3A_293 = tpu.memref_slice %arg3[%dma_start3A_280, %dma_start3A_291, %dma_start3A_292] : memref<2x2500x128xi32, #tpu.memory_space<hbm>> -> memref<1x16x128xi32, #tpu.memory_space<hbm>>
      %dma_start3A_294 = tpu.memref_squeeze %dma_start3A_293 : memref<1x16x128xi32, #tpu.memory_space<hbm>> -> memref<16x128xi32, #tpu.memory_space<hbm>>
      tpu.enqueue_dma source(%dma_start3A_294 : memref<16x128xi32, #tpu.memory_space<hbm>>) target(%dma_start3A_290 : memref<16x128xi32, #tpu.memory_space<vmem>>) target_semaphore(%arg15 : memref<!tpu.dma_semaphore, #tpu.memory_space<semaphore_mem>>)
      %dma_start3A_295 = arith.constant 1 : i32
      %dma_start3A_296 = arith.constant 2496 : i32
      %dma_start3A_297 = arith.constant 16 : i32
      %dma_start3A_298 = arith.constant 0 : i32
      %dma_start3A_299 = tpu.memref_slice %arg7[%dma_start3A_297, %dma_start3A_298] : memref<80x128xi32, #tpu.memory_space<vmem>> -> memref<1x128xi32, #tpu.memory_space<vmem>>
      %dma_start3A_300 = tpu.memref_squeeze %dma_start3A_299 : memref<1x128xi32, #tpu.memory_space<vmem>> -> memref<128xi32, #tpu.memory_space<vmem>>
      %dma_start3A_301 = arith.constant 0 : i32
      %dma_start3A_302 = tpu.memref_slice %arg3[%dma_start3A_295, %dma_start3A_296, %dma_start3A_301] : memref<2x2500x128xi32, #tpu.memory_space<hbm>> -> memref<1x1x128xi32, #tpu.memory_space<hbm>>
      %dma_start3A_303 = tpu.memref_squeeze %dma_start3A_302 : memref<1x1x128xi32, #tpu.memory_space<hbm>> -> memref<128xi32, #tpu.memory_space<hbm>>
      %dma_start3A_304 = arith.constant 0 : i32
      %dma_start3A_305 = tpu.memref_slice %arg7[%dma_start3A_297, %dma_start3A_304] : memref<80x128xi32, #tpu.memory_space<vmem>> -> memref<1x128xi32, #tpu.memory_space<vmem>>
      %dma_start3A_306 = tpu.memref_squeeze %dma_start3A_305 : memref<1x128xi32, #tpu.memory_space<vmem>> -> memref<128xi32, #tpu.memory_space<vmem>>
      %dma_start3A_307 = arith.constant 0 : i32
      %dma_start3A_308 = tpu.memref_slice %arg3[%dma_start3A_295, %dma_start3A_296, %dma_start3A_307] : memref<2x2500x128xi32, #tpu.memory_space<hbm>> -> memref<1x1x128xi32, #tpu.memory_space<hbm>>
      %dma_start3A_309 = tpu.memref_squeeze %dma_start3A_308 : memref<1x1x128xi32, #tpu.memory_space<hbm>> -> memref<128xi32, #tpu.memory_space<hbm>>
      tpu.enqueue_dma source(%dma_start3A_309 : memref<128xi32, #tpu.memory_space<hbm>>) target(%dma_start3A_306 : memref<128xi32, #tpu.memory_space<vmem>>) target_semaphore(%arg15 : memref<!tpu.dma_semaphore, #tpu.memory_space<semaphore_mem>>)
      %dma_start3A_310 = arith.constant 1 : i32
      %dma_start3A_311 = arith.constant 2497 : i32
      %dma_start3A_312 = arith.constant 17 : i32
      %dma_start3A_313 = arith.constant 0 : i32
      %dma_start3A_314 = tpu.memref_slice %arg7[%dma_start3A_312, %dma_start3A_313] : memref<80x128xi32, #tpu.memory_space<vmem>> -> memref<1x128xi32, #tpu.memory_space<vmem>>
      %dma_start3A_315 = tpu.memref_squeeze %dma_start3A_314 : memref<1x128xi32, #tpu.memory_space<vmem>> -> memref<128xi32, #tpu.memory_space<vmem>>
      %dma_start3A_316 = arith.constant 0 : i32
      %dma_start3A_317 = tpu.memref_slice %arg3[%dma_start3A_310, %dma_start3A_311, %dma_start3A_316] : memref<2x2500x128xi32, #tpu.memory_space<hbm>> -> memref<1x1x128xi32, #tpu.memory_space<hbm>>
      %dma_start3A_318 = tpu.memref_squeeze %dma_start3A_317 : memref<1x1x128xi32, #tpu.memory_space<hbm>> -> memref<128xi32, #tpu.memory_space<hbm>>
      %dma_start3A_319 = arith.constant 0 : i32
      %dma_start3A_320 = tpu.memref_slice %arg7[%dma_start3A_312, %dma_start3A_319] : memref<80x128xi32, #tpu.memory_space<vmem>> -> memref<1x128xi32, #tpu.memory_space<vmem>>
      %dma_start3A_321 = tpu.memref_squeeze %dma_start3A_320 : memref<1x128xi32, #tpu.memory_space<vmem>> -> memref<128xi32, #tpu.memory_space<vmem>>
      %dma_start3A_322 = arith.constant 0 : i32
      %dma_start3A_323 = tpu.memref_slice %arg3[%dma_start3A_310, %dma_start3A_311, %dma_start3A_322] : memref<2x2500x128xi32, #tpu.memory_space<hbm>> -> memref<1x1x128xi32, #tpu.memory_space<hbm>>
      %dma_start3A_324 = tpu.memref_squeeze %dma_start3A_323 : memref<1x1x128xi32, #tpu.memory_space<hbm>> -> memref<128xi32, #tpu.memory_space<hbm>>
      tpu.enqueue_dma source(%dma_start3A_324 : memref<128xi32, #tpu.memory_space<hbm>>) target(%dma_start3A_321 : memref<128xi32, #tpu.memory_space<vmem>>) target_semaphore(%arg15 : memref<!tpu.dma_semaphore, #tpu.memory_space<semaphore_mem>>)
      %dma_start3A_325 = arith.constant 1 : i32
      %dma_start3A_326 = arith.constant 2498 : i32
      %dma_start3A_327 = arith.constant 18 : i32
      %dma_start3A_328 = arith.constant 0 : i32
      %dma_start3A_329 = tpu.memref_slice %arg7[%dma_start3A_327, %dma_start3A_328] : memref<80x128xi32, #tpu.memory_space<vmem>> -> memref<1x128xi32, #tpu.memory_space<vmem>>
      %dma_start3A_330 = tpu.memref_squeeze %dma_start3A_329 : memref<1x128xi32, #tpu.memory_space<vmem>> -> memref<128xi32, #tpu.memory_space<vmem>>
      %dma_start3A_331 = arith.constant 0 : i32
      %dma_start3A_332 = tpu.memref_slice %arg3[%dma_start3A_325, %dma_start3A_326, %dma_start3A_331] : memref<2x2500x128xi32, #tpu.memory_space<hbm>> -> memref<1x1x128xi32, #tpu.memory_space<hbm>>
      %dma_start3A_333 = tpu.memref_squeeze %dma_start3A_332 : memref<1x1x128xi32, #tpu.memory_space<hbm>> -> memref<128xi32, #tpu.memory_space<hbm>>
      %dma_start3A_334 = arith.constant 0 : i32
      %dma_start3A_335 = tpu.memref_slice %arg7[%dma_start3A_327, %dma_start3A_334] : memref<80x128xi32, #tpu.memory_space<vmem>> -> memref<1x128xi32, #tpu.memory_space<vmem>>
      %dma_start3A_336 = tpu.memref_squeeze %dma_start3A_335 : memref<1x128xi32, #tpu.memory_space<vmem>> -> memref<128xi32, #tpu.memory_space<vmem>>
      %dma_start3A_337 = arith.constant 0 : i32
      %dma_start3A_338 = tpu.memref_slice %arg3[%dma_start3A_325, %dma_start3A_326, %dma_start3A_337] : memref<2x2500x128xi32, #tpu.memory_space<hbm>> -> memref<1x1x128xi32, #tpu.memory_space<hbm>>
      %dma_start3A_339 = tpu.memref_squeeze %dma_start3A_338 : memref<1x1x128xi32, #tpu.memory_space<hbm>> -> memref<128xi32, #tpu.memory_space<hbm>>
      tpu.enqueue_dma source(%dma_start3A_339 : memref<128xi32, #tpu.memory_space<hbm>>) target(%dma_start3A_336 : memref<128xi32, #tpu.memory_space<vmem>>) target_semaphore(%arg15 : memref<!tpu.dma_semaphore, #tpu.memory_space<semaphore_mem>>)
      %dma_start3A_340 = arith.constant 1 : i32
      %dma_start3A_341 = arith.constant 2499 : i32
      %dma_start3A_342 = arith.constant 19 : i32
      %dma_start3A_343 = arith.constant 0 : i32
      %dma_start3A_344 = tpu.memref_slice %arg7[%dma_start3A_342, %dma_start3A_343] : memref<80x128xi32, #tpu.memory_space<vmem>> -> memref<1x128xi32, #tpu.memory_space<vmem>>
      %dma_start3A_345 = tpu.memref_squeeze %dma_start3A_344 : memref<1x128xi32, #tpu.memory_space<vmem>> -> memref<128xi32, #tpu.memory_space<vmem>>
      %dma_start3A_346 = arith.constant 0 : i32
      %dma_start3A_347 = tpu.memref_slice %arg3[%dma_start3A_340, %dma_start3A_341, %dma_start3A_346] : memref<2x2500x128xi32, #tpu.memory_space<hbm>> -> memref<1x1x128xi32, #tpu.memory_space<hbm>>
      %dma_start3A_348 = tpu.memref_squeeze %dma_start3A_347 : memref<1x1x128xi32, #tpu.memory_space<hbm>> -> memref<128xi32, #tpu.memory_space<hbm>>
      %dma_start3A_349 = arith.constant 0 : i32
      %dma_start3A_350 = tpu.memref_slice %arg7[%dma_start3A_342, %dma_start3A_349] : memref<80x128xi32, #tpu.memory_space<vmem>> -> memref<1x128xi32, #tpu.memory_space<vmem>>
      %dma_start3A_351 = tpu.memref_squeeze %dma_start3A_350 : memref<1x128xi32, #tpu.memory_space<vmem>> -> memref<128xi32, #tpu.memory_space<vmem>>
      %dma_start3A_352 = arith.constant 0 : i32
      %dma_start3A_353 = tpu.memref_slice %arg3[%dma_start3A_340, %dma_start3A_341, %dma_start3A_352] : memref<2x2500x128xi32, #tpu.memory_space<hbm>> -> memref<1x1x128xi32, #tpu.memory_space<hbm>>
      %dma_start3A_354 = tpu.memref_squeeze %dma_start3A_353 : memref<1x1x128xi32, #tpu.memory_space<hbm>> -> memref<128xi32, #tpu.memory_space<hbm>>
      tpu.enqueue_dma source(%dma_start3A_354 : memref<128xi32, #tpu.memory_space<hbm>>) target(%dma_start3A_351 : memref<128xi32, #tpu.memory_space<vmem>>) target_semaphore(%arg15 : memref<!tpu.dma_semaphore, #tpu.memory_space<semaphore_mem>>)
    } else {
    }
    %run_scoped3A = arith.constant 0 : i32
    "tpu.region"() ({
      %run_scoped3A_280 = tpu.sem_alloc : memref<!tpu.dma_semaphore, #tpu.memory_space<semaphore_mem>>
      %dma_start3A_281 = arith.constant 0 : i32
      %dma_start3A_282 = tpu.memref_slice %arg3[%run_scoped3A, %min3A_3, %dma_start3A_281] : memref<2x2500x128xi32, #tpu.memory_space<hbm>> -> memref<1x1x128xi32, #tpu.memory_space<hbm>>
      %dma_start3A_283 = tpu.memref_squeeze %dma_start3A_282 : memref<1x1x128xi32, #tpu.memory_space<hbm>> -> memref<128xi32, #tpu.memory_space<hbm>>
      %dma_start3A_284 = arith.constant 0 : i32
      %dma_start3A_285 = tpu.memref_slice %arg3[%run_scoped3A, %min3A_3, %dma_start3A_284] : memref<2x2500x128xi32, #tpu.memory_space<hbm>> -> memref<1x1x128xi32, #tpu.memory_space<hbm>>
      %dma_start3A_286 = tpu.memref_squeeze %dma_start3A_285 : memref<1x1x128xi32, #tpu.memory_space<hbm>> -> memref<128xi32, #tpu.memory_space<hbm>>
      tpu.enqueue_dma source(%dma_start3A_286 : memref<128xi32, #tpu.memory_space<hbm>>) target(%arg5 : memref<128xi32, #tpu.memory_space<vmem>>) target_semaphore(%run_scoped3A_280 : memref<!tpu.dma_semaphore, #tpu.memory_space<semaphore_mem>>)
      %dma_wait3A_287 = arith.constant 0 : i32
      %dma_wait3A_288 = tpu.memref_slice %arg3[%run_scoped3A, %min3A_3, %dma_wait3A_287] : memref<2x2500x128xi32, #tpu.memory_space<hbm>> -> memref<1x1x128xi32, #tpu.memory_space<hbm>>
      %dma_wait3A_289 = tpu.memref_squeeze %dma_wait3A_288 : memref<1x1x128xi32, #tpu.memory_space<hbm>> -> memref<128xi32, #tpu.memory_space<hbm>>
      %dma_wait3A_290 = arith.constant 0 : i32
      %dma_wait3A_291 = tpu.memref_slice %arg3[%run_scoped3A, %min3A_3, %dma_wait3A_290] : memref<2x2500x128xi32, #tpu.memory_space<hbm>> -> memref<1x1x128xi32, #tpu.memory_space<hbm>>
      %dma_wait3A_292 = tpu.memref_squeeze %dma_wait3A_291 : memref<1x1x128xi32, #tpu.memory_space<hbm>> -> memref<128xi32, #tpu.memory_space<hbm>>
      tpu.wait_dma2 semaphore(%run_scoped3A_280 : memref<!tpu.dma_semaphore, #tpu.memory_space<semaphore_mem>>) src(%dma_wait3A_292 : memref<128xi32, #tpu.memory_space<hbm>>) dst(%arg5 : memref<128xi32, #tpu.memory_space<vmem>>)
      tpu.yield
    }) : () -> ()
    %dma_start3A = arith.constant 0 : i32
    %dma_start3A_13 = arith.constant 0 : i32
    %dma_start3A_14 = tpu.memref_slice %arg2[%dma_start3A, %dma_start3A_13] : memref<10240x128xf32, #tpu.memory_space<hbm>> -> memref<10240x128xf32, #tpu.memory_space<hbm>>
    tpu.enqueue_indirect_dma source(%dma_start3A_14 : memref<10240x128xf32, #tpu.memory_space<hbm>>) target(%arg8 : memref<128x128xf32, #tpu.memory_space<vmem>>) offsets(%arg5 : memref<128xi32, #tpu.memory_space<vmem>>) semaphore(%arg11 : memref<!tpu.dma_semaphore, #tpu.memory_space<semaphore_mem>>)
    %broadcast_in_dim3A = arith.constant 0.000000e+00 : f32
    %broadcast_in_dim3A_15 = vector.broadcast %broadcast_in_dim3A : f32 to vector<16xf32>
    %scan3A = arith.constant 0 : i32
    %scan3A_16 = arith.constant 128 : i32
    %scan3A_17 = arith.addi %scan3A, %scan3A_16 : i32
    %scan3A_18 = arith.constant 1 : i32
    scf.for %scan3A_280 = %scan3A to %scan3A_17 step %scan3A_18  : i32 {
      %mul3A_281 = arith.constant 1 : i32
      %mul3A_282 = arith.muli %scan3A_280, %mul3A_281 : i32
      %add3A_283 = arith.constant 0 : i32
      %add3A_284 = arith.addi %add3A_283, %mul3A_282 : i32
      %swap3A = arith.index_cast %add3A_284 : i32 to index
      %swap3A_285 = arith.constant 0 : index
      %swap3A_286 = tpu.vector_load %arg9[%swap3A, %swap3A_285] {strides = array<i32>} : memref<128x128xf32, #tpu.memory_space<vmem>>, vector<1x16xf32>,
      %swap3A_287 = vector.shape_cast %swap3A_286 : vector<1x16xf32> to vector<16xf32>
      %swap3A_288 = vector.shape_cast %broadcast_in_dim3A_15 : vector<16xf32> to vector<1x16xf32>
      tpu.vector_store %arg9[%swap3A, %swap3A_285], %swap3A_288 {strides = array<i32>} : memref<128x128xf32, #tpu.memory_space<vmem>>, vector<1x16xf32>,
      %swap3A_289 = arith.index_cast %add3A_284 : i32 to index
      %swap3A_290 = arith.constant 16 : index
      %swap3A_291 = tpu.vector_load %arg9[%swap3A_289, %swap3A_290] {strides = array<i32>} : memref<128x128xf32, #tpu.memory_space<vmem>>, vector<1x16xf32>,
      %swap3A_292 = vector.shape_cast %swap3A_291 : vector<1x16xf32> to vector<16xf32>
      %swap3A_293 = vector.shape_cast %broadcast_in_dim3A_15 : vector<16xf32> to vector<1x16xf32>
      tpu.vector_store %arg9[%swap3A_289, %swap3A_290], %swap3A_293 {strides = array<i32>} : memref<128x128xf32, #tpu.memory_space<vmem>>, vector<1x16xf32>,
      %swap3A_294 = arith.index_cast %add3A_284 : i32 to index
      %swap3A_295 = arith.constant 32 : index
      %swap3A_296 = tpu.vector_load %arg9[%swap3A_294, %swap3A_295] {strides = array<i32>} : memref<128x128xf32, #tpu.memory_space<vmem>>, vector<1x16xf32>,
      %swap3A_297 = vector.shape_cast %swap3A_296 : vector<1x16xf32> to vector<16xf32>
      %swap3A_298 = vector.shape_cast %broadcast_in_dim3A_15 : vector<16xf32> to vector<1x16xf32>
      tpu.vector_store %arg9[%swap3A_294, %swap3A_295], %swap3A_298 {strides = array<i32>} : memref<128x128xf32, #tpu.memory_space<vmem>>, vector<1x16xf32>,
      %swap3A_299 = arith.index_cast %add3A_284 : i32 to index
      %swap3A_300 = arith.constant 48 : index
      %swap3A_301 = tpu.vector_load %arg9[%swap3A_299, %swap3A_300] {strides = array<i32>} : memref<128x128xf32, #tpu.memory_space<vmem>>, vector<1x16xf32>,
      %swap3A_302 = vector.shape_cast %swap3A_301 : vector<1x16xf32> to vector<16xf32>
      %swap3A_303 = vector.shape_cast %broadcast_in_dim3A_15 : vector<16xf32> to vector<1x16xf32>
      tpu.vector_store %arg9[%swap3A_299, %swap3A_300], %swap3A_303 {strides = array<i32>} : memref<128x128xf32, #tpu.memory_space<vmem>>, vector<1x16xf32>,
      %swap3A_304 = arith.index_cast %add3A_284 : i32 to index
      %swap3A_305 = arith.constant 64 : index
      %swap3A_306 = tpu.vector_load %arg9[%swap3A_304, %swap3A_305] {strides = array<i32>} : memref<128x128xf32, #tpu.memory_space<vmem>>, vector<1x16xf32>,
      %swap3A_307 = vector.shape_cast %swap3A_306 : vector<1x16xf32> to vector<16xf32>
      %swap3A_308 = vector.shape_cast %broadcast_in_dim3A_15 : vector<16xf32> to vector<1x16xf32>
      tpu.vector_store %arg9[%swap3A_304, %swap3A_305], %swap3A_308 {strides = array<i32>} : memref<128x128xf32, #tpu.memory_space<vmem>>, vector<1x16xf32>,
      %swap3A_309 = arith.index_cast %add3A_284 : i32 to index
      %swap3A_310 = arith.constant 80 : index
      %swap3A_311 = tpu.vector_load %arg9[%swap3A_309, %swap3A_310] {strides = array<i32>} : memref<128x128xf32, #tpu.memory_space<vmem>>, vector<1x16xf32>,
      %swap3A_312 = vector.shape_cast %swap3A_311 : vector<1x16xf32> to vector<16xf32>
      %swap3A_313 = vector.shape_cast %broadcast_in_dim3A_15 : vector<16xf32> to vector<1x16xf32>
      tpu.vector_store %arg9[%swap3A_309, %swap3A_310], %swap3A_313 {strides = array<i32>} : memref<128x128xf32, #tpu.memory_space<vmem>>, vector<1x16xf32>,
      %swap3A_314 = arith.index_cast %add3A_284 : i32 to index
      %swap3A_315 = arith.constant 96 : index
      %swap3A_316 = tpu.vector_load %arg9[%swap3A_314, %swap3A_315] {strides = array<i32>} : memref<128x128xf32, #tpu.memory_space<vmem>>, vector<1x16xf32>,
      %swap3A_317 = vector.shape_cast %swap3A_316 : vector<1x16xf32> to vector<16xf32>
      %swap3A_318 = vector.shape_cast %broadcast_in_dim3A_15 : vector<16xf32> to vector<1x16xf32>
      tpu.vector_store %arg9[%swap3A_314, %swap3A_315], %swap3A_318 {strides = array<i32>} : memref<128x128xf32, #tpu.memory_space<vmem>>, vector<1x16xf32>,
      %swap3A_319 = arith.index_cast %add3A_284 : i32 to index
      %swap3A_320 = arith.constant 112 : index
      %swap3A_321 = tpu.vector_load %arg9[%swap3A_319, %swap3A_320] {strides = array<i32>} : memref<128x128xf32, #tpu.memory_space<vmem>>, vector<1x16xf32>,
      %swap3A_322 = vector.shape_cast %swap3A_321 : vector<1x16xf32> to vector<16xf32>
      %swap3A_323 = vector.shape_cast %broadcast_in_dim3A_15 : vector<16xf32> to vector<1x16xf32>
      tpu.vector_store %arg9[%swap3A_319, %swap3A_320], %swap3A_323 {strides = array<i32>} : memref<128x128xf32, #tpu.memory_space<vmem>>, vector<1x16xf32>,
    }
    %scan3A_19 = arith.constant 128 : i32
    %mul3A_20 = arith.constant 640 : i32
    %mul3A_21 = arith.muli %arg1, %mul3A_20 : i32
    %add3A_22 = arith.constant 0 : i32
    %add3A_23 = arith.addi %mul3A_21, %add3A_22 : i32
    %multiple_of3A = tpu.assume_multiple %add3A_23, 8 : i32
    %dma_start3A_24 = arith.constant 0 : i32
    %dma_start3A_25 = tpu.memref_slice %arg10[%multiple_of3A, %dma_start3A_24] : memref<10240x128xf32, #tpu.memory_space<vmem_shared>> -> memref<128x128xf32, #tpu.memory_space<vmem_shared>>
    %dma_start3A_26 = arith.constant 0 : i32
    %dma_start3A_27 = tpu.memref_slice %arg10[%multiple_of3A, %dma_start3A_26] : memref<10240x128xf32, #tpu.memory_space<vmem_shared>> -> memref<128x128xf32, #tpu.memory_space<vmem_shared>>
    tpu.enqueue_dma source(%arg9 : memref<128x128xf32, #tpu.memory_space<vmem>>) target(%dma_start3A_27 : memref<128x128xf32, #tpu.memory_space<vmem_shared>>) target_semaphore(%arg14 : memref<!tpu.dma_semaphore, #tpu.memory_space<semaphore_mem>>)
    %mul3A_28 = arith.constant 640 : i32
    %mul3A_29 = arith.muli %arg1, %mul3A_28 : i32
    %add3A_30 = arith.constant 128 : i32
    %add3A_31 = arith.addi %mul3A_29, %add3A_30 : i32
    %multiple_of3A_32 = tpu.assume_multiple %add3A_31, 8 : i32
    %dma_start3A_33 = arith.constant 0 : i32
    %dma_start3A_34 = tpu.memref_slice %arg10[%multiple_of3A_32, %dma_start3A_33] : memref<10240x128xf32, #tpu.memory_space<vmem_shared>> -> memref<128x128xf32, #tpu.memory_space<vmem_shared>>
    %dma_start3A_35 = arith.constant 0 : i32
    %dma_start3A_36 = tpu.memref_slice %arg10[%multiple_of3A_32, %dma_start3A_35] : memref<10240x128xf32, #tpu.memory_space<vmem_shared>> -> memref<128x128xf32, #tpu.memory_space<vmem_shared>>
    tpu.enqueue_dma source(%arg9 : memref<128x128xf32, #tpu.memory_space<vmem>>) target(%dma_start3A_36 : memref<128x128xf32, #tpu.memory_space<vmem_shared>>) target_semaphore(%arg14 : memref<!tpu.dma_semaphore, #tpu.memory_space<semaphore_mem>>)
    %mul3A_37 = arith.constant 640 : i32
    %mul3A_38 = arith.muli %arg1, %mul3A_37 : i32
    %add3A_39 = arith.constant 256 : i32
    %add3A_40 = arith.addi %mul3A_38, %add3A_39 : i32
    %multiple_of3A_41 = tpu.assume_multiple %add3A_40, 8 : i32
    %dma_start3A_42 = arith.constant 0 : i32
    %dma_start3A_43 = tpu.memref_slice %arg10[%multiple_of3A_41, %dma_start3A_42] : memref<10240x128xf32, #tpu.memory_space<vmem_shared>> -> memref<128x128xf32, #tpu.memory_space<vmem_shared>>
    %dma_start3A_44 = arith.constant 0 : i32
    %dma_start3A_45 = tpu.memref_slice %arg10[%multiple_of3A_41, %dma_start3A_44] : memref<10240x128xf32, #tpu.memory_space<vmem_shared>> -> memref<128x128xf32, #tpu.memory_space<vmem_shared>>
    tpu.enqueue_dma source(%arg9 : memref<128x128xf32, #tpu.memory_space<vmem>>) target(%dma_start3A_45 : memref<128x128xf32, #tpu.memory_space<vmem_shared>>) target_semaphore(%arg14 : memref<!tpu.dma_semaphore, #tpu.memory_space<semaphore_mem>>)
    %mul3A_46 = arith.constant 640 : i32
    %mul3A_47 = arith.muli %arg1, %mul3A_46 : i32
    %add3A_48 = arith.constant 384 : i32
    %add3A_49 = arith.addi %mul3A_47, %add3A_48 : i32
    %multiple_of3A_50 = tpu.assume_multiple %add3A_49, 8 : i32
    %dma_start3A_51 = arith.constant 0 : i32
    %dma_start3A_52 = tpu.memref_slice %arg10[%multiple_of3A_50, %dma_start3A_51] : memref<10240x128xf32, #tpu.memory_space<vmem_shared>> -> memref<128x128xf32, #tpu.memory_space<vmem_shared>>
    %dma_start3A_53 = arith.constant 0 : i32
    %dma_start3A_54 = tpu.memref_slice %arg10[%multiple_of3A_50, %dma_start3A_53] : memref<10240x128xf32, #tpu.memory_space<vmem_shared>> -> memref<128x128xf32, #tpu.memory_space<vmem_shared>>
    tpu.enqueue_dma source(%arg9 : memref<128x128xf32, #tpu.memory_space<vmem>>) target(%dma_start3A_54 : memref<128x128xf32, #tpu.memory_space<vmem_shared>>) target_semaphore(%arg14 : memref<!tpu.dma_semaphore, #tpu.memory_space<semaphore_mem>>)
    %mul3A_55 = arith.constant 640 : i32
    %mul3A_56 = arith.muli %arg1, %mul3A_55 : i32
    %add3A_57 = arith.constant 512 : i32
    %add3A_58 = arith.addi %mul3A_56, %add3A_57 : i32
    %multiple_of3A_59 = tpu.assume_multiple %add3A_58, 8 : i32
    %dma_start3A_60 = arith.constant 0 : i32
    %dma_start3A_61 = tpu.memref_slice %arg10[%multiple_of3A_59, %dma_start3A_60] : memref<10240x128xf32, #tpu.memory_space<vmem_shared>> -> memref<128x128xf32, #tpu.memory_space<vmem_shared>>
    %dma_start3A_62 = arith.constant 0 : i32
    %dma_start3A_63 = tpu.memref_slice %arg10[%multiple_of3A_59, %dma_start3A_62] : memref<10240x128xf32, #tpu.memory_space<vmem_shared>> -> memref<128x128xf32, #tpu.memory_space<vmem_shared>>
    tpu.enqueue_dma source(%arg9 : memref<128x128xf32, #tpu.memory_space<vmem>>) target(%dma_start3A_63 : memref<128x128xf32, #tpu.memory_space<vmem_shared>>) target_semaphore(%arg14 : memref<!tpu.dma_semaphore, #tpu.memory_space<semaphore_mem>>)
    %mul3A_64 = arith.constant 640 : i32
    %mul3A_65 = arith.muli %arg1, %mul3A_64 : i32
    %add3A_66 = arith.constant 0 : i32
    %add3A_67 = arith.addi %mul3A_65, %add3A_66 : i32
    %multiple_of3A_68 = tpu.assume_multiple %add3A_67, 8 : i32
    %dma_wait3A = arith.constant 0 : i32
    %dma_wait3A_69 = tpu.memref_slice %arg10[%multiple_of3A_68, %dma_wait3A] : memref<10240x128xf32, #tpu.memory_space<vmem_shared>> -> memref<128x128xf32, #tpu.memory_space<vmem_shared>>
    %dma_wait3A_70 = arith.constant 0 : i32
    %dma_wait3A_71 = tpu.memref_slice %arg10[%multiple_of3A_68, %dma_wait3A_70] : memref<10240x128xf32, #tpu.memory_space<vmem_shared>> -> memref<128x128xf32, #tpu.memory_space<vmem_shared>>
    tpu.wait_dma2 semaphore(%arg14 : memref<!tpu.dma_semaphore, #tpu.memory_space<semaphore_mem>>) src(%arg9 : memref<128x128xf32, #tpu.memory_space<vmem>>) dst(%dma_wait3A_71 : memref<128x128xf32, #tpu.memory_space<vmem_shared>>)
    %mul3A_72 = arith.constant 640 : i32
    %mul3A_73 = arith.muli %arg1, %mul3A_72 : i32
    %add3A_74 = arith.constant 128 : i32
    %add3A_75 = arith.addi %mul3A_73, %add3A_74 : i32
    %multiple_of3A_76 = tpu.assume_multiple %add3A_75, 8 : i32
    %dma_wait3A_77 = arith.constant 0 : i32
    %dma_wait3A_78 = tpu.memref_slice %arg10[%multiple_of3A_76, %dma_wait3A_77] : memref<10240x128xf32, #tpu.memory_space<vmem_shared>> -> memref<128x128xf32, #tpu.memory_space<vmem_shared>>
    %dma_wait3A_79 = arith.constant 0 : i32
    %dma_wait3A_80 = tpu.memref_slice %arg10[%multiple_of3A_76, %dma_wait3A_79] : memref<10240x128xf32, #tpu.memory_space<vmem_shared>> -> memref<128x128xf32, #tpu.memory_space<vmem_shared>>
    tpu.wait_dma2 semaphore(%arg14 : memref<!tpu.dma_semaphore, #tpu.memory_space<semaphore_mem>>) src(%arg9 : memref<128x128xf32, #tpu.memory_space<vmem>>) dst(%dma_wait3A_80 : memref<128x128xf32, #tpu.memory_space<vmem_shared>>)
    %mul3A_81 = arith.constant 640 : i32
    %mul3A_82 = arith.muli %arg1, %mul3A_81 : i32
    %add3A_83 = arith.constant 256 : i32
    %add3A_84 = arith.addi %mul3A_82, %add3A_83 : i32
    %multiple_of3A_85 = tpu.assume_multiple %add3A_84, 8 : i32
    %dma_wait3A_86 = arith.constant 0 : i32
    %dma_wait3A_87 = tpu.memref_slice %arg10[%multiple_of3A_85, %dma_wait3A_86] : memref<10240x128xf32, #tpu.memory_space<vmem_shared>> -> memref<128x128xf32, #tpu.memory_space<vmem_shared>>
    %dma_wait3A_88 = arith.constant 0 : i32
    %dma_wait3A_89 = tpu.memref_slice %arg10[%multiple_of3A_85, %dma_wait3A_88] : memref<10240x128xf32, #tpu.memory_space<vmem_shared>> -> memref<128x128xf32, #tpu.memory_space<vmem_shared>>
    tpu.wait_dma2 semaphore(%arg14 : memref<!tpu.dma_semaphore, #tpu.memory_space<semaphore_mem>>) src(%arg9 : memref<128x128xf32, #tpu.memory_space<vmem>>) dst(%dma_wait3A_89 : memref<128x128xf32, #tpu.memory_space<vmem_shared>>)
    %mul3A_90 = arith.constant 640 : i32
    %mul3A_91 = arith.muli %arg1, %mul3A_90 : i32
    %add3A_92 = arith.constant 384 : i32
    %add3A_93 = arith.addi %mul3A_91, %add3A_92 : i32
    %multiple_of3A_94 = tpu.assume_multiple %add3A_93, 8 : i32
    %dma_wait3A_95 = arith.constant 0 : i32
    %dma_wait3A_96 = tpu.memref_slice %arg10[%multiple_of3A_94, %dma_wait3A_95] : memref<10240x128xf32, #tpu.memory_space<vmem_shared>> -> memref<128x128xf32, #tpu.memory_space<vmem_shared>>
    %dma_wait3A_97 = arith.constant 0 : i32
    %dma_wait3A_98 = tpu.memref_slice %arg10[%multiple_of3A_94, %dma_wait3A_97] : memref<10240x128xf32, #tpu.memory_space<vmem_shared>> -> memref<128x128xf32, #tpu.memory_space<vmem_shared>>
    tpu.wait_dma2 semaphore(%arg14 : memref<!tpu.dma_semaphore, #tpu.memory_space<semaphore_mem>>) src(%arg9 : memref<128x128xf32, #tpu.memory_space<vmem>>) dst(%dma_wait3A_98 : memref<128x128xf32, #tpu.memory_space<vmem_shared>>)
    %mul3A_99 = arith.constant 640 : i32
    %mul3A_100 = arith.muli %arg1, %mul3A_99 : i32
    %add3A_101 = arith.constant 512 : i32
    %add3A_102 = arith.addi %mul3A_100, %add3A_101 : i32
    %multiple_of3A_103 = tpu.assume_multiple %add3A_102, 8 : i32
    %dma_wait3A_104 = arith.constant 0 : i32
    %dma_wait3A_105 = tpu.memref_slice %arg10[%multiple_of3A_103, %dma_wait3A_104] : memref<10240x128xf32, #tpu.memory_space<vmem_shared>> -> memref<128x128xf32, #tpu.memory_space<vmem_shared>>
    %dma_wait3A_106 = arith.constant 0 : i32
    %dma_wait3A_107 = tpu.memref_slice %arg10[%multiple_of3A_103, %dma_wait3A_106] : memref<10240x128xf32, #tpu.memory_space<vmem_shared>> -> memref<128x128xf32, #tpu.memory_space<vmem_shared>>
    tpu.wait_dma2 semaphore(%arg14 : memref<!tpu.dma_semaphore, #tpu.memory_space<semaphore_mem>>) src(%arg9 : memref<128x128xf32, #tpu.memory_space<vmem>>) dst(%dma_wait3A_107 : memref<128x128xf32, #tpu.memory_space<vmem_shared>>)
    %lt3A_108 = arith.constant 31 : i32
    %lt3A_109 = arith.cmpi slt, %add3A, %lt3A_108 : i32
    %convert_element_type3A_110 = arith.extui %lt3A_109 : i1 to i32
    %cond3A_111 = arith.constant 0 : i32
    %cond3A_112 = arith.cmpi ne, %convert_element_type3A_110, %cond3A_111 : i32
    scf.if %cond3A_112 {
      %mul3A_280 = arith.constant 80 : i32
      %mul3A_281 = arith.muli %add3A, %mul3A_280 : i32
      %multiple_of3A_282 = tpu.assume_multiple %mul3A_281, 8 : i32
      %dma_wait3A_283 = arith.constant 1 : i32
      %dma_wait3A_284 = arith.constant 0 : i32
      %dma_wait3A_285 = tpu.memref_slice %arg3[%dma_wait3A_283, %multiple_of3A_282, %dma_wait3A_284] : memref<2x2500x128xi32, #tpu.memory_space<hbm>> -> memref<1x80x128xi32, #tpu.memory_space<hbm>>
      %dma_wait3A_286 = tpu.memref_squeeze %dma_wait3A_285 : memref<1x80x128xi32, #tpu.memory_space<hbm>> -> memref<80x128xi32, #tpu.memory_space<hbm>>
      %dma_wait3A_287 = arith.constant 0 : i32
      %dma_wait3A_288 = tpu.memref_slice %arg3[%dma_wait3A_283, %multiple_of3A_282, %dma_wait3A_287] : memref<2x2500x128xi32, #tpu.memory_space<hbm>> -> memref<1x80x128xi32, #tpu.memory_space<hbm>>
      %dma_wait3A_289 = tpu.memref_squeeze %dma_wait3A_288 : memref<1x80x128xi32, #tpu.memory_space<hbm>> -> memref<80x128xi32, #tpu.memory_space<hbm>>
      tpu.wait_dma2 semaphore(%arg15 : memref<!tpu.dma_semaphore, #tpu.memory_space<semaphore_mem>>) src(%dma_wait3A_289 : memref<80x128xi32, #tpu.memory_space<hbm>>) dst(%arg7 : memref<80x128xi32, #tpu.memory_space<vmem>>)
    } else {
    }
    %eq3A_113 = arith.constant 31 : i32
    %eq3A_114 = arith.cmpi eq, %add3A, %eq3A_113 : i32
    %convert_element_type3A_115 = arith.extui %eq3A_114 : i1 to i32
    %cond3A_116 = arith.constant 0 : i32
    %cond3A_117 = arith.cmpi ne, %convert_element_type3A_115, %cond3A_116 : i32
    scf.if %cond3A_117 {
      %dma_wait3A_280 = arith.constant 1 : i32
      %dma_wait3A_281 = arith.constant 0 : i32
      %dma_wait3A_282 = arith.constant 0 : i32
      %dma_wait3A_283 = tpu.memref_slice %arg7[%dma_wait3A_281, %dma_wait3A_282] : memref<80x128xi32, #tpu.memory_space<vmem>> -> memref<16x128xi32, #tpu.memory_space<vmem>>
      %dma_wait3A_284 = arith.constant 2480 : i32
      %dma_wait3A_285 = arith.constant 0 : i32
      %dma_wait3A_286 = tpu.memref_slice %arg3[%dma_wait3A_280, %dma_wait3A_284, %dma_wait3A_285] : memref<2x2500x128xi32, #tpu.memory_space<hbm>> -> memref<1x16x128xi32, #tpu.memory_space<hbm>>
      %dma_wait3A_287 = tpu.memref_squeeze %dma_wait3A_286 : memref<1x16x128xi32, #tpu.memory_space<hbm>> -> memref<16x128xi32, #tpu.memory_space<hbm>>
      %dma_wait3A_288 = arith.constant 0 : i32
      %dma_wait3A_289 = arith.constant 0 : i32
      %dma_wait3A_290 = tpu.memref_slice %arg7[%dma_wait3A_288, %dma_wait3A_289] : memref<80x128xi32, #tpu.memory_space<vmem>> -> memref<16x128xi32, #tpu.memory_space<vmem>>
      %dma_wait3A_291 = arith.constant 2480 : i32
      %dma_wait3A_292 = arith.constant 0 : i32
      %dma_wait3A_293 = tpu.memref_slice %arg3[%dma_wait3A_280, %dma_wait3A_291, %dma_wait3A_292] : memref<2x2500x128xi32, #tpu.memory_space<hbm>> -> memref<1x16x128xi32, #tpu.memory_space<hbm>>
      %dma_wait3A_294 = tpu.memref_squeeze %dma_wait3A_293 : memref<1x16x128xi32, #tpu.memory_space<hbm>> -> memref<16x128xi32, #tpu.memory_space<hbm>>
      tpu.wait_dma2 semaphore(%arg15 : memref<!tpu.dma_semaphore, #tpu.memory_space<semaphore_mem>>) src(%dma_wait3A_294 : memref<16x128xi32, #tpu.memory_space<hbm>>) dst(%dma_wait3A_290 : memref<16x128xi32, #tpu.memory_space<vmem>>)
      %dma_wait3A_295 = arith.constant 1 : i32
      %dma_wait3A_296 = arith.constant 2496 : i32
      %dma_wait3A_297 = arith.constant 16 : i32
      %dma_wait3A_298 = arith.constant 0 : i32
      %dma_wait3A_299 = tpu.memref_slice %arg7[%dma_wait3A_297, %dma_wait3A_298] : memref<80x128xi32, #tpu.memory_space<vmem>> -> memref<1x128xi32, #tpu.memory_space<vmem>>
      %dma_wait3A_300 = tpu.memref_squeeze %dma_wait3A_299 : memref<1x128xi32, #tpu.memory_space<vmem>> -> memref<128xi32, #tpu.memory_space<vmem>>
      %dma_wait3A_301 = arith.constant 0 : i32
      %dma_wait3A_302 = tpu.memref_slice %arg3[%dma_wait3A_295, %dma_wait3A_296, %dma_wait3A_301] : memref<2x2500x128xi32, #tpu.memory_space<hbm>> -> memref<1x1x128xi32, #tpu.memory_space<hbm>>
      %dma_wait3A_303 = tpu.memref_squeeze %dma_wait3A_302 : memref<1x1x128xi32, #tpu.memory_space<hbm>> -> memref<128xi32, #tpu.memory_space<hbm>>
      %dma_wait3A_304 = arith.constant 0 : i32
      %dma_wait3A_305 = tpu.memref_slice %arg7[%dma_wait3A_297, %dma_wait3A_304] : memref<80x128xi32, #tpu.memory_space<vmem>> -> memref<1x128xi32, #tpu.memory_space<vmem>>
      %dma_wait3A_306 = tpu.memref_squeeze %dma_wait3A_305 : memref<1x128xi32, #tpu.memory_space<vmem>> -> memref<128xi32, #tpu.memory_space<vmem>>
      %dma_wait3A_307 = arith.constant 0 : i32
      %dma_wait3A_308 = tpu.memref_slice %arg3[%dma_wait3A_295, %dma_wait3A_296, %dma_wait3A_307] : memref<2x2500x128xi32, #tpu.memory_space<hbm>> -> memref<1x1x128xi32, #tpu.memory_space<hbm>>
      %dma_wait3A_309 = tpu.memref_squeeze %dma_wait3A_308 : memref<1x1x128xi32, #tpu.memory_space<hbm>> -> memref<128xi32, #tpu.memory_space<hbm>>
      tpu.wait_dma2 semaphore(%arg15 : memref<!tpu.dma_semaphore, #tpu.memory_space<semaphore_mem>>) src(%dma_wait3A_309 : memref<128xi32, #tpu.memory_space<hbm>>) dst(%dma_wait3A_306 : memref<128xi32, #tpu.memory_space<vmem>>)
      %dma_wait3A_310 = arith.constant 1 : i32
      %dma_wait3A_311 = arith.constant 2497 : i32
      %dma_wait3A_312 = arith.constant 17 : i32
      %dma_wait3A_313 = arith.constant 0 : i32
      %dma_wait3A_314 = tpu.memref_slice %arg7[%dma_wait3A_312, %dma_wait3A_313] : memref<80x128xi32, #tpu.memory_space<vmem>> -> memref<1x128xi32, #tpu.memory_space<vmem>>
      %dma_wait3A_315 = tpu.memref_squeeze %dma_wait3A_314 : memref<1x128xi32, #tpu.memory_space<vmem>> -> memref<128xi32, #tpu.memory_space<vmem>>
      %dma_wait3A_316 = arith.constant 0 : i32
      %dma_wait3A_317 = tpu.memref_slice %arg3[%dma_wait3A_310, %dma_wait3A_311, %dma_wait3A_316] : memref<2x2500x128xi32, #tpu.memory_space<hbm>> -> memref<1x1x128xi32, #tpu.memory_space<hbm>>
      %dma_wait3A_318 = tpu.memref_squeeze %dma_wait3A_317 : memref<1x1x128xi32, #tpu.memory_space<hbm>> -> memref<128xi32, #tpu.memory_space<hbm>>
      %dma_wait3A_319 = arith.constant 0 : i32
      %dma_wait3A_320 = tpu.memref_slice %arg7[%dma_wait3A_312, %dma_wait3A_319] : memref<80x128xi32, #tpu.memory_space<vmem>> -> memref<1x128xi32, #tpu.memory_space<vmem>>
      %dma_wait3A_321 = tpu.memref_squeeze %dma_wait3A_320 : memref<1x128xi32, #tpu.memory_space<vmem>> -> memref<128xi32, #tpu.memory_space<vmem>>
      %dma_wait3A_322 = arith.constant 0 : i32
      %dma_wait3A_323 = tpu.memref_slice %arg3[%dma_wait3A_310, %dma_wait3A_311, %dma_wait3A_322] : memref<2x2500x128xi32, #tpu.memory_space<hbm>> -> memref<1x1x128xi32, #tpu.memory_space<hbm>>
      %dma_wait3A_324 = tpu.memref_squeeze %dma_wait3A_323 : memref<1x1x128xi32, #tpu.memory_space<hbm>> -> memref<128xi32, #tpu.memory_space<hbm>>
      tpu.wait_dma2 semaphore(%arg15 : memref<!tpu.dma_semaphore, #tpu.memory_space<semaphore_mem>>) src(%dma_wait3A_324 : memref<128xi32, #tpu.memory_space<hbm>>) dst(%dma_wait3A_321 : memref<128xi32, #tpu.memory_space<vmem>>)
      %dma_wait3A_325 = arith.constant 1 : i32
      %dma_wait3A_326 = arith.constant 2498 : i32
      %dma_wait3A_327 = arith.constant 18 : i32
      %dma_wait3A_328 = arith.constant 0 : i32
      %dma_wait3A_329 = tpu.memref_slice %arg7[%dma_wait3A_327, %dma_wait3A_328] : memref<80x128xi32, #tpu.memory_space<vmem>> -> memref<1x128xi32, #tpu.memory_space<vmem>>
      %dma_wait3A_330 = tpu.memref_squeeze %dma_wait3A_329 : memref<1x128xi32, #tpu.memory_space<vmem>> -> memref<128xi32, #tpu.memory_space<vmem>>
      %dma_wait3A_331 = arith.constant 0 : i32
      %dma_wait3A_332 = tpu.memref_slice %arg3[%dma_wait3A_325, %dma_wait3A_326, %dma_wait3A_331] : memref<2x2500x128xi32, #tpu.memory_space<hbm>> -> memref<1x1x128xi32, #tpu.memory_space<hbm>>
      %dma_wait3A_333 = tpu.memref_squeeze %dma_wait3A_332 : memref<1x1x128xi32, #tpu.memory_space<hbm>> -> memref<128xi32, #tpu.memory_space<hbm>>
      %dma_wait3A_334 = arith.constant 0 : i32
      %dma_wait3A_335 = tpu.memref_slice %arg7[%dma_wait3A_327, %dma_wait3A_334] : memref<80x128xi32, #tpu.memory_space<vmem>> -> memref<1x128xi32, #tpu.memory_space<vmem>>
      %dma_wait3A_336 = tpu.memref_squeeze %dma_wait3A_335 : memref<1x128xi32, #tpu.memory_space<vmem>> -> memref<128xi32, #tpu.memory_space<vmem>>
      %dma_wait3A_337 = arith.constant 0 : i32
      %dma_wait3A_338 = tpu.memref_slice %arg3[%dma_wait3A_325, %dma_wait3A_326, %dma_wait3A_337] : memref<2x2500x128xi32, #tpu.memory_space<hbm>> -> memref<1x1x128xi32, #tpu.memory_space<hbm>>
      %dma_wait3A_339 = tpu.memref_squeeze %dma_wait3A_338 : memref<1x1x128xi32, #tpu.memory_space<hbm>> -> memref<128xi32, #tpu.memory_space<hbm>>
      tpu.wait_dma2 semaphore(%arg15 : memref<!tpu.dma_semaphore, #tpu.memory_space<semaphore_mem>>) src(%dma_wait3A_339 : memref<128xi32, #tpu.memory_space<hbm>>) dst(%dma_wait3A_336 : memref<128xi32, #tpu.memory_space<vmem>>)
      %dma_wait3A_340 = arith.constant 1 : i32
      %dma_wait3A_341 = arith.constant 2499 : i32
      %dma_wait3A_342 = arith.constant 19 : i32
      %dma_wait3A_343 = arith.constant 0 : i32
      %dma_wait3A_344 = tpu.memref_slice %arg7[%dma_wait3A_342, %dma_wait3A_343] : memref<80x128xi32, #tpu.memory_space<vmem>> -> memref<1x128xi32, #tpu.memory_space<vmem>>
      %dma_wait3A_345 = tpu.memref_squeeze %dma_wait3A_344 : memref<1x128xi32, #tpu.memory_space<vmem>> -> memref<128xi32, #tpu.memory_space<vmem>>
      %dma_wait3A_346 = arith.constant 0 : i32
      %dma_wait3A_347 = tpu.memref_slice %arg3[%dma_wait3A_340, %dma_wait3A_341, %dma_wait3A_346] : memref<2x2500x128xi32, #tpu.memory_space<hbm>> -> memref<1x1x128xi32, #tpu.memory_space<hbm>>
      %dma_wait3A_348 = tpu.memref_squeeze %dma_wait3A_347 : memref<1x1x128xi32, #tpu.memory_space<hbm>> -> memref<128xi32, #tpu.memory_space<hbm>>
      %dma_wait3A_349 = arith.constant 0 : i32
      %dma_wait3A_350 = tpu.memref_slice %arg7[%dma_wait3A_342, %dma_wait3A_349] : memref<80x128xi32, #tpu.memory_space<vmem>> -> memref<1x128xi32, #tpu.memory_space<vmem>>
      %dma_wait3A_351 = tpu.memref_squeeze %dma_wait3A_350 : memref<1x128xi32, #tpu.memory_space<vmem>> -> memref<128xi32, #tpu.memory_space<vmem>>
      %dma_wait3A_352 = arith.constant 0 : i32
      %dma_wait3A_353 = tpu.memref_slice %arg3[%dma_wait3A_340, %dma_wait3A_341, %dma_wait3A_352] : memref<2x2500x128xi32, #tpu.memory_space<hbm>> -> memref<1x1x128xi32, #tpu.memory_space<hbm>>
      %dma_wait3A_354 = tpu.memref_squeeze %dma_wait3A_353 : memref<1x1x128xi32, #tpu.memory_space<hbm>> -> memref<128xi32, #tpu.memory_space<hbm>>
      tpu.wait_dma2 semaphore(%arg15 : memref<!tpu.dma_semaphore, #tpu.memory_space<semaphore_mem>>) src(%dma_wait3A_354 : memref<128xi32, #tpu.memory_space<hbm>>) dst(%dma_wait3A_351 : memref<128xi32, #tpu.memory_space<vmem>>)
    } else {
    }
    %barrier3A = arith.constant 0 : index
    tpu.barrier barrier_id(%barrier3A)
    %sub3A = arith.constant 0 : i32
    %sub3A_118 = arith.subi %select_n3A, %sub3A : i32
    %sub3A_119 = arith.constant 1 : i32
    %sub3A_120 = arith.constant 1 : i32
    %sub3A_121 = arith.subi %sub3A_119, %sub3A_120 : i32
    %add3A_122 = arith.addi %sub3A_118, %sub3A_121 : i32
    %div3A = arith.constant 1 : i32
    %div3A_123 = arith.divsi %add3A_122, %div3A : i32
    %while3A = arith.constant 1 : i32
    %while3A_124 = arith.constant 0 : i32
    %while3A_125 = arith.constant 0 : i32
    %while3A_126 = arith.subi %div3A_123, %while3A_125 : i32
    %while3A_127 = arith.addi %while3A_125, %while3A_126 : i32
    %while3A_128 = arith.constant 1 : i32
    %while3A_129 = arith.divsi %while3A_126, %while3A_128 : i32
    %while3A_130 = arith.muli %while3A_129, %while3A_128 : i32
    %while3A_131 = arith.addi %while3A_125, %while3A_130 : i32
    %while3A_132 = arith.constant 1 : i32
    scf.for %while3A_280 = %while3A_125 to %while3A_131 step %while3A_132  : i32 {
      %mul3A_281 = arith.muli %while3A_280, %while3A : i32
      %add3A_282 = arith.addi %while3A_124, %mul3A_281 : i32
      %mul3A_283 = arith.constant 2 : i32
      %mul3A_284 = arith.muli %add3A_282, %mul3A_283 : i32
      %add3A_285 = arith.addi %min3A_3, %mul3A_284 : i32
      %add3A_286 = arith.constant 1 : i32
      %add3A_287 = arith.addi %add3A_285, %add3A_286 : i32
      %run_scoped3A_288 = arith.constant 0 : i32
      "tpu.region"() ({
        %run_scoped3A_328 = tpu.sem_alloc : memref<!tpu.dma_semaphore, #tpu.memory_space<semaphore_mem>>
        %dma_start3A_329 = arith.constant 0 : i32
        %dma_start3A_330 = tpu.memref_slice %arg3[%run_scoped3A_288, %add3A_287, %dma_start3A_329] : memref<2x2500x128xi32, #tpu.memory_space<hbm>> -> memref<1x1x128xi32, #tpu.memory_space<hbm>>
        %dma_start3A_331 = tpu.memref_squeeze %dma_start3A_330 : memref<1x1x128xi32, #tpu.memory_space<hbm>> -> memref<128xi32, #tpu.memory_space<hbm>>
        %dma_start3A_332 = arith.constant 0 : i32
        %dma_start3A_333 = tpu.memref_slice %arg3[%run_scoped3A_288, %add3A_287, %dma_start3A_332] : memref<2x2500x128xi32, #tpu.memory_space<hbm>> -> memref<1x1x128xi32, #tpu.memory_space<hbm>>
        %dma_start3A_334 = tpu.memref_squeeze %dma_start3A_333 : memref<1x1x128xi32, #tpu.memory_space<hbm>> -> memref<128xi32, #tpu.memory_space<hbm>>
        tpu.enqueue_dma source(%dma_start3A_334 : memref<128xi32, #tpu.memory_space<hbm>>) target(%arg6 : memref<128xi32, #tpu.memory_space<vmem>>) target_semaphore(%run_scoped3A_328 : memref<!tpu.dma_semaphore, #tpu.memory_space<semaphore_mem>>)
        %dma_wait3A_335 = arith.constant 0 : i32
        %dma_wait3A_336 = tpu.memref_slice %arg3[%run_scoped3A_288, %add3A_287, %dma_wait3A_335] : memref<2x2500x128xi32, #tpu.memory_space<hbm>> -> memref<1x1x128xi32, #tpu.memory_space<hbm>>
        %dma_wait3A_337 = tpu.memref_squeeze %dma_wait3A_336 : memref<1x1x128xi32, #tpu.memory_space<hbm>> -> memref<128xi32, #tpu.memory_space<hbm>>
        %dma_wait3A_338 = arith.constant 0 : i32
        %dma_wait3A_339 = tpu.memref_slice %arg3[%run_scoped3A_288, %add3A_287, %dma_wait3A_338] : memref<2x2500x128xi32, #tpu.memory_space<hbm>> -> memref<1x1x128xi32, #tpu.memory_space<hbm>>
        %dma_wait3A_340 = tpu.memref_squeeze %dma_wait3A_339 : memref<1x1x128xi32, #tpu.memory_space<hbm>> -> memref<128xi32, #tpu.memory_space<hbm>>
        tpu.wait_dma2 semaphore(%run_scoped3A_328 : memref<!tpu.dma_semaphore, #tpu.memory_space<semaphore_mem>>) src(%dma_wait3A_340 : memref<128xi32, #tpu.memory_space<hbm>>) dst(%arg6 : memref<128xi32, #tpu.memory_space<vmem>>)
        tpu.yield
      }) : () -> ()
      %gt3A = arith.constant 0 : i32
      %gt3A_289 = arith.cmpi sgt, %add3A_282, %gt3A : i32
      %convert_element_type3A_290 = arith.extui %gt3A_289 : i1 to i32
      %cond3A_291 = arith.constant 0 : i32
      %cond3A_292 = arith.cmpi ne, %convert_element_type3A_290, %cond3A_291 : i32
      scf.if %cond3A_292 {
        %sub3A_328 = arith.constant 1 : i32
        %sub3A_329 = arith.subi %mul3A_284, %sub3A_328 : i32
        %dma_wait3A_330 = arith.constant 0 : i32
        %dma_wait3A_331 = tpu.memref_slice %arg7[%sub3A_329, %dma_wait3A_330] : memref<80x128xi32, #tpu.memory_space<vmem>> -> memref<1x128xi32, #tpu.memory_space<vmem>>
        %dma_wait3A_332 = tpu.memref_squeeze %dma_wait3A_331 : memref<1x128xi32, #tpu.memory_space<vmem>> -> memref<128xi32, #tpu.memory_space<vmem>>
        %dma_wait3A_333 = arith.constant 0 : i32
        %dma_wait3A_334 = arith.constant 0 : i32
        %dma_wait3A_335 = tpu.memref_slice %arg10[%dma_wait3A_333, %dma_wait3A_334] : memref<10240x128xf32, #tpu.memory_space<vmem_shared>> -> memref<10240x128xf32, #tpu.memory_space<vmem_shared>>
        tpu.wait_indirect_dma semaphore(%arg14 : memref<!tpu.dma_semaphore, #tpu.memory_space<semaphore_mem>>) src(%arg9 : memref<128x128xf32, #tpu.memory_space<vmem>>) dst(%dma_wait3A_335 : memref<10240x128xf32, #tpu.memory_space<vmem_shared>>)
      } else {
      }
      %dma_start3A_293 = arith.constant 0 : i32
      %dma_start3A_294 = arith.constant 0 : i32
      %dma_start3A_295 = tpu.memref_slice %arg2[%dma_start3A_293, %dma_start3A_294] : memref<10240x128xf32, #tpu.memory_space<hbm>> -> memref<10240x128xf32, #tpu.memory_space<hbm>>
      tpu.enqueue_indirect_dma source(%dma_start3A_295 : memref<10240x128xf32, #tpu.memory_space<hbm>>) target(%arg9 : memref<128x128xf32, #tpu.memory_space<vmem>>) offsets(%arg6 : memref<128xi32, #tpu.memory_space<vmem>>) semaphore(%arg12 : memref<!tpu.dma_semaphore, #tpu.memory_space<semaphore_mem>>)
      %dma_wait3A_296 = arith.constant 0 : i32
      %dma_wait3A_297 = arith.constant 0 : i32
      %dma_wait3A_298 = tpu.memref_slice %arg2[%dma_wait3A_296, %dma_wait3A_297] : memref<10240x128xf32, #tpu.memory_space<hbm>> -> memref<10240x128xf32, #tpu.memory_space<hbm>>
      tpu.wait_indirect_dma semaphore(%arg11 : memref<!tpu.dma_semaphore, #tpu.memory_space<semaphore_mem>>) src(%dma_wait3A_298 : memref<10240x128xf32, #tpu.memory_space<hbm>>) dst(%arg8 : memref<128x128xf32, #tpu.memory_space<vmem>>)
      %dma_start3A_299 = arith.constant 0 : i32
      %dma_start3A_300 = tpu.memref_slice %arg7[%mul3A_284, %dma_start3A_299] : memref<80x128xi32, #tpu.memory_space<vmem>> -> memref<1x128xi32, #tpu.memory_space<vmem>>
      %dma_start3A_301 = tpu.memref_squeeze %dma_start3A_300 : memref<1x128xi32, #tpu.memory_space<vmem>> -> memref<128xi32, #tpu.memory_space<vmem>>
      %dma_start3A_302 = arith.constant 0 : i32
      %dma_start3A_303 = arith.constant 0 : i32
      %dma_start3A_304 = tpu.memref_slice %arg10[%dma_start3A_302, %dma_start3A_303] : memref<10240x128xf32, #tpu.memory_space<vmem_shared>> -> memref<10240x128xf32, #tpu.memory_space<vmem_shared>>
      tpu.enqueue_indirect_dma source(%arg8 : memref<128x128xf32, #tpu.memory_space<vmem>>) target(%dma_start3A_304 : memref<10240x128xf32, #tpu.memory_space<vmem_shared>>) offsets(%dma_start3A_301 : memref<128xi32, #tpu.memory_space<vmem>>) semaphore(%arg13 : memref<!tpu.dma_semaphore, #tpu.memory_space<semaphore_mem>>) {add = true}
      %sub3A_305 = arith.constant 1 : i32
      %sub3A_306 = arith.subi %select_n3A, %sub3A_305 : i32
      %lt3A_307 = arith.cmpi slt, %add3A_282, %sub3A_306 : i32
      %convert_element_type3A_308 = arith.extui %lt3A_307 : i1 to i32
      %cond3A_309 = arith.constant 0 : i32
      %cond3A_310 = arith.cmpi ne, %convert_element_type3A_308, %cond3A_309 : i32
      scf.if %cond3A_310 {
        %add3A_328 = arith.addi %min3A_3, %mul3A_284 : i32
        %add3A_329 = arith.constant 2 : i32
        %add3A_330 = arith.addi %add3A_328, %add3A_329 : i32
        %run_scoped3A_331 = arith.constant 0 : i32
        "tpu.region"() ({
          %run_scoped3A_341 = tpu.sem_alloc : memref<!tpu.dma_semaphore, #tpu.memory_space<semaphore_mem>>
          %dma_start3A_342 = arith.constant 0 : i32
          %dma_start3A_343 = tpu.memref_slice %arg3[%run_scoped3A_331, %add3A_330, %dma_start3A_342] : memref<2x2500x128xi32, #tpu.memory_space<hbm>> -> memref<1x1x128xi32, #tpu.memory_space<hbm>>
          %dma_start3A_344 = tpu.memref_squeeze %dma_start3A_343 : memref<1x1x128xi32, #tpu.memory_space<hbm>> -> memref<128xi32, #tpu.memory_space<hbm>>
          %dma_start3A_345 = arith.constant 0 : i32
          %dma_start3A_346 = tpu.memref_slice %arg3[%run_scoped3A_331, %add3A_330, %dma_start3A_345] : memref<2x2500x128xi32, #tpu.memory_space<hbm>> -> memref<1x1x128xi32, #tpu.memory_space<hbm>>
          %dma_start3A_347 = tpu.memref_squeeze %dma_start3A_346 : memref<1x1x128xi32, #tpu.memory_space<hbm>> -> memref<128xi32, #tpu.memory_space<hbm>>
          tpu.enqueue_dma source(%dma_start3A_347 : memref<128xi32, #tpu.memory_space<hbm>>) target(%arg5 : memref<128xi32, #tpu.memory_space<vmem>>) target_semaphore(%run_scoped3A_341 : memref<!tpu.dma_semaphore, #tpu.memory_space<semaphore_mem>>)
          %dma_wait3A_348 = arith.constant 0 : i32
          %dma_wait3A_349 = tpu.memref_slice %arg3[%run_scoped3A_331, %add3A_330, %dma_wait3A_348] : memref<2x2500x128xi32, #tpu.memory_space<hbm>> -> memref<1x1x128xi32, #tpu.memory_space<hbm>>
          %dma_wait3A_350 = tpu.memref_squeeze %dma_wait3A_349 : memref<1x1x128xi32, #tpu.memory_space<hbm>> -> memref<128xi32, #tpu.memory_space<hbm>>
          %dma_wait3A_351 = arith.constant 0 : i32
          %dma_wait3A_352 = tpu.memref_slice %arg3[%run_scoped3A_331, %add3A_330, %dma_wait3A_351] : memref<2x2500x128xi32, #tpu.memory_space<hbm>> -> memref<1x1x128xi32, #tpu.memory_space<hbm>>
          %dma_wait3A_353 = tpu.memref_squeeze %dma_wait3A_352 : memref<1x1x128xi32, #tpu.memory_space<hbm>> -> memref<128xi32, #tpu.memory_space<hbm>>
          tpu.wait_dma2 semaphore(%run_scoped3A_341 : memref<!tpu.dma_semaphore, #tpu.memory_space<semaphore_mem>>) src(%dma_wait3A_353 : memref<128xi32, #tpu.memory_space<hbm>>) dst(%arg5 : memref<128xi32, #tpu.memory_space<vmem>>)
          tpu.yield
        }) : () -> ()
        %dma_wait3A_332 = arith.constant 0 : i32
        %dma_wait3A_333 = tpu.memref_slice %arg7[%mul3A_284, %dma_wait3A_332] : memref<80x128xi32, #tpu.memory_space<vmem>> -> memref<1x128xi32, #tpu.memory_space<vmem>>
        %dma_wait3A_334 = tpu.memref_squeeze %dma_wait3A_333 : memref<1x128xi32, #tpu.memory_space<vmem>> -> memref<128xi32, #tpu.memory_space<vmem>>
        %dma_wait3A_335 = arith.constant 0 : i32
        %dma_wait3A_336 = arith.constant 0 : i32
        %dma_wait3A_337 = tpu.memref_slice %arg10[%dma_wait3A_335, %dma_wait3A_336] : memref<10240x128xf32, #tpu.memory_space<vmem_shared>> -> memref<10240x128xf32, #tpu.memory_space<vmem_shared>>
        tpu.wait_indirect_dma semaphore(%arg13 : memref<!tpu.dma_semaphore, #tpu.memory_space<semaphore_mem>>) src(%arg8 : memref<128x128xf32, #tpu.memory_space<vmem>>) dst(%dma_wait3A_337 : memref<10240x128xf32, #tpu.memory_space<vmem_shared>>)
        %dma_start3A_338 = arith.constant 0 : i32
        %dma_start3A_339 = arith.constant 0 : i32
        %dma_start3A_340 = tpu.memref_slice %arg2[%dma_start3A_338, %dma_start3A_339] : memref<10240x128xf32, #tpu.memory_space<hbm>> -> memref<10240x128xf32, #tpu.memory_space<hbm>>
        tpu.enqueue_indirect_dma source(%dma_start3A_340 : memref<10240x128xf32, #tpu.memory_space<hbm>>) target(%arg8 : memref<128x128xf32, #tpu.memory_space<vmem>>) offsets(%arg5 : memref<128xi32, #tpu.memory_space<vmem>>) semaphore(%arg11 : memref<!tpu.dma_semaphore, #tpu.memory_space<semaphore_mem>>)
      } else {
      }
      %sub3A_311 = arith.constant 1 : i32
      %sub3A_312 = arith.subi %select_n3A, %sub3A_311 : i32
      %eq3A_313 = arith.cmpi eq, %add3A_282, %sub3A_312 : i32
      %convert_element_type3A_314 = arith.extui %eq3A_313 : i1 to i32
      %cond3A_315 = arith.constant 0 : i32
      %cond3A_316 = arith.cmpi ne, %convert_element_type3A_314, %cond3A_315 : i32
      scf.if %cond3A_316 {
        %dma_wait3A_328 = arith.constant 0 : i32
        %dma_wait3A_329 = tpu.memref_slice %arg7[%mul3A_284, %dma_wait3A_328] : memref<80x128xi32, #tpu.memory_space<vmem>> -> memref<1x128xi32, #tpu.memory_space<vmem>>
        %dma_wait3A_330 = tpu.memref_squeeze %dma_wait3A_329 : memref<1x128xi32, #tpu.memory_space<vmem>> -> memref<128xi32, #tpu.memory_space<vmem>>
        %dma_wait3A_331 = arith.constant 0 : i32
        %dma_wait3A_332 = arith.constant 0 : i32
        %dma_wait3A_333 = tpu.memref_slice %arg10[%dma_wait3A_331, %dma_wait3A_332] : memref<10240x128xf32, #tpu.memory_space<vmem_shared>> -> memref<10240x128xf32, #tpu.memory_space<vmem_shared>>
        tpu.wait_indirect_dma semaphore(%arg13 : memref<!tpu.dma_semaphore, #tpu.memory_space<semaphore_mem>>) src(%arg8 : memref<128x128xf32, #tpu.memory_space<vmem>>) dst(%dma_wait3A_333 : memref<10240x128xf32, #tpu.memory_space<vmem_shared>>)
      } else {
      }
      %dma_wait3A_317 = arith.constant 0 : i32
      %dma_wait3A_318 = arith.constant 0 : i32
      %dma_wait3A_319 = tpu.memref_slice %arg2[%dma_wait3A_317, %dma_wait3A_318] : memref<10240x128xf32, #tpu.memory_space<hbm>> -> memref<10240x128xf32, #tpu.memory_space<hbm>>
      tpu.wait_indirect_dma semaphore(%arg12 : memref<!tpu.dma_semaphore, #tpu.memory_space<semaphore_mem>>) src(%dma_wait3A_319 : memref<10240x128xf32, #tpu.memory_space<hbm>>) dst(%arg9 : memref<128x128xf32, #tpu.memory_space<vmem>>)
      %add3A_320 = arith.constant 1 : i32
      %add3A_321 = arith.addi %mul3A_284, %add3A_320 : i32
      %dma_start3A_322 = arith.constant 0 : i32
      %dma_start3A_323 = tpu.memref_slice %arg7[%add3A_321, %dma_start3A_322] : memref<80x128xi32, #tpu.memory_space<vmem>> -> memref<1x128xi32, #tpu.memory_space<vmem>>
      %dma_start3A_324 = tpu.memref_squeeze %dma_start3A_323 : memref<1x128xi32, #tpu.memory_space<vmem>> -> memref<128xi32, #tpu.memory_space<vmem>>
      %dma_start3A_325 = arith.constant 0 : i32
      %dma_start3A_326 = arith.constant 0 : i32
      %dma_start3A_327 = tpu.memref_slice %arg10[%dma_start3A_325, %dma_start3A_326] : memref<10240x128xf32, #tpu.memory_space<vmem_shared>> -> memref<10240x128xf32, #tpu.memory_space<vmem_shared>>
      tpu.enqueue_indirect_dma source(%arg9 : memref<128x128xf32, #tpu.memory_space<vmem>>) target(%dma_start3A_327 : memref<10240x128xf32, #tpu.memory_space<vmem_shared>>) offsets(%dma_start3A_324 : memref<128xi32, #tpu.memory_space<vmem>>) semaphore(%arg14 : memref<!tpu.dma_semaphore, #tpu.memory_space<semaphore_mem>>) {add = true}
    }
    %while3A_133 = arith.constant 1 : i32
    scf.for %while3A_280 = %while3A_131 to %while3A_127 step %while3A_133  : i32 {
      %mul3A_281 = arith.muli %while3A_280, %while3A : i32
      %add3A_282 = arith.addi %while3A_124, %mul3A_281 : i32
      %mul3A_283 = arith.constant 2 : i32
      %mul3A_284 = arith.muli %add3A_282, %mul3A_283 : i32
      %add3A_285 = arith.addi %min3A_3, %mul3A_284 : i32
      %add3A_286 = arith.constant 1 : i32
      %add3A_287 = arith.addi %add3A_285, %add3A_286 : i32
      %run_scoped3A_288 = arith.constant 0 : i32
      "tpu.region"() ({
        %run_scoped3A_328 = tpu.sem_alloc : memref<!tpu.dma_semaphore, #tpu.memory_space<semaphore_mem>>
        %dma_start3A_329 = arith.constant 0 : i32
        %dma_start3A_330 = tpu.memref_slice %arg3[%run_scoped3A_288, %add3A_287, %dma_start3A_329] : memref<2x2500x128xi32, #tpu.memory_space<hbm>> -> memref<1x1x128xi32, #tpu.memory_space<hbm>>
        %dma_start3A_331 = tpu.memref_squeeze %dma_start3A_330 : memref<1x1x128xi32, #tpu.memory_space<hbm>> -> memref<128xi32, #tpu.memory_space<hbm>>
        %dma_start3A_332 = arith.constant 0 : i32
        %dma_start3A_333 = tpu.memref_slice %arg3[%run_scoped3A_288, %add3A_287, %dma_start3A_332] : memref<2x2500x128xi32, #tpu.memory_space<hbm>> -> memref<1x1x128xi32, #tpu.memory_space<hbm>>
        %dma_start3A_334 = tpu.memref_squeeze %dma_start3A_333 : memref<1x1x128xi32, #tpu.memory_space<hbm>> -> memref<128xi32, #tpu.memory_space<hbm>>
        tpu.enqueue_dma source(%dma_start3A_334 : memref<128xi32, #tpu.memory_space<hbm>>) target(%arg6 : memref<128xi32, #tpu.memory_space<vmem>>) target_semaphore(%run_scoped3A_328 : memref<!tpu.dma_semaphore, #tpu.memory_space<semaphore_mem>>)
        %dma_wait3A_335 = arith.constant 0 : i32
        %dma_wait3A_336 = tpu.memref_slice %arg3[%run_scoped3A_288, %add3A_287, %dma_wait3A_335] : memref<2x2500x128xi32, #tpu.memory_space<hbm>> -> memref<1x1x128xi32, #tpu.memory_space<hbm>>
        %dma_wait3A_337 = tpu.memref_squeeze %dma_wait3A_336 : memref<1x1x128xi32, #tpu.memory_space<hbm>> -> memref<128xi32, #tpu.memory_space<hbm>>
        %dma_wait3A_338 = arith.constant 0 : i32
        %dma_wait3A_339 = tpu.memref_slice %arg3[%run_scoped3A_288, %add3A_287, %dma_wait3A_338] : memref<2x2500x128xi32, #tpu.memory_space<hbm>> -> memref<1x1x128xi32, #tpu.memory_space<hbm>>
        %dma_wait3A_340 = tpu.memref_squeeze %dma_wait3A_339 : memref<1x1x128xi32, #tpu.memory_space<hbm>> -> memref<128xi32, #tpu.memory_space<hbm>>
        tpu.wait_dma2 semaphore(%run_scoped3A_328 : memref<!tpu.dma_semaphore, #tpu.memory_space<semaphore_mem>>) src(%dma_wait3A_340 : memref<128xi32, #tpu.memory_space<hbm>>) dst(%arg6 : memref<128xi32, #tpu.memory_space<vmem>>)
        tpu.yield
      }) : () -> ()
      %gt3A = arith.constant 0 : i32
      %gt3A_289 = arith.cmpi sgt, %add3A_282, %gt3A : i32
      %convert_element_type3A_290 = arith.extui %gt3A_289 : i1 to i32
      %cond3A_291 = arith.constant 0 : i32
      %cond3A_292 = arith.cmpi ne, %convert_element_type3A_290, %cond3A_291 : i32
      scf.if %cond3A_292 {
        %sub3A_328 = arith.constant 1 : i32
        %sub3A_329 = arith.subi %mul3A_284, %sub3A_328 : i32
        %dma_wait3A_330 = arith.constant 0 : i32
        %dma_wait3A_331 = tpu.memref_slice %arg7[%sub3A_329, %dma_wait3A_330] : memref<80x128xi32, #tpu.memory_space<vmem>> -> memref<1x128xi32, #tpu.memory_space<vmem>>
        %dma_wait3A_332 = tpu.memref_squeeze %dma_wait3A_331 : memref<1x128xi32, #tpu.memory_space<vmem>> -> memref<128xi32, #tpu.memory_space<vmem>>
        %dma_wait3A_333 = arith.constant 0 : i32
        %dma_wait3A_334 = arith.constant 0 : i32
        %dma_wait3A_335 = tpu.memref_slice %arg10[%dma_wait3A_333, %dma_wait3A_334] : memref<10240x128xf32, #tpu.memory_space<vmem_shared>> -> memref<10240x128xf32, #tpu.memory_space<vmem_shared>>
        tpu.wait_indirect_dma semaphore(%arg14 : memref<!tpu.dma_semaphore, #tpu.memory_space<semaphore_mem>>) src(%arg9 : memref<128x128xf32, #tpu.memory_space<vmem>>) dst(%dma_wait3A_335 : memref<10240x128xf32, #tpu.memory_space<vmem_shared>>)
      } else {
      }
      %dma_start3A_293 = arith.constant 0 : i32
      %dma_start3A_294 = arith.constant 0 : i32
      %dma_start3A_295 = tpu.memref_slice %arg2[%dma_start3A_293, %dma_start3A_294] : memref<10240x128xf32, #tpu.memory_space<hbm>> -> memref<10240x128xf32, #tpu.memory_space<hbm>>
      tpu.enqueue_indirect_dma source(%dma_start3A_295 : memref<10240x128xf32, #tpu.memory_space<hbm>>) target(%arg9 : memref<128x128xf32, #tpu.memory_space<vmem>>) offsets(%arg6 : memref<128xi32, #tpu.memory_space<vmem>>) semaphore(%arg12 : memref<!tpu.dma_semaphore, #tpu.memory_space<semaphore_mem>>)
      %dma_wait3A_296 = arith.constant 0 : i32
      %dma_wait3A_297 = arith.constant 0 : i32
      %dma_wait3A_298 = tpu.memref_slice %arg2[%dma_wait3A_296, %dma_wait3A_297] : memref<10240x128xf32, #tpu.memory_space<hbm>> -> memref<10240x128xf32, #tpu.memory_space<hbm>>
      tpu.wait_indirect_dma semaphore(%arg11 : memref<!tpu.dma_semaphore, #tpu.memory_space<semaphore_mem>>) src(%dma_wait3A_298 : memref<10240x128xf32, #tpu.memory_space<hbm>>) dst(%arg8 : memref<128x128xf32, #tpu.memory_space<vmem>>)
      %dma_start3A_299 = arith.constant 0 : i32
      %dma_start3A_300 = tpu.memref_slice %arg7[%mul3A_284, %dma_start3A_299] : memref<80x128xi32, #tpu.memory_space<vmem>> -> memref<1x128xi32, #tpu.memory_space<vmem>>
      %dma_start3A_301 = tpu.memref_squeeze %dma_start3A_300 : memref<1x128xi32, #tpu.memory_space<vmem>> -> memref<128xi32, #tpu.memory_space<vmem>>
      %dma_start3A_302 = arith.constant 0 : i32
      %dma_start3A_303 = arith.constant 0 : i32
      %dma_start3A_304 = tpu.memref_slice %arg10[%dma_start3A_302, %dma_start3A_303] : memref<10240x128xf32, #tpu.memory_space<vmem_shared>> -> memref<10240x128xf32, #tpu.memory_space<vmem_shared>>
      tpu.enqueue_indirect_dma source(%arg8 : memref<128x128xf32, #tpu.memory_space<vmem>>) target(%dma_start3A_304 : memref<10240x128xf32, #tpu.memory_space<vmem_shared>>) offsets(%dma_start3A_301 : memref<128xi32, #tpu.memory_space<vmem>>) semaphore(%arg13 : memref<!tpu.dma_semaphore, #tpu.memory_space<semaphore_mem>>) {add = true}
      %sub3A_305 = arith.constant 1 : i32
      %sub3A_306 = arith.subi %select_n3A, %sub3A_305 : i32
      %lt3A_307 = arith.cmpi slt, %add3A_282, %sub3A_306 : i32
      %convert_element_type3A_308 = arith.extui %lt3A_307 : i1 to i32
      %cond3A_309 = arith.constant 0 : i32
      %cond3A_310 = arith.cmpi ne, %convert_element_type3A_308, %cond3A_309 : i32
      scf.if %cond3A_310 {
        %add3A_328 = arith.addi %min3A_3, %mul3A_284 : i32
        %add3A_329 = arith.constant 2 : i32
        %add3A_330 = arith.addi %add3A_328, %add3A_329 : i32
        %run_scoped3A_331 = arith.constant 0 : i32
        "tpu.region"() ({
          %run_scoped3A_341 = tpu.sem_alloc : memref<!tpu.dma_semaphore, #tpu.memory_space<semaphore_mem>>
          %dma_start3A_342 = arith.constant 0 : i32
          %dma_start3A_343 = tpu.memref_slice %arg3[%run_scoped3A_331, %add3A_330, %dma_start3A_342] : memref<2x2500x128xi32, #tpu.memory_space<hbm>> -> memref<1x1x128xi32, #tpu.memory_space<hbm>>
          %dma_start3A_344 = tpu.memref_squeeze %dma_start3A_343 : memref<1x1x128xi32, #tpu.memory_space<hbm>> -> memref<128xi32, #tpu.memory_space<hbm>>
          %dma_start3A_345 = arith.constant 0 : i32
          %dma_start3A_346 = tpu.memref_slice %arg3[%run_scoped3A_331, %add3A_330, %dma_start3A_345] : memref<2x2500x128xi32, #tpu.memory_space<hbm>> -> memref<1x1x128xi32, #tpu.memory_space<hbm>>
          %dma_start3A_347 = tpu.memref_squeeze %dma_start3A_346 : memref<1x1x128xi32, #tpu.memory_space<hbm>> -> memref<128xi32, #tpu.memory_space<hbm>>
          tpu.enqueue_dma source(%dma_start3A_347 : memref<128xi32, #tpu.memory_space<hbm>>) target(%arg5 : memref<128xi32, #tpu.memory_space<vmem>>) target_semaphore(%run_scoped3A_341 : memref<!tpu.dma_semaphore, #tpu.memory_space<semaphore_mem>>)
          %dma_wait3A_348 = arith.constant 0 : i32
          %dma_wait3A_349 = tpu.memref_slice %arg3[%run_scoped3A_331, %add3A_330, %dma_wait3A_348] : memref<2x2500x128xi32, #tpu.memory_space<hbm>> -> memref<1x1x128xi32, #tpu.memory_space<hbm>>
          %dma_wait3A_350 = tpu.memref_squeeze %dma_wait3A_349 : memref<1x1x128xi32, #tpu.memory_space<hbm>> -> memref<128xi32, #tpu.memory_space<hbm>>
          %dma_wait3A_351 = arith.constant 0 : i32
          %dma_wait3A_352 = tpu.memref_slice %arg3[%run_scoped3A_331, %add3A_330, %dma_wait3A_351] : memref<2x2500x128xi32, #tpu.memory_space<hbm>> -> memref<1x1x128xi32, #tpu.memory_space<hbm>>
          %dma_wait3A_353 = tpu.memref_squeeze %dma_wait3A_352 : memref<1x1x128xi32, #tpu.memory_space<hbm>> -> memref<128xi32, #tpu.memory_space<hbm>>
          tpu.wait_dma2 semaphore(%run_scoped3A_341 : memref<!tpu.dma_semaphore, #tpu.memory_space<semaphore_mem>>) src(%dma_wait3A_353 : memref<128xi32, #tpu.memory_space<hbm>>) dst(%arg5 : memref<128xi32, #tpu.memory_space<vmem>>)
          tpu.yield
        }) : () -> ()
        %dma_wait3A_332 = arith.constant 0 : i32
        %dma_wait3A_333 = tpu.memref_slice %arg7[%mul3A_284, %dma_wait3A_332] : memref<80x128xi32, #tpu.memory_space<vmem>> -> memref<1x128xi32, #tpu.memory_space<vmem>>
        %dma_wait3A_334 = tpu.memref_squeeze %dma_wait3A_333 : memref<1x128xi32, #tpu.memory_space<vmem>> -> memref<128xi32, #tpu.memory_space<vmem>>
        %dma_wait3A_335 = arith.constant 0 : i32
        %dma_wait3A_336 = arith.constant 0 : i32
        %dma_wait3A_337 = tpu.memref_slice %arg10[%dma_wait3A_335, %dma_wait3A_336] : memref<10240x128xf32, #tpu.memory_space<vmem_shared>> -> memref<10240x128xf32, #tpu.memory_space<vmem_shared>>
        tpu.wait_indirect_dma semaphore(%arg13 : memref<!tpu.dma_semaphore, #tpu.memory_space<semaphore_mem>>) src(%arg8 : memref<128x128xf32, #tpu.memory_space<vmem>>) dst(%dma_wait3A_337 : memref<10240x128xf32, #tpu.memory_space<vmem_shared>>)
        %dma_start3A_338 = arith.constant 0 : i32
        %dma_start3A_339 = arith.constant 0 : i32
        %dma_start3A_340 = tpu.memref_slice %arg2[%dma_start3A_338, %dma_start3A_339] : memref<10240x128xf32, #tpu.memory_space<hbm>> -> memref<10240x128xf32, #tpu.memory_space<hbm>>
        tpu.enqueue_indirect_dma source(%dma_start3A_340 : memref<10240x128xf32, #tpu.memory_space<hbm>>) target(%arg8 : memref<128x128xf32, #tpu.memory_space<vmem>>) offsets(%arg5 : memref<128xi32, #tpu.memory_space<vmem>>) semaphore(%arg11 : memref<!tpu.dma_semaphore, #tpu.memory_space<semaphore_mem>>)
      } else {
      }
      %sub3A_311 = arith.constant 1 : i32
      %sub3A_312 = arith.subi %select_n3A, %sub3A_311 : i32
      %eq3A_313 = arith.cmpi eq, %add3A_282, %sub3A_312 : i32
      %convert_element_type3A_314 = arith.extui %eq3A_313 : i1 to i32
      %cond3A_315 = arith.constant 0 : i32
      %cond3A_316 = arith.cmpi ne, %convert_element_type3A_314, %cond3A_315 : i32
      scf.if %cond3A_316 {
        %dma_wait3A_328 = arith.constant 0 : i32
        %dma_wait3A_329 = tpu.memref_slice %arg7[%mul3A_284, %dma_wait3A_328] : memref<80x128xi32, #tpu.memory_space<vmem>> -> memref<1x128xi32, #tpu.memory_space<vmem>>
        %dma_wait3A_330 = tpu.memref_squeeze %dma_wait3A_329 : memref<1x128xi32, #tpu.memory_space<vmem>> -> memref<128xi32, #tpu.memory_space<vmem>>
        %dma_wait3A_331 = arith.constant 0 : i32
        %dma_wait3A_332 = arith.constant 0 : i32
        %dma_wait3A_333 = tpu.memref_slice %arg10[%dma_wait3A_331, %dma_wait3A_332] : memref<10240x128xf32, #tpu.memory_space<vmem_shared>> -> memref<10240x128xf32, #tpu.memory_space<vmem_shared>>
        tpu.wait_indirect_dma semaphore(%arg13 : memref<!tpu.dma_semaphore, #tpu.memory_space<semaphore_mem>>) src(%arg8 : memref<128x128xf32, #tpu.memory_space<vmem>>) dst(%dma_wait3A_333 : memref<10240x128xf32, #tpu.memory_space<vmem_shared>>)
      } else {
      }
      %dma_wait3A_317 = arith.constant 0 : i32
      %dma_wait3A_318 = arith.constant 0 : i32
      %dma_wait3A_319 = tpu.memref_slice %arg2[%dma_wait3A_317, %dma_wait3A_318] : memref<10240x128xf32, #tpu.memory_space<hbm>> -> memref<10240x128xf32, #tpu.memory_space<hbm>>
      tpu.wait_indirect_dma semaphore(%arg12 : memref<!tpu.dma_semaphore, #tpu.memory_space<semaphore_mem>>) src(%dma_wait3A_319 : memref<10240x128xf32, #tpu.memory_space<hbm>>) dst(%arg9 : memref<128x128xf32, #tpu.memory_space<vmem>>)
      %add3A_320 = arith.constant 1 : i32
      %add3A_321 = arith.addi %mul3A_284, %add3A_320 : i32
      %dma_start3A_322 = arith.constant 0 : i32
      %dma_start3A_323 = tpu.memref_slice %arg7[%add3A_321, %dma_start3A_322] : memref<80x128xi32, #tpu.memory_space<vmem>> -> memref<1x128xi32, #tpu.memory_space<vmem>>
      %dma_start3A_324 = tpu.memref_squeeze %dma_start3A_323 : memref<1x128xi32, #tpu.memory_space<vmem>> -> memref<128xi32, #tpu.memory_space<vmem>>
      %dma_start3A_325 = arith.constant 0 : i32
      %dma_start3A_326 = arith.constant 0 : i32
      %dma_start3A_327 = tpu.memref_slice %arg10[%dma_start3A_325, %dma_start3A_326] : memref<10240x128xf32, #tpu.memory_space<vmem_shared>> -> memref<10240x128xf32, #tpu.memory_space<vmem_shared>>
      tpu.enqueue_indirect_dma source(%arg9 : memref<128x128xf32, #tpu.memory_space<vmem>>) target(%dma_start3A_327 : memref<10240x128xf32, #tpu.memory_space<vmem_shared>>) offsets(%dma_start3A_324 : memref<128xi32, #tpu.memory_space<vmem>>) semaphore(%arg14 : memref<!tpu.dma_semaphore, #tpu.memory_space<semaphore_mem>>) {add = true}
    }
    %mul3A_134 = arith.constant 2 : i32
    %mul3A_135 = arith.muli %mul3A_134, %select_n3A : i32
    %sub3A_136 = arith.constant 1 : i32
    %sub3A_137 = arith.subi %mul3A_135, %sub3A_136 : i32
    %dma_wait3A_138 = arith.constant 0 : i32
    %dma_wait3A_139 = tpu.memref_slice %arg7[%sub3A_137, %dma_wait3A_138] : memref<80x128xi32, #tpu.memory_space<vmem>> -> memref<1x128xi32, #tpu.memory_space<vmem>>
    %dma_wait3A_140 = tpu.memref_squeeze %dma_wait3A_139 : memref<1x128xi32, #tpu.memory_space<vmem>> -> memref<128xi32, #tpu.memory_space<vmem>>
    %dma_wait3A_141 = arith.constant 0 : i32
    %dma_wait3A_142 = arith.constant 0 : i32
    %dma_wait3A_143 = tpu.memref_slice %arg10[%dma_wait3A_141, %dma_wait3A_142] : memref<10240x128xf32, #tpu.memory_space<vmem_shared>> -> memref<10240x128xf32, #tpu.memory_space<vmem_shared>>
    tpu.wait_indirect_dma semaphore(%arg14 : memref<!tpu.dma_semaphore, #tpu.memory_space<semaphore_mem>>) src(%arg9 : memref<128x128xf32, #tpu.memory_space<vmem>>) dst(%dma_wait3A_143 : memref<10240x128xf32, #tpu.memory_space<vmem_shared>>)
    %barrier3A_144 = arith.constant 0 : index
    tpu.barrier barrier_id(%barrier3A_144)
    %mul3A_145 = arith.constant 640 : i32
    %mul3A_146 = arith.muli %arg1, %mul3A_145 : i32
    %add3A_147 = arith.constant 0 : i32
    %add3A_148 = arith.addi %mul3A_146, %add3A_147 : i32
    %multiple_of3A_149 = tpu.assume_multiple %add3A_148, 8 : i32
    "tpu.region"() ({
      %run_scoped3A_280 = tpu.sem_alloc : memref<!tpu.dma_semaphore, #tpu.memory_space<semaphore_mem>>
      %dma_start3A_281 = arith.constant 0 : i32
      %dma_start3A_282 = tpu.memref_slice %arg10[%multiple_of3A_149, %dma_start3A_281] : memref<10240x128xf32, #tpu.memory_space<vmem_shared>> -> memref<128x128xf32, #tpu.memory_space<vmem_shared>>
      %dma_start3A_283 = arith.constant 0 : i32
      %dma_start3A_284 = tpu.memref_slice %arg10[%multiple_of3A_149, %dma_start3A_283] : memref<10240x128xf32, #tpu.memory_space<vmem_shared>> -> memref<128x128xf32, #tpu.memory_space<vmem_shared>>
      tpu.enqueue_dma source(%dma_start3A_284 : memref<128x128xf32, #tpu.memory_space<vmem_shared>>) target(%arg8 : memref<128x128xf32, #tpu.memory_space<vmem>>) target_semaphore(%run_scoped3A_280 : memref<!tpu.dma_semaphore, #tpu.memory_space<semaphore_mem>>)
      %dma_wait3A_285 = arith.constant 0 : i32
      %dma_wait3A_286 = tpu.memref_slice %arg10[%multiple_of3A_149, %dma_wait3A_285] : memref<10240x128xf32, #tpu.memory_space<vmem_shared>> -> memref<128x128xf32, #tpu.memory_space<vmem_shared>>
      %dma_wait3A_287 = arith.constant 0 : i32
      %dma_wait3A_288 = tpu.memref_slice %arg10[%multiple_of3A_149, %dma_wait3A_287] : memref<10240x128xf32, #tpu.memory_space<vmem_shared>> -> memref<128x128xf32, #tpu.memory_space<vmem_shared>>
      tpu.wait_dma2 semaphore(%run_scoped3A_280 : memref<!tpu.dma_semaphore, #tpu.memory_space<semaphore_mem>>) src(%dma_wait3A_288 : memref<128x128xf32, #tpu.memory_space<vmem_shared>>) dst(%arg8 : memref<128x128xf32, #tpu.memory_space<vmem>>)
      tpu.yield
    }) : () -> ()
    %mul3A_150 = arith.constant 640 : i32
    %mul3A_151 = arith.muli %arg1, %mul3A_150 : i32
    %add3A_152 = arith.constant 0 : i32
    %add3A_153 = arith.addi %mul3A_151, %add3A_152 : i32
    %multiple_of3A_154 = tpu.assume_multiple %add3A_153, 8 : i32
    %dma_start3A_155 = arith.constant 0 : i32
    %dma_start3A_156 = tpu.memref_slice %arg4[%arg0, %multiple_of3A_154, %dma_start3A_155] : memref<2x10240x128xf32, #tpu.memory_space<hbm>> -> memref<1x128x128xf32, #tpu.memory_space<hbm>>
    %dma_start3A_157 = tpu.memref_squeeze %dma_start3A_156 : memref<1x128x128xf32, #tpu.memory_space<hbm>> -> memref<128x128xf32, #tpu.memory_space<hbm>>
    %dma_start3A_158 = arith.constant 0 : i32
    %dma_start3A_159 = tpu.memref_slice %arg4[%arg0, %multiple_of3A_154, %dma_start3A_158] : memref<2x10240x128xf32, #tpu.memory_space<hbm>> -> memref<1x128x128xf32, #tpu.memory_space<hbm>>
    %dma_start3A_160 = tpu.memref_squeeze %dma_start3A_159 : memref<1x128x128xf32, #tpu.memory_space<hbm>> -> memref<128x128xf32, #tpu.memory_space<hbm>>
    tpu.enqueue_dma source(%arg8 : memref<128x128xf32, #tpu.memory_space<vmem>>) target(%dma_start3A_160 : memref<128x128xf32, #tpu.memory_space<hbm>>) target_semaphore(%arg13 : memref<!tpu.dma_semaphore, #tpu.memory_space<semaphore_mem>>)
    %mul3A_161 = arith.constant 640 : i32
    %mul3A_162 = arith.muli %arg1, %mul3A_161 : i32
    %add3A_163 = arith.constant 128 : i32
    %add3A_164 = arith.addi %mul3A_162, %add3A_163 : i32
    %multiple_of3A_165 = tpu.assume_multiple %add3A_164, 8 : i32
    "tpu.region"() ({
      %run_scoped3A_280 = tpu.sem_alloc : memref<!tpu.dma_semaphore, #tpu.memory_space<semaphore_mem>>
      %dma_start3A_281 = arith.constant 0 : i32
      %dma_start3A_282 = tpu.memref_slice %arg10[%multiple_of3A_165, %dma_start3A_281] : memref<10240x128xf32, #tpu.memory_space<vmem_shared>> -> memref<128x128xf32, #tpu.memory_space<vmem_shared>>
      %dma_start3A_283 = arith.constant 0 : i32
      %dma_start3A_284 = tpu.memref_slice %arg10[%multiple_of3A_165, %dma_start3A_283] : memref<10240x128xf32, #tpu.memory_space<vmem_shared>> -> memref<128x128xf32, #tpu.memory_space<vmem_shared>>
      tpu.enqueue_dma source(%dma_start3A_284 : memref<128x128xf32, #tpu.memory_space<vmem_shared>>) target(%arg9 : memref<128x128xf32, #tpu.memory_space<vmem>>) target_semaphore(%run_scoped3A_280 : memref<!tpu.dma_semaphore, #tpu.memory_space<semaphore_mem>>)
      %dma_wait3A_285 = arith.constant 0 : i32
      %dma_wait3A_286 = tpu.memref_slice %arg10[%multiple_of3A_165, %dma_wait3A_285] : memref<10240x128xf32, #tpu.memory_space<vmem_shared>> -> memref<128x128xf32, #tpu.memory_space<vmem_shared>>
      %dma_wait3A_287 = arith.constant 0 : i32
      %dma_wait3A_288 = tpu.memref_slice %arg10[%multiple_of3A_165, %dma_wait3A_287] : memref<10240x128xf32, #tpu.memory_space<vmem_shared>> -> memref<128x128xf32, #tpu.memory_space<vmem_shared>>
      tpu.wait_dma2 semaphore(%run_scoped3A_280 : memref<!tpu.dma_semaphore, #tpu.memory_space<semaphore_mem>>) src(%dma_wait3A_288 : memref<128x128xf32, #tpu.memory_space<vmem_shared>>) dst(%arg9 : memref<128x128xf32, #tpu.memory_space<vmem>>)
      tpu.yield
    }) : () -> ()
    %mul3A_166 = arith.constant 640 : i32
    %mul3A_167 = arith.muli %arg1, %mul3A_166 : i32
    %add3A_168 = arith.constant 128 : i32
    %add3A_169 = arith.addi %mul3A_167, %add3A_168 : i32
    %multiple_of3A_170 = tpu.assume_multiple %add3A_169, 8 : i32
    %dma_start3A_171 = arith.constant 0 : i32
    %dma_start3A_172 = tpu.memref_slice %arg4[%arg0, %multiple_of3A_170, %dma_start3A_171] : memref<2x10240x128xf32, #tpu.memory_space<hbm>> -> memref<1x128x128xf32, #tpu.memory_space<hbm>>
    %dma_start3A_173 = tpu.memref_squeeze %dma_start3A_172 : memref<1x128x128xf32, #tpu.memory_space<hbm>> -> memref<128x128xf32, #tpu.memory_space<hbm>>
    %dma_start3A_174 = arith.constant 0 : i32
    %dma_start3A_175 = tpu.memref_slice %arg4[%arg0, %multiple_of3A_170, %dma_start3A_174] : memref<2x10240x128xf32, #tpu.memory_space<hbm>> -> memref<1x128x128xf32, #tpu.memory_space<hbm>>
    %dma_start3A_176 = tpu.memref_squeeze %dma_start3A_175 : memref<1x128x128xf32, #tpu.memory_space<hbm>> -> memref<128x128xf32, #tpu.memory_space<hbm>>
    tpu.enqueue_dma source(%arg9 : memref<128x128xf32, #tpu.memory_space<vmem>>) target(%dma_start3A_176 : memref<128x128xf32, #tpu.memory_space<hbm>>) target_semaphore(%arg14 : memref<!tpu.dma_semaphore, #tpu.memory_space<semaphore_mem>>)
    %mul3A_177 = arith.constant 640 : i32
    %mul3A_178 = arith.muli %arg1, %mul3A_177 : i32
    %add3A_179 = arith.constant 0 : i32
    %add3A_180 = arith.addi %mul3A_178, %add3A_179 : i32
    %multiple_of3A_181 = tpu.assume_multiple %add3A_180, 8 : i32
    %dma_wait3A_182 = arith.constant 0 : i32
    %dma_wait3A_183 = tpu.memref_slice %arg4[%arg0, %multiple_of3A_181, %dma_wait3A_182] : memref<2x10240x128xf32, #tpu.memory_space<hbm>> -> memref<1x128x128xf32, #tpu.memory_space<hbm>>
    %dma_wait3A_184 = tpu.memref_squeeze %dma_wait3A_183 : memref<1x128x128xf32, #tpu.memory_space<hbm>> -> memref<128x128xf32, #tpu.memory_space<hbm>>
    %dma_wait3A_185 = arith.constant 0 : i32
    %dma_wait3A_186 = tpu.memref_slice %arg4[%arg0, %multiple_of3A_181, %dma_wait3A_185] : memref<2x10240x128xf32, #tpu.memory_space<hbm>> -> memref<1x128x128xf32, #tpu.memory_space<hbm>>
    %dma_wait3A_187 = tpu.memref_squeeze %dma_wait3A_186 : memref<1x128x128xf32, #tpu.memory_space<hbm>> -> memref<128x128xf32, #tpu.memory_space<hbm>>
    tpu.wait_dma2 semaphore(%arg13 : memref<!tpu.dma_semaphore, #tpu.memory_space<semaphore_mem>>) src(%arg8 : memref<128x128xf32, #tpu.memory_space<vmem>>) dst(%dma_wait3A_187 : memref<128x128xf32, #tpu.memory_space<hbm>>)
    %mul3A_188 = arith.constant 640 : i32
    %mul3A_189 = arith.muli %arg1, %mul3A_188 : i32
    %add3A_190 = arith.constant 256 : i32
    %add3A_191 = arith.addi %mul3A_189, %add3A_190 : i32
    %multiple_of3A_192 = tpu.assume_multiple %add3A_191, 8 : i32
    "tpu.region"() ({
      %run_scoped3A_280 = tpu.sem_alloc : memref<!tpu.dma_semaphore, #tpu.memory_space<semaphore_mem>>
      %dma_start3A_281 = arith.constant 0 : i32
      %dma_start3A_282 = tpu.memref_slice %arg10[%multiple_of3A_192, %dma_start3A_281] : memref<10240x128xf32, #tpu.memory_space<vmem_shared>> -> memref<128x128xf32, #tpu.memory_space<vmem_shared>>
      %dma_start3A_283 = arith.constant 0 : i32
      %dma_start3A_284 = tpu.memref_slice %arg10[%multiple_of3A_192, %dma_start3A_283] : memref<10240x128xf32, #tpu.memory_space<vmem_shared>> -> memref<128x128xf32, #tpu.memory_space<vmem_shared>>
      tpu.enqueue_dma source(%dma_start3A_284 : memref<128x128xf32, #tpu.memory_space<vmem_shared>>) target(%arg8 : memref<128x128xf32, #tpu.memory_space<vmem>>) target_semaphore(%run_scoped3A_280 : memref<!tpu.dma_semaphore, #tpu.memory_space<semaphore_mem>>)
      %dma_wait3A_285 = arith.constant 0 : i32
      %dma_wait3A_286 = tpu.memref_slice %arg10[%multiple_of3A_192, %dma_wait3A_285] : memref<10240x128xf32, #tpu.memory_space<vmem_shared>> -> memref<128x128xf32, #tpu.memory_space<vmem_shared>>
      %dma_wait3A_287 = arith.constant 0 : i32
      %dma_wait3A_288 = tpu.memref_slice %arg10[%multiple_of3A_192, %dma_wait3A_287] : memref<10240x128xf32, #tpu.memory_space<vmem_shared>> -> memref<128x128xf32, #tpu.memory_space<vmem_shared>>
      tpu.wait_dma2 semaphore(%run_scoped3A_280 : memref<!tpu.dma_semaphore, #tpu.memory_space<semaphore_mem>>) src(%dma_wait3A_288 : memref<128x128xf32, #tpu.memory_space<vmem_shared>>) dst(%arg8 : memref<128x128xf32, #tpu.memory_space<vmem>>)
      tpu.yield
    }) : () -> ()
    %mul3A_193 = arith.constant 640 : i32
    %mul3A_194 = arith.muli %arg1, %mul3A_193 : i32
    %add3A_195 = arith.constant 256 : i32
    %add3A_196 = arith.addi %mul3A_194, %add3A_195 : i32
    %multiple_of3A_197 = tpu.assume_multiple %add3A_196, 8 : i32
    %dma_start3A_198 = arith.constant 0 : i32
    %dma_start3A_199 = tpu.memref_slice %arg4[%arg0, %multiple_of3A_197, %dma_start3A_198] : memref<2x10240x128xf32, #tpu.memory_space<hbm>> -> memref<1x128x128xf32, #tpu.memory_space<hbm>>
    %dma_start3A_200 = tpu.memref_squeeze %dma_start3A_199 : memref<1x128x128xf32, #tpu.memory_space<hbm>> -> memref<128x128xf32, #tpu.memory_space<hbm>>
    %dma_start3A_201 = arith.constant 0 : i32
    %dma_start3A_202 = tpu.memref_slice %arg4[%arg0, %multiple_of3A_197, %dma_start3A_201] : memref<2x10240x128xf32, #tpu.memory_space<hbm>> -> memref<1x128x128xf32, #tpu.memory_space<hbm>>
    %dma_start3A_203 = tpu.memref_squeeze %dma_start3A_202 : memref<1x128x128xf32, #tpu.memory_space<hbm>> -> memref<128x128xf32, #tpu.memory_space<hbm>>
    tpu.enqueue_dma source(%arg8 : memref<128x128xf32, #tpu.memory_space<vmem>>) target(%dma_start3A_203 : memref<128x128xf32, #tpu.memory_space<hbm>>) target_semaphore(%arg13 : memref<!tpu.dma_semaphore, #tpu.memory_space<semaphore_mem>>)
    %mul3A_204 = arith.constant 640 : i32
    %mul3A_205 = arith.muli %arg1, %mul3A_204 : i32
    %add3A_206 = arith.constant 128 : i32
    %add3A_207 = arith.addi %mul3A_205, %add3A_206 : i32
    %multiple_of3A_208 = tpu.assume_multiple %add3A_207, 8 : i32
    %dma_wait3A_209 = arith.constant 0 : i32
    %dma_wait3A_210 = tpu.memref_slice %arg4[%arg0, %multiple_of3A_208, %dma_wait3A_209] : memref<2x10240x128xf32, #tpu.memory_space<hbm>> -> memref<1x128x128xf32, #tpu.memory_space<hbm>>
    %dma_wait3A_211 = tpu.memref_squeeze %dma_wait3A_210 : memref<1x128x128xf32, #tpu.memory_space<hbm>> -> memref<128x128xf32, #tpu.memory_space<hbm>>
    %dma_wait3A_212 = arith.constant 0 : i32
    %dma_wait3A_213 = tpu.memref_slice %arg4[%arg0, %multiple_of3A_208, %dma_wait3A_212] : memref<2x10240x128xf32, #tpu.memory_space<hbm>> -> memref<1x128x128xf32, #tpu.memory_space<hbm>>
    %dma_wait3A_214 = tpu.memref_squeeze %dma_wait3A_213 : memref<1x128x128xf32, #tpu.memory_space<hbm>> -> memref<128x128xf32, #tpu.memory_space<hbm>>
    tpu.wait_dma2 semaphore(%arg14 : memref<!tpu.dma_semaphore, #tpu.memory_space<semaphore_mem>>) src(%arg9 : memref<128x128xf32, #tpu.memory_space<vmem>>) dst(%dma_wait3A_214 : memref<128x128xf32, #tpu.memory_space<hbm>>)
    %mul3A_215 = arith.constant 640 : i32
    %mul3A_216 = arith.muli %arg1, %mul3A_215 : i32
    %add3A_217 = arith.constant 384 : i32
    %add3A_218 = arith.addi %mul3A_216, %add3A_217 : i32
    %multiple_of3A_219 = tpu.assume_multiple %add3A_218, 8 : i32
    "tpu.region"() ({
      %run_scoped3A_280 = tpu.sem_alloc : memref<!tpu.dma_semaphore, #tpu.memory_space<semaphore_mem>>
      %dma_start3A_281 = arith.constant 0 : i32
      %dma_start3A_282 = tpu.memref_slice %arg10[%multiple_of3A_219, %dma_start3A_281] : memref<10240x128xf32, #tpu.memory_space<vmem_shared>> -> memref<128x128xf32, #tpu.memory_space<vmem_shared>>
      %dma_start3A_283 = arith.constant 0 : i32
      %dma_start3A_284 = tpu.memref_slice %arg10[%multiple_of3A_219, %dma_start3A_283] : memref<10240x128xf32, #tpu.memory_space<vmem_shared>> -> memref<128x128xf32, #tpu.memory_space<vmem_shared>>
      tpu.enqueue_dma source(%dma_start3A_284 : memref<128x128xf32, #tpu.memory_space<vmem_shared>>) target(%arg9 : memref<128x128xf32, #tpu.memory_space<vmem>>) target_semaphore(%run_scoped3A_280 : memref<!tpu.dma_semaphore, #tpu.memory_space<semaphore_mem>>)
      %dma_wait3A_285 = arith.constant 0 : i32
      %dma_wait3A_286 = tpu.memref_slice %arg10[%multiple_of3A_219, %dma_wait3A_285] : memref<10240x128xf32, #tpu.memory_space<vmem_shared>> -> memref<128x128xf32, #tpu.memory_space<vmem_shared>>
      %dma_wait3A_287 = arith.constant 0 : i32
      %dma_wait3A_288 = tpu.memref_slice %arg10[%multiple_of3A_219, %dma_wait3A_287] : memref<10240x128xf32, #tpu.memory_space<vmem_shared>> -> memref<128x128xf32, #tpu.memory_space<vmem_shared>>
      tpu.wait_dma2 semaphore(%run_scoped3A_280 : memref<!tpu.dma_semaphore, #tpu.memory_space<semaphore_mem>>) src(%dma_wait3A_288 : memref<128x128xf32, #tpu.memory_space<vmem_shared>>) dst(%arg9 : memref<128x128xf32, #tpu.memory_space<vmem>>)
      tpu.yield
    }) : () -> ()
    %mul3A_220 = arith.constant 640 : i32
    %mul3A_221 = arith.muli %arg1, %mul3A_220 : i32
    %add3A_222 = arith.constant 384 : i32
    %add3A_223 = arith.addi %mul3A_221, %add3A_222 : i32
    %multiple_of3A_224 = tpu.assume_multiple %add3A_223, 8 : i32
    %dma_start3A_225 = arith.constant 0 : i32
    %dma_start3A_226 = tpu.memref_slice %arg4[%arg0, %multiple_of3A_224, %dma_start3A_225] : memref<2x10240x128xf32, #tpu.memory_space<hbm>> -> memref<1x128x128xf32, #tpu.memory_space<hbm>>
    %dma_start3A_227 = tpu.memref_squeeze %dma_start3A_226 : memref<1x128x128xf32, #tpu.memory_space<hbm>> -> memref<128x128xf32, #tpu.memory_space<hbm>>
    %dma_start3A_228 = arith.constant 0 : i32
    %dma_start3A_229 = tpu.memref_slice %arg4[%arg0, %multiple_of3A_224, %dma_start3A_228] : memref<2x10240x128xf32, #tpu.memory_space<hbm>> -> memref<1x128x128xf32, #tpu.memory_space<hbm>>
    %dma_start3A_230 = tpu.memref_squeeze %dma_start3A_229 : memref<1x128x128xf32, #tpu.memory_space<hbm>> -> memref<128x128xf32, #tpu.memory_space<hbm>>
    tpu.enqueue_dma source(%arg9 : memref<128x128xf32, #tpu.memory_space<vmem>>) target(%dma_start3A_230 : memref<128x128xf32, #tpu.memory_space<hbm>>) target_semaphore(%arg14 : memref<!tpu.dma_semaphore, #tpu.memory_space<semaphore_mem>>)
    %mul3A_231 = arith.constant 640 : i32
    %mul3A_232 = arith.muli %arg1, %mul3A_231 : i32
    %add3A_233 = arith.constant 256 : i32
    %add3A_234 = arith.addi %mul3A_232, %add3A_233 : i32
    %multiple_of3A_235 = tpu.assume_multiple %add3A_234, 8 : i32
    %dma_wait3A_236 = arith.constant 0 : i32
    %dma_wait3A_237 = tpu.memref_slice %arg4[%arg0, %multiple_of3A_235, %dma_wait3A_236] : memref<2x10240x128xf32, #tpu.memory_space<hbm>> -> memref<1x128x128xf32, #tpu.memory_space<hbm>>
    %dma_wait3A_238 = tpu.memref_squeeze %dma_wait3A_237 : memref<1x128x128xf32, #tpu.memory_space<hbm>> -> memref<128x128xf32, #tpu.memory_space<hbm>>
    %dma_wait3A_239 = arith.constant 0 : i32
    %dma_wait3A_240 = tpu.memref_slice %arg4[%arg0, %multiple_of3A_235, %dma_wait3A_239] : memref<2x10240x128xf32, #tpu.memory_space<hbm>> -> memref<1x128x128xf32, #tpu.memory_space<hbm>>
    %dma_wait3A_241 = tpu.memref_squeeze %dma_wait3A_240 : memref<1x128x128xf32, #tpu.memory_space<hbm>> -> memref<128x128xf32, #tpu.memory_space<hbm>>
    tpu.wait_dma2 semaphore(%arg13 : memref<!tpu.dma_semaphore, #tpu.memory_space<semaphore_mem>>) src(%arg8 : memref<128x128xf32, #tpu.memory_space<vmem>>) dst(%dma_wait3A_241 : memref<128x128xf32, #tpu.memory_space<hbm>>)
    %mul3A_242 = arith.constant 640 : i32
    %mul3A_243 = arith.muli %arg1, %mul3A_242 : i32
    %add3A_244 = arith.constant 512 : i32
    %add3A_245 = arith.addi %mul3A_243, %add3A_244 : i32
    %multiple_of3A_246 = tpu.assume_multiple %add3A_245, 8 : i32
    "tpu.region"() ({
      %run_scoped3A_280 = tpu.sem_alloc : memref<!tpu.dma_semaphore, #tpu.memory_space<semaphore_mem>>
      %dma_start3A_281 = arith.constant 0 : i32
      %dma_start3A_282 = tpu.memref_slice %arg10[%multiple_of3A_246, %dma_start3A_281] : memref<10240x128xf32, #tpu.memory_space<vmem_shared>> -> memref<128x128xf32, #tpu.memory_space<vmem_shared>>
      %dma_start3A_283 = arith.constant 0 : i32
      %dma_start3A_284 = tpu.memref_slice %arg10[%multiple_of3A_246, %dma_start3A_283] : memref<10240x128xf32, #tpu.memory_space<vmem_shared>> -> memref<128x128xf32, #tpu.memory_space<vmem_shared>>
      tpu.enqueue_dma source(%dma_start3A_284 : memref<128x128xf32, #tpu.memory_space<vmem_shared>>) target(%arg8 : memref<128x128xf32, #tpu.memory_space<vmem>>) target_semaphore(%run_scoped3A_280 : memref<!tpu.dma_semaphore, #tpu.memory_space<semaphore_mem>>)
      %dma_wait3A_285 = arith.constant 0 : i32
      %dma_wait3A_286 = tpu.memref_slice %arg10[%multiple_of3A_246, %dma_wait3A_285] : memref<10240x128xf32, #tpu.memory_space<vmem_shared>> -> memref<128x128xf32, #tpu.memory_space<vmem_shared>>
      %dma_wait3A_287 = arith.constant 0 : i32
      %dma_wait3A_288 = tpu.memref_slice %arg10[%multiple_of3A_246, %dma_wait3A_287] : memref<10240x128xf32, #tpu.memory_space<vmem_shared>> -> memref<128x128xf32, #tpu.memory_space<vmem_shared>>
      tpu.wait_dma2 semaphore(%run_scoped3A_280 : memref<!tpu.dma_semaphore, #tpu.memory_space<semaphore_mem>>) src(%dma_wait3A_288 : memref<128x128xf32, #tpu.memory_space<vmem_shared>>) dst(%arg8 : memref<128x128xf32, #tpu.memory_space<vmem>>)
      tpu.yield
    }) : () -> ()
    %mul3A_247 = arith.constant 640 : i32
    %mul3A_248 = arith.muli %arg1, %mul3A_247 : i32
    %add3A_249 = arith.constant 512 : i32
    %add3A_250 = arith.addi %mul3A_248, %add3A_249 : i32
    %multiple_of3A_251 = tpu.assume_multiple %add3A_250, 8 : i32
    %dma_start3A_252 = arith.constant 0 : i32
    %dma_start3A_253 = tpu.memref_slice %arg4[%arg0, %multiple_of3A_251, %dma_start3A_252] : memref<2x10240x128xf32, #tpu.memory_space<hbm>> -> memref<1x128x128xf32, #tpu.memory_space<hbm>>
    %dma_start3A_254 = tpu.memref_squeeze %dma_start3A_253 : memref<1x128x128xf32, #tpu.memory_space<hbm>> -> memref<128x128xf32, #tpu.memory_space<hbm>>
    %dma_start3A_255 = arith.constant 0 : i32
    %dma_start3A_256 = tpu.memref_slice %arg4[%arg0, %multiple_of3A_251, %dma_start3A_255] : memref<2x10240x128xf32, #tpu.memory_space<hbm>> -> memref<1x128x128xf32, #tpu.memory_space<hbm>>
    %dma_start3A_257 = tpu.memref_squeeze %dma_start3A_256 : memref<1x128x128xf32, #tpu.memory_space<hbm>> -> memref<128x128xf32, #tpu.memory_space<hbm>>
    tpu.enqueue_dma source(%arg8 : memref<128x128xf32, #tpu.memory_space<vmem>>) target(%dma_start3A_257 : memref<128x128xf32, #tpu.memory_space<hbm>>) target_semaphore(%arg13 : memref<!tpu.dma_semaphore, #tpu.memory_space<semaphore_mem>>)
    %mul3A_258 = arith.constant 640 : i32
    %mul3A_259 = arith.muli %arg1, %mul3A_258 : i32
    %add3A_260 = arith.constant 384 : i32
    %add3A_261 = arith.addi %mul3A_259, %add3A_260 : i32
    %multiple_of3A_262 = tpu.assume_multiple %add3A_261, 8 : i32
    %dma_wait3A_263 = arith.constant 0 : i32
    %dma_wait3A_264 = tpu.memref_slice %arg4[%arg0, %multiple_of3A_262, %dma_wait3A_263] : memref<2x10240x128xf32, #tpu.memory_space<hbm>> -> memref<1x128x128xf32, #tpu.memory_space<hbm>>
    %dma_wait3A_265 = tpu.memref_squeeze %dma_wait3A_264 : memref<1x128x128xf32, #tpu.memory_space<hbm>> -> memref<128x128xf32, #tpu.memory_space<hbm>>
    %dma_wait3A_266 = arith.constant 0 : i32
    %dma_wait3A_267 = tpu.memref_slice %arg4[%arg0, %multiple_of3A_262, %dma_wait3A_266] : memref<2x10240x128xf32, #tpu.memory_space<hbm>> -> memref<1x128x128xf32, #tpu.memory_space<hbm>>
    %dma_wait3A_268 = tpu.memref_squeeze %dma_wait3A_267 : memref<1x128x128xf32, #tpu.memory_space<hbm>> -> memref<128x128xf32, #tpu.memory_space<hbm>>
    tpu.wait_dma2 semaphore(%arg14 : memref<!tpu.dma_semaphore, #tpu.memory_space<semaphore_mem>>) src(%arg9 : memref<128x128xf32, #tpu.memory_space<vmem>>) dst(%dma_wait3A_268 : memref<128x128xf32, #tpu.memory_space<hbm>>)
    %mul3A_269 = arith.constant 640 : i32
    %mul3A_270 = arith.muli %arg1, %mul3A_269 : i32
    %add3A_271 = arith.constant 512 : i32
    %add3A_272 = arith.addi %mul3A_270, %add3A_271 : i32
    %multiple_of3A_273 = tpu.assume_multiple %add3A_272, 8 : i32
    %dma_wait3A_274 = arith.constant 0 : i32
    %dma_wait3A_275 = tpu.memref_slice %arg4[%arg0, %multiple_of3A_273, %dma_wait3A_274] : memref<2x10240x128xf32, #tpu.memory_space<hbm>> -> memref<1x128x128xf32, #tpu.memory_space<hbm>>
    %dma_wait3A_276 = tpu.memref_squeeze %dma_wait3A_275 : memref<1x128x128xf32, #tpu.memory_space<hbm>> -> memref<128x128xf32, #tpu.memory_space<hbm>>
    %dma_wait3A_277 = arith.constant 0 : i32
    %dma_wait3A_278 = tpu.memref_slice %arg4[%arg0, %multiple_of3A_273, %dma_wait3A_277] : memref<2x10240x128xf32, #tpu.memory_space<hbm>> -> memref<1x128x128xf32, #tpu.memory_space<hbm>>
    %dma_wait3A_279 = tpu.memref_squeeze %dma_wait3A_278 : memref<1x128x128xf32, #tpu.memory_space<hbm>> -> memref<128x128xf32, #tpu.memory_space<hbm>>
    tpu.wait_dma2 semaphore(%arg13 : memref<!tpu.dma_semaphore, #tpu.memory_space<semaphore_mem>>) src(%arg8 : memref<128x128xf32, #tpu.memory_space<vmem>>) dst(%dma_wait3A_279 : memref<128x128xf32, #tpu.memory_space<hbm>>)
    return
  }
}

#map = affine_map<(d0, d1) -> (0, 0, 0)>
#map1 = affine_map<(d0, d1) -> (0, 0)>
module attributes {stable_mosaic.version = 14 : i64} {
  func.func @_deg_body(%arg0: i32, %arg1: i32, %arg2: memref<2x2500x128xi32, #tpu.memory_space<hbm>>, %arg3: memref<2x10240xf32, #tpu.memory_space<hbm>>, %arg4: memref<80x128xi32, #tpu.memory_space<vmem>>, %arg5: memref<128xf32, #tpu.memory_space<vmem>>, %arg6: memref<640xf32, #tpu.memory_space<vmem>>, %arg7: memref<10240xf32, #tpu.memory_space<vmem_shared>>, %arg8: memref<!tpu.dma_semaphore, #tpu.memory_space<semaphore_mem>>, %arg9: memref<!tpu.dma_semaphore, #tpu.memory_space<semaphore_mem>>) attributes {dimension_semantics = [#tpu.dimension_semantics<core_parallel>, #tpu.dimension_semantics<subcore_parallel>], iteration_bounds = array<i64: 2, 16>, scalar_prefetch = 0 : i64, scratch_operands = 6 : i64, tpu.core_type = #tpu.core_type<sc_vector_subcore>, window_params = [{transform_indices = #map}, {transform_indices = #map1}]} {
    %mul3A = arith.constant 2 : i32
    %mul3A_0 = arith.muli %arg1, %mul3A : i32
    %add3A = arith.addi %mul3A_0, %arg0 : i32
    %mul3A_1 = arith.constant 80 : i32
    %mul3A_2 = arith.muli %add3A, %mul3A_1 : i32
    %min3A = arith.constant 2480 : i32
    %min3A_3 = arith.minsi %mul3A_2, %min3A : i32
    %eq3A = arith.constant 31 : i32
    %eq3A_4 = arith.cmpi eq, %add3A, %eq3A : i32
    %jit3A = arith.constant 20 : i32
    %jit3A_5 = arith.constant 80 : i32
    %select_n3A = arith.select %eq3A_4, %jit3A, %jit3A_5 : i32
    %lt3A = arith.constant 31 : i32
    %lt3A_6 = arith.cmpi slt, %add3A, %lt3A : i32
    %convert_element_type3A = arith.extui %lt3A_6 : i1 to i32
    %cond3A = arith.constant 0 : i32
    %cond3A_7 = arith.cmpi ne, %convert_element_type3A, %cond3A : i32
    scf.if %cond3A_7 {
      %mul3A_118 = arith.constant 80 : i32
      %mul3A_119 = arith.muli %add3A, %mul3A_118 : i32
      %multiple_of3A_120 = tpu.assume_multiple %mul3A_119, 8 : i32
      %dma_start3A = arith.constant 1 : i32
      %dma_start3A_121 = arith.constant 0 : i32
      %dma_start3A_122 = tpu.memref_slice %arg2[%dma_start3A, %multiple_of3A_120, %dma_start3A_121] : memref<2x2500x128xi32, #tpu.memory_space<hbm>> -> memref<1x80x128xi32, #tpu.memory_space<hbm>>
      %dma_start3A_123 = tpu.memref_squeeze %dma_start3A_122 : memref<1x80x128xi32, #tpu.memory_space<hbm>> -> memref<80x128xi32, #tpu.memory_space<hbm>>
      %dma_start3A_124 = arith.constant 0 : i32
      %dma_start3A_125 = tpu.memref_slice %arg2[%dma_start3A, %multiple_of3A_120, %dma_start3A_124] : memref<2x2500x128xi32, #tpu.memory_space<hbm>> -> memref<1x80x128xi32, #tpu.memory_space<hbm>>
      %dma_start3A_126 = tpu.memref_squeeze %dma_start3A_125 : memref<1x80x128xi32, #tpu.memory_space<hbm>> -> memref<80x128xi32, #tpu.memory_space<hbm>>
      tpu.enqueue_dma source(%dma_start3A_126 : memref<80x128xi32, #tpu.memory_space<hbm>>) target(%arg4 : memref<80x128xi32, #tpu.memory_space<vmem>>) target_semaphore(%arg8 : memref<!tpu.dma_semaphore, #tpu.memory_space<semaphore_mem>>)
    } else {
    }
    %eq3A_8 = arith.constant 31 : i32
    %eq3A_9 = arith.cmpi eq, %add3A, %eq3A_8 : i32
    %convert_element_type3A_10 = arith.extui %eq3A_9 : i1 to i32
    %cond3A_11 = arith.constant 0 : i32
    %cond3A_12 = arith.cmpi ne, %convert_element_type3A_10, %cond3A_11 : i32
    scf.if %cond3A_12 {
      %dma_start3A = arith.constant 1 : i32
      %dma_start3A_118 = arith.constant 0 : i32
      %dma_start3A_119 = arith.constant 0 : i32
      %dma_start3A_120 = tpu.memref_slice %arg4[%dma_start3A_118, %dma_start3A_119] : memref<80x128xi32, #tpu.memory_space<vmem>> -> memref<16x128xi32, #tpu.memory_space<vmem>>
      %dma_start3A_121 = arith.constant 2480 : i32
      %dma_start3A_122 = arith.constant 0 : i32
      %dma_start3A_123 = tpu.memref_slice %arg2[%dma_start3A, %dma_start3A_121, %dma_start3A_122] : memref<2x2500x128xi32, #tpu.memory_space<hbm>> -> memref<1x16x128xi32, #tpu.memory_space<hbm>>
      %dma_start3A_124 = tpu.memref_squeeze %dma_start3A_123 : memref<1x16x128xi32, #tpu.memory_space<hbm>> -> memref<16x128xi32, #tpu.memory_space<hbm>>
      %dma_start3A_125 = arith.constant 0 : i32
      %dma_start3A_126 = arith.constant 0 : i32
      %dma_start3A_127 = tpu.memref_slice %arg4[%dma_start3A_125, %dma_start3A_126] : memref<80x128xi32, #tpu.memory_space<vmem>> -> memref<16x128xi32, #tpu.memory_space<vmem>>
      %dma_start3A_128 = arith.constant 2480 : i32
      %dma_start3A_129 = arith.constant 0 : i32
      %dma_start3A_130 = tpu.memref_slice %arg2[%dma_start3A, %dma_start3A_128, %dma_start3A_129] : memref<2x2500x128xi32, #tpu.memory_space<hbm>> -> memref<1x16x128xi32, #tpu.memory_space<hbm>>
      %dma_start3A_131 = tpu.memref_squeeze %dma_start3A_130 : memref<1x16x128xi32, #tpu.memory_space<hbm>> -> memref<16x128xi32, #tpu.memory_space<hbm>>
      tpu.enqueue_dma source(%dma_start3A_131 : memref<16x128xi32, #tpu.memory_space<hbm>>) target(%dma_start3A_127 : memref<16x128xi32, #tpu.memory_space<vmem>>) target_semaphore(%arg8 : memref<!tpu.dma_semaphore, #tpu.memory_space<semaphore_mem>>)
      %dma_start3A_132 = arith.constant 1 : i32
      %dma_start3A_133 = arith.constant 2496 : i32
      %dma_start3A_134 = arith.constant 16 : i32
      %dma_start3A_135 = arith.constant 0 : i32
      %dma_start3A_136 = tpu.memref_slice %arg4[%dma_start3A_134, %dma_start3A_135] : memref<80x128xi32, #tpu.memory_space<vmem>> -> memref<1x128xi32, #tpu.memory_space<vmem>>
      %dma_start3A_137 = tpu.memref_squeeze %dma_start3A_136 : memref<1x128xi32, #tpu.memory_space<vmem>> -> memref<128xi32, #tpu.memory_space<vmem>>
      %dma_start3A_138 = arith.constant 0 : i32
      %dma_start3A_139 = tpu.memref_slice %arg2[%dma_start3A_132, %dma_start3A_133, %dma_start3A_138] : memref<2x2500x128xi32, #tpu.memory_space<hbm>> -> memref<1x1x128xi32, #tpu.memory_space<hbm>>
      %dma_start3A_140 = tpu.memref_squeeze %dma_start3A_139 : memref<1x1x128xi32, #tpu.memory_space<hbm>> -> memref<128xi32, #tpu.memory_space<hbm>>
      %dma_start3A_141 = arith.constant 0 : i32
      %dma_start3A_142 = tpu.memref_slice %arg4[%dma_start3A_134, %dma_start3A_141] : memref<80x128xi32, #tpu.memory_space<vmem>> -> memref<1x128xi32, #tpu.memory_space<vmem>>
      %dma_start3A_143 = tpu.memref_squeeze %dma_start3A_142 : memref<1x128xi32, #tpu.memory_space<vmem>> -> memref<128xi32, #tpu.memory_space<vmem>>
      %dma_start3A_144 = arith.constant 0 : i32
      %dma_start3A_145 = tpu.memref_slice %arg2[%dma_start3A_132, %dma_start3A_133, %dma_start3A_144] : memref<2x2500x128xi32, #tpu.memory_space<hbm>> -> memref<1x1x128xi32, #tpu.memory_space<hbm>>
      %dma_start3A_146 = tpu.memref_squeeze %dma_start3A_145 : memref<1x1x128xi32, #tpu.memory_space<hbm>> -> memref<128xi32, #tpu.memory_space<hbm>>
      tpu.enqueue_dma source(%dma_start3A_146 : memref<128xi32, #tpu.memory_space<hbm>>) target(%dma_start3A_143 : memref<128xi32, #tpu.memory_space<vmem>>) target_semaphore(%arg8 : memref<!tpu.dma_semaphore, #tpu.memory_space<semaphore_mem>>)
      %dma_start3A_147 = arith.constant 1 : i32
      %dma_start3A_148 = arith.constant 2497 : i32
      %dma_start3A_149 = arith.constant 17 : i32
      %dma_start3A_150 = arith.constant 0 : i32
      %dma_start3A_151 = tpu.memref_slice %arg4[%dma_start3A_149, %dma_start3A_150] : memref<80x128xi32, #tpu.memory_space<vmem>> -> memref<1x128xi32, #tpu.memory_space<vmem>>
      %dma_start3A_152 = tpu.memref_squeeze %dma_start3A_151 : memref<1x128xi32, #tpu.memory_space<vmem>> -> memref<128xi32, #tpu.memory_space<vmem>>
      %dma_start3A_153 = arith.constant 0 : i32
      %dma_start3A_154 = tpu.memref_slice %arg2[%dma_start3A_147, %dma_start3A_148, %dma_start3A_153] : memref<2x2500x128xi32, #tpu.memory_space<hbm>> -> memref<1x1x128xi32, #tpu.memory_space<hbm>>
      %dma_start3A_155 = tpu.memref_squeeze %dma_start3A_154 : memref<1x1x128xi32, #tpu.memory_space<hbm>> -> memref<128xi32, #tpu.memory_space<hbm>>
      %dma_start3A_156 = arith.constant 0 : i32
      %dma_start3A_157 = tpu.memref_slice %arg4[%dma_start3A_149, %dma_start3A_156] : memref<80x128xi32, #tpu.memory_space<vmem>> -> memref<1x128xi32, #tpu.memory_space<vmem>>
      %dma_start3A_158 = tpu.memref_squeeze %dma_start3A_157 : memref<1x128xi32, #tpu.memory_space<vmem>> -> memref<128xi32, #tpu.memory_space<vmem>>
      %dma_start3A_159 = arith.constant 0 : i32
      %dma_start3A_160 = tpu.memref_slice %arg2[%dma_start3A_147, %dma_start3A_148, %dma_start3A_159] : memref<2x2500x128xi32, #tpu.memory_space<hbm>> -> memref<1x1x128xi32, #tpu.memory_space<hbm>>
      %dma_start3A_161 = tpu.memref_squeeze %dma_start3A_160 : memref<1x1x128xi32, #tpu.memory_space<hbm>> -> memref<128xi32, #tpu.memory_space<hbm>>
      tpu.enqueue_dma source(%dma_start3A_161 : memref<128xi32, #tpu.memory_space<hbm>>) target(%dma_start3A_158 : memref<128xi32, #tpu.memory_space<vmem>>) target_semaphore(%arg8 : memref<!tpu.dma_semaphore, #tpu.memory_space<semaphore_mem>>)
      %dma_start3A_162 = arith.constant 1 : i32
      %dma_start3A_163 = arith.constant 2498 : i32
      %dma_start3A_164 = arith.constant 18 : i32
      %dma_start3A_165 = arith.constant 0 : i32
      %dma_start3A_166 = tpu.memref_slice %arg4[%dma_start3A_164, %dma_start3A_165] : memref<80x128xi32, #tpu.memory_space<vmem>> -> memref<1x128xi32, #tpu.memory_space<vmem>>
      %dma_start3A_167 = tpu.memref_squeeze %dma_start3A_166 : memref<1x128xi32, #tpu.memory_space<vmem>> -> memref<128xi32, #tpu.memory_space<vmem>>
      %dma_start3A_168 = arith.constant 0 : i32
      %dma_start3A_169 = tpu.memref_slice %arg2[%dma_start3A_162, %dma_start3A_163, %dma_start3A_168] : memref<2x2500x128xi32, #tpu.memory_space<hbm>> -> memref<1x1x128xi32, #tpu.memory_space<hbm>>
      %dma_start3A_170 = tpu.memref_squeeze %dma_start3A_169 : memref<1x1x128xi32, #tpu.memory_space<hbm>> -> memref<128xi32, #tpu.memory_space<hbm>>
      %dma_start3A_171 = arith.constant 0 : i32
      %dma_start3A_172 = tpu.memref_slice %arg4[%dma_start3A_164, %dma_start3A_171] : memref<80x128xi32, #tpu.memory_space<vmem>> -> memref<1x128xi32, #tpu.memory_space<vmem>>
      %dma_start3A_173 = tpu.memref_squeeze %dma_start3A_172 : memref<1x128xi32, #tpu.memory_space<vmem>> -> memref<128xi32, #tpu.memory_space<vmem>>
      %dma_start3A_174 = arith.constant 0 : i32
      %dma_start3A_175 = tpu.memref_slice %arg2[%dma_start3A_162, %dma_start3A_163, %dma_start3A_174] : memref<2x2500x128xi32, #tpu.memory_space<hbm>> -> memref<1x1x128xi32, #tpu.memory_space<hbm>>
      %dma_start3A_176 = tpu.memref_squeeze %dma_start3A_175 : memref<1x1x128xi32, #tpu.memory_space<hbm>> -> memref<128xi32, #tpu.memory_space<hbm>>
      tpu.enqueue_dma source(%dma_start3A_176 : memref<128xi32, #tpu.memory_space<hbm>>) target(%dma_start3A_173 : memref<128xi32, #tpu.memory_space<vmem>>) target_semaphore(%arg8 : memref<!tpu.dma_semaphore, #tpu.memory_space<semaphore_mem>>)
      %dma_start3A_177 = arith.constant 1 : i32
      %dma_start3A_178 = arith.constant 2499 : i32
      %dma_start3A_179 = arith.constant 19 : i32
      %dma_start3A_180 = arith.constant 0 : i32
      %dma_start3A_181 = tpu.memref_slice %arg4[%dma_start3A_179, %dma_start3A_180] : memref<80x128xi32, #tpu.memory_space<vmem>> -> memref<1x128xi32, #tpu.memory_space<vmem>>
      %dma_start3A_182 = tpu.memref_squeeze %dma_start3A_181 : memref<1x128xi32, #tpu.memory_space<vmem>> -> memref<128xi32, #tpu.memory_space<vmem>>
      %dma_start3A_183 = arith.constant 0 : i32
      %dma_start3A_184 = tpu.memref_slice %arg2[%dma_start3A_177, %dma_start3A_178, %dma_start3A_183] : memref<2x2500x128xi32, #tpu.memory_space<hbm>> -> memref<1x1x128xi32, #tpu.memory_space<hbm>>
      %dma_start3A_185 = tpu.memref_squeeze %dma_start3A_184 : memref<1x1x128xi32, #tpu.memory_space<hbm>> -> memref<128xi32, #tpu.memory_space<hbm>>
      %dma_start3A_186 = arith.constant 0 : i32
      %dma_start3A_187 = tpu.memref_slice %arg4[%dma_start3A_179, %dma_start3A_186] : memref<80x128xi32, #tpu.memory_space<vmem>> -> memref<1x128xi32, #tpu.memory_space<vmem>>
      %dma_start3A_188 = tpu.memref_squeeze %dma_start3A_187 : memref<1x128xi32, #tpu.memory_space<vmem>> -> memref<128xi32, #tpu.memory_space<vmem>>
      %dma_start3A_189 = arith.constant 0 : i32
      %dma_start3A_190 = tpu.memref_slice %arg2[%dma_start3A_177, %dma_start3A_178, %dma_start3A_189] : memref<2x2500x128xi32, #tpu.memory_space<hbm>> -> memref<1x1x128xi32, #tpu.memory_space<hbm>>
      %dma_start3A_191 = tpu.memref_squeeze %dma_start3A_190 : memref<1x1x128xi32, #tpu.memory_space<hbm>> -> memref<128xi32, #tpu.memory_space<hbm>>
      tpu.enqueue_dma source(%dma_start3A_191 : memref<128xi32, #tpu.memory_space<hbm>>) target(%dma_start3A_188 : memref<128xi32, #tpu.memory_space<vmem>>) target_semaphore(%arg8 : memref<!tpu.dma_semaphore, #tpu.memory_space<semaphore_mem>>)
    } else {
    }
    %scan3A = arith.constant 0 : i32
    %scan3A_13 = arith.constant 40 : i32
    %scan3A_14 = arith.addi %scan3A, %scan3A_13 : i32
    %scan3A_15 = arith.constant 1 : i32
    scf.for %scan3A_118 = %scan3A to %scan3A_14 step %scan3A_15  : i32 {
      %mul3A_119 = arith.constant 1 : i32
      %mul3A_120 = arith.muli %scan3A_118, %mul3A_119 : i32
      %add3A_121 = arith.constant 0 : i32
      %add3A_122 = arith.addi %add3A_121, %mul3A_120 : i32
      %broadcast_in_dim3A_123 = arith.constant 0.000000e+00 : f32
      %broadcast_in_dim3A_124 = vector.broadcast %broadcast_in_dim3A_123 : f32 to vector<16xf32>
      %mul3A_125 = arith.constant 16 : i32
      %mul3A_126 = arith.muli %add3A_122, %mul3A_125 : i32
      %swap3A_127 = arith.index_cast %mul3A_126 : i32 to index
      %swap3A_128 = tpu.vector_load %arg6[%swap3A_127] {strides = array<i32>} : memref<640xf32, #tpu.memory_space<vmem>>, vector<16xf32>,
      %swap3A_129 = vector.shape_cast %swap3A_128 : vector<16xf32> to vector<16xf32>
      %swap3A_130 = vector.shape_cast %broadcast_in_dim3A_124 : vector<16xf32> to vector<16xf32>
      tpu.vector_store %arg6[%swap3A_127], %swap3A_130 {strides = array<i32>} : memref<640xf32, #tpu.memory_space<vmem>>, vector<16xf32>,
    }
    %scan3A_16 = arith.constant 40 : i32
    %broadcast_in_dim3A = arith.constant 1.000000e+00 : f32
    %broadcast_in_dim3A_17 = vector.broadcast %broadcast_in_dim3A : f32 to vector<16xf32>
    %swap3A = arith.constant 0 : index
    %swap3A_18 = tpu.vector_load %arg5[%swap3A] {strides = array<i32>} : memref<128xf32, #tpu.memory_space<vmem>>, vector<16xf32>,
    %swap3A_19 = vector.shape_cast %swap3A_18 : vector<16xf32> to vector<16xf32>
    %swap3A_20 = vector.shape_cast %broadcast_in_dim3A_17 : vector<16xf32> to vector<16xf32>
    tpu.vector_store %arg5[%swap3A], %swap3A_20 {strides = array<i32>} : memref<128xf32, #tpu.memory_space<vmem>>, vector<16xf32>,
    %broadcast_in_dim3A_21 = arith.constant 1.000000e+00 : f32
    %broadcast_in_dim3A_22 = vector.broadcast %broadcast_in_dim3A_21 : f32 to vector<16xf32>
    %swap3A_23 = arith.constant 16 : index
    %swap3A_24 = tpu.vector_load %arg5[%swap3A_23] {strides = array<i32>} : memref<128xf32, #tpu.memory_space<vmem>>, vector<16xf32>,
    %swap3A_25 = vector.shape_cast %swap3A_24 : vector<16xf32> to vector<16xf32>
    %swap3A_26 = vector.shape_cast %broadcast_in_dim3A_22 : vector<16xf32> to vector<16xf32>
    tpu.vector_store %arg5[%swap3A_23], %swap3A_26 {strides = array<i32>} : memref<128xf32, #tpu.memory_space<vmem>>, vector<16xf32>,
    %broadcast_in_dim3A_27 = arith.constant 1.000000e+00 : f32
    %broadcast_in_dim3A_28 = vector.broadcast %broadcast_in_dim3A_27 : f32 to vector<16xf32>
    %swap3A_29 = arith.constant 32 : index
    %swap3A_30 = tpu.vector_load %arg5[%swap3A_29] {strides = array<i32>} : memref<128xf32, #tpu.memory_space<vmem>>, vector<16xf32>,
    %swap3A_31 = vector.shape_cast %swap3A_30 : vector<16xf32> to vector<16xf32>
    %swap3A_32 = vector.shape_cast %broadcast_in_dim3A_28 : vector<16xf32> to vector<16xf32>
    tpu.vector_store %arg5[%swap3A_29], %swap3A_32 {strides = array<i32>} : memref<128xf32, #tpu.memory_space<vmem>>, vector<16xf32>,
    %broadcast_in_dim3A_33 = arith.constant 1.000000e+00 : f32
    %broadcast_in_dim3A_34 = vector.broadcast %broadcast_in_dim3A_33 : f32 to vector<16xf32>
    %swap3A_35 = arith.constant 48 : index
    %swap3A_36 = tpu.vector_load %arg5[%swap3A_35] {strides = array<i32>} : memref<128xf32, #tpu.memory_space<vmem>>, vector<16xf32>,
    %swap3A_37 = vector.shape_cast %swap3A_36 : vector<16xf32> to vector<16xf32>
    %swap3A_38 = vector.shape_cast %broadcast_in_dim3A_34 : vector<16xf32> to vector<16xf32>
    tpu.vector_store %arg5[%swap3A_35], %swap3A_38 {strides = array<i32>} : memref<128xf32, #tpu.memory_space<vmem>>, vector<16xf32>,
    %broadcast_in_dim3A_39 = arith.constant 1.000000e+00 : f32
    %broadcast_in_dim3A_40 = vector.broadcast %broadcast_in_dim3A_39 : f32 to vector<16xf32>
    %swap3A_41 = arith.constant 64 : index
    %swap3A_42 = tpu.vector_load %arg5[%swap3A_41] {strides = array<i32>} : memref<128xf32, #tpu.memory_space<vmem>>, vector<16xf32>,
    %swap3A_43 = vector.shape_cast %swap3A_42 : vector<16xf32> to vector<16xf32>
    %swap3A_44 = vector.shape_cast %broadcast_in_dim3A_40 : vector<16xf32> to vector<16xf32>
    tpu.vector_store %arg5[%swap3A_41], %swap3A_44 {strides = array<i32>} : memref<128xf32, #tpu.memory_space<vmem>>, vector<16xf32>,
    %broadcast_in_dim3A_45 = arith.constant 1.000000e+00 : f32
    %broadcast_in_dim3A_46 = vector.broadcast %broadcast_in_dim3A_45 : f32 to vector<16xf32>
    %swap3A_47 = arith.constant 80 : index
    %swap3A_48 = tpu.vector_load %arg5[%swap3A_47] {strides = array<i32>} : memref<128xf32, #tpu.memory_space<vmem>>, vector<16xf32>,
    %swap3A_49 = vector.shape_cast %swap3A_48 : vector<16xf32> to vector<16xf32>
    %swap3A_50 = vector.shape_cast %broadcast_in_dim3A_46 : vector<16xf32> to vector<16xf32>
    tpu.vector_store %arg5[%swap3A_47], %swap3A_50 {strides = array<i32>} : memref<128xf32, #tpu.memory_space<vmem>>, vector<16xf32>,
    %broadcast_in_dim3A_51 = arith.constant 1.000000e+00 : f32
    %broadcast_in_dim3A_52 = vector.broadcast %broadcast_in_dim3A_51 : f32 to vector<16xf32>
    %swap3A_53 = arith.constant 96 : index
    %swap3A_54 = tpu.vector_load %arg5[%swap3A_53] {strides = array<i32>} : memref<128xf32, #tpu.memory_space<vmem>>, vector<16xf32>,
    %swap3A_55 = vector.shape_cast %swap3A_54 : vector<16xf32> to vector<16xf32>
    %swap3A_56 = vector.shape_cast %broadcast_in_dim3A_52 : vector<16xf32> to vector<16xf32>
    tpu.vector_store %arg5[%swap3A_53], %swap3A_56 {strides = array<i32>} : memref<128xf32, #tpu.memory_space<vmem>>, vector<16xf32>,
    %broadcast_in_dim3A_57 = arith.constant 1.000000e+00 : f32
    %broadcast_in_dim3A_58 = vector.broadcast %broadcast_in_dim3A_57 : f32 to vector<16xf32>
    %swap3A_59 = arith.constant 112 : index
    %swap3A_60 = tpu.vector_load %arg5[%swap3A_59] {strides = array<i32>} : memref<128xf32, #tpu.memory_space<vmem>>, vector<16xf32>,
    %swap3A_61 = vector.shape_cast %swap3A_60 : vector<16xf32> to vector<16xf32>
    %swap3A_62 = vector.shape_cast %broadcast_in_dim3A_58 : vector<16xf32> to vector<16xf32>
    tpu.vector_store %arg5[%swap3A_59], %swap3A_62 {strides = array<i32>} : memref<128xf32, #tpu.memory_space<vmem>>, vector<16xf32>,
    %mul3A_63 = arith.constant 640 : i32
    %mul3A_64 = arith.muli %arg1, %mul3A_63 : i32
    %multiple_of3A = tpu.assume_multiple %mul3A_64, 8 : i32
    "tpu.region"() ({
      %run_scoped3A = tpu.sem_alloc : memref<!tpu.dma_semaphore, #tpu.memory_space<semaphore_mem>>
      %dma_start3A = tpu.memref_slice %arg7[%multiple_of3A] : memref<10240xf32, #tpu.memory_space<vmem_shared>> -> memref<640xf32, #tpu.memory_space<vmem_shared>>
      %dma_start3A_118 = tpu.memref_slice %arg7[%multiple_of3A] : memref<10240xf32, #tpu.memory_space<vmem_shared>> -> memref<640xf32, #tpu.memory_space<vmem_shared>>
      tpu.enqueue_dma source(%arg6 : memref<640xf32, #tpu.memory_space<vmem>>) target(%dma_start3A_118 : memref<640xf32, #tpu.memory_space<vmem_shared>>) target_semaphore(%run_scoped3A : memref<!tpu.dma_semaphore, #tpu.memory_space<semaphore_mem>>)
      %dma_wait3A = tpu.memref_slice %arg7[%multiple_of3A] : memref<10240xf32, #tpu.memory_space<vmem_shared>> -> memref<640xf32, #tpu.memory_space<vmem_shared>>
      %dma_wait3A_119 = tpu.memref_slice %arg7[%multiple_of3A] : memref<10240xf32, #tpu.memory_space<vmem_shared>> -> memref<640xf32, #tpu.memory_space<vmem_shared>>
      tpu.wait_dma2 semaphore(%run_scoped3A : memref<!tpu.dma_semaphore, #tpu.memory_space<semaphore_mem>>) src(%arg6 : memref<640xf32, #tpu.memory_space<vmem>>) dst(%dma_wait3A_119 : memref<640xf32, #tpu.memory_space<vmem_shared>>)
      tpu.yield
    }) : () -> ()
    %lt3A_65 = arith.constant 31 : i32
    %lt3A_66 = arith.cmpi slt, %add3A, %lt3A_65 : i32
    %convert_element_type3A_67 = arith.extui %lt3A_66 : i1 to i32
    %cond3A_68 = arith.constant 0 : i32
    %cond3A_69 = arith.cmpi ne, %convert_element_type3A_67, %cond3A_68 : i32
    scf.if %cond3A_69 {
      %mul3A_118 = arith.constant 80 : i32
      %mul3A_119 = arith.muli %add3A, %mul3A_118 : i32
      %multiple_of3A_120 = tpu.assume_multiple %mul3A_119, 8 : i32
      %dma_wait3A = arith.constant 1 : i32
      %dma_wait3A_121 = arith.constant 0 : i32
      %dma_wait3A_122 = tpu.memref_slice %arg2[%dma_wait3A, %multiple_of3A_120, %dma_wait3A_121] : memref<2x2500x128xi32, #tpu.memory_space<hbm>> -> memref<1x80x128xi32, #tpu.memory_space<hbm>>
      %dma_wait3A_123 = tpu.memref_squeeze %dma_wait3A_122 : memref<1x80x128xi32, #tpu.memory_space<hbm>> -> memref<80x128xi32, #tpu.memory_space<hbm>>
      %dma_wait3A_124 = arith.constant 0 : i32
      %dma_wait3A_125 = tpu.memref_slice %arg2[%dma_wait3A, %multiple_of3A_120, %dma_wait3A_124] : memref<2x2500x128xi32, #tpu.memory_space<hbm>> -> memref<1x80x128xi32, #tpu.memory_space<hbm>>
      %dma_wait3A_126 = tpu.memref_squeeze %dma_wait3A_125 : memref<1x80x128xi32, #tpu.memory_space<hbm>> -> memref<80x128xi32, #tpu.memory_space<hbm>>
      tpu.wait_dma2 semaphore(%arg8 : memref<!tpu.dma_semaphore, #tpu.memory_space<semaphore_mem>>) src(%dma_wait3A_126 : memref<80x128xi32, #tpu.memory_space<hbm>>) dst(%arg4 : memref<80x128xi32, #tpu.memory_space<vmem>>)
    } else {
    }
    %eq3A_70 = arith.constant 31 : i32
    %eq3A_71 = arith.cmpi eq, %add3A, %eq3A_70 : i32
    %convert_element_type3A_72 = arith.extui %eq3A_71 : i1 to i32
    %cond3A_73 = arith.constant 0 : i32
    %cond3A_74 = arith.cmpi ne, %convert_element_type3A_72, %cond3A_73 : i32
    scf.if %cond3A_74 {
      %dma_wait3A = arith.constant 1 : i32
      %dma_wait3A_118 = arith.constant 0 : i32
      %dma_wait3A_119 = arith.constant 0 : i32
      %dma_wait3A_120 = tpu.memref_slice %arg4[%dma_wait3A_118, %dma_wait3A_119] : memref<80x128xi32, #tpu.memory_space<vmem>> -> memref<16x128xi32, #tpu.memory_space<vmem>>
      %dma_wait3A_121 = arith.constant 2480 : i32
      %dma_wait3A_122 = arith.constant 0 : i32
      %dma_wait3A_123 = tpu.memref_slice %arg2[%dma_wait3A, %dma_wait3A_121, %dma_wait3A_122] : memref<2x2500x128xi32, #tpu.memory_space<hbm>> -> memref<1x16x128xi32, #tpu.memory_space<hbm>>
      %dma_wait3A_124 = tpu.memref_squeeze %dma_wait3A_123 : memref<1x16x128xi32, #tpu.memory_space<hbm>> -> memref<16x128xi32, #tpu.memory_space<hbm>>
      %dma_wait3A_125 = arith.constant 0 : i32
      %dma_wait3A_126 = arith.constant 0 : i32
      %dma_wait3A_127 = tpu.memref_slice %arg4[%dma_wait3A_125, %dma_wait3A_126] : memref<80x128xi32, #tpu.memory_space<vmem>> -> memref<16x128xi32, #tpu.memory_space<vmem>>
      %dma_wait3A_128 = arith.constant 2480 : i32
      %dma_wait3A_129 = arith.constant 0 : i32
      %dma_wait3A_130 = tpu.memref_slice %arg2[%dma_wait3A, %dma_wait3A_128, %dma_wait3A_129] : memref<2x2500x128xi32, #tpu.memory_space<hbm>> -> memref<1x16x128xi32, #tpu.memory_space<hbm>>
      %dma_wait3A_131 = tpu.memref_squeeze %dma_wait3A_130 : memref<1x16x128xi32, #tpu.memory_space<hbm>> -> memref<16x128xi32, #tpu.memory_space<hbm>>
      tpu.wait_dma2 semaphore(%arg8 : memref<!tpu.dma_semaphore, #tpu.memory_space<semaphore_mem>>) src(%dma_wait3A_131 : memref<16x128xi32, #tpu.memory_space<hbm>>) dst(%dma_wait3A_127 : memref<16x128xi32, #tpu.memory_space<vmem>>)
      %dma_wait3A_132 = arith.constant 1 : i32
      %dma_wait3A_133 = arith.constant 2496 : i32
      %dma_wait3A_134 = arith.constant 16 : i32
      %dma_wait3A_135 = arith.constant 0 : i32
      %dma_wait3A_136 = tpu.memref_slice %arg4[%dma_wait3A_134, %dma_wait3A_135] : memref<80x128xi32, #tpu.memory_space<vmem>> -> memref<1x128xi32, #tpu.memory_space<vmem>>
      %dma_wait3A_137 = tpu.memref_squeeze %dma_wait3A_136 : memref<1x128xi32, #tpu.memory_space<vmem>> -> memref<128xi32, #tpu.memory_space<vmem>>
      %dma_wait3A_138 = arith.constant 0 : i32
      %dma_wait3A_139 = tpu.memref_slice %arg2[%dma_wait3A_132, %dma_wait3A_133, %dma_wait3A_138] : memref<2x2500x128xi32, #tpu.memory_space<hbm>> -> memref<1x1x128xi32, #tpu.memory_space<hbm>>
      %dma_wait3A_140 = tpu.memref_squeeze %dma_wait3A_139 : memref<1x1x128xi32, #tpu.memory_space<hbm>> -> memref<128xi32, #tpu.memory_space<hbm>>
      %dma_wait3A_141 = arith.constant 0 : i32
      %dma_wait3A_142 = tpu.memref_slice %arg4[%dma_wait3A_134, %dma_wait3A_141] : memref<80x128xi32, #tpu.memory_space<vmem>> -> memref<1x128xi32, #tpu.memory_space<vmem>>
      %dma_wait3A_143 = tpu.memref_squeeze %dma_wait3A_142 : memref<1x128xi32, #tpu.memory_space<vmem>> -> memref<128xi32, #tpu.memory_space<vmem>>
      %dma_wait3A_144 = arith.constant 0 : i32
      %dma_wait3A_145 = tpu.memref_slice %arg2[%dma_wait3A_132, %dma_wait3A_133, %dma_wait3A_144] : memref<2x2500x128xi32, #tpu.memory_space<hbm>> -> memref<1x1x128xi32, #tpu.memory_space<hbm>>
      %dma_wait3A_146 = tpu.memref_squeeze %dma_wait3A_145 : memref<1x1x128xi32, #tpu.memory_space<hbm>> -> memref<128xi32, #tpu.memory_space<hbm>>
      tpu.wait_dma2 semaphore(%arg8 : memref<!tpu.dma_semaphore, #tpu.memory_space<semaphore_mem>>) src(%dma_wait3A_146 : memref<128xi32, #tpu.memory_space<hbm>>) dst(%dma_wait3A_143 : memref<128xi32, #tpu.memory_space<vmem>>)
      %dma_wait3A_147 = arith.constant 1 : i32
      %dma_wait3A_148 = arith.constant 2497 : i32
      %dma_wait3A_149 = arith.constant 17 : i32
      %dma_wait3A_150 = arith.constant 0 : i32
      %dma_wait3A_151 = tpu.memref_slice %arg4[%dma_wait3A_149, %dma_wait3A_150] : memref<80x128xi32, #tpu.memory_space<vmem>> -> memref<1x128xi32, #tpu.memory_space<vmem>>
      %dma_wait3A_152 = tpu.memref_squeeze %dma_wait3A_151 : memref<1x128xi32, #tpu.memory_space<vmem>> -> memref<128xi32, #tpu.memory_space<vmem>>
      %dma_wait3A_153 = arith.constant 0 : i32
      %dma_wait3A_154 = tpu.memref_slice %arg2[%dma_wait3A_147, %dma_wait3A_148, %dma_wait3A_153] : memref<2x2500x128xi32, #tpu.memory_space<hbm>> -> memref<1x1x128xi32, #tpu.memory_space<hbm>>
      %dma_wait3A_155 = tpu.memref_squeeze %dma_wait3A_154 : memref<1x1x128xi32, #tpu.memory_space<hbm>> -> memref<128xi32, #tpu.memory_space<hbm>>
      %dma_wait3A_156 = arith.constant 0 : i32
      %dma_wait3A_157 = tpu.memref_slice %arg4[%dma_wait3A_149, %dma_wait3A_156] : memref<80x128xi32, #tpu.memory_space<vmem>> -> memref<1x128xi32, #tpu.memory_space<vmem>>
      %dma_wait3A_158 = tpu.memref_squeeze %dma_wait3A_157 : memref<1x128xi32, #tpu.memory_space<vmem>> -> memref<128xi32, #tpu.memory_space<vmem>>
      %dma_wait3A_159 = arith.constant 0 : i32
      %dma_wait3A_160 = tpu.memref_slice %arg2[%dma_wait3A_147, %dma_wait3A_148, %dma_wait3A_159] : memref<2x2500x128xi32, #tpu.memory_space<hbm>> -> memref<1x1x128xi32, #tpu.memory_space<hbm>>
      %dma_wait3A_161 = tpu.memref_squeeze %dma_wait3A_160 : memref<1x1x128xi32, #tpu.memory_space<hbm>> -> memref<128xi32, #tpu.memory_space<hbm>>
      tpu.wait_dma2 semaphore(%arg8 : memref<!tpu.dma_semaphore, #tpu.memory_space<semaphore_mem>>) src(%dma_wait3A_161 : memref<128xi32, #tpu.memory_space<hbm>>) dst(%dma_wait3A_158 : memref<128xi32, #tpu.memory_space<vmem>>)
      %dma_wait3A_162 = arith.constant 1 : i32
      %dma_wait3A_163 = arith.constant 2498 : i32
      %dma_wait3A_164 = arith.constant 18 : i32
      %dma_wait3A_165 = arith.constant 0 : i32
      %dma_wait3A_166 = tpu.memref_slice %arg4[%dma_wait3A_164, %dma_wait3A_165] : memref<80x128xi32, #tpu.memory_space<vmem>> -> memref<1x128xi32, #tpu.memory_space<vmem>>
      %dma_wait3A_167 = tpu.memref_squeeze %dma_wait3A_166 : memref<1x128xi32, #tpu.memory_space<vmem>> -> memref<128xi32, #tpu.memory_space<vmem>>
      %dma_wait3A_168 = arith.constant 0 : i32
      %dma_wait3A_169 = tpu.memref_slice %arg2[%dma_wait3A_162, %dma_wait3A_163, %dma_wait3A_168] : memref<2x2500x128xi32, #tpu.memory_space<hbm>> -> memref<1x1x128xi32, #tpu.memory_space<hbm>>
      %dma_wait3A_170 = tpu.memref_squeeze %dma_wait3A_169 : memref<1x1x128xi32, #tpu.memory_space<hbm>> -> memref<128xi32, #tpu.memory_space<hbm>>
      %dma_wait3A_171 = arith.constant 0 : i32
      %dma_wait3A_172 = tpu.memref_slice %arg4[%dma_wait3A_164, %dma_wait3A_171] : memref<80x128xi32, #tpu.memory_space<vmem>> -> memref<1x128xi32, #tpu.memory_space<vmem>>
      %dma_wait3A_173 = tpu.memref_squeeze %dma_wait3A_172 : memref<1x128xi32, #tpu.memory_space<vmem>> -> memref<128xi32, #tpu.memory_space<vmem>>
      %dma_wait3A_174 = arith.constant 0 : i32
      %dma_wait3A_175 = tpu.memref_slice %arg2[%dma_wait3A_162, %dma_wait3A_163, %dma_wait3A_174] : memref<2x2500x128xi32, #tpu.memory_space<hbm>> -> memref<1x1x128xi32, #tpu.memory_space<hbm>>
      %dma_wait3A_176 = tpu.memref_squeeze %dma_wait3A_175 : memref<1x1x128xi32, #tpu.memory_space<hbm>> -> memref<128xi32, #tpu.memory_space<hbm>>
      tpu.wait_dma2 semaphore(%arg8 : memref<!tpu.dma_semaphore, #tpu.memory_space<semaphore_mem>>) src(%dma_wait3A_176 : memref<128xi32, #tpu.memory_space<hbm>>) dst(%dma_wait3A_173 : memref<128xi32, #tpu.memory_space<vmem>>)
      %dma_wait3A_177 = arith.constant 1 : i32
      %dma_wait3A_178 = arith.constant 2499 : i32
      %dma_wait3A_179 = arith.constant 19 : i32
      %dma_wait3A_180 = arith.constant 0 : i32
      %dma_wait3A_181 = tpu.memref_slice %arg4[%dma_wait3A_179, %dma_wait3A_180] : memref<80x128xi32, #tpu.memory_space<vmem>> -> memref<1x128xi32, #tpu.memory_space<vmem>>
      %dma_wait3A_182 = tpu.memref_squeeze %dma_wait3A_181 : memref<1x128xi32, #tpu.memory_space<vmem>> -> memref<128xi32, #tpu.memory_space<vmem>>
      %dma_wait3A_183 = arith.constant 0 : i32
      %dma_wait3A_184 = tpu.memref_slice %arg2[%dma_wait3A_177, %dma_wait3A_178, %dma_wait3A_183] : memref<2x2500x128xi32, #tpu.memory_space<hbm>> -> memref<1x1x128xi32, #tpu.memory_space<hbm>>
      %dma_wait3A_185 = tpu.memref_squeeze %dma_wait3A_184 : memref<1x1x128xi32, #tpu.memory_space<hbm>> -> memref<128xi32, #tpu.memory_space<hbm>>
      %dma_wait3A_186 = arith.constant 0 : i32
      %dma_wait3A_187 = tpu.memref_slice %arg4[%dma_wait3A_179, %dma_wait3A_186] : memref<80x128xi32, #tpu.memory_space<vmem>> -> memref<1x128xi32, #tpu.memory_space<vmem>>
      %dma_wait3A_188 = tpu.memref_squeeze %dma_wait3A_187 : memref<1x128xi32, #tpu.memory_space<vmem>> -> memref<128xi32, #tpu.memory_space<vmem>>
      %dma_wait3A_189 = arith.constant 0 : i32
      %dma_wait3A_190 = tpu.memref_slice %arg2[%dma_wait3A_177, %dma_wait3A_178, %dma_wait3A_189] : memref<2x2500x128xi32, #tpu.memory_space<hbm>> -> memref<1x1x128xi32, #tpu.memory_space<hbm>>
      %dma_wait3A_191 = tpu.memref_squeeze %dma_wait3A_190 : memref<1x1x128xi32, #tpu.memory_space<hbm>> -> memref<128xi32, #tpu.memory_space<hbm>>
      tpu.wait_dma2 semaphore(%arg8 : memref<!tpu.dma_semaphore, #tpu.memory_space<semaphore_mem>>) src(%dma_wait3A_191 : memref<128xi32, #tpu.memory_space<hbm>>) dst(%dma_wait3A_188 : memref<128xi32, #tpu.memory_space<vmem>>)
    } else {
    }
    %barrier3A = arith.constant 0 : index
    tpu.barrier barrier_id(%barrier3A)
    %jit3A_75 = arith.constant 2 : i32
    %div3A = arith.divsi %select_n3A, %jit3A_75 : i32
    %sign3A = arith.constant 0 : i32
    %sign3A_76 = arith.cmpi sgt, %select_n3A, %sign3A : i32
    %sign3A_77 = arith.extui %sign3A_76 : i1 to i32
    %sign3A_78 = arith.constant 0 : i32
    %sign3A_79 = arith.cmpi slt, %select_n3A, %sign3A_78 : i32
    %sign3A_80 = arith.extui %sign3A_79 : i1 to i32
    %sign3A_81 = arith.subi %sign3A_77, %sign3A_80 : i32
    %sign3A_82 = arith.constant 0 : i32
    %sign3A_83 = arith.cmpi sgt, %jit3A_75, %sign3A_82 : i32
    %sign3A_84 = arith.extui %sign3A_83 : i1 to i32
    %sign3A_85 = arith.constant 0 : i32
    %sign3A_86 = arith.cmpi slt, %jit3A_75, %sign3A_85 : i32
    %sign3A_87 = arith.extui %sign3A_86 : i1 to i32
    %sign3A_88 = arith.subi %sign3A_84, %sign3A_87 : i32
    %ne3A = arith.cmpi ne, %sign3A_81, %sign3A_88 : i32
    %rem3A = arith.remsi %select_n3A, %jit3A_75 : i32
    %ne3A_89 = arith.constant 0 : i32
    %ne3A_90 = arith.cmpi ne, %rem3A, %ne3A_89 : i32
    %and3A = arith.andi %ne3A, %ne3A_90 : i1
    %sub3A = arith.constant 1 : i32
    %sub3A_91 = arith.subi %div3A, %sub3A : i32
    %select_n3A_92 = arith.select %and3A, %sub3A_91, %div3A : i32
    %sub3A_93 = arith.constant 0 : i32
    %sub3A_94 = arith.subi %select_n3A_92, %sub3A_93 : i32
    %sub3A_95 = arith.constant 1 : i32
    %sub3A_96 = arith.constant 1 : i32
    %sub3A_97 = arith.subi %sub3A_95, %sub3A_96 : i32
    %add3A_98 = arith.addi %sub3A_94, %sub3A_97 : i32
    %div3A_99 = arith.constant 1 : i32
    %div3A_100 = arith.divsi %add3A_98, %div3A_99 : i32
    %while3A = arith.constant 1 : i32
    %while3A_101 = arith.constant 0 : i32
    %while3A_102 = arith.constant 0 : i32
    %while3A_103 = arith.subi %div3A_100, %while3A_102 : i32
    %while3A_104 = arith.addi %while3A_102, %while3A_103 : i32
    %while3A_105 = arith.constant 1 : i32
    %while3A_106 = arith.divsi %while3A_103, %while3A_105 : i32
    %while3A_107 = arith.muli %while3A_106, %while3A_105 : i32
    %while3A_108 = arith.addi %while3A_102, %while3A_107 : i32
    %while3A_109 = arith.constant 1 : i32
    scf.for %while3A_118 = %while3A_102 to %while3A_108 step %while3A_109  : i32 {
      %mul3A_119 = arith.muli %while3A_118, %while3A : i32
      %add3A_120 = arith.addi %while3A_101, %mul3A_119 : i32
      %mul3A_121 = arith.constant 2 : i32
      %mul3A_122 = arith.muli %add3A_120, %mul3A_121 : i32
      %dma_start3A = arith.constant 0 : i32
      %dma_start3A_123 = tpu.memref_slice %arg4[%mul3A_122, %dma_start3A] : memref<80x128xi32, #tpu.memory_space<vmem>> -> memref<1x128xi32, #tpu.memory_space<vmem>>
      %dma_start3A_124 = tpu.memref_squeeze %dma_start3A_123 : memref<1x128xi32, #tpu.memory_space<vmem>> -> memref<128xi32, #tpu.memory_space<vmem>>
      %dma_start3A_125 = arith.constant 0 : i32
      %dma_start3A_126 = tpu.memref_slice %arg7[%dma_start3A_125] : memref<10240xf32, #tpu.memory_space<vmem_shared>> -> memref<10240xf32, #tpu.memory_space<vmem_shared>>
      tpu.enqueue_indirect_dma source(%arg5 : memref<128xf32, #tpu.memory_space<vmem>>) target(%dma_start3A_126 : memref<10240xf32, #tpu.memory_space<vmem_shared>>) offsets(%dma_start3A_124 : memref<128xi32, #tpu.memory_space<vmem>>) semaphore(%arg8 : memref<!tpu.dma_semaphore, #tpu.memory_space<semaphore_mem>>) {add = true}
      %add3A_127 = arith.constant 1 : i32
      %add3A_128 = arith.addi %mul3A_122, %add3A_127 : i32
      %dma_start3A_129 = arith.constant 0 : i32
      %dma_start3A_130 = tpu.memref_slice %arg4[%add3A_128, %dma_start3A_129] : memref<80x128xi32, #tpu.memory_space<vmem>> -> memref<1x128xi32, #tpu.memory_space<vmem>>
      %dma_start3A_131 = tpu.memref_squeeze %dma_start3A_130 : memref<1x128xi32, #tpu.memory_space<vmem>> -> memref<128xi32, #tpu.memory_space<vmem>>
      %dma_start3A_132 = arith.constant 0 : i32
      %dma_start3A_133 = tpu.memref_slice %arg7[%dma_start3A_132] : memref<10240xf32, #tpu.memory_space<vmem_shared>> -> memref<10240xf32, #tpu.memory_space<vmem_shared>>
      tpu.enqueue_indirect_dma source(%arg5 : memref<128xf32, #tpu.memory_space<vmem>>) target(%dma_start3A_133 : memref<10240xf32, #tpu.memory_space<vmem_shared>>) offsets(%dma_start3A_131 : memref<128xi32, #tpu.memory_space<vmem>>) semaphore(%arg9 : memref<!tpu.dma_semaphore, #tpu.memory_space<semaphore_mem>>) {add = true}
      %dma_wait3A = arith.constant 0 : i32
      %dma_wait3A_134 = tpu.memref_slice %arg4[%mul3A_122, %dma_wait3A] : memref<80x128xi32, #tpu.memory_space<vmem>> -> memref<1x128xi32, #tpu.memory_space<vmem>>
      %dma_wait3A_135 = tpu.memref_squeeze %dma_wait3A_134 : memref<1x128xi32, #tpu.memory_space<vmem>> -> memref<128xi32, #tpu.memory_space<vmem>>
      %dma_wait3A_136 = arith.constant 0 : i32
      %dma_wait3A_137 = tpu.memref_slice %arg7[%dma_wait3A_136] : memref<10240xf32, #tpu.memory_space<vmem_shared>> -> memref<10240xf32, #tpu.memory_space<vmem_shared>>
      tpu.wait_indirect_dma semaphore(%arg8 : memref<!tpu.dma_semaphore, #tpu.memory_space<semaphore_mem>>) src(%arg5 : memref<128xf32, #tpu.memory_space<vmem>>) dst(%dma_wait3A_137 : memref<10240xf32, #tpu.memory_space<vmem_shared>>)
      %add3A_138 = arith.constant 1 : i32
      %add3A_139 = arith.addi %mul3A_122, %add3A_138 : i32
      %dma_wait3A_140 = arith.constant 0 : i32
      %dma_wait3A_141 = tpu.memref_slice %arg4[%add3A_139, %dma_wait3A_140] : memref<80x128xi32, #tpu.memory_space<vmem>> -> memref<1x128xi32, #tpu.memory_space<vmem>>
      %dma_wait3A_142 = tpu.memref_squeeze %dma_wait3A_141 : memref<1x128xi32, #tpu.memory_space<vmem>> -> memref<128xi32, #tpu.memory_space<vmem>>
      %dma_wait3A_143 = arith.constant 0 : i32
      %dma_wait3A_144 = tpu.memref_slice %arg7[%dma_wait3A_143] : memref<10240xf32, #tpu.memory_space<vmem_shared>> -> memref<10240xf32, #tpu.memory_space<vmem_shared>>
      tpu.wait_indirect_dma semaphore(%arg9 : memref<!tpu.dma_semaphore, #tpu.memory_space<semaphore_mem>>) src(%arg5 : memref<128xf32, #tpu.memory_space<vmem>>) dst(%dma_wait3A_144 : memref<10240xf32, #tpu.memory_space<vmem_shared>>)
    }
    %while3A_110 = arith.constant 1 : i32
    scf.for %while3A_118 = %while3A_108 to %while3A_104 step %while3A_110  : i32 {
      %mul3A_119 = arith.muli %while3A_118, %while3A : i32
      %add3A_120 = arith.addi %while3A_101, %mul3A_119 : i32
      %mul3A_121 = arith.constant 2 : i32
      %mul3A_122 = arith.muli %add3A_120, %mul3A_121 : i32
      %dma_start3A = arith.constant 0 : i32
      %dma_start3A_123 = tpu.memref_slice %arg4[%mul3A_122, %dma_start3A] : memref<80x128xi32, #tpu.memory_space<vmem>> -> memref<1x128xi32, #tpu.memory_space<vmem>>
      %dma_start3A_124 = tpu.memref_squeeze %dma_start3A_123 : memref<1x128xi32, #tpu.memory_space<vmem>> -> memref<128xi32, #tpu.memory_space<vmem>>
      %dma_start3A_125 = arith.constant 0 : i32
      %dma_start3A_126 = tpu.memref_slice %arg7[%dma_start3A_125] : memref<10240xf32, #tpu.memory_space<vmem_shared>> -> memref<10240xf32, #tpu.memory_space<vmem_shared>>
      tpu.enqueue_indirect_dma source(%arg5 : memref<128xf32, #tpu.memory_space<vmem>>) target(%dma_start3A_126 : memref<10240xf32, #tpu.memory_space<vmem_shared>>) offsets(%dma_start3A_124 : memref<128xi32, #tpu.memory_space<vmem>>) semaphore(%arg8 : memref<!tpu.dma_semaphore, #tpu.memory_space<semaphore_mem>>) {add = true}
      %add3A_127 = arith.constant 1 : i32
      %add3A_128 = arith.addi %mul3A_122, %add3A_127 : i32
      %dma_start3A_129 = arith.constant 0 : i32
      %dma_start3A_130 = tpu.memref_slice %arg4[%add3A_128, %dma_start3A_129] : memref<80x128xi32, #tpu.memory_space<vmem>> -> memref<1x128xi32, #tpu.memory_space<vmem>>
      %dma_start3A_131 = tpu.memref_squeeze %dma_start3A_130 : memref<1x128xi32, #tpu.memory_space<vmem>> -> memref<128xi32, #tpu.memory_space<vmem>>
      %dma_start3A_132 = arith.constant 0 : i32
      %dma_start3A_133 = tpu.memref_slice %arg7[%dma_start3A_132] : memref<10240xf32, #tpu.memory_space<vmem_shared>> -> memref<10240xf32, #tpu.memory_space<vmem_shared>>
      tpu.enqueue_indirect_dma source(%arg5 : memref<128xf32, #tpu.memory_space<vmem>>) target(%dma_start3A_133 : memref<10240xf32, #tpu.memory_space<vmem_shared>>) offsets(%dma_start3A_131 : memref<128xi32, #tpu.memory_space<vmem>>) semaphore(%arg9 : memref<!tpu.dma_semaphore, #tpu.memory_space<semaphore_mem>>) {add = true}
      %dma_wait3A = arith.constant 0 : i32
      %dma_wait3A_134 = tpu.memref_slice %arg4[%mul3A_122, %dma_wait3A] : memref<80x128xi32, #tpu.memory_space<vmem>> -> memref<1x128xi32, #tpu.memory_space<vmem>>
      %dma_wait3A_135 = tpu.memref_squeeze %dma_wait3A_134 : memref<1x128xi32, #tpu.memory_space<vmem>> -> memref<128xi32, #tpu.memory_space<vmem>>
      %dma_wait3A_136 = arith.constant 0 : i32
      %dma_wait3A_137 = tpu.memref_slice %arg7[%dma_wait3A_136] : memref<10240xf32, #tpu.memory_space<vmem_shared>> -> memref<10240xf32, #tpu.memory_space<vmem_shared>>
      tpu.wait_indirect_dma semaphore(%arg8 : memref<!tpu.dma_semaphore, #tpu.memory_space<semaphore_mem>>) src(%arg5 : memref<128xf32, #tpu.memory_space<vmem>>) dst(%dma_wait3A_137 : memref<10240xf32, #tpu.memory_space<vmem_shared>>)
      %add3A_138 = arith.constant 1 : i32
      %add3A_139 = arith.addi %mul3A_122, %add3A_138 : i32
      %dma_wait3A_140 = arith.constant 0 : i32
      %dma_wait3A_141 = tpu.memref_slice %arg4[%add3A_139, %dma_wait3A_140] : memref<80x128xi32, #tpu.memory_space<vmem>> -> memref<1x128xi32, #tpu.memory_space<vmem>>
      %dma_wait3A_142 = tpu.memref_squeeze %dma_wait3A_141 : memref<1x128xi32, #tpu.memory_space<vmem>> -> memref<128xi32, #tpu.memory_space<vmem>>
      %dma_wait3A_143 = arith.constant 0 : i32
      %dma_wait3A_144 = tpu.memref_slice %arg7[%dma_wait3A_143] : memref<10240xf32, #tpu.memory_space<vmem_shared>> -> memref<10240xf32, #tpu.memory_space<vmem_shared>>
      tpu.wait_indirect_dma semaphore(%arg9 : memref<!tpu.dma_semaphore, #tpu.memory_space<semaphore_mem>>) src(%arg5 : memref<128xf32, #tpu.memory_space<vmem>>) dst(%dma_wait3A_144 : memref<10240xf32, #tpu.memory_space<vmem_shared>>)
    }
    %barrier3A_111 = arith.constant 0 : index
    tpu.barrier barrier_id(%barrier3A_111)
    %mul3A_112 = arith.constant 640 : i32
    %mul3A_113 = arith.muli %arg1, %mul3A_112 : i32
    %multiple_of3A_114 = tpu.assume_multiple %mul3A_113, 8 : i32
    "tpu.region"() ({
      %run_scoped3A = tpu.sem_alloc : memref<!tpu.dma_semaphore, #tpu.memory_space<semaphore_mem>>
      %dma_start3A = tpu.memref_slice %arg7[%multiple_of3A_114] : memref<10240xf32, #tpu.memory_space<vmem_shared>> -> memref<640xf32, #tpu.memory_space<vmem_shared>>
      %dma_start3A_118 = tpu.memref_slice %arg7[%multiple_of3A_114] : memref<10240xf32, #tpu.memory_space<vmem_shared>> -> memref<640xf32, #tpu.memory_space<vmem_shared>>
      tpu.enqueue_dma source(%dma_start3A_118 : memref<640xf32, #tpu.memory_space<vmem_shared>>) target(%arg6 : memref<640xf32, #tpu.memory_space<vmem>>) target_semaphore(%run_scoped3A : memref<!tpu.dma_semaphore, #tpu.memory_space<semaphore_mem>>)
      %dma_wait3A = tpu.memref_slice %arg7[%multiple_of3A_114] : memref<10240xf32, #tpu.memory_space<vmem_shared>> -> memref<640xf32, #tpu.memory_space<vmem_shared>>
      %dma_wait3A_119 = tpu.memref_slice %arg7[%multiple_of3A_114] : memref<10240xf32, #tpu.memory_space<vmem_shared>> -> memref<640xf32, #tpu.memory_space<vmem_shared>>
      tpu.wait_dma2 semaphore(%run_scoped3A : memref<!tpu.dma_semaphore, #tpu.memory_space<semaphore_mem>>) src(%dma_wait3A_119 : memref<640xf32, #tpu.memory_space<vmem_shared>>) dst(%arg6 : memref<640xf32, #tpu.memory_space<vmem>>)
      tpu.yield
    }) : () -> ()
    %mul3A_115 = arith.constant 640 : i32
    %mul3A_116 = arith.muli %arg1, %mul3A_115 : i32
    %multiple_of3A_117 = tpu.assume_multiple %mul3A_116, 8 : i32
    "tpu.region"() ({
      %run_scoped3A = tpu.sem_alloc : memref<!tpu.dma_semaphore, #tpu.memory_space<semaphore_mem>>
      %dma_start3A = tpu.memref_slice %arg3[%arg0, %multiple_of3A_117] : memref<2x10240xf32, #tpu.memory_space<hbm>> -> memref<1x640xf32, #tpu.memory_space<hbm>>
      %dma_start3A_118 = tpu.memref_squeeze %dma_start3A : memref<1x640xf32, #tpu.memory_space<hbm>> -> memref<640xf32, #tpu.memory_space<hbm>>
      %dma_start3A_119 = tpu.memref_slice %arg3[%arg0, %multiple_of3A_117] : memref<2x10240xf32, #tpu.memory_space<hbm>> -> memref<1x640xf32, #tpu.memory_space<hbm>>
      %dma_start3A_120 = tpu.memref_squeeze %dma_start3A_119 : memref<1x640xf32, #tpu.memory_space<hbm>> -> memref<640xf32, #tpu.memory_space<hbm>>
      tpu.enqueue_dma source(%arg6 : memref<640xf32, #tpu.memory_space<vmem>>) target(%dma_start3A_120 : memref<640xf32, #tpu.memory_space<hbm>>) target_semaphore(%run_scoped3A : memref<!tpu.dma_semaphore, #tpu.memory_space<semaphore_mem>>)
      %dma_wait3A = tpu.memref_slice %arg3[%arg0, %multiple_of3A_117] : memref<2x10240xf32, #tpu.memory_space<hbm>> -> memref<1x640xf32, #tpu.memory_space<hbm>>
      %dma_wait3A_121 = tpu.memref_squeeze %dma_wait3A : memref<1x640xf32, #tpu.memory_space<hbm>> -> memref<640xf32, #tpu.memory_space<hbm>>
      %dma_wait3A_122 = tpu.memref_slice %arg3[%arg0, %multiple_of3A_117] : memref<2x10240xf32, #tpu.memory_space<hbm>> -> memref<1x640xf32, #tpu.memory_space<hbm>>
      %dma_wait3A_123 = tpu.memref_squeeze %dma_wait3A_122 : memref<1x640xf32, #tpu.memory_space<hbm>> -> memref<640xf32, #tpu.memory_space<hbm>>
      tpu.wait_dma2 semaphore(%run_scoped3A : memref<!tpu.dma_semaphore, #tpu.memory_space<semaphore_mem>>) src(%arg6 : memref<640xf32, #tpu.memory_space<vmem>>) dst(%dma_wait3A_123 : memref<640xf32, #tpu.memory_space<hbm>>)
      tpu.yield
    }) : () -> ()
    return
  }
}

#map = affine_map<(d0, d1) -> (0, 0)>
#map1 = affine_map<(d0, d1) -> (0, 0, 0)>
module attributes {stable_mosaic.version = 14 : i64} {
  func.func @_spmm_body(%arg0: i32, %arg1: i32, %arg2: memref<10240x128xf32, #tpu.memory_space<hbm>>, %arg3: memref<2x2500x128xi32, #tpu.memory_space<hbm>>, %arg4: memref<2x10240x128xf32, #tpu.memory_space<hbm>>, %arg5: memref<128xi32, #tpu.memory_space<vmem>>, %arg6: memref<128xi32, #tpu.memory_space<vmem>>, %arg7: memref<80x128xi32, #tpu.memory_space<vmem>>, %arg8: memref<128x128xf32, #tpu.memory_space<vmem>>, %arg9: memref<128x128xf32, #tpu.memory_space<vmem>>, %arg10: memref<10240x128xf32, #tpu.memory_space<vmem_shared>>, %arg11: memref<!tpu.dma_semaphore, #tpu.memory_space<semaphore_mem>>, %arg12: memref<!tpu.dma_semaphore, #tpu.memory_space<semaphore_mem>>, %arg13: memref<!tpu.dma_semaphore, #tpu.memory_space<semaphore_mem>>, %arg14: memref<!tpu.dma_semaphore, #tpu.memory_space<semaphore_mem>>, %arg15: memref<!tpu.dma_semaphore, #tpu.memory_space<semaphore_mem>>) attributes {dimension_semantics = [#tpu.dimension_semantics<core_parallel>, #tpu.dimension_semantics<subcore_parallel>], iteration_bounds = array<i64: 2, 16>, scalar_prefetch = 0 : i64, scratch_operands = 11 : i64, tpu.core_type = #tpu.core_type<sc_vector_subcore>, window_params = [{transform_indices = #map}, {transform_indices = #map1}, {transform_indices = #map1}]} {
    %mul3A = arith.constant 2 : i32
    %mul3A_0 = arith.muli %arg1, %mul3A : i32
    %add3A = arith.addi %mul3A_0, %arg0 : i32
    %mul3A_1 = arith.constant 80 : i32
    %mul3A_2 = arith.muli %add3A, %mul3A_1 : i32
    %min3A = arith.constant 2480 : i32
    %min3A_3 = arith.minsi %mul3A_2, %min3A : i32
    %eq3A = arith.constant 31 : i32
    %eq3A_4 = arith.cmpi eq, %add3A, %eq3A : i32
    %jit3A = arith.constant 10 : i32
    %jit3A_5 = arith.constant 40 : i32
    %select_n3A = arith.select %eq3A_4, %jit3A, %jit3A_5 : i32
    %lt3A = arith.constant 31 : i32
    %lt3A_6 = arith.cmpi slt, %add3A, %lt3A : i32
    %convert_element_type3A = arith.extui %lt3A_6 : i1 to i32
    %cond3A = arith.constant 0 : i32
    %cond3A_7 = arith.cmpi ne, %convert_element_type3A, %cond3A : i32
    scf.if %cond3A_7 {
      %mul3A_280 = arith.constant 80 : i32
      %mul3A_281 = arith.muli %add3A, %mul3A_280 : i32
      %multiple_of3A_282 = tpu.assume_multiple %mul3A_281, 8 : i32
      %dma_start3A_283 = arith.constant 1 : i32
      %dma_start3A_284 = arith.constant 0 : i32
      %dma_start3A_285 = tpu.memref_slice %arg3[%dma_start3A_283, %multiple_of3A_282, %dma_start3A_284] : memref<2x2500x128xi32, #tpu.memory_space<hbm>> -> memref<1x80x128xi32, #tpu.memory_space<hbm>>
      %dma_start3A_286 = tpu.memref_squeeze %dma_start3A_285 : memref<1x80x128xi32, #tpu.memory_space<hbm>> -> memref<80x128xi32, #tpu.memory_space<hbm>>
      %dma_start3A_287 = arith.constant 0 : i32
      %dma_start3A_288 = tpu.memref_slice %arg3[%dma_start3A_283, %multiple_of3A_282, %dma_start3A_287] : memref<2x2500x128xi32, #tpu.memory_space<hbm>> -> memref<1x80x128xi32, #tpu.memory_space<hbm>>
      %dma_start3A_289 = tpu.memref_squeeze %dma_start3A_288 : memref<1x80x128xi32, #tpu.memory_space<hbm>> -> memref<80x128xi32, #tpu.memory_space<hbm>>
      tpu.enqueue_dma source(%dma_start3A_289 : memref<80x128xi32, #tpu.memory_space<hbm>>) target(%arg7 : memref<80x128xi32, #tpu.memory_space<vmem>>) target_semaphore(%arg15 : memref<!tpu.dma_semaphore, #tpu.memory_space<semaphore_mem>>)
    } else {
    }
    %eq3A_8 = arith.constant 31 : i32
    %eq3A_9 = arith.cmpi eq, %add3A, %eq3A_8 : i32
    %convert_element_type3A_10 = arith.extui %eq3A_9 : i1 to i32
    %cond3A_11 = arith.constant 0 : i32
    %cond3A_12 = arith.cmpi ne, %convert_element_type3A_10, %cond3A_11 : i32
    scf.if %cond3A_12 {
      %dma_start3A_280 = arith.constant 1 : i32
      %dma_start3A_281 = arith.constant 0 : i32
      %dma_start3A_282 = arith.constant 0 : i32
      %dma_start3A_283 = tpu.memref_slice %arg7[%dma_start3A_281, %dma_start3A_282] : memref<80x128xi32, #tpu.memory_space<vmem>> -> memref<16x128xi32, #tpu.memory_space<vmem>>
      %dma_start3A_284 = arith.constant 2480 : i32
      %dma_start3A_285 = arith.constant 0 : i32
      %dma_start3A_286 = tpu.memref_slice %arg3[%dma_start3A_280, %dma_start3A_284, %dma_start3A_285] : memref<2x2500x128xi32, #tpu.memory_space<hbm>> -> memref<1x16x128xi32, #tpu.memory_space<hbm>>
      %dma_start3A_287 = tpu.memref_squeeze %dma_start3A_286 : memref<1x16x128xi32, #tpu.memory_space<hbm>> -> memref<16x128xi32, #tpu.memory_space<hbm>>
      %dma_start3A_288 = arith.constant 0 : i32
      %dma_start3A_289 = arith.constant 0 : i32
      %dma_start3A_290 = tpu.memref_slice %arg7[%dma_start3A_288, %dma_start3A_289] : memref<80x128xi32, #tpu.memory_space<vmem>> -> memref<16x128xi32, #tpu.memory_space<vmem>>
      %dma_start3A_291 = arith.constant 2480 : i32
      %dma_start3A_292 = arith.constant 0 : i32
      %dma_start3A_293 = tpu.memref_slice %arg3[%dma_start3A_280, %dma_start3A_291, %dma_start3A_292] : memref<2x2500x128xi32, #tpu.memory_space<hbm>> -> memref<1x16x128xi32, #tpu.memory_space<hbm>>
      %dma_start3A_294 = tpu.memref_squeeze %dma_start3A_293 : memref<1x16x128xi32, #tpu.memory_space<hbm>> -> memref<16x128xi32, #tpu.memory_space<hbm>>
      tpu.enqueue_dma source(%dma_start3A_294 : memref<16x128xi32, #tpu.memory_space<hbm>>) target(%dma_start3A_290 : memref<16x128xi32, #tpu.memory_space<vmem>>) target_semaphore(%arg15 : memref<!tpu.dma_semaphore, #tpu.memory_space<semaphore_mem>>)
      %dma_start3A_295 = arith.constant 1 : i32
      %dma_start3A_296 = arith.constant 2496 : i32
      %dma_start3A_297 = arith.constant 16 : i32
      %dma_start3A_298 = arith.constant 0 : i32
      %dma_start3A_299 = tpu.memref_slice %arg7[%dma_start3A_297, %dma_start3A_298] : memref<80x128xi32, #tpu.memory_space<vmem>> -> memref<1x128xi32, #tpu.memory_space<vmem>>
      %dma_start3A_300 = tpu.memref_squeeze %dma_start3A_299 : memref<1x128xi32, #tpu.memory_space<vmem>> -> memref<128xi32, #tpu.memory_space<vmem>>
      %dma_start3A_301 = arith.constant 0 : i32
      %dma_start3A_302 = tpu.memref_slice %arg3[%dma_start3A_295, %dma_start3A_296, %dma_start3A_301] : memref<2x2500x128xi32, #tpu.memory_space<hbm>> -> memref<1x1x128xi32, #tpu.memory_space<hbm>>
      %dma_start3A_303 = tpu.memref_squeeze %dma_start3A_302 : memref<1x1x128xi32, #tpu.memory_space<hbm>> -> memref<128xi32, #tpu.memory_space<hbm>>
      %dma_start3A_304 = arith.constant 0 : i32
      %dma_start3A_305 = tpu.memref_slice %arg7[%dma_start3A_297, %dma_start3A_304] : memref<80x128xi32, #tpu.memory_space<vmem>> -> memref<1x128xi32, #tpu.memory_space<vmem>>
      %dma_start3A_306 = tpu.memref_squeeze %dma_start3A_305 : memref<1x128xi32, #tpu.memory_space<vmem>> -> memref<128xi32, #tpu.memory_space<vmem>>
      %dma_start3A_307 = arith.constant 0 : i32
      %dma_start3A_308 = tpu.memref_slice %arg3[%dma_start3A_295, %dma_start3A_296, %dma_start3A_307] : memref<2x2500x128xi32, #tpu.memory_space<hbm>> -> memref<1x1x128xi32, #tpu.memory_space<hbm>>
      %dma_start3A_309 = tpu.memref_squeeze %dma_start3A_308 : memref<1x1x128xi32, #tpu.memory_space<hbm>> -> memref<128xi32, #tpu.memory_space<hbm>>
      tpu.enqueue_dma source(%dma_start3A_309 : memref<128xi32, #tpu.memory_space<hbm>>) target(%dma_start3A_306 : memref<128xi32, #tpu.memory_space<vmem>>) target_semaphore(%arg15 : memref<!tpu.dma_semaphore, #tpu.memory_space<semaphore_mem>>)
      %dma_start3A_310 = arith.constant 1 : i32
      %dma_start3A_311 = arith.constant 2497 : i32
      %dma_start3A_312 = arith.constant 17 : i32
      %dma_start3A_313 = arith.constant 0 : i32
      %dma_start3A_314 = tpu.memref_slice %arg7[%dma_start3A_312, %dma_start3A_313] : memref<80x128xi32, #tpu.memory_space<vmem>> -> memref<1x128xi32, #tpu.memory_space<vmem>>
      %dma_start3A_315 = tpu.memref_squeeze %dma_start3A_314 : memref<1x128xi32, #tpu.memory_space<vmem>> -> memref<128xi32, #tpu.memory_space<vmem>>
      %dma_start3A_316 = arith.constant 0 : i32
      %dma_start3A_317 = tpu.memref_slice %arg3[%dma_start3A_310, %dma_start3A_311, %dma_start3A_316] : memref<2x2500x128xi32, #tpu.memory_space<hbm>> -> memref<1x1x128xi32, #tpu.memory_space<hbm>>
      %dma_start3A_318 = tpu.memref_squeeze %dma_start3A_317 : memref<1x1x128xi32, #tpu.memory_space<hbm>> -> memref<128xi32, #tpu.memory_space<hbm>>
      %dma_start3A_319 = arith.constant 0 : i32
      %dma_start3A_320 = tpu.memref_slice %arg7[%dma_start3A_312, %dma_start3A_319] : memref<80x128xi32, #tpu.memory_space<vmem>> -> memref<1x128xi32, #tpu.memory_space<vmem>>
      %dma_start3A_321 = tpu.memref_squeeze %dma_start3A_320 : memref<1x128xi32, #tpu.memory_space<vmem>> -> memref<128xi32, #tpu.memory_space<vmem>>
      %dma_start3A_322 = arith.constant 0 : i32
      %dma_start3A_323 = tpu.memref_slice %arg3[%dma_start3A_310, %dma_start3A_311, %dma_start3A_322] : memref<2x2500x128xi32, #tpu.memory_space<hbm>> -> memref<1x1x128xi32, #tpu.memory_space<hbm>>
      %dma_start3A_324 = tpu.memref_squeeze %dma_start3A_323 : memref<1x1x128xi32, #tpu.memory_space<hbm>> -> memref<128xi32, #tpu.memory_space<hbm>>
      tpu.enqueue_dma source(%dma_start3A_324 : memref<128xi32, #tpu.memory_space<hbm>>) target(%dma_start3A_321 : memref<128xi32, #tpu.memory_space<vmem>>) target_semaphore(%arg15 : memref<!tpu.dma_semaphore, #tpu.memory_space<semaphore_mem>>)
      %dma_start3A_325 = arith.constant 1 : i32
      %dma_start3A_326 = arith.constant 2498 : i32
      %dma_start3A_327 = arith.constant 18 : i32
      %dma_start3A_328 = arith.constant 0 : i32
      %dma_start3A_329 = tpu.memref_slice %arg7[%dma_start3A_327, %dma_start3A_328] : memref<80x128xi32, #tpu.memory_space<vmem>> -> memref<1x128xi32, #tpu.memory_space<vmem>>
      %dma_start3A_330 = tpu.memref_squeeze %dma_start3A_329 : memref<1x128xi32, #tpu.memory_space<vmem>> -> memref<128xi32, #tpu.memory_space<vmem>>
      %dma_start3A_331 = arith.constant 0 : i32
      %dma_start3A_332 = tpu.memref_slice %arg3[%dma_start3A_325, %dma_start3A_326, %dma_start3A_331] : memref<2x2500x128xi32, #tpu.memory_space<hbm>> -> memref<1x1x128xi32, #tpu.memory_space<hbm>>
      %dma_start3A_333 = tpu.memref_squeeze %dma_start3A_332 : memref<1x1x128xi32, #tpu.memory_space<hbm>> -> memref<128xi32, #tpu.memory_space<hbm>>
      %dma_start3A_334 = arith.constant 0 : i32
      %dma_start3A_335 = tpu.memref_slice %arg7[%dma_start3A_327, %dma_start3A_334] : memref<80x128xi32, #tpu.memory_space<vmem>> -> memref<1x128xi32, #tpu.memory_space<vmem>>
      %dma_start3A_336 = tpu.memref_squeeze %dma_start3A_335 : memref<1x128xi32, #tpu.memory_space<vmem>> -> memref<128xi32, #tpu.memory_space<vmem>>
      %dma_start3A_337 = arith.constant 0 : i32
      %dma_start3A_338 = tpu.memref_slice %arg3[%dma_start3A_325, %dma_start3A_326, %dma_start3A_337] : memref<2x2500x128xi32, #tpu.memory_space<hbm>> -> memref<1x1x128xi32, #tpu.memory_space<hbm>>
      %dma_start3A_339 = tpu.memref_squeeze %dma_start3A_338 : memref<1x1x128xi32, #tpu.memory_space<hbm>> -> memref<128xi32, #tpu.memory_space<hbm>>
      tpu.enqueue_dma source(%dma_start3A_339 : memref<128xi32, #tpu.memory_space<hbm>>) target(%dma_start3A_336 : memref<128xi32, #tpu.memory_space<vmem>>) target_semaphore(%arg15 : memref<!tpu.dma_semaphore, #tpu.memory_space<semaphore_mem>>)
      %dma_start3A_340 = arith.constant 1 : i32
      %dma_start3A_341 = arith.constant 2499 : i32
      %dma_start3A_342 = arith.constant 19 : i32
      %dma_start3A_343 = arith.constant 0 : i32
      %dma_start3A_344 = tpu.memref_slice %arg7[%dma_start3A_342, %dma_start3A_343] : memref<80x128xi32, #tpu.memory_space<vmem>> -> memref<1x128xi32, #tpu.memory_space<vmem>>
      %dma_start3A_345 = tpu.memref_squeeze %dma_start3A_344 : memref<1x128xi32, #tpu.memory_space<vmem>> -> memref<128xi32, #tpu.memory_space<vmem>>
      %dma_start3A_346 = arith.constant 0 : i32
      %dma_start3A_347 = tpu.memref_slice %arg3[%dma_start3A_340, %dma_start3A_341, %dma_start3A_346] : memref<2x2500x128xi32, #tpu.memory_space<hbm>> -> memref<1x1x128xi32, #tpu.memory_space<hbm>>
      %dma_start3A_348 = tpu.memref_squeeze %dma_start3A_347 : memref<1x1x128xi32, #tpu.memory_space<hbm>> -> memref<128xi32, #tpu.memory_space<hbm>>
      %dma_start3A_349 = arith.constant 0 : i32
      %dma_start3A_350 = tpu.memref_slice %arg7[%dma_start3A_342, %dma_start3A_349] : memref<80x128xi32, #tpu.memory_space<vmem>> -> memref<1x128xi32, #tpu.memory_space<vmem>>
      %dma_start3A_351 = tpu.memref_squeeze %dma_start3A_350 : memref<1x128xi32, #tpu.memory_space<vmem>> -> memref<128xi32, #tpu.memory_space<vmem>>
      %dma_start3A_352 = arith.constant 0 : i32
      %dma_start3A_353 = tpu.memref_slice %arg3[%dma_start3A_340, %dma_start3A_341, %dma_start3A_352] : memref<2x2500x128xi32, #tpu.memory_space<hbm>> -> memref<1x1x128xi32, #tpu.memory_space<hbm>>
      %dma_start3A_354 = tpu.memref_squeeze %dma_start3A_353 : memref<1x1x128xi32, #tpu.memory_space<hbm>> -> memref<128xi32, #tpu.memory_space<hbm>>
      tpu.enqueue_dma source(%dma_start3A_354 : memref<128xi32, #tpu.memory_space<hbm>>) target(%dma_start3A_351 : memref<128xi32, #tpu.memory_space<vmem>>) target_semaphore(%arg15 : memref<!tpu.dma_semaphore, #tpu.memory_space<semaphore_mem>>)
    } else {
    }
    %run_scoped3A = arith.constant 0 : i32
    "tpu.region"() ({
      %run_scoped3A_280 = tpu.sem_alloc : memref<!tpu.dma_semaphore, #tpu.memory_space<semaphore_mem>>
      %dma_start3A_281 = arith.constant 0 : i32
      %dma_start3A_282 = tpu.memref_slice %arg3[%run_scoped3A, %min3A_3, %dma_start3A_281] : memref<2x2500x128xi32, #tpu.memory_space<hbm>> -> memref<1x1x128xi32, #tpu.memory_space<hbm>>
      %dma_start3A_283 = tpu.memref_squeeze %dma_start3A_282 : memref<1x1x128xi32, #tpu.memory_space<hbm>> -> memref<128xi32, #tpu.memory_space<hbm>>
      %dma_start3A_284 = arith.constant 0 : i32
      %dma_start3A_285 = tpu.memref_slice %arg3[%run_scoped3A, %min3A_3, %dma_start3A_284] : memref<2x2500x128xi32, #tpu.memory_space<hbm>> -> memref<1x1x128xi32, #tpu.memory_space<hbm>>
      %dma_start3A_286 = tpu.memref_squeeze %dma_start3A_285 : memref<1x1x128xi32, #tpu.memory_space<hbm>> -> memref<128xi32, #tpu.memory_space<hbm>>
      tpu.enqueue_dma source(%dma_start3A_286 : memref<128xi32, #tpu.memory_space<hbm>>) target(%arg5 : memref<128xi32, #tpu.memory_space<vmem>>) target_semaphore(%run_scoped3A_280 : memref<!tpu.dma_semaphore, #tpu.memory_space<semaphore_mem>>)
      %dma_wait3A_287 = arith.constant 0 : i32
      %dma_wait3A_288 = tpu.memref_slice %arg3[%run_scoped3A, %min3A_3, %dma_wait3A_287] : memref<2x2500x128xi32, #tpu.memory_space<hbm>> -> memref<1x1x128xi32, #tpu.memory_space<hbm>>
      %dma_wait3A_289 = tpu.memref_squeeze %dma_wait3A_288 : memref<1x1x128xi32, #tpu.memory_space<hbm>> -> memref<128xi32, #tpu.memory_space<hbm>>
      %dma_wait3A_290 = arith.constant 0 : i32
      %dma_wait3A_291 = tpu.memref_slice %arg3[%run_scoped3A, %min3A_3, %dma_wait3A_290] : memref<2x2500x128xi32, #tpu.memory_space<hbm>> -> memref<1x1x128xi32, #tpu.memory_space<hbm>>
      %dma_wait3A_292 = tpu.memref_squeeze %dma_wait3A_291 : memref<1x1x128xi32, #tpu.memory_space<hbm>> -> memref<128xi32, #tpu.memory_space<hbm>>
      tpu.wait_dma2 semaphore(%run_scoped3A_280 : memref<!tpu.dma_semaphore, #tpu.memory_space<semaphore_mem>>) src(%dma_wait3A_292 : memref<128xi32, #tpu.memory_space<hbm>>) dst(%arg5 : memref<128xi32, #tpu.memory_space<vmem>>)
      tpu.yield
    }) : () -> ()
    %dma_start3A = arith.constant 0 : i32
    %dma_start3A_13 = arith.constant 0 : i32
    %dma_start3A_14 = tpu.memref_slice %arg2[%dma_start3A, %dma_start3A_13] : memref<10240x128xf32, #tpu.memory_space<hbm>> -> memref<10240x128xf32, #tpu.memory_space<hbm>>
    tpu.enqueue_indirect_dma source(%dma_start3A_14 : memref<10240x128xf32, #tpu.memory_space<hbm>>) target(%arg8 : memref<128x128xf32, #tpu.memory_space<vmem>>) offsets(%arg5 : memref<128xi32, #tpu.memory_space<vmem>>) semaphore(%arg11 : memref<!tpu.dma_semaphore, #tpu.memory_space<semaphore_mem>>)
    %broadcast_in_dim3A = arith.constant 0.000000e+00 : f32
    %broadcast_in_dim3A_15 = vector.broadcast %broadcast_in_dim3A : f32 to vector<16xf32>
    %scan3A = arith.constant 0 : i32
    %scan3A_16 = arith.constant 128 : i32
    %scan3A_17 = arith.addi %scan3A, %scan3A_16 : i32
    %scan3A_18 = arith.constant 1 : i32
    scf.for %scan3A_280 = %scan3A to %scan3A_17 step %scan3A_18  : i32 {
      %mul3A_281 = arith.constant 1 : i32
      %mul3A_282 = arith.muli %scan3A_280, %mul3A_281 : i32
      %add3A_283 = arith.constant 0 : i32
      %add3A_284 = arith.addi %add3A_283, %mul3A_282 : i32
      %swap3A = arith.index_cast %add3A_284 : i32 to index
      %swap3A_285 = arith.constant 0 : index
      %swap3A_286 = tpu.vector_load %arg9[%swap3A, %swap3A_285] {strides = array<i32>} : memref<128x128xf32, #tpu.memory_space<vmem>>, vector<1x16xf32>,
      %swap3A_287 = vector.shape_cast %swap3A_286 : vector<1x16xf32> to vector<16xf32>
      %swap3A_288 = vector.shape_cast %broadcast_in_dim3A_15 : vector<16xf32> to vector<1x16xf32>
      tpu.vector_store %arg9[%swap3A, %swap3A_285], %swap3A_288 {strides = array<i32>} : memref<128x128xf32, #tpu.memory_space<vmem>>, vector<1x16xf32>,
      %swap3A_289 = arith.index_cast %add3A_284 : i32 to index
      %swap3A_290 = arith.constant 16 : index
      %swap3A_291 = tpu.vector_load %arg9[%swap3A_289, %swap3A_290] {strides = array<i32>} : memref<128x128xf32, #tpu.memory_space<vmem>>, vector<1x16xf32>,
      %swap3A_292 = vector.shape_cast %swap3A_291 : vector<1x16xf32> to vector<16xf32>
      %swap3A_293 = vector.shape_cast %broadcast_in_dim3A_15 : vector<16xf32> to vector<1x16xf32>
      tpu.vector_store %arg9[%swap3A_289, %swap3A_290], %swap3A_293 {strides = array<i32>} : memref<128x128xf32, #tpu.memory_space<vmem>>, vector<1x16xf32>,
      %swap3A_294 = arith.index_cast %add3A_284 : i32 to index
      %swap3A_295 = arith.constant 32 : index
      %swap3A_296 = tpu.vector_load %arg9[%swap3A_294, %swap3A_295] {strides = array<i32>} : memref<128x128xf32, #tpu.memory_space<vmem>>, vector<1x16xf32>,
      %swap3A_297 = vector.shape_cast %swap3A_296 : vector<1x16xf32> to vector<16xf32>
      %swap3A_298 = vector.shape_cast %broadcast_in_dim3A_15 : vector<16xf32> to vector<1x16xf32>
      tpu.vector_store %arg9[%swap3A_294, %swap3A_295], %swap3A_298 {strides = array<i32>} : memref<128x128xf32, #tpu.memory_space<vmem>>, vector<1x16xf32>,
      %swap3A_299 = arith.index_cast %add3A_284 : i32 to index
      %swap3A_300 = arith.constant 48 : index
      %swap3A_301 = tpu.vector_load %arg9[%swap3A_299, %swap3A_300] {strides = array<i32>} : memref<128x128xf32, #tpu.memory_space<vmem>>, vector<1x16xf32>,
      %swap3A_302 = vector.shape_cast %swap3A_301 : vector<1x16xf32> to vector<16xf32>
      %swap3A_303 = vector.shape_cast %broadcast_in_dim3A_15 : vector<16xf32> to vector<1x16xf32>
      tpu.vector_store %arg9[%swap3A_299, %swap3A_300], %swap3A_303 {strides = array<i32>} : memref<128x128xf32, #tpu.memory_space<vmem>>, vector<1x16xf32>,
      %swap3A_304 = arith.index_cast %add3A_284 : i32 to index
      %swap3A_305 = arith.constant 64 : index
      %swap3A_306 = tpu.vector_load %arg9[%swap3A_304, %swap3A_305] {strides = array<i32>} : memref<128x128xf32, #tpu.memory_space<vmem>>, vector<1x16xf32>,
      %swap3A_307 = vector.shape_cast %swap3A_306 : vector<1x16xf32> to vector<16xf32>
      %swap3A_308 = vector.shape_cast %broadcast_in_dim3A_15 : vector<16xf32> to vector<1x16xf32>
      tpu.vector_store %arg9[%swap3A_304, %swap3A_305], %swap3A_308 {strides = array<i32>} : memref<128x128xf32, #tpu.memory_space<vmem>>, vector<1x16xf32>,
      %swap3A_309 = arith.index_cast %add3A_284 : i32 to index
      %swap3A_310 = arith.constant 80 : index
      %swap3A_311 = tpu.vector_load %arg9[%swap3A_309, %swap3A_310] {strides = array<i32>} : memref<128x128xf32, #tpu.memory_space<vmem>>, vector<1x16xf32>,
      %swap3A_312 = vector.shape_cast %swap3A_311 : vector<1x16xf32> to vector<16xf32>
      %swap3A_313 = vector.shape_cast %broadcast_in_dim3A_15 : vector<16xf32> to vector<1x16xf32>
      tpu.vector_store %arg9[%swap3A_309, %swap3A_310], %swap3A_313 {strides = array<i32>} : memref<128x128xf32, #tpu.memory_space<vmem>>, vector<1x16xf32>,
      %swap3A_314 = arith.index_cast %add3A_284 : i32 to index
      %swap3A_315 = arith.constant 96 : index
      %swap3A_316 = tpu.vector_load %arg9[%swap3A_314, %swap3A_315] {strides = array<i32>} : memref<128x128xf32, #tpu.memory_space<vmem>>, vector<1x16xf32>,
      %swap3A_317 = vector.shape_cast %swap3A_316 : vector<1x16xf32> to vector<16xf32>
      %swap3A_318 = vector.shape_cast %broadcast_in_dim3A_15 : vector<16xf32> to vector<1x16xf32>
      tpu.vector_store %arg9[%swap3A_314, %swap3A_315], %swap3A_318 {strides = array<i32>} : memref<128x128xf32, #tpu.memory_space<vmem>>, vector<1x16xf32>,
      %swap3A_319 = arith.index_cast %add3A_284 : i32 to index
      %swap3A_320 = arith.constant 112 : index
      %swap3A_321 = tpu.vector_load %arg9[%swap3A_319, %swap3A_320] {strides = array<i32>} : memref<128x128xf32, #tpu.memory_space<vmem>>, vector<1x16xf32>,
      %swap3A_322 = vector.shape_cast %swap3A_321 : vector<1x16xf32> to vector<16xf32>
      %swap3A_323 = vector.shape_cast %broadcast_in_dim3A_15 : vector<16xf32> to vector<1x16xf32>
      tpu.vector_store %arg9[%swap3A_319, %swap3A_320], %swap3A_323 {strides = array<i32>} : memref<128x128xf32, #tpu.memory_space<vmem>>, vector<1x16xf32>,
    }
    %scan3A_19 = arith.constant 128 : i32
    %mul3A_20 = arith.constant 640 : i32
    %mul3A_21 = arith.muli %arg1, %mul3A_20 : i32
    %add3A_22 = arith.constant 0 : i32
    %add3A_23 = arith.addi %mul3A_21, %add3A_22 : i32
    %multiple_of3A = tpu.assume_multiple %add3A_23, 8 : i32
    %dma_start3A_24 = arith.constant 0 : i32
    %dma_start3A_25 = tpu.memref_slice %arg10[%multiple_of3A, %dma_start3A_24] : memref<10240x128xf32, #tpu.memory_space<vmem_shared>> -> memref<128x128xf32, #tpu.memory_space<vmem_shared>>
    %dma_start3A_26 = arith.constant 0 : i32
    %dma_start3A_27 = tpu.memref_slice %arg10[%multiple_of3A, %dma_start3A_26] : memref<10240x128xf32, #tpu.memory_space<vmem_shared>> -> memref<128x128xf32, #tpu.memory_space<vmem_shared>>
    tpu.enqueue_dma source(%arg9 : memref<128x128xf32, #tpu.memory_space<vmem>>) target(%dma_start3A_27 : memref<128x128xf32, #tpu.memory_space<vmem_shared>>) target_semaphore(%arg14 : memref<!tpu.dma_semaphore, #tpu.memory_space<semaphore_mem>>)
    %mul3A_28 = arith.constant 640 : i32
    %mul3A_29 = arith.muli %arg1, %mul3A_28 : i32
    %add3A_30 = arith.constant 128 : i32
    %add3A_31 = arith.addi %mul3A_29, %add3A_30 : i32
    %multiple_of3A_32 = tpu.assume_multiple %add3A_31, 8 : i32
    %dma_start3A_33 = arith.constant 0 : i32
    %dma_start3A_34 = tpu.memref_slice %arg10[%multiple_of3A_32, %dma_start3A_33] : memref<10240x128xf32, #tpu.memory_space<vmem_shared>> -> memref<128x128xf32, #tpu.memory_space<vmem_shared>>
    %dma_start3A_35 = arith.constant 0 : i32
    %dma_start3A_36 = tpu.memref_slice %arg10[%multiple_of3A_32, %dma_start3A_35] : memref<10240x128xf32, #tpu.memory_space<vmem_shared>> -> memref<128x128xf32, #tpu.memory_space<vmem_shared>>
    tpu.enqueue_dma source(%arg9 : memref<128x128xf32, #tpu.memory_space<vmem>>) target(%dma_start3A_36 : memref<128x128xf32, #tpu.memory_space<vmem_shared>>) target_semaphore(%arg14 : memref<!tpu.dma_semaphore, #tpu.memory_space<semaphore_mem>>)
    %mul3A_37 = arith.constant 640 : i32
    %mul3A_38 = arith.muli %arg1, %mul3A_37 : i32
    %add3A_39 = arith.constant 256 : i32
    %add3A_40 = arith.addi %mul3A_38, %add3A_39 : i32
    %multiple_of3A_41 = tpu.assume_multiple %add3A_40, 8 : i32
    %dma_start3A_42 = arith.constant 0 : i32
    %dma_start3A_43 = tpu.memref_slice %arg10[%multiple_of3A_41, %dma_start3A_42] : memref<10240x128xf32, #tpu.memory_space<vmem_shared>> -> memref<128x128xf32, #tpu.memory_space<vmem_shared>>
    %dma_start3A_44 = arith.constant 0 : i32
    %dma_start3A_45 = tpu.memref_slice %arg10[%multiple_of3A_41, %dma_start3A_44] : memref<10240x128xf32, #tpu.memory_space<vmem_shared>> -> memref<128x128xf32, #tpu.memory_space<vmem_shared>>
    tpu.enqueue_dma source(%arg9 : memref<128x128xf32, #tpu.memory_space<vmem>>) target(%dma_start3A_45 : memref<128x128xf32, #tpu.memory_space<vmem_shared>>) target_semaphore(%arg14 : memref<!tpu.dma_semaphore, #tpu.memory_space<semaphore_mem>>)
    %mul3A_46 = arith.constant 640 : i32
    %mul3A_47 = arith.muli %arg1, %mul3A_46 : i32
    %add3A_48 = arith.constant 384 : i32
    %add3A_49 = arith.addi %mul3A_47, %add3A_48 : i32
    %multiple_of3A_50 = tpu.assume_multiple %add3A_49, 8 : i32
    %dma_start3A_51 = arith.constant 0 : i32
    %dma_start3A_52 = tpu.memref_slice %arg10[%multiple_of3A_50, %dma_start3A_51] : memref<10240x128xf32, #tpu.memory_space<vmem_shared>> -> memref<128x128xf32, #tpu.memory_space<vmem_shared>>
    %dma_start3A_53 = arith.constant 0 : i32
    %dma_start3A_54 = tpu.memref_slice %arg10[%multiple_of3A_50, %dma_start3A_53] : memref<10240x128xf32, #tpu.memory_space<vmem_shared>> -> memref<128x128xf32, #tpu.memory_space<vmem_shared>>
    tpu.enqueue_dma source(%arg9 : memref<128x128xf32, #tpu.memory_space<vmem>>) target(%dma_start3A_54 : memref<128x128xf32, #tpu.memory_space<vmem_shared>>) target_semaphore(%arg14 : memref<!tpu.dma_semaphore, #tpu.memory_space<semaphore_mem>>)
    %mul3A_55 = arith.constant 640 : i32
    %mul3A_56 = arith.muli %arg1, %mul3A_55 : i32
    %add3A_57 = arith.constant 512 : i32
    %add3A_58 = arith.addi %mul3A_56, %add3A_57 : i32
    %multiple_of3A_59 = tpu.assume_multiple %add3A_58, 8 : i32
    %dma_start3A_60 = arith.constant 0 : i32
    %dma_start3A_61 = tpu.memref_slice %arg10[%multiple_of3A_59, %dma_start3A_60] : memref<10240x128xf32, #tpu.memory_space<vmem_shared>> -> memref<128x128xf32, #tpu.memory_space<vmem_shared>>
    %dma_start3A_62 = arith.constant 0 : i32
    %dma_start3A_63 = tpu.memref_slice %arg10[%multiple_of3A_59, %dma_start3A_62] : memref<10240x128xf32, #tpu.memory_space<vmem_shared>> -> memref<128x128xf32, #tpu.memory_space<vmem_shared>>
    tpu.enqueue_dma source(%arg9 : memref<128x128xf32, #tpu.memory_space<vmem>>) target(%dma_start3A_63 : memref<128x128xf32, #tpu.memory_space<vmem_shared>>) target_semaphore(%arg14 : memref<!tpu.dma_semaphore, #tpu.memory_space<semaphore_mem>>)
    %mul3A_64 = arith.constant 640 : i32
    %mul3A_65 = arith.muli %arg1, %mul3A_64 : i32
    %add3A_66 = arith.constant 0 : i32
    %add3A_67 = arith.addi %mul3A_65, %add3A_66 : i32
    %multiple_of3A_68 = tpu.assume_multiple %add3A_67, 8 : i32
    %dma_wait3A = arith.constant 0 : i32
    %dma_wait3A_69 = tpu.memref_slice %arg10[%multiple_of3A_68, %dma_wait3A] : memref<10240x128xf32, #tpu.memory_space<vmem_shared>> -> memref<128x128xf32, #tpu.memory_space<vmem_shared>>
    %dma_wait3A_70 = arith.constant 0 : i32
    %dma_wait3A_71 = tpu.memref_slice %arg10[%multiple_of3A_68, %dma_wait3A_70] : memref<10240x128xf32, #tpu.memory_space<vmem_shared>> -> memref<128x128xf32, #tpu.memory_space<vmem_shared>>
    tpu.wait_dma2 semaphore(%arg14 : memref<!tpu.dma_semaphore, #tpu.memory_space<semaphore_mem>>) src(%arg9 : memref<128x128xf32, #tpu.memory_space<vmem>>) dst(%dma_wait3A_71 : memref<128x128xf32, #tpu.memory_space<vmem_shared>>)
    %mul3A_72 = arith.constant 640 : i32
    %mul3A_73 = arith.muli %arg1, %mul3A_72 : i32
    %add3A_74 = arith.constant 128 : i32
    %add3A_75 = arith.addi %mul3A_73, %add3A_74 : i32
    %multiple_of3A_76 = tpu.assume_multiple %add3A_75, 8 : i32
    %dma_wait3A_77 = arith.constant 0 : i32
    %dma_wait3A_78 = tpu.memref_slice %arg10[%multiple_of3A_76, %dma_wait3A_77] : memref<10240x128xf32, #tpu.memory_space<vmem_shared>> -> memref<128x128xf32, #tpu.memory_space<vmem_shared>>
    %dma_wait3A_79 = arith.constant 0 : i32
    %dma_wait3A_80 = tpu.memref_slice %arg10[%multiple_of3A_76, %dma_wait3A_79] : memref<10240x128xf32, #tpu.memory_space<vmem_shared>> -> memref<128x128xf32, #tpu.memory_space<vmem_shared>>
    tpu.wait_dma2 semaphore(%arg14 : memref<!tpu.dma_semaphore, #tpu.memory_space<semaphore_mem>>) src(%arg9 : memref<128x128xf32, #tpu.memory_space<vmem>>) dst(%dma_wait3A_80 : memref<128x128xf32, #tpu.memory_space<vmem_shared>>)
    %mul3A_81 = arith.constant 640 : i32
    %mul3A_82 = arith.muli %arg1, %mul3A_81 : i32
    %add3A_83 = arith.constant 256 : i32
    %add3A_84 = arith.addi %mul3A_82, %add3A_83 : i32
    %multiple_of3A_85 = tpu.assume_multiple %add3A_84, 8 : i32
    %dma_wait3A_86 = arith.constant 0 : i32
    %dma_wait3A_87 = tpu.memref_slice %arg10[%multiple_of3A_85, %dma_wait3A_86] : memref<10240x128xf32, #tpu.memory_space<vmem_shared>> -> memref<128x128xf32, #tpu.memory_space<vmem_shared>>
    %dma_wait3A_88 = arith.constant 0 : i32
    %dma_wait3A_89 = tpu.memref_slice %arg10[%multiple_of3A_85, %dma_wait3A_88] : memref<10240x128xf32, #tpu.memory_space<vmem_shared>> -> memref<128x128xf32, #tpu.memory_space<vmem_shared>>
    tpu.wait_dma2 semaphore(%arg14 : memref<!tpu.dma_semaphore, #tpu.memory_space<semaphore_mem>>) src(%arg9 : memref<128x128xf32, #tpu.memory_space<vmem>>) dst(%dma_wait3A_89 : memref<128x128xf32, #tpu.memory_space<vmem_shared>>)
    %mul3A_90 = arith.constant 640 : i32
    %mul3A_91 = arith.muli %arg1, %mul3A_90 : i32
    %add3A_92 = arith.constant 384 : i32
    %add3A_93 = arith.addi %mul3A_91, %add3A_92 : i32
    %multiple_of3A_94 = tpu.assume_multiple %add3A_93, 8 : i32
    %dma_wait3A_95 = arith.constant 0 : i32
    %dma_wait3A_96 = tpu.memref_slice %arg10[%multiple_of3A_94, %dma_wait3A_95] : memref<10240x128xf32, #tpu.memory_space<vmem_shared>> -> memref<128x128xf32, #tpu.memory_space<vmem_shared>>
    %dma_wait3A_97 = arith.constant 0 : i32
    %dma_wait3A_98 = tpu.memref_slice %arg10[%multiple_of3A_94, %dma_wait3A_97] : memref<10240x128xf32, #tpu.memory_space<vmem_shared>> -> memref<128x128xf32, #tpu.memory_space<vmem_shared>>
    tpu.wait_dma2 semaphore(%arg14 : memref<!tpu.dma_semaphore, #tpu.memory_space<semaphore_mem>>) src(%arg9 : memref<128x128xf32, #tpu.memory_space<vmem>>) dst(%dma_wait3A_98 : memref<128x128xf32, #tpu.memory_space<vmem_shared>>)
    %mul3A_99 = arith.constant 640 : i32
    %mul3A_100 = arith.muli %arg1, %mul3A_99 : i32
    %add3A_101 = arith.constant 512 : i32
    %add3A_102 = arith.addi %mul3A_100, %add3A_101 : i32
    %multiple_of3A_103 = tpu.assume_multiple %add3A_102, 8 : i32
    %dma_wait3A_104 = arith.constant 0 : i32
    %dma_wait3A_105 = tpu.memref_slice %arg10[%multiple_of3A_103, %dma_wait3A_104] : memref<10240x128xf32, #tpu.memory_space<vmem_shared>> -> memref<128x128xf32, #tpu.memory_space<vmem_shared>>
    %dma_wait3A_106 = arith.constant 0 : i32
    %dma_wait3A_107 = tpu.memref_slice %arg10[%multiple_of3A_103, %dma_wait3A_106] : memref<10240x128xf32, #tpu.memory_space<vmem_shared>> -> memref<128x128xf32, #tpu.memory_space<vmem_shared>>
    tpu.wait_dma2 semaphore(%arg14 : memref<!tpu.dma_semaphore, #tpu.memory_space<semaphore_mem>>) src(%arg9 : memref<128x128xf32, #tpu.memory_space<vmem>>) dst(%dma_wait3A_107 : memref<128x128xf32, #tpu.memory_space<vmem_shared>>)
    %lt3A_108 = arith.constant 31 : i32
    %lt3A_109 = arith.cmpi slt, %add3A, %lt3A_108 : i32
    %convert_element_type3A_110 = arith.extui %lt3A_109 : i1 to i32
    %cond3A_111 = arith.constant 0 : i32
    %cond3A_112 = arith.cmpi ne, %convert_element_type3A_110, %cond3A_111 : i32
    scf.if %cond3A_112 {
      %mul3A_280 = arith.constant 80 : i32
      %mul3A_281 = arith.muli %add3A, %mul3A_280 : i32
      %multiple_of3A_282 = tpu.assume_multiple %mul3A_281, 8 : i32
      %dma_wait3A_283 = arith.constant 1 : i32
      %dma_wait3A_284 = arith.constant 0 : i32
      %dma_wait3A_285 = tpu.memref_slice %arg3[%dma_wait3A_283, %multiple_of3A_282, %dma_wait3A_284] : memref<2x2500x128xi32, #tpu.memory_space<hbm>> -> memref<1x80x128xi32, #tpu.memory_space<hbm>>
      %dma_wait3A_286 = tpu.memref_squeeze %dma_wait3A_285 : memref<1x80x128xi32, #tpu.memory_space<hbm>> -> memref<80x128xi32, #tpu.memory_space<hbm>>
      %dma_wait3A_287 = arith.constant 0 : i32
      %dma_wait3A_288 = tpu.memref_slice %arg3[%dma_wait3A_283, %multiple_of3A_282, %dma_wait3A_287] : memref<2x2500x128xi32, #tpu.memory_space<hbm>> -> memref<1x80x128xi32, #tpu.memory_space<hbm>>
      %dma_wait3A_289 = tpu.memref_squeeze %dma_wait3A_288 : memref<1x80x128xi32, #tpu.memory_space<hbm>> -> memref<80x128xi32, #tpu.memory_space<hbm>>
      tpu.wait_dma2 semaphore(%arg15 : memref<!tpu.dma_semaphore, #tpu.memory_space<semaphore_mem>>) src(%dma_wait3A_289 : memref<80x128xi32, #tpu.memory_space<hbm>>) dst(%arg7 : memref<80x128xi32, #tpu.memory_space<vmem>>)
    } else {
    }
    %eq3A_113 = arith.constant 31 : i32
    %eq3A_114 = arith.cmpi eq, %add3A, %eq3A_113 : i32
    %convert_element_type3A_115 = arith.extui %eq3A_114 : i1 to i32
    %cond3A_116 = arith.constant 0 : i32
    %cond3A_117 = arith.cmpi ne, %convert_element_type3A_115, %cond3A_116 : i32
    scf.if %cond3A_117 {
      %dma_wait3A_280 = arith.constant 1 : i32
      %dma_wait3A_281 = arith.constant 0 : i32
      %dma_wait3A_282 = arith.constant 0 : i32
      %dma_wait3A_283 = tpu.memref_slice %arg7[%dma_wait3A_281, %dma_wait3A_282] : memref<80x128xi32, #tpu.memory_space<vmem>> -> memref<16x128xi32, #tpu.memory_space<vmem>>
      %dma_wait3A_284 = arith.constant 2480 : i32
      %dma_wait3A_285 = arith.constant 0 : i32
      %dma_wait3A_286 = tpu.memref_slice %arg3[%dma_wait3A_280, %dma_wait3A_284, %dma_wait3A_285] : memref<2x2500x128xi32, #tpu.memory_space<hbm>> -> memref<1x16x128xi32, #tpu.memory_space<hbm>>
      %dma_wait3A_287 = tpu.memref_squeeze %dma_wait3A_286 : memref<1x16x128xi32, #tpu.memory_space<hbm>> -> memref<16x128xi32, #tpu.memory_space<hbm>>
      %dma_wait3A_288 = arith.constant 0 : i32
      %dma_wait3A_289 = arith.constant 0 : i32
      %dma_wait3A_290 = tpu.memref_slice %arg7[%dma_wait3A_288, %dma_wait3A_289] : memref<80x128xi32, #tpu.memory_space<vmem>> -> memref<16x128xi32, #tpu.memory_space<vmem>>
      %dma_wait3A_291 = arith.constant 2480 : i32
      %dma_wait3A_292 = arith.constant 0 : i32
      %dma_wait3A_293 = tpu.memref_slice %arg3[%dma_wait3A_280, %dma_wait3A_291, %dma_wait3A_292] : memref<2x2500x128xi32, #tpu.memory_space<hbm>> -> memref<1x16x128xi32, #tpu.memory_space<hbm>>
      %dma_wait3A_294 = tpu.memref_squeeze %dma_wait3A_293 : memref<1x16x128xi32, #tpu.memory_space<hbm>> -> memref<16x128xi32, #tpu.memory_space<hbm>>
      tpu.wait_dma2 semaphore(%arg15 : memref<!tpu.dma_semaphore, #tpu.memory_space<semaphore_mem>>) src(%dma_wait3A_294 : memref<16x128xi32, #tpu.memory_space<hbm>>) dst(%dma_wait3A_290 : memref<16x128xi32, #tpu.memory_space<vmem>>)
      %dma_wait3A_295 = arith.constant 1 : i32
      %dma_wait3A_296 = arith.constant 2496 : i32
      %dma_wait3A_297 = arith.constant 16 : i32
      %dma_wait3A_298 = arith.constant 0 : i32
      %dma_wait3A_299 = tpu.memref_slice %arg7[%dma_wait3A_297, %dma_wait3A_298] : memref<80x128xi32, #tpu.memory_space<vmem>> -> memref<1x128xi32, #tpu.memory_space<vmem>>
      %dma_wait3A_300 = tpu.memref_squeeze %dma_wait3A_299 : memref<1x128xi32, #tpu.memory_space<vmem>> -> memref<128xi32, #tpu.memory_space<vmem>>
      %dma_wait3A_301 = arith.constant 0 : i32
      %dma_wait3A_302 = tpu.memref_slice %arg3[%dma_wait3A_295, %dma_wait3A_296, %dma_wait3A_301] : memref<2x2500x128xi32, #tpu.memory_space<hbm>> -> memref<1x1x128xi32, #tpu.memory_space<hbm>>
      %dma_wait3A_303 = tpu.memref_squeeze %dma_wait3A_302 : memref<1x1x128xi32, #tpu.memory_space<hbm>> -> memref<128xi32, #tpu.memory_space<hbm>>
      %dma_wait3A_304 = arith.constant 0 : i32
      %dma_wait3A_305 = tpu.memref_slice %arg7[%dma_wait3A_297, %dma_wait3A_304] : memref<80x128xi32, #tpu.memory_space<vmem>> -> memref<1x128xi32, #tpu.memory_space<vmem>>
      %dma_wait3A_306 = tpu.memref_squeeze %dma_wait3A_305 : memref<1x128xi32, #tpu.memory_space<vmem>> -> memref<128xi32, #tpu.memory_space<vmem>>
      %dma_wait3A_307 = arith.constant 0 : i32
      %dma_wait3A_308 = tpu.memref_slice %arg3[%dma_wait3A_295, %dma_wait3A_296, %dma_wait3A_307] : memref<2x2500x128xi32, #tpu.memory_space<hbm>> -> memref<1x1x128xi32, #tpu.memory_space<hbm>>
      %dma_wait3A_309 = tpu.memref_squeeze %dma_wait3A_308 : memref<1x1x128xi32, #tpu.memory_space<hbm>> -> memref<128xi32, #tpu.memory_space<hbm>>
      tpu.wait_dma2 semaphore(%arg15 : memref<!tpu.dma_semaphore, #tpu.memory_space<semaphore_mem>>) src(%dma_wait3A_309 : memref<128xi32, #tpu.memory_space<hbm>>) dst(%dma_wait3A_306 : memref<128xi32, #tpu.memory_space<vmem>>)
      %dma_wait3A_310 = arith.constant 1 : i32
      %dma_wait3A_311 = arith.constant 2497 : i32
      %dma_wait3A_312 = arith.constant 17 : i32
      %dma_wait3A_313 = arith.constant 0 : i32
      %dma_wait3A_314 = tpu.memref_slice %arg7[%dma_wait3A_312, %dma_wait3A_313] : memref<80x128xi32, #tpu.memory_space<vmem>> -> memref<1x128xi32, #tpu.memory_space<vmem>>
      %dma_wait3A_315 = tpu.memref_squeeze %dma_wait3A_314 : memref<1x128xi32, #tpu.memory_space<vmem>> -> memref<128xi32, #tpu.memory_space<vmem>>
      %dma_wait3A_316 = arith.constant 0 : i32
      %dma_wait3A_317 = tpu.memref_slice %arg3[%dma_wait3A_310, %dma_wait3A_311, %dma_wait3A_316] : memref<2x2500x128xi32, #tpu.memory_space<hbm>> -> memref<1x1x128xi32, #tpu.memory_space<hbm>>
      %dma_wait3A_318 = tpu.memref_squeeze %dma_wait3A_317 : memref<1x1x128xi32, #tpu.memory_space<hbm>> -> memref<128xi32, #tpu.memory_space<hbm>>
      %dma_wait3A_319 = arith.constant 0 : i32
      %dma_wait3A_320 = tpu.memref_slice %arg7[%dma_wait3A_312, %dma_wait3A_319] : memref<80x128xi32, #tpu.memory_space<vmem>> -> memref<1x128xi32, #tpu.memory_space<vmem>>
      %dma_wait3A_321 = tpu.memref_squeeze %dma_wait3A_320 : memref<1x128xi32, #tpu.memory_space<vmem>> -> memref<128xi32, #tpu.memory_space<vmem>>
      %dma_wait3A_322 = arith.constant 0 : i32
      %dma_wait3A_323 = tpu.memref_slice %arg3[%dma_wait3A_310, %dma_wait3A_311, %dma_wait3A_322] : memref<2x2500x128xi32, #tpu.memory_space<hbm>> -> memref<1x1x128xi32, #tpu.memory_space<hbm>>
      %dma_wait3A_324 = tpu.memref_squeeze %dma_wait3A_323 : memref<1x1x128xi32, #tpu.memory_space<hbm>> -> memref<128xi32, #tpu.memory_space<hbm>>
      tpu.wait_dma2 semaphore(%arg15 : memref<!tpu.dma_semaphore, #tpu.memory_space<semaphore_mem>>) src(%dma_wait3A_324 : memref<128xi32, #tpu.memory_space<hbm>>) dst(%dma_wait3A_321 : memref<128xi32, #tpu.memory_space<vmem>>)
      %dma_wait3A_325 = arith.constant 1 : i32
      %dma_wait3A_326 = arith.constant 2498 : i32
      %dma_wait3A_327 = arith.constant 18 : i32
      %dma_wait3A_328 = arith.constant 0 : i32
      %dma_wait3A_329 = tpu.memref_slice %arg7[%dma_wait3A_327, %dma_wait3A_328] : memref<80x128xi32, #tpu.memory_space<vmem>> -> memref<1x128xi32, #tpu.memory_space<vmem>>
      %dma_wait3A_330 = tpu.memref_squeeze %dma_wait3A_329 : memref<1x128xi32, #tpu.memory_space<vmem>> -> memref<128xi32, #tpu.memory_space<vmem>>
      %dma_wait3A_331 = arith.constant 0 : i32
      %dma_wait3A_332 = tpu.memref_slice %arg3[%dma_wait3A_325, %dma_wait3A_326, %dma_wait3A_331] : memref<2x2500x128xi32, #tpu.memory_space<hbm>> -> memref<1x1x128xi32, #tpu.memory_space<hbm>>
      %dma_wait3A_333 = tpu.memref_squeeze %dma_wait3A_332 : memref<1x1x128xi32, #tpu.memory_space<hbm>> -> memref<128xi32, #tpu.memory_space<hbm>>
      %dma_wait3A_334 = arith.constant 0 : i32
      %dma_wait3A_335 = tpu.memref_slice %arg7[%dma_wait3A_327, %dma_wait3A_334] : memref<80x128xi32, #tpu.memory_space<vmem>> -> memref<1x128xi32, #tpu.memory_space<vmem>>
      %dma_wait3A_336 = tpu.memref_squeeze %dma_wait3A_335 : memref<1x128xi32, #tpu.memory_space<vmem>> -> memref<128xi32, #tpu.memory_space<vmem>>
      %dma_wait3A_337 = arith.constant 0 : i32
      %dma_wait3A_338 = tpu.memref_slice %arg3[%dma_wait3A_325, %dma_wait3A_326, %dma_wait3A_337] : memref<2x2500x128xi32, #tpu.memory_space<hbm>> -> memref<1x1x128xi32, #tpu.memory_space<hbm>>
      %dma_wait3A_339 = tpu.memref_squeeze %dma_wait3A_338 : memref<1x1x128xi32, #tpu.memory_space<hbm>> -> memref<128xi32, #tpu.memory_space<hbm>>
      tpu.wait_dma2 semaphore(%arg15 : memref<!tpu.dma_semaphore, #tpu.memory_space<semaphore_mem>>) src(%dma_wait3A_339 : memref<128xi32, #tpu.memory_space<hbm>>) dst(%dma_wait3A_336 : memref<128xi32, #tpu.memory_space<vmem>>)
      %dma_wait3A_340 = arith.constant 1 : i32
      %dma_wait3A_341 = arith.constant 2499 : i32
      %dma_wait3A_342 = arith.constant 19 : i32
      %dma_wait3A_343 = arith.constant 0 : i32
      %dma_wait3A_344 = tpu.memref_slice %arg7[%dma_wait3A_342, %dma_wait3A_343] : memref<80x128xi32, #tpu.memory_space<vmem>> -> memref<1x128xi32, #tpu.memory_space<vmem>>
      %dma_wait3A_345 = tpu.memref_squeeze %dma_wait3A_344 : memref<1x128xi32, #tpu.memory_space<vmem>> -> memref<128xi32, #tpu.memory_space<vmem>>
      %dma_wait3A_346 = arith.constant 0 : i32
      %dma_wait3A_347 = tpu.memref_slice %arg3[%dma_wait3A_340, %dma_wait3A_341, %dma_wait3A_346] : memref<2x2500x128xi32, #tpu.memory_space<hbm>> -> memref<1x1x128xi32, #tpu.memory_space<hbm>>
      %dma_wait3A_348 = tpu.memref_squeeze %dma_wait3A_347 : memref<1x1x128xi32, #tpu.memory_space<hbm>> -> memref<128xi32, #tpu.memory_space<hbm>>
      %dma_wait3A_349 = arith.constant 0 : i32
      %dma_wait3A_350 = tpu.memref_slice %arg7[%dma_wait3A_342, %dma_wait3A_349] : memref<80x128xi32, #tpu.memory_space<vmem>> -> memref<1x128xi32, #tpu.memory_space<vmem>>
      %dma_wait3A_351 = tpu.memref_squeeze %dma_wait3A_350 : memref<1x128xi32, #tpu.memory_space<vmem>> -> memref<128xi32, #tpu.memory_space<vmem>>
      %dma_wait3A_352 = arith.constant 0 : i32
      %dma_wait3A_353 = tpu.memref_slice %arg3[%dma_wait3A_340, %dma_wait3A_341, %dma_wait3A_352] : memref<2x2500x128xi32, #tpu.memory_space<hbm>> -> memref<1x1x128xi32, #tpu.memory_space<hbm>>
      %dma_wait3A_354 = tpu.memref_squeeze %dma_wait3A_353 : memref<1x1x128xi32, #tpu.memory_space<hbm>> -> memref<128xi32, #tpu.memory_space<hbm>>
      tpu.wait_dma2 semaphore(%arg15 : memref<!tpu.dma_semaphore, #tpu.memory_space<semaphore_mem>>) src(%dma_wait3A_354 : memref<128xi32, #tpu.memory_space<hbm>>) dst(%dma_wait3A_351 : memref<128xi32, #tpu.memory_space<vmem>>)
    } else {
    }
    %barrier3A = arith.constant 0 : index
    tpu.barrier barrier_id(%barrier3A)
    %sub3A = arith.constant 0 : i32
    %sub3A_118 = arith.subi %select_n3A, %sub3A : i32
    %sub3A_119 = arith.constant 1 : i32
    %sub3A_120 = arith.constant 1 : i32
    %sub3A_121 = arith.subi %sub3A_119, %sub3A_120 : i32
    %add3A_122 = arith.addi %sub3A_118, %sub3A_121 : i32
    %div3A = arith.constant 1 : i32
    %div3A_123 = arith.divsi %add3A_122, %div3A : i32
    %while3A = arith.constant 1 : i32
    %while3A_124 = arith.constant 0 : i32
    %while3A_125 = arith.constant 0 : i32
    %while3A_126 = arith.subi %div3A_123, %while3A_125 : i32
    %while3A_127 = arith.addi %while3A_125, %while3A_126 : i32
    %while3A_128 = arith.constant 1 : i32
    %while3A_129 = arith.divsi %while3A_126, %while3A_128 : i32
    %while3A_130 = arith.muli %while3A_129, %while3A_128 : i32
    %while3A_131 = arith.addi %while3A_125, %while3A_130 : i32
    %while3A_132 = arith.constant 1 : i32
    scf.for %while3A_280 = %while3A_125 to %while3A_131 step %while3A_132  : i32 {
      %mul3A_281 = arith.muli %while3A_280, %while3A : i32
      %add3A_282 = arith.addi %while3A_124, %mul3A_281 : i32
      %mul3A_283 = arith.constant 2 : i32
      %mul3A_284 = arith.muli %add3A_282, %mul3A_283 : i32
      %add3A_285 = arith.addi %min3A_3, %mul3A_284 : i32
      %add3A_286 = arith.constant 1 : i32
      %add3A_287 = arith.addi %add3A_285, %add3A_286 : i32
      %run_scoped3A_288 = arith.constant 0 : i32
      "tpu.region"() ({
        %run_scoped3A_328 = tpu.sem_alloc : memref<!tpu.dma_semaphore, #tpu.memory_space<semaphore_mem>>
        %dma_start3A_329 = arith.constant 0 : i32
        %dma_start3A_330 = tpu.memref_slice %arg3[%run_scoped3A_288, %add3A_287, %dma_start3A_329] : memref<2x2500x128xi32, #tpu.memory_space<hbm>> -> memref<1x1x128xi32, #tpu.memory_space<hbm>>
        %dma_start3A_331 = tpu.memref_squeeze %dma_start3A_330 : memref<1x1x128xi32, #tpu.memory_space<hbm>> -> memref<128xi32, #tpu.memory_space<hbm>>
        %dma_start3A_332 = arith.constant 0 : i32
        %dma_start3A_333 = tpu.memref_slice %arg3[%run_scoped3A_288, %add3A_287, %dma_start3A_332] : memref<2x2500x128xi32, #tpu.memory_space<hbm>> -> memref<1x1x128xi32, #tpu.memory_space<hbm>>
        %dma_start3A_334 = tpu.memref_squeeze %dma_start3A_333 : memref<1x1x128xi32, #tpu.memory_space<hbm>> -> memref<128xi32, #tpu.memory_space<hbm>>
        tpu.enqueue_dma source(%dma_start3A_334 : memref<128xi32, #tpu.memory_space<hbm>>) target(%arg6 : memref<128xi32, #tpu.memory_space<vmem>>) target_semaphore(%run_scoped3A_328 : memref<!tpu.dma_semaphore, #tpu.memory_space<semaphore_mem>>)
        %dma_wait3A_335 = arith.constant 0 : i32
        %dma_wait3A_336 = tpu.memref_slice %arg3[%run_scoped3A_288, %add3A_287, %dma_wait3A_335] : memref<2x2500x128xi32, #tpu.memory_space<hbm>> -> memref<1x1x128xi32, #tpu.memory_space<hbm>>
        %dma_wait3A_337 = tpu.memref_squeeze %dma_wait3A_336 : memref<1x1x128xi32, #tpu.memory_space<hbm>> -> memref<128xi32, #tpu.memory_space<hbm>>
        %dma_wait3A_338 = arith.constant 0 : i32
        %dma_wait3A_339 = tpu.memref_slice %arg3[%run_scoped3A_288, %add3A_287, %dma_wait3A_338] : memref<2x2500x128xi32, #tpu.memory_space<hbm>> -> memref<1x1x128xi32, #tpu.memory_space<hbm>>
        %dma_wait3A_340 = tpu.memref_squeeze %dma_wait3A_339 : memref<1x1x128xi32, #tpu.memory_space<hbm>> -> memref<128xi32, #tpu.memory_space<hbm>>
        tpu.wait_dma2 semaphore(%run_scoped3A_328 : memref<!tpu.dma_semaphore, #tpu.memory_space<semaphore_mem>>) src(%dma_wait3A_340 : memref<128xi32, #tpu.memory_space<hbm>>) dst(%arg6 : memref<128xi32, #tpu.memory_space<vmem>>)
        tpu.yield
      }) : () -> ()
      %gt3A = arith.constant 0 : i32
      %gt3A_289 = arith.cmpi sgt, %add3A_282, %gt3A : i32
      %convert_element_type3A_290 = arith.extui %gt3A_289 : i1 to i32
      %cond3A_291 = arith.constant 0 : i32
      %cond3A_292 = arith.cmpi ne, %convert_element_type3A_290, %cond3A_291 : i32
      scf.if %cond3A_292 {
        %sub3A_328 = arith.constant 1 : i32
        %sub3A_329 = arith.subi %mul3A_284, %sub3A_328 : i32
        %dma_wait3A_330 = arith.constant 0 : i32
        %dma_wait3A_331 = tpu.memref_slice %arg7[%sub3A_329, %dma_wait3A_330] : memref<80x128xi32, #tpu.memory_space<vmem>> -> memref<1x128xi32, #tpu.memory_space<vmem>>
        %dma_wait3A_332 = tpu.memref_squeeze %dma_wait3A_331 : memref<1x128xi32, #tpu.memory_space<vmem>> -> memref<128xi32, #tpu.memory_space<vmem>>
        %dma_wait3A_333 = arith.constant 0 : i32
        %dma_wait3A_334 = arith.constant 0 : i32
        %dma_wait3A_335 = tpu.memref_slice %arg10[%dma_wait3A_333, %dma_wait3A_334] : memref<10240x128xf32, #tpu.memory_space<vmem_shared>> -> memref<10240x128xf32, #tpu.memory_space<vmem_shared>>
        tpu.wait_indirect_dma semaphore(%arg14 : memref<!tpu.dma_semaphore, #tpu.memory_space<semaphore_mem>>) src(%arg9 : memref<128x128xf32, #tpu.memory_space<vmem>>) dst(%dma_wait3A_335 : memref<10240x128xf32, #tpu.memory_space<vmem_shared>>)
      } else {
      }
      %dma_start3A_293 = arith.constant 0 : i32
      %dma_start3A_294 = arith.constant 0 : i32
      %dma_start3A_295 = tpu.memref_slice %arg2[%dma_start3A_293, %dma_start3A_294] : memref<10240x128xf32, #tpu.memory_space<hbm>> -> memref<10240x128xf32, #tpu.memory_space<hbm>>
      tpu.enqueue_indirect_dma source(%dma_start3A_295 : memref<10240x128xf32, #tpu.memory_space<hbm>>) target(%arg9 : memref<128x128xf32, #tpu.memory_space<vmem>>) offsets(%arg6 : memref<128xi32, #tpu.memory_space<vmem>>) semaphore(%arg12 : memref<!tpu.dma_semaphore, #tpu.memory_space<semaphore_mem>>)
      %dma_wait3A_296 = arith.constant 0 : i32
      %dma_wait3A_297 = arith.constant 0 : i32
      %dma_wait3A_298 = tpu.memref_slice %arg2[%dma_wait3A_296, %dma_wait3A_297] : memref<10240x128xf32, #tpu.memory_space<hbm>> -> memref<10240x128xf32, #tpu.memory_space<hbm>>
      tpu.wait_indirect_dma semaphore(%arg11 : memref<!tpu.dma_semaphore, #tpu.memory_space<semaphore_mem>>) src(%dma_wait3A_298 : memref<10240x128xf32, #tpu.memory_space<hbm>>) dst(%arg8 : memref<128x128xf32, #tpu.memory_space<vmem>>)
      %dma_start3A_299 = arith.constant 0 : i32
      %dma_start3A_300 = tpu.memref_slice %arg7[%mul3A_284, %dma_start3A_299] : memref<80x128xi32, #tpu.memory_space<vmem>> -> memref<1x128xi32, #tpu.memory_space<vmem>>
      %dma_start3A_301 = tpu.memref_squeeze %dma_start3A_300 : memref<1x128xi32, #tpu.memory_space<vmem>> -> memref<128xi32, #tpu.memory_space<vmem>>
      %dma_start3A_302 = arith.constant 0 : i32
      %dma_start3A_303 = arith.constant 0 : i32
      %dma_start3A_304 = tpu.memref_slice %arg10[%dma_start3A_302, %dma_start3A_303] : memref<10240x128xf32, #tpu.memory_space<vmem_shared>> -> memref<10240x128xf32, #tpu.memory_space<vmem_shared>>
      tpu.enqueue_indirect_dma source(%arg8 : memref<128x128xf32, #tpu.memory_space<vmem>>) target(%dma_start3A_304 : memref<10240x128xf32, #tpu.memory_space<vmem_shared>>) offsets(%dma_start3A_301 : memref<128xi32, #tpu.memory_space<vmem>>) semaphore(%arg13 : memref<!tpu.dma_semaphore, #tpu.memory_space<semaphore_mem>>) {add = true}
      %sub3A_305 = arith.constant 1 : i32
      %sub3A_306 = arith.subi %select_n3A, %sub3A_305 : i32
      %lt3A_307 = arith.cmpi slt, %add3A_282, %sub3A_306 : i32
      %convert_element_type3A_308 = arith.extui %lt3A_307 : i1 to i32
      %cond3A_309 = arith.constant 0 : i32
      %cond3A_310 = arith.cmpi ne, %convert_element_type3A_308, %cond3A_309 : i32
      scf.if %cond3A_310 {
        %add3A_328 = arith.addi %min3A_3, %mul3A_284 : i32
        %add3A_329 = arith.constant 2 : i32
        %add3A_330 = arith.addi %add3A_328, %add3A_329 : i32
        %run_scoped3A_331 = arith.constant 0 : i32
        "tpu.region"() ({
          %run_scoped3A_341 = tpu.sem_alloc : memref<!tpu.dma_semaphore, #tpu.memory_space<semaphore_mem>>
          %dma_start3A_342 = arith.constant 0 : i32
          %dma_start3A_343 = tpu.memref_slice %arg3[%run_scoped3A_331, %add3A_330, %dma_start3A_342] : memref<2x2500x128xi32, #tpu.memory_space<hbm>> -> memref<1x1x128xi32, #tpu.memory_space<hbm>>
          %dma_start3A_344 = tpu.memref_squeeze %dma_start3A_343 : memref<1x1x128xi32, #tpu.memory_space<hbm>> -> memref<128xi32, #tpu.memory_space<hbm>>
          %dma_start3A_345 = arith.constant 0 : i32
          %dma_start3A_346 = tpu.memref_slice %arg3[%run_scoped3A_331, %add3A_330, %dma_start3A_345] : memref<2x2500x128xi32, #tpu.memory_space<hbm>> -> memref<1x1x128xi32, #tpu.memory_space<hbm>>
          %dma_start3A_347 = tpu.memref_squeeze %dma_start3A_346 : memref<1x1x128xi32, #tpu.memory_space<hbm>> -> memref<128xi32, #tpu.memory_space<hbm>>
          tpu.enqueue_dma source(%dma_start3A_347 : memref<128xi32, #tpu.memory_space<hbm>>) target(%arg5 : memref<128xi32, #tpu.memory_space<vmem>>) target_semaphore(%run_scoped3A_341 : memref<!tpu.dma_semaphore, #tpu.memory_space<semaphore_mem>>)
          %dma_wait3A_348 = arith.constant 0 : i32
          %dma_wait3A_349 = tpu.memref_slice %arg3[%run_scoped3A_331, %add3A_330, %dma_wait3A_348] : memref<2x2500x128xi32, #tpu.memory_space<hbm>> -> memref<1x1x128xi32, #tpu.memory_space<hbm>>
          %dma_wait3A_350 = tpu.memref_squeeze %dma_wait3A_349 : memref<1x1x128xi32, #tpu.memory_space<hbm>> -> memref<128xi32, #tpu.memory_space<hbm>>
          %dma_wait3A_351 = arith.constant 0 : i32
          %dma_wait3A_352 = tpu.memref_slice %arg3[%run_scoped3A_331, %add3A_330, %dma_wait3A_351] : memref<2x2500x128xi32, #tpu.memory_space<hbm>> -> memref<1x1x128xi32, #tpu.memory_space<hbm>>
          %dma_wait3A_353 = tpu.memref_squeeze %dma_wait3A_352 : memref<1x1x128xi32, #tpu.memory_space<hbm>> -> memref<128xi32, #tpu.memory_space<hbm>>
          tpu.wait_dma2 semaphore(%run_scoped3A_341 : memref<!tpu.dma_semaphore, #tpu.memory_space<semaphore_mem>>) src(%dma_wait3A_353 : memref<128xi32, #tpu.memory_space<hbm>>) dst(%arg5 : memref<128xi32, #tpu.memory_space<vmem>>)
          tpu.yield
        }) : () -> ()
        %dma_wait3A_332 = arith.constant 0 : i32
        %dma_wait3A_333 = tpu.memref_slice %arg7[%mul3A_284, %dma_wait3A_332] : memref<80x128xi32, #tpu.memory_space<vmem>> -> memref<1x128xi32, #tpu.memory_space<vmem>>
        %dma_wait3A_334 = tpu.memref_squeeze %dma_wait3A_333 : memref<1x128xi32, #tpu.memory_space<vmem>> -> memref<128xi32, #tpu.memory_space<vmem>>
        %dma_wait3A_335 = arith.constant 0 : i32
        %dma_wait3A_336 = arith.constant 0 : i32
        %dma_wait3A_337 = tpu.memref_slice %arg10[%dma_wait3A_335, %dma_wait3A_336] : memref<10240x128xf32, #tpu.memory_space<vmem_shared>> -> memref<10240x128xf32, #tpu.memory_space<vmem_shared>>
        tpu.wait_indirect_dma semaphore(%arg13 : memref<!tpu.dma_semaphore, #tpu.memory_space<semaphore_mem>>) src(%arg8 : memref<128x128xf32, #tpu.memory_space<vmem>>) dst(%dma_wait3A_337 : memref<10240x128xf32, #tpu.memory_space<vmem_shared>>)
        %dma_start3A_338 = arith.constant 0 : i32
        %dma_start3A_339 = arith.constant 0 : i32
        %dma_start3A_340 = tpu.memref_slice %arg2[%dma_start3A_338, %dma_start3A_339] : memref<10240x128xf32, #tpu.memory_space<hbm>> -> memref<10240x128xf32, #tpu.memory_space<hbm>>
        tpu.enqueue_indirect_dma source(%dma_start3A_340 : memref<10240x128xf32, #tpu.memory_space<hbm>>) target(%arg8 : memref<128x128xf32, #tpu.memory_space<vmem>>) offsets(%arg5 : memref<128xi32, #tpu.memory_space<vmem>>) semaphore(%arg11 : memref<!tpu.dma_semaphore, #tpu.memory_space<semaphore_mem>>)
      } else {
      }
      %sub3A_311 = arith.constant 1 : i32
      %sub3A_312 = arith.subi %select_n3A, %sub3A_311 : i32
      %eq3A_313 = arith.cmpi eq, %add3A_282, %sub3A_312 : i32
      %convert_element_type3A_314 = arith.extui %eq3A_313 : i1 to i32
      %cond3A_315 = arith.constant 0 : i32
      %cond3A_316 = arith.cmpi ne, %convert_element_type3A_314, %cond3A_315 : i32
      scf.if %cond3A_316 {
        %dma_wait3A_328 = arith.constant 0 : i32
        %dma_wait3A_329 = tpu.memref_slice %arg7[%mul3A_284, %dma_wait3A_328] : memref<80x128xi32, #tpu.memory_space<vmem>> -> memref<1x128xi32, #tpu.memory_space<vmem>>
        %dma_wait3A_330 = tpu.memref_squeeze %dma_wait3A_329 : memref<1x128xi32, #tpu.memory_space<vmem>> -> memref<128xi32, #tpu.memory_space<vmem>>
        %dma_wait3A_331 = arith.constant 0 : i32
        %dma_wait3A_332 = arith.constant 0 : i32
        %dma_wait3A_333 = tpu.memref_slice %arg10[%dma_wait3A_331, %dma_wait3A_332] : memref<10240x128xf32, #tpu.memory_space<vmem_shared>> -> memref<10240x128xf32, #tpu.memory_space<vmem_shared>>
        tpu.wait_indirect_dma semaphore(%arg13 : memref<!tpu.dma_semaphore, #tpu.memory_space<semaphore_mem>>) src(%arg8 : memref<128x128xf32, #tpu.memory_space<vmem>>) dst(%dma_wait3A_333 : memref<10240x128xf32, #tpu.memory_space<vmem_shared>>)
      } else {
      }
      %dma_wait3A_317 = arith.constant 0 : i32
      %dma_wait3A_318 = arith.constant 0 : i32
      %dma_wait3A_319 = tpu.memref_slice %arg2[%dma_wait3A_317, %dma_wait3A_318] : memref<10240x128xf32, #tpu.memory_space<hbm>> -> memref<10240x128xf32, #tpu.memory_space<hbm>>
      tpu.wait_indirect_dma semaphore(%arg12 : memref<!tpu.dma_semaphore, #tpu.memory_space<semaphore_mem>>) src(%dma_wait3A_319 : memref<10240x128xf32, #tpu.memory_space<hbm>>) dst(%arg9 : memref<128x128xf32, #tpu.memory_space<vmem>>)
      %add3A_320 = arith.constant 1 : i32
      %add3A_321 = arith.addi %mul3A_284, %add3A_320 : i32
      %dma_start3A_322 = arith.constant 0 : i32
      %dma_start3A_323 = tpu.memref_slice %arg7[%add3A_321, %dma_start3A_322] : memref<80x128xi32, #tpu.memory_space<vmem>> -> memref<1x128xi32, #tpu.memory_space<vmem>>
      %dma_start3A_324 = tpu.memref_squeeze %dma_start3A_323 : memref<1x128xi32, #tpu.memory_space<vmem>> -> memref<128xi32, #tpu.memory_space<vmem>>
      %dma_start3A_325 = arith.constant 0 : i32
      %dma_start3A_326 = arith.constant 0 : i32
      %dma_start3A_327 = tpu.memref_slice %arg10[%dma_start3A_325, %dma_start3A_326] : memref<10240x128xf32, #tpu.memory_space<vmem_shared>> -> memref<10240x128xf32, #tpu.memory_space<vmem_shared>>
      tpu.enqueue_indirect_dma source(%arg9 : memref<128x128xf32, #tpu.memory_space<vmem>>) target(%dma_start3A_327 : memref<10240x128xf32, #tpu.memory_space<vmem_shared>>) offsets(%dma_start3A_324 : memref<128xi32, #tpu.memory_space<vmem>>) semaphore(%arg14 : memref<!tpu.dma_semaphore, #tpu.memory_space<semaphore_mem>>) {add = true}
    }
    %while3A_133 = arith.constant 1 : i32
    scf.for %while3A_280 = %while3A_131 to %while3A_127 step %while3A_133  : i32 {
      %mul3A_281 = arith.muli %while3A_280, %while3A : i32
      %add3A_282 = arith.addi %while3A_124, %mul3A_281 : i32
      %mul3A_283 = arith.constant 2 : i32
      %mul3A_284 = arith.muli %add3A_282, %mul3A_283 : i32
      %add3A_285 = arith.addi %min3A_3, %mul3A_284 : i32
      %add3A_286 = arith.constant 1 : i32
      %add3A_287 = arith.addi %add3A_285, %add3A_286 : i32
      %run_scoped3A_288 = arith.constant 0 : i32
      "tpu.region"() ({
        %run_scoped3A_328 = tpu.sem_alloc : memref<!tpu.dma_semaphore, #tpu.memory_space<semaphore_mem>>
        %dma_start3A_329 = arith.constant 0 : i32
        %dma_start3A_330 = tpu.memref_slice %arg3[%run_scoped3A_288, %add3A_287, %dma_start3A_329] : memref<2x2500x128xi32, #tpu.memory_space<hbm>> -> memref<1x1x128xi32, #tpu.memory_space<hbm>>
        %dma_start3A_331 = tpu.memref_squeeze %dma_start3A_330 : memref<1x1x128xi32, #tpu.memory_space<hbm>> -> memref<128xi32, #tpu.memory_space<hbm>>
        %dma_start3A_332 = arith.constant 0 : i32
        %dma_start3A_333 = tpu.memref_slice %arg3[%run_scoped3A_288, %add3A_287, %dma_start3A_332] : memref<2x2500x128xi32, #tpu.memory_space<hbm>> -> memref<1x1x128xi32, #tpu.memory_space<hbm>>
        %dma_start3A_334 = tpu.memref_squeeze %dma_start3A_333 : memref<1x1x128xi32, #tpu.memory_space<hbm>> -> memref<128xi32, #tpu.memory_space<hbm>>
        tpu.enqueue_dma source(%dma_start3A_334 : memref<128xi32, #tpu.memory_space<hbm>>) target(%arg6 : memref<128xi32, #tpu.memory_space<vmem>>) target_semaphore(%run_scoped3A_328 : memref<!tpu.dma_semaphore, #tpu.memory_space<semaphore_mem>>)
        %dma_wait3A_335 = arith.constant 0 : i32
        %dma_wait3A_336 = tpu.memref_slice %arg3[%run_scoped3A_288, %add3A_287, %dma_wait3A_335] : memref<2x2500x128xi32, #tpu.memory_space<hbm>> -> memref<1x1x128xi32, #tpu.memory_space<hbm>>
        %dma_wait3A_337 = tpu.memref_squeeze %dma_wait3A_336 : memref<1x1x128xi32, #tpu.memory_space<hbm>> -> memref<128xi32, #tpu.memory_space<hbm>>
        %dma_wait3A_338 = arith.constant 0 : i32
        %dma_wait3A_339 = tpu.memref_slice %arg3[%run_scoped3A_288, %add3A_287, %dma_wait3A_338] : memref<2x2500x128xi32, #tpu.memory_space<hbm>> -> memref<1x1x128xi32, #tpu.memory_space<hbm>>
        %dma_wait3A_340 = tpu.memref_squeeze %dma_wait3A_339 : memref<1x1x128xi32, #tpu.memory_space<hbm>> -> memref<128xi32, #tpu.memory_space<hbm>>
        tpu.wait_dma2 semaphore(%run_scoped3A_328 : memref<!tpu.dma_semaphore, #tpu.memory_space<semaphore_mem>>) src(%dma_wait3A_340 : memref<128xi32, #tpu.memory_space<hbm>>) dst(%arg6 : memref<128xi32, #tpu.memory_space<vmem>>)
        tpu.yield
      }) : () -> ()
      %gt3A = arith.constant 0 : i32
      %gt3A_289 = arith.cmpi sgt, %add3A_282, %gt3A : i32
      %convert_element_type3A_290 = arith.extui %gt3A_289 : i1 to i32
      %cond3A_291 = arith.constant 0 : i32
      %cond3A_292 = arith.cmpi ne, %convert_element_type3A_290, %cond3A_291 : i32
      scf.if %cond3A_292 {
        %sub3A_328 = arith.constant 1 : i32
        %sub3A_329 = arith.subi %mul3A_284, %sub3A_328 : i32
        %dma_wait3A_330 = arith.constant 0 : i32
        %dma_wait3A_331 = tpu.memref_slice %arg7[%sub3A_329, %dma_wait3A_330] : memref<80x128xi32, #tpu.memory_space<vmem>> -> memref<1x128xi32, #tpu.memory_space<vmem>>
        %dma_wait3A_332 = tpu.memref_squeeze %dma_wait3A_331 : memref<1x128xi32, #tpu.memory_space<vmem>> -> memref<128xi32, #tpu.memory_space<vmem>>
        %dma_wait3A_333 = arith.constant 0 : i32
        %dma_wait3A_334 = arith.constant 0 : i32
        %dma_wait3A_335 = tpu.memref_slice %arg10[%dma_wait3A_333, %dma_wait3A_334] : memref<10240x128xf32, #tpu.memory_space<vmem_shared>> -> memref<10240x128xf32, #tpu.memory_space<vmem_shared>>
        tpu.wait_indirect_dma semaphore(%arg14 : memref<!tpu.dma_semaphore, #tpu.memory_space<semaphore_mem>>) src(%arg9 : memref<128x128xf32, #tpu.memory_space<vmem>>) dst(%dma_wait3A_335 : memref<10240x128xf32, #tpu.memory_space<vmem_shared>>)
      } else {
      }
      %dma_start3A_293 = arith.constant 0 : i32
      %dma_start3A_294 = arith.constant 0 : i32
      %dma_start3A_295 = tpu.memref_slice %arg2[%dma_start3A_293, %dma_start3A_294] : memref<10240x128xf32, #tpu.memory_space<hbm>> -> memref<10240x128xf32, #tpu.memory_space<hbm>>
      tpu.enqueue_indirect_dma source(%dma_start3A_295 : memref<10240x128xf32, #tpu.memory_space<hbm>>) target(%arg9 : memref<128x128xf32, #tpu.memory_space<vmem>>) offsets(%arg6 : memref<128xi32, #tpu.memory_space<vmem>>) semaphore(%arg12 : memref<!tpu.dma_semaphore, #tpu.memory_space<semaphore_mem>>)
      %dma_wait3A_296 = arith.constant 0 : i32
      %dma_wait3A_297 = arith.constant 0 : i32
      %dma_wait3A_298 = tpu.memref_slice %arg2[%dma_wait3A_296, %dma_wait3A_297] : memref<10240x128xf32, #tpu.memory_space<hbm>> -> memref<10240x128xf32, #tpu.memory_space<hbm>>
      tpu.wait_indirect_dma semaphore(%arg11 : memref<!tpu.dma_semaphore, #tpu.memory_space<semaphore_mem>>) src(%dma_wait3A_298 : memref<10240x128xf32, #tpu.memory_space<hbm>>) dst(%arg8 : memref<128x128xf32, #tpu.memory_space<vmem>>)
      %dma_start3A_299 = arith.constant 0 : i32
      %dma_start3A_300 = tpu.memref_slice %arg7[%mul3A_284, %dma_start3A_299] : memref<80x128xi32, #tpu.memory_space<vmem>> -> memref<1x128xi32, #tpu.memory_space<vmem>>
      %dma_start3A_301 = tpu.memref_squeeze %dma_start3A_300 : memref<1x128xi32, #tpu.memory_space<vmem>> -> memref<128xi32, #tpu.memory_space<vmem>>
      %dma_start3A_302 = arith.constant 0 : i32
      %dma_start3A_303 = arith.constant 0 : i32
      %dma_start3A_304 = tpu.memref_slice %arg10[%dma_start3A_302, %dma_start3A_303] : memref<10240x128xf32, #tpu.memory_space<vmem_shared>> -> memref<10240x128xf32, #tpu.memory_space<vmem_shared>>
      tpu.enqueue_indirect_dma source(%arg8 : memref<128x128xf32, #tpu.memory_space<vmem>>) target(%dma_start3A_304 : memref<10240x128xf32, #tpu.memory_space<vmem_shared>>) offsets(%dma_start3A_301 : memref<128xi32, #tpu.memory_space<vmem>>) semaphore(%arg13 : memref<!tpu.dma_semaphore, #tpu.memory_space<semaphore_mem>>) {add = true}
      %sub3A_305 = arith.constant 1 : i32
      %sub3A_306 = arith.subi %select_n3A, %sub3A_305 : i32
      %lt3A_307 = arith.cmpi slt, %add3A_282, %sub3A_306 : i32
      %convert_element_type3A_308 = arith.extui %lt3A_307 : i1 to i32
      %cond3A_309 = arith.constant 0 : i32
      %cond3A_310 = arith.cmpi ne, %convert_element_type3A_308, %cond3A_309 : i32
      scf.if %cond3A_310 {
        %add3A_328 = arith.addi %min3A_3, %mul3A_284 : i32
        %add3A_329 = arith.constant 2 : i32
        %add3A_330 = arith.addi %add3A_328, %add3A_329 : i32
        %run_scoped3A_331 = arith.constant 0 : i32
        "tpu.region"() ({
          %run_scoped3A_341 = tpu.sem_alloc : memref<!tpu.dma_semaphore, #tpu.memory_space<semaphore_mem>>
          %dma_start3A_342 = arith.constant 0 : i32
          %dma_start3A_343 = tpu.memref_slice %arg3[%run_scoped3A_331, %add3A_330, %dma_start3A_342] : memref<2x2500x128xi32, #tpu.memory_space<hbm>> -> memref<1x1x128xi32, #tpu.memory_space<hbm>>
          %dma_start3A_344 = tpu.memref_squeeze %dma_start3A_343 : memref<1x1x128xi32, #tpu.memory_space<hbm>> -> memref<128xi32, #tpu.memory_space<hbm>>
          %dma_start3A_345 = arith.constant 0 : i32
          %dma_start3A_346 = tpu.memref_slice %arg3[%run_scoped3A_331, %add3A_330, %dma_start3A_345] : memref<2x2500x128xi32, #tpu.memory_space<hbm>> -> memref<1x1x128xi32, #tpu.memory_space<hbm>>
          %dma_start3A_347 = tpu.memref_squeeze %dma_start3A_346 : memref<1x1x128xi32, #tpu.memory_space<hbm>> -> memref<128xi32, #tpu.memory_space<hbm>>
          tpu.enqueue_dma source(%dma_start3A_347 : memref<128xi32, #tpu.memory_space<hbm>>) target(%arg5 : memref<128xi32, #tpu.memory_space<vmem>>) target_semaphore(%run_scoped3A_341 : memref<!tpu.dma_semaphore, #tpu.memory_space<semaphore_mem>>)
          %dma_wait3A_348 = arith.constant 0 : i32
          %dma_wait3A_349 = tpu.memref_slice %arg3[%run_scoped3A_331, %add3A_330, %dma_wait3A_348] : memref<2x2500x128xi32, #tpu.memory_space<hbm>> -> memref<1x1x128xi32, #tpu.memory_space<hbm>>
          %dma_wait3A_350 = tpu.memref_squeeze %dma_wait3A_349 : memref<1x1x128xi32, #tpu.memory_space<hbm>> -> memref<128xi32, #tpu.memory_space<hbm>>
          %dma_wait3A_351 = arith.constant 0 : i32
          %dma_wait3A_352 = tpu.memref_slice %arg3[%run_scoped3A_331, %add3A_330, %dma_wait3A_351] : memref<2x2500x128xi32, #tpu.memory_space<hbm>> -> memref<1x1x128xi32, #tpu.memory_space<hbm>>
          %dma_wait3A_353 = tpu.memref_squeeze %dma_wait3A_352 : memref<1x1x128xi32, #tpu.memory_space<hbm>> -> memref<128xi32, #tpu.memory_space<hbm>>
          tpu.wait_dma2 semaphore(%run_scoped3A_341 : memref<!tpu.dma_semaphore, #tpu.memory_space<semaphore_mem>>) src(%dma_wait3A_353 : memref<128xi32, #tpu.memory_space<hbm>>) dst(%arg5 : memref<128xi32, #tpu.memory_space<vmem>>)
          tpu.yield
        }) : () -> ()
        %dma_wait3A_332 = arith.constant 0 : i32
        %dma_wait3A_333 = tpu.memref_slice %arg7[%mul3A_284, %dma_wait3A_332] : memref<80x128xi32, #tpu.memory_space<vmem>> -> memref<1x128xi32, #tpu.memory_space<vmem>>
        %dma_wait3A_334 = tpu.memref_squeeze %dma_wait3A_333 : memref<1x128xi32, #tpu.memory_space<vmem>> -> memref<128xi32, #tpu.memory_space<vmem>>
        %dma_wait3A_335 = arith.constant 0 : i32
        %dma_wait3A_336 = arith.constant 0 : i32
        %dma_wait3A_337 = tpu.memref_slice %arg10[%dma_wait3A_335, %dma_wait3A_336] : memref<10240x128xf32, #tpu.memory_space<vmem_shared>> -> memref<10240x128xf32, #tpu.memory_space<vmem_shared>>
        tpu.wait_indirect_dma semaphore(%arg13 : memref<!tpu.dma_semaphore, #tpu.memory_space<semaphore_mem>>) src(%arg8 : memref<128x128xf32, #tpu.memory_space<vmem>>) dst(%dma_wait3A_337 : memref<10240x128xf32, #tpu.memory_space<vmem_shared>>)
        %dma_start3A_338 = arith.constant 0 : i32
        %dma_start3A_339 = arith.constant 0 : i32
        %dma_start3A_340 = tpu.memref_slice %arg2[%dma_start3A_338, %dma_start3A_339] : memref<10240x128xf32, #tpu.memory_space<hbm>> -> memref<10240x128xf32, #tpu.memory_space<hbm>>
        tpu.enqueue_indirect_dma source(%dma_start3A_340 : memref<10240x128xf32, #tpu.memory_space<hbm>>) target(%arg8 : memref<128x128xf32, #tpu.memory_space<vmem>>) offsets(%arg5 : memref<128xi32, #tpu.memory_space<vmem>>) semaphore(%arg11 : memref<!tpu.dma_semaphore, #tpu.memory_space<semaphore_mem>>)
      } else {
      }
      %sub3A_311 = arith.constant 1 : i32
      %sub3A_312 = arith.subi %select_n3A, %sub3A_311 : i32
      %eq3A_313 = arith.cmpi eq, %add3A_282, %sub3A_312 : i32
      %convert_element_type3A_314 = arith.extui %eq3A_313 : i1 to i32
      %cond3A_315 = arith.constant 0 : i32
      %cond3A_316 = arith.cmpi ne, %convert_element_type3A_314, %cond3A_315 : i32
      scf.if %cond3A_316 {
        %dma_wait3A_328 = arith.constant 0 : i32
        %dma_wait3A_329 = tpu.memref_slice %arg7[%mul3A_284, %dma_wait3A_328] : memref<80x128xi32, #tpu.memory_space<vmem>> -> memref<1x128xi32, #tpu.memory_space<vmem>>
        %dma_wait3A_330 = tpu.memref_squeeze %dma_wait3A_329 : memref<1x128xi32, #tpu.memory_space<vmem>> -> memref<128xi32, #tpu.memory_space<vmem>>
        %dma_wait3A_331 = arith.constant 0 : i32
        %dma_wait3A_332 = arith.constant 0 : i32
        %dma_wait3A_333 = tpu.memref_slice %arg10[%dma_wait3A_331, %dma_wait3A_332] : memref<10240x128xf32, #tpu.memory_space<vmem_shared>> -> memref<10240x128xf32, #tpu.memory_space<vmem_shared>>
        tpu.wait_indirect_dma semaphore(%arg13 : memref<!tpu.dma_semaphore, #tpu.memory_space<semaphore_mem>>) src(%arg8 : memref<128x128xf32, #tpu.memory_space<vmem>>) dst(%dma_wait3A_333 : memref<10240x128xf32, #tpu.memory_space<vmem_shared>>)
      } else {
      }
      %dma_wait3A_317 = arith.constant 0 : i32
      %dma_wait3A_318 = arith.constant 0 : i32
      %dma_wait3A_319 = tpu.memref_slice %arg2[%dma_wait3A_317, %dma_wait3A_318] : memref<10240x128xf32, #tpu.memory_space<hbm>> -> memref<10240x128xf32, #tpu.memory_space<hbm>>
      tpu.wait_indirect_dma semaphore(%arg12 : memref<!tpu.dma_semaphore, #tpu.memory_space<semaphore_mem>>) src(%dma_wait3A_319 : memref<10240x128xf32, #tpu.memory_space<hbm>>) dst(%arg9 : memref<128x128xf32, #tpu.memory_space<vmem>>)
      %add3A_320 = arith.constant 1 : i32
      %add3A_321 = arith.addi %mul3A_284, %add3A_320 : i32
      %dma_start3A_322 = arith.constant 0 : i32
      %dma_start3A_323 = tpu.memref_slice %arg7[%add3A_321, %dma_start3A_322] : memref<80x128xi32, #tpu.memory_space<vmem>> -> memref<1x128xi32, #tpu.memory_space<vmem>>
      %dma_start3A_324 = tpu.memref_squeeze %dma_start3A_323 : memref<1x128xi32, #tpu.memory_space<vmem>> -> memref<128xi32, #tpu.memory_space<vmem>>
      %dma_start3A_325 = arith.constant 0 : i32
      %dma_start3A_326 = arith.constant 0 : i32
      %dma_start3A_327 = tpu.memref_slice %arg10[%dma_start3A_325, %dma_start3A_326] : memref<10240x128xf32, #tpu.memory_space<vmem_shared>> -> memref<10240x128xf32, #tpu.memory_space<vmem_shared>>
      tpu.enqueue_indirect_dma source(%arg9 : memref<128x128xf32, #tpu.memory_space<vmem>>) target(%dma_start3A_327 : memref<10240x128xf32, #tpu.memory_space<vmem_shared>>) offsets(%dma_start3A_324 : memref<128xi32, #tpu.memory_space<vmem>>) semaphore(%arg14 : memref<!tpu.dma_semaphore, #tpu.memory_space<semaphore_mem>>) {add = true}
    }
    %mul3A_134 = arith.constant 2 : i32
    %mul3A_135 = arith.muli %mul3A_134, %select_n3A : i32
    %sub3A_136 = arith.constant 1 : i32
    %sub3A_137 = arith.subi %mul3A_135, %sub3A_136 : i32
    %dma_wait3A_138 = arith.constant 0 : i32
    %dma_wait3A_139 = tpu.memref_slice %arg7[%sub3A_137, %dma_wait3A_138] : memref<80x128xi32, #tpu.memory_space<vmem>> -> memref<1x128xi32, #tpu.memory_space<vmem>>
    %dma_wait3A_140 = tpu.memref_squeeze %dma_wait3A_139 : memref<1x128xi32, #tpu.memory_space<vmem>> -> memref<128xi32, #tpu.memory_space<vmem>>
    %dma_wait3A_141 = arith.constant 0 : i32
    %dma_wait3A_142 = arith.constant 0 : i32
    %dma_wait3A_143 = tpu.memref_slice %arg10[%dma_wait3A_141, %dma_wait3A_142] : memref<10240x128xf32, #tpu.memory_space<vmem_shared>> -> memref<10240x128xf32, #tpu.memory_space<vmem_shared>>
    tpu.wait_indirect_dma semaphore(%arg14 : memref<!tpu.dma_semaphore, #tpu.memory_space<semaphore_mem>>) src(%arg9 : memref<128x128xf32, #tpu.memory_space<vmem>>) dst(%dma_wait3A_143 : memref<10240x128xf32, #tpu.memory_space<vmem_shared>>)
    %barrier3A_144 = arith.constant 0 : index
    tpu.barrier barrier_id(%barrier3A_144)
    %mul3A_145 = arith.constant 640 : i32
    %mul3A_146 = arith.muli %arg1, %mul3A_145 : i32
    %add3A_147 = arith.constant 0 : i32
    %add3A_148 = arith.addi %mul3A_146, %add3A_147 : i32
    %multiple_of3A_149 = tpu.assume_multiple %add3A_148, 8 : i32
    "tpu.region"() ({
      %run_scoped3A_280 = tpu.sem_alloc : memref<!tpu.dma_semaphore, #tpu.memory_space<semaphore_mem>>
      %dma_start3A_281 = arith.constant 0 : i32
      %dma_start3A_282 = tpu.memref_slice %arg10[%multiple_of3A_149, %dma_start3A_281] : memref<10240x128xf32, #tpu.memory_space<vmem_shared>> -> memref<128x128xf32, #tpu.memory_space<vmem_shared>>
      %dma_start3A_283 = arith.constant 0 : i32
      %dma_start3A_284 = tpu.memref_slice %arg10[%multiple_of3A_149, %dma_start3A_283] : memref<10240x128xf32, #tpu.memory_space<vmem_shared>> -> memref<128x128xf32, #tpu.memory_space<vmem_shared>>
      tpu.enqueue_dma source(%dma_start3A_284 : memref<128x128xf32, #tpu.memory_space<vmem_shared>>) target(%arg8 : memref<128x128xf32, #tpu.memory_space<vmem>>) target_semaphore(%run_scoped3A_280 : memref<!tpu.dma_semaphore, #tpu.memory_space<semaphore_mem>>)
      %dma_wait3A_285 = arith.constant 0 : i32
      %dma_wait3A_286 = tpu.memref_slice %arg10[%multiple_of3A_149, %dma_wait3A_285] : memref<10240x128xf32, #tpu.memory_space<vmem_shared>> -> memref<128x128xf32, #tpu.memory_space<vmem_shared>>
      %dma_wait3A_287 = arith.constant 0 : i32
      %dma_wait3A_288 = tpu.memref_slice %arg10[%multiple_of3A_149, %dma_wait3A_287] : memref<10240x128xf32, #tpu.memory_space<vmem_shared>> -> memref<128x128xf32, #tpu.memory_space<vmem_shared>>
      tpu.wait_dma2 semaphore(%run_scoped3A_280 : memref<!tpu.dma_semaphore, #tpu.memory_space<semaphore_mem>>) src(%dma_wait3A_288 : memref<128x128xf32, #tpu.memory_space<vmem_shared>>) dst(%arg8 : memref<128x128xf32, #tpu.memory_space<vmem>>)
      tpu.yield
    }) : () -> ()
    %mul3A_150 = arith.constant 640 : i32
    %mul3A_151 = arith.muli %arg1, %mul3A_150 : i32
    %add3A_152 = arith.constant 0 : i32
    %add3A_153 = arith.addi %mul3A_151, %add3A_152 : i32
    %multiple_of3A_154 = tpu.assume_multiple %add3A_153, 8 : i32
    %dma_start3A_155 = arith.constant 0 : i32
    %dma_start3A_156 = tpu.memref_slice %arg4[%arg0, %multiple_of3A_154, %dma_start3A_155] : memref<2x10240x128xf32, #tpu.memory_space<hbm>> -> memref<1x128x128xf32, #tpu.memory_space<hbm>>
    %dma_start3A_157 = tpu.memref_squeeze %dma_start3A_156 : memref<1x128x128xf32, #tpu.memory_space<hbm>> -> memref<128x128xf32, #tpu.memory_space<hbm>>
    %dma_start3A_158 = arith.constant 0 : i32
    %dma_start3A_159 = tpu.memref_slice %arg4[%arg0, %multiple_of3A_154, %dma_start3A_158] : memref<2x10240x128xf32, #tpu.memory_space<hbm>> -> memref<1x128x128xf32, #tpu.memory_space<hbm>>
    %dma_start3A_160 = tpu.memref_squeeze %dma_start3A_159 : memref<1x128x128xf32, #tpu.memory_space<hbm>> -> memref<128x128xf32, #tpu.memory_space<hbm>>
    tpu.enqueue_dma source(%arg8 : memref<128x128xf32, #tpu.memory_space<vmem>>) target(%dma_start3A_160 : memref<128x128xf32, #tpu.memory_space<hbm>>) target_semaphore(%arg13 : memref<!tpu.dma_semaphore, #tpu.memory_space<semaphore_mem>>)
    %mul3A_161 = arith.constant 640 : i32
    %mul3A_162 = arith.muli %arg1, %mul3A_161 : i32
    %add3A_163 = arith.constant 128 : i32
    %add3A_164 = arith.addi %mul3A_162, %add3A_163 : i32
    %multiple_of3A_165 = tpu.assume_multiple %add3A_164, 8 : i32
    "tpu.region"() ({
      %run_scoped3A_280 = tpu.sem_alloc : memref<!tpu.dma_semaphore, #tpu.memory_space<semaphore_mem>>
      %dma_start3A_281 = arith.constant 0 : i32
      %dma_start3A_282 = tpu.memref_slice %arg10[%multiple_of3A_165, %dma_start3A_281] : memref<10240x128xf32, #tpu.memory_space<vmem_shared>> -> memref<128x128xf32, #tpu.memory_space<vmem_shared>>
      %dma_start3A_283 = arith.constant 0 : i32
      %dma_start3A_284 = tpu.memref_slice %arg10[%multiple_of3A_165, %dma_start3A_283] : memref<10240x128xf32, #tpu.memory_space<vmem_shared>> -> memref<128x128xf32, #tpu.memory_space<vmem_shared>>
      tpu.enqueue_dma source(%dma_start3A_284 : memref<128x128xf32, #tpu.memory_space<vmem_shared>>) target(%arg9 : memref<128x128xf32, #tpu.memory_space<vmem>>) target_semaphore(%run_scoped3A_280 : memref<!tpu.dma_semaphore, #tpu.memory_space<semaphore_mem>>)
      %dma_wait3A_285 = arith.constant 0 : i32
      %dma_wait3A_286 = tpu.memref_slice %arg10[%multiple_of3A_165, %dma_wait3A_285] : memref<10240x128xf32, #tpu.memory_space<vmem_shared>> -> memref<128x128xf32, #tpu.memory_space<vmem_shared>>
      %dma_wait3A_287 = arith.constant 0 : i32
      %dma_wait3A_288 = tpu.memref_slice %arg10[%multiple_of3A_165, %dma_wait3A_287] : memref<10240x128xf32, #tpu.memory_space<vmem_shared>> -> memref<128x128xf32, #tpu.memory_space<vmem_shared>>
      tpu.wait_dma2 semaphore(%run_scoped3A_280 : memref<!tpu.dma_semaphore, #tpu.memory_space<semaphore_mem>>) src(%dma_wait3A_288 : memref<128x128xf32, #tpu.memory_space<vmem_shared>>) dst(%arg9 : memref<128x128xf32, #tpu.memory_space<vmem>>)
      tpu.yield
    }) : () -> ()
    %mul3A_166 = arith.constant 640 : i32
    %mul3A_167 = arith.muli %arg1, %mul3A_166 : i32
    %add3A_168 = arith.constant 128 : i32
    %add3A_169 = arith.addi %mul3A_167, %add3A_168 : i32
    %multiple_of3A_170 = tpu.assume_multiple %add3A_169, 8 : i32
    %dma_start3A_171 = arith.constant 0 : i32
    %dma_start3A_172 = tpu.memref_slice %arg4[%arg0, %multiple_of3A_170, %dma_start3A_171] : memref<2x10240x128xf32, #tpu.memory_space<hbm>> -> memref<1x128x128xf32, #tpu.memory_space<hbm>>
    %dma_start3A_173 = tpu.memref_squeeze %dma_start3A_172 : memref<1x128x128xf32, #tpu.memory_space<hbm>> -> memref<128x128xf32, #tpu.memory_space<hbm>>
    %dma_start3A_174 = arith.constant 0 : i32
    %dma_start3A_175 = tpu.memref_slice %arg4[%arg0, %multiple_of3A_170, %dma_start3A_174] : memref<2x10240x128xf32, #tpu.memory_space<hbm>> -> memref<1x128x128xf32, #tpu.memory_space<hbm>>
    %dma_start3A_176 = tpu.memref_squeeze %dma_start3A_175 : memref<1x128x128xf32, #tpu.memory_space<hbm>> -> memref<128x128xf32, #tpu.memory_space<hbm>>
    tpu.enqueue_dma source(%arg9 : memref<128x128xf32, #tpu.memory_space<vmem>>) target(%dma_start3A_176 : memref<128x128xf32, #tpu.memory_space<hbm>>) target_semaphore(%arg14 : memref<!tpu.dma_semaphore, #tpu.memory_space<semaphore_mem>>)
    %mul3A_177 = arith.constant 640 : i32
    %mul3A_178 = arith.muli %arg1, %mul3A_177 : i32
    %add3A_179 = arith.constant 0 : i32
    %add3A_180 = arith.addi %mul3A_178, %add3A_179 : i32
    %multiple_of3A_181 = tpu.assume_multiple %add3A_180, 8 : i32
    %dma_wait3A_182 = arith.constant 0 : i32
    %dma_wait3A_183 = tpu.memref_slice %arg4[%arg0, %multiple_of3A_181, %dma_wait3A_182] : memref<2x10240x128xf32, #tpu.memory_space<hbm>> -> memref<1x128x128xf32, #tpu.memory_space<hbm>>
    %dma_wait3A_184 = tpu.memref_squeeze %dma_wait3A_183 : memref<1x128x128xf32, #tpu.memory_space<hbm>> -> memref<128x128xf32, #tpu.memory_space<hbm>>
    %dma_wait3A_185 = arith.constant 0 : i32
    %dma_wait3A_186 = tpu.memref_slice %arg4[%arg0, %multiple_of3A_181, %dma_wait3A_185] : memref<2x10240x128xf32, #tpu.memory_space<hbm>> -> memref<1x128x128xf32, #tpu.memory_space<hbm>>
    %dma_wait3A_187 = tpu.memref_squeeze %dma_wait3A_186 : memref<1x128x128xf32, #tpu.memory_space<hbm>> -> memref<128x128xf32, #tpu.memory_space<hbm>>
    tpu.wait_dma2 semaphore(%arg13 : memref<!tpu.dma_semaphore, #tpu.memory_space<semaphore_mem>>) src(%arg8 : memref<128x128xf32, #tpu.memory_space<vmem>>) dst(%dma_wait3A_187 : memref<128x128xf32, #tpu.memory_space<hbm>>)
    %mul3A_188 = arith.constant 640 : i32
    %mul3A_189 = arith.muli %arg1, %mul3A_188 : i32
    %add3A_190 = arith.constant 256 : i32
    %add3A_191 = arith.addi %mul3A_189, %add3A_190 : i32
    %multiple_of3A_192 = tpu.assume_multiple %add3A_191, 8 : i32
    "tpu.region"() ({
      %run_scoped3A_280 = tpu.sem_alloc : memref<!tpu.dma_semaphore, #tpu.memory_space<semaphore_mem>>
      %dma_start3A_281 = arith.constant 0 : i32
      %dma_start3A_282 = tpu.memref_slice %arg10[%multiple_of3A_192, %dma_start3A_281] : memref<10240x128xf32, #tpu.memory_space<vmem_shared>> -> memref<128x128xf32, #tpu.memory_space<vmem_shared>>
      %dma_start3A_283 = arith.constant 0 : i32
      %dma_start3A_284 = tpu.memref_slice %arg10[%multiple_of3A_192, %dma_start3A_283] : memref<10240x128xf32, #tpu.memory_space<vmem_shared>> -> memref<128x128xf32, #tpu.memory_space<vmem_shared>>
      tpu.enqueue_dma source(%dma_start3A_284 : memref<128x128xf32, #tpu.memory_space<vmem_shared>>) target(%arg8 : memref<128x128xf32, #tpu.memory_space<vmem>>) target_semaphore(%run_scoped3A_280 : memref<!tpu.dma_semaphore, #tpu.memory_space<semaphore_mem>>)
      %dma_wait3A_285 = arith.constant 0 : i32
      %dma_wait3A_286 = tpu.memref_slice %arg10[%multiple_of3A_192, %dma_wait3A_285] : memref<10240x128xf32, #tpu.memory_space<vmem_shared>> -> memref<128x128xf32, #tpu.memory_space<vmem_shared>>
      %dma_wait3A_287 = arith.constant 0 : i32
      %dma_wait3A_288 = tpu.memref_slice %arg10[%multiple_of3A_192, %dma_wait3A_287] : memref<10240x128xf32, #tpu.memory_space<vmem_shared>> -> memref<128x128xf32, #tpu.memory_space<vmem_shared>>
      tpu.wait_dma2 semaphore(%run_scoped3A_280 : memref<!tpu.dma_semaphore, #tpu.memory_space<semaphore_mem>>) src(%dma_wait3A_288 : memref<128x128xf32, #tpu.memory_space<vmem_shared>>) dst(%arg8 : memref<128x128xf32, #tpu.memory_space<vmem>>)
      tpu.yield
    }) : () -> ()
    %mul3A_193 = arith.constant 640 : i32
    %mul3A_194 = arith.muli %arg1, %mul3A_193 : i32
    %add3A_195 = arith.constant 256 : i32
    %add3A_196 = arith.addi %mul3A_194, %add3A_195 : i32
    %multiple_of3A_197 = tpu.assume_multiple %add3A_196, 8 : i32
    %dma_start3A_198 = arith.constant 0 : i32
    %dma_start3A_199 = tpu.memref_slice %arg4[%arg0, %multiple_of3A_197, %dma_start3A_198] : memref<2x10240x128xf32, #tpu.memory_space<hbm>> -> memref<1x128x128xf32, #tpu.memory_space<hbm>>
    %dma_start3A_200 = tpu.memref_squeeze %dma_start3A_199 : memref<1x128x128xf32, #tpu.memory_space<hbm>> -> memref<128x128xf32, #tpu.memory_space<hbm>>
    %dma_start3A_201 = arith.constant 0 : i32
    %dma_start3A_202 = tpu.memref_slice %arg4[%arg0, %multiple_of3A_197, %dma_start3A_201] : memref<2x10240x128xf32, #tpu.memory_space<hbm>> -> memref<1x128x128xf32, #tpu.memory_space<hbm>>
    %dma_start3A_203 = tpu.memref_squeeze %dma_start3A_202 : memref<1x128x128xf32, #tpu.memory_space<hbm>> -> memref<128x128xf32, #tpu.memory_space<hbm>>
    tpu.enqueue_dma source(%arg8 : memref<128x128xf32, #tpu.memory_space<vmem>>) target(%dma_start3A_203 : memref<128x128xf32, #tpu.memory_space<hbm>>) target_semaphore(%arg13 : memref<!tpu.dma_semaphore, #tpu.memory_space<semaphore_mem>>)
    %mul3A_204 = arith.constant 640 : i32
    %mul3A_205 = arith.muli %arg1, %mul3A_204 : i32
    %add3A_206 = arith.constant 128 : i32
    %add3A_207 = arith.addi %mul3A_205, %add3A_206 : i32
    %multiple_of3A_208 = tpu.assume_multiple %add3A_207, 8 : i32
    %dma_wait3A_209 = arith.constant 0 : i32
    %dma_wait3A_210 = tpu.memref_slice %arg4[%arg0, %multiple_of3A_208, %dma_wait3A_209] : memref<2x10240x128xf32, #tpu.memory_space<hbm>> -> memref<1x128x128xf32, #tpu.memory_space<hbm>>
    %dma_wait3A_211 = tpu.memref_squeeze %dma_wait3A_210 : memref<1x128x128xf32, #tpu.memory_space<hbm>> -> memref<128x128xf32, #tpu.memory_space<hbm>>
    %dma_wait3A_212 = arith.constant 0 : i32
    %dma_wait3A_213 = tpu.memref_slice %arg4[%arg0, %multiple_of3A_208, %dma_wait3A_212] : memref<2x10240x128xf32, #tpu.memory_space<hbm>> -> memref<1x128x128xf32, #tpu.memory_space<hbm>>
    %dma_wait3A_214 = tpu.memref_squeeze %dma_wait3A_213 : memref<1x128x128xf32, #tpu.memory_space<hbm>> -> memref<128x128xf32, #tpu.memory_space<hbm>>
    tpu.wait_dma2 semaphore(%arg14 : memref<!tpu.dma_semaphore, #tpu.memory_space<semaphore_mem>>) src(%arg9 : memref<128x128xf32, #tpu.memory_space<vmem>>) dst(%dma_wait3A_214 : memref<128x128xf32, #tpu.memory_space<hbm>>)
    %mul3A_215 = arith.constant 640 : i32
    %mul3A_216 = arith.muli %arg1, %mul3A_215 : i32
    %add3A_217 = arith.constant 384 : i32
    %add3A_218 = arith.addi %mul3A_216, %add3A_217 : i32
    %multiple_of3A_219 = tpu.assume_multiple %add3A_218, 8 : i32
    "tpu.region"() ({
      %run_scoped3A_280 = tpu.sem_alloc : memref<!tpu.dma_semaphore, #tpu.memory_space<semaphore_mem>>
      %dma_start3A_281 = arith.constant 0 : i32
      %dma_start3A_282 = tpu.memref_slice %arg10[%multiple_of3A_219, %dma_start3A_281] : memref<10240x128xf32, #tpu.memory_space<vmem_shared>> -> memref<128x128xf32, #tpu.memory_space<vmem_shared>>
      %dma_start3A_283 = arith.constant 0 : i32
      %dma_start3A_284 = tpu.memref_slice %arg10[%multiple_of3A_219, %dma_start3A_283] : memref<10240x128xf32, #tpu.memory_space<vmem_shared>> -> memref<128x128xf32, #tpu.memory_space<vmem_shared>>
      tpu.enqueue_dma source(%dma_start3A_284 : memref<128x128xf32, #tpu.memory_space<vmem_shared>>) target(%arg9 : memref<128x128xf32, #tpu.memory_space<vmem>>) target_semaphore(%run_scoped3A_280 : memref<!tpu.dma_semaphore, #tpu.memory_space<semaphore_mem>>)
      %dma_wait3A_285 = arith.constant 0 : i32
      %dma_wait3A_286 = tpu.memref_slice %arg10[%multiple_of3A_219, %dma_wait3A_285] : memref<10240x128xf32, #tpu.memory_space<vmem_shared>> -> memref<128x128xf32, #tpu.memory_space<vmem_shared>>
      %dma_wait3A_287 = arith.constant 0 : i32
      %dma_wait3A_288 = tpu.memref_slice %arg10[%multiple_of3A_219, %dma_wait3A_287] : memref<10240x128xf32, #tpu.memory_space<vmem_shared>> -> memref<128x128xf32, #tpu.memory_space<vmem_shared>>
      tpu.wait_dma2 semaphore(%run_scoped3A_280 : memref<!tpu.dma_semaphore, #tpu.memory_space<semaphore_mem>>) src(%dma_wait3A_288 : memref<128x128xf32, #tpu.memory_space<vmem_shared>>) dst(%arg9 : memref<128x128xf32, #tpu.memory_space<vmem>>)
      tpu.yield
    }) : () -> ()
    %mul3A_220 = arith.constant 640 : i32
    %mul3A_221 = arith.muli %arg1, %mul3A_220 : i32
    %add3A_222 = arith.constant 384 : i32
    %add3A_223 = arith.addi %mul3A_221, %add3A_222 : i32
    %multiple_of3A_224 = tpu.assume_multiple %add3A_223, 8 : i32
    %dma_start3A_225 = arith.constant 0 : i32
    %dma_start3A_226 = tpu.memref_slice %arg4[%arg0, %multiple_of3A_224, %dma_start3A_225] : memref<2x10240x128xf32, #tpu.memory_space<hbm>> -> memref<1x128x128xf32, #tpu.memory_space<hbm>>
    %dma_start3A_227 = tpu.memref_squeeze %dma_start3A_226 : memref<1x128x128xf32, #tpu.memory_space<hbm>> -> memref<128x128xf32, #tpu.memory_space<hbm>>
    %dma_start3A_228 = arith.constant 0 : i32
    %dma_start3A_229 = tpu.memref_slice %arg4[%arg0, %multiple_of3A_224, %dma_start3A_228] : memref<2x10240x128xf32, #tpu.memory_space<hbm>> -> memref<1x128x128xf32, #tpu.memory_space<hbm>>
    %dma_start3A_230 = tpu.memref_squeeze %dma_start3A_229 : memref<1x128x128xf32, #tpu.memory_space<hbm>> -> memref<128x128xf32, #tpu.memory_space<hbm>>
    tpu.enqueue_dma source(%arg9 : memref<128x128xf32, #tpu.memory_space<vmem>>) target(%dma_start3A_230 : memref<128x128xf32, #tpu.memory_space<hbm>>) target_semaphore(%arg14 : memref<!tpu.dma_semaphore, #tpu.memory_space<semaphore_mem>>)
    %mul3A_231 = arith.constant 640 : i32
    %mul3A_232 = arith.muli %arg1, %mul3A_231 : i32
    %add3A_233 = arith.constant 256 : i32
    %add3A_234 = arith.addi %mul3A_232, %add3A_233 : i32
    %multiple_of3A_235 = tpu.assume_multiple %add3A_234, 8 : i32
    %dma_wait3A_236 = arith.constant 0 : i32
    %dma_wait3A_237 = tpu.memref_slice %arg4[%arg0, %multiple_of3A_235, %dma_wait3A_236] : memref<2x10240x128xf32, #tpu.memory_space<hbm>> -> memref<1x128x128xf32, #tpu.memory_space<hbm>>
    %dma_wait3A_238 = tpu.memref_squeeze %dma_wait3A_237 : memref<1x128x128xf32, #tpu.memory_space<hbm>> -> memref<128x128xf32, #tpu.memory_space<hbm>>
    %dma_wait3A_239 = arith.constant 0 : i32
    %dma_wait3A_240 = tpu.memref_slice %arg4[%arg0, %multiple_of3A_235, %dma_wait3A_239] : memref<2x10240x128xf32, #tpu.memory_space<hbm>> -> memref<1x128x128xf32, #tpu.memory_space<hbm>>
    %dma_wait3A_241 = tpu.memref_squeeze %dma_wait3A_240 : memref<1x128x128xf32, #tpu.memory_space<hbm>> -> memref<128x128xf32, #tpu.memory_space<hbm>>
    tpu.wait_dma2 semaphore(%arg13 : memref<!tpu.dma_semaphore, #tpu.memory_space<semaphore_mem>>) src(%arg8 : memref<128x128xf32, #tpu.memory_space<vmem>>) dst(%dma_wait3A_241 : memref<128x128xf32, #tpu.memory_space<hbm>>)
    %mul3A_242 = arith.constant 640 : i32
    %mul3A_243 = arith.muli %arg1, %mul3A_242 : i32
    %add3A_244 = arith.constant 512 : i32
    %add3A_245 = arith.addi %mul3A_243, %add3A_244 : i32
    %multiple_of3A_246 = tpu.assume_multiple %add3A_245, 8 : i32
    "tpu.region"() ({
      %run_scoped3A_280 = tpu.sem_alloc : memref<!tpu.dma_semaphore, #tpu.memory_space<semaphore_mem>>
      %dma_start3A_281 = arith.constant 0 : i32
      %dma_start3A_282 = tpu.memref_slice %arg10[%multiple_of3A_246, %dma_start3A_281] : memref<10240x128xf32, #tpu.memory_space<vmem_shared>> -> memref<128x128xf32, #tpu.memory_space<vmem_shared>>
      %dma_start3A_283 = arith.constant 0 : i32
      %dma_start3A_284 = tpu.memref_slice %arg10[%multiple_of3A_246, %dma_start3A_283] : memref<10240x128xf32, #tpu.memory_space<vmem_shared>> -> memref<128x128xf32, #tpu.memory_space<vmem_shared>>
      tpu.enqueue_dma source(%dma_start3A_284 : memref<128x128xf32, #tpu.memory_space<vmem_shared>>) target(%arg8 : memref<128x128xf32, #tpu.memory_space<vmem>>) target_semaphore(%run_scoped3A_280 : memref<!tpu.dma_semaphore, #tpu.memory_space<semaphore_mem>>)
      %dma_wait3A_285 = arith.constant 0 : i32
      %dma_wait3A_286 = tpu.memref_slice %arg10[%multiple_of3A_246, %dma_wait3A_285] : memref<10240x128xf32, #tpu.memory_space<vmem_shared>> -> memref<128x128xf32, #tpu.memory_space<vmem_shared>>
      %dma_wait3A_287 = arith.constant 0 : i32
      %dma_wait3A_288 = tpu.memref_slice %arg10[%multiple_of3A_246, %dma_wait3A_287] : memref<10240x128xf32, #tpu.memory_space<vmem_shared>> -> memref<128x128xf32, #tpu.memory_space<vmem_shared>>
      tpu.wait_dma2 semaphore(%run_scoped3A_280 : memref<!tpu.dma_semaphore, #tpu.memory_space<semaphore_mem>>) src(%dma_wait3A_288 : memref<128x128xf32, #tpu.memory_space<vmem_shared>>) dst(%arg8 : memref<128x128xf32, #tpu.memory_space<vmem>>)
      tpu.yield
    }) : () -> ()
    %mul3A_247 = arith.constant 640 : i32
    %mul3A_248 = arith.muli %arg1, %mul3A_247 : i32
    %add3A_249 = arith.constant 512 : i32
    %add3A_250 = arith.addi %mul3A_248, %add3A_249 : i32
    %multiple_of3A_251 = tpu.assume_multiple %add3A_250, 8 : i32
    %dma_start3A_252 = arith.constant 0 : i32
    %dma_start3A_253 = tpu.memref_slice %arg4[%arg0, %multiple_of3A_251, %dma_start3A_252] : memref<2x10240x128xf32, #tpu.memory_space<hbm>> -> memref<1x128x128xf32, #tpu.memory_space<hbm>>
    %dma_start3A_254 = tpu.memref_squeeze %dma_start3A_253 : memref<1x128x128xf32, #tpu.memory_space<hbm>> -> memref<128x128xf32, #tpu.memory_space<hbm>>
    %dma_start3A_255 = arith.constant 0 : i32
    %dma_start3A_256 = tpu.memref_slice %arg4[%arg0, %multiple_of3A_251, %dma_start3A_255] : memref<2x10240x128xf32, #tpu.memory_space<hbm>> -> memref<1x128x128xf32, #tpu.memory_space<hbm>>
    %dma_start3A_257 = tpu.memref_squeeze %dma_start3A_256 : memref<1x128x128xf32, #tpu.memory_space<hbm>> -> memref<128x128xf32, #tpu.memory_space<hbm>>
    tpu.enqueue_dma source(%arg8 : memref<128x128xf32, #tpu.memory_space<vmem>>) target(%dma_start3A_257 : memref<128x128xf32, #tpu.memory_space<hbm>>) target_semaphore(%arg13 : memref<!tpu.dma_semaphore, #tpu.memory_space<semaphore_mem>>)
    %mul3A_258 = arith.constant 640 : i32
    %mul3A_259 = arith.muli %arg1, %mul3A_258 : i32
    %add3A_260 = arith.constant 384 : i32
    %add3A_261 = arith.addi %mul3A_259, %add3A_260 : i32
    %multiple_of3A_262 = tpu.assume_multiple %add3A_261, 8 : i32
    %dma_wait3A_263 = arith.constant 0 : i32
    %dma_wait3A_264 = tpu.memref_slice %arg4[%arg0, %multiple_of3A_262, %dma_wait3A_263] : memref<2x10240x128xf32, #tpu.memory_space<hbm>> -> memref<1x128x128xf32, #tpu.memory_space<hbm>>
    %dma_wait3A_265 = tpu.memref_squeeze %dma_wait3A_264 : memref<1x128x128xf32, #tpu.memory_space<hbm>> -> memref<128x128xf32, #tpu.memory_space<hbm>>
    %dma_wait3A_266 = arith.constant 0 : i32
    %dma_wait3A_267 = tpu.memref_slice %arg4[%arg0, %multiple_of3A_262, %dma_wait3A_266] : memref<2x10240x128xf32, #tpu.memory_space<hbm>> -> memref<1x128x128xf32, #tpu.memory_space<hbm>>
    %dma_wait3A_268 = tpu.memref_squeeze %dma_wait3A_267 : memref<1x128x128xf32, #tpu.memory_space<hbm>> -> memref<128x128xf32, #tpu.memory_space<hbm>>
    tpu.wait_dma2 semaphore(%arg14 : memref<!tpu.dma_semaphore, #tpu.memory_space<semaphore_mem>>) src(%arg9 : memref<128x128xf32, #tpu.memory_space<vmem>>) dst(%dma_wait3A_268 : memref<128x128xf32, #tpu.memory_space<hbm>>)
    %mul3A_269 = arith.constant 640 : i32
    %mul3A_270 = arith.muli %arg1, %mul3A_269 : i32
    %add3A_271 = arith.constant 512 : i32
    %add3A_272 = arith.addi %mul3A_270, %add3A_271 : i32
    %multiple_of3A_273 = tpu.assume_multiple %add3A_272, 8 : i32
    %dma_wait3A_274 = arith.constant 0 : i32
    %dma_wait3A_275 = tpu.memref_slice %arg4[%arg0, %multiple_of3A_273, %dma_wait3A_274] : memref<2x10240x128xf32, #tpu.memory_space<hbm>> -> memref<1x128x128xf32, #tpu.memory_space<hbm>>
    %dma_wait3A_276 = tpu.memref_squeeze %dma_wait3A_275 : memref<1x128x128xf32, #tpu.memory_space<hbm>> -> memref<128x128xf32, #tpu.memory_space<hbm>>
    %dma_wait3A_277 = arith.constant 0 : i32
    %dma_wait3A_278 = tpu.memref_slice %arg4[%arg0, %multiple_of3A_273, %dma_wait3A_277] : memref<2x10240x128xf32, #tpu.memory_space<hbm>> -> memref<1x128x128xf32, #tpu.memory_space<hbm>>
    %dma_wait3A_279 = tpu.memref_squeeze %dma_wait3A_278 : memref<1x128x128xf32, #tpu.memory_space<hbm>> -> memref<128x128xf32, #tpu.memory_space<hbm>>
    tpu.wait_dma2 semaphore(%arg13 : memref<!tpu.dma_semaphore, #tpu.memory_space<semaphore_mem>>) src(%arg8 : memref<128x128xf32, #tpu.memory_space<vmem>>) dst(%dma_wait3A_279 : memref<128x128xf32, #tpu.memory_space<hbm>>)
    return
  }
}

module attributes {stable_mosaic.version = 14 : i64} {
  func.func @_tcB_body(%arg0: i32, %arg1: memref<2x2560xf32, #tpu.memory_space<vmem>>, %arg2: memref<2x2560x128xf32, #tpu.memory_space<vmem>>, %arg3: memref<2560x128xf32, #tpu.memory_space<vmem>>, %arg4: memref<1x128xf32, #tpu.memory_space<vmem>>, %arg5: memref<128x128xf32, #tpu.memory_space<vmem>>, %arg6: memref<2560x128xf32, #tpu.memory_space<vmem>>) attributes {dimension_semantics = [#tpu.dimension_semantics<arbitrary>], iteration_bounds = array<i64: 4>, scalar_prefetch = 0 : i64, scratch_operands = 0 : i64, tpu.core_type = #tpu.core_type<tc>, window_params = [{transform_indices = @transform_0, window_bounds = array<i64: 2, 2560>}, {transform_indices = @transform_1, window_bounds = array<i64: 2, 2560, 128>}, {transform_indices = @transform_2, window_bounds = array<i64: 2560, 128>}, {pipeline_mode = #tpu.pipeline_mode<synchronous>, transform_indices = @transform_3, window_bounds = array<i64: 1, 128>}, {pipeline_mode = #tpu.pipeline_mode<synchronous>, transform_indices = @transform_4, window_bounds = array<i64: 128, 128>}, {transform_indices = @transform_5, window_bounds = array<i64: 2560, 128>}]} {
    %get3A = arith.constant 0 : index
    %get3A_0 = arith.constant 0 : index
    %get3A_1 = vector.load %arg1[%get3A, %get3A_0] : memref<2x2560xf32, #tpu.memory_space<vmem>>, vector<1x2560xf32>
    %get3A_2 = vector.shape_cast %get3A_1 : vector<1x2560xf32> to vector<2560xf32>
    %get3A_3 = arith.constant 1 : index
    %get3A_4 = arith.constant 0 : index
    %get3A_5 = vector.load %arg1[%get3A_3, %get3A_4] : memref<2x2560xf32, #tpu.memory_space<vmem>>, vector<1x2560xf32>
    %get3A_6 = vector.shape_cast %get3A_5 : vector<1x2560xf32> to vector<2560xf32>
    %add3A = arith.addf %get3A_2, %get3A_6 : vector<2560xf32>
    %add3A_7 = arith.constant 1.000000e+00 : f32
    %add3A_8 = vector.broadcast %add3A_7 : f32 to vector<2560xf32>
    %add3A_9 = arith.addf %add3A, %add3A_8 : vector<2560xf32>
    %rsqrt3A = math.rsqrt %add3A_9 : vector<2560xf32>
    %get3A_10 = arith.constant 0 : index
    %get3A_11 = arith.constant 0 : index
    %get3A_12 = arith.constant 0 : index
    %get3A_13 = vector.load %arg2[%get3A_10, %get3A_11, %get3A_12] : memref<2x2560x128xf32, #tpu.memory_space<vmem>>, vector<1x2560x128xf32>
    %get3A_14 = vector.shape_cast %get3A_13 : vector<1x2560x128xf32> to vector<2560x128xf32>
    %get3A_15 = arith.constant 1 : index
    %get3A_16 = arith.constant 0 : index
    %get3A_17 = arith.constant 0 : index
    %get3A_18 = vector.load %arg2[%get3A_15, %get3A_16, %get3A_17] : memref<2x2560x128xf32, #tpu.memory_space<vmem>>, vector<1x2560x128xf32>
    %get3A_19 = vector.shape_cast %get3A_18 : vector<1x2560x128xf32> to vector<2560x128xf32>
    %add3A_20 = arith.addf %get3A_14, %get3A_19 : vector<2560x128xf32>
    %get3A_21 = arith.constant 0 : index
    %get3A_22 = arith.constant 0 : index
    %get3A_23 = vector.load %arg3[%get3A_21, %get3A_22] : memref<2560x128xf32, #tpu.memory_space<vmem>>, vector<2560x128xf32>
    %add3A_24 = arith.addf %add3A_20, %get3A_23 : vector<2560x128xf32>
    %broadcast_in_dim3A = vector.shape_cast %rsqrt3A : vector<2560xf32> to vector<2560x1xf32>
    %mul3A = vector.broadcast %broadcast_in_dim3A : vector<2560x1xf32> to vector<2560x128xf32>
    %mul3A_25 = arith.mulf %add3A_24, %mul3A : vector<2560x128xf32>
    %get3A_26 = arith.constant 0 : index
    %get3A_27 = arith.constant 0 : index
    %get3A_28 = vector.load %arg4[%get3A_26, %get3A_27] : memref<1x128xf32, #tpu.memory_space<vmem>>, vector<1x128xf32>
    %add3A_29 = vector.broadcast %get3A_28 : vector<1x128xf32> to vector<2560x128xf32>
    %add3A_30 = arith.addf %mul3A_25, %add3A_29 : vector<2560x128xf32>
    %neg3A = arith.constant 0.000000e+00 : f32
    %neg3A_31 = vector.broadcast %neg3A : f32 to vector<2560x128xf32>
    %neg3A_32 = arith.subf %neg3A_31, %add3A_30 : vector<2560x128xf32>
    %exp3A = math.exp %neg3A_32 : vector<2560x128xf32>
    %add3A_33 = arith.constant 1.000000e+00 : f32
    %add3A_34 = vector.broadcast %add3A_33 : f32 to vector<2560x128xf32>
    %add3A_35 = arith.addf %add3A_34, %exp3A : vector<2560x128xf32>
    %div3A = arith.divf %add3A_30, %add3A_35 : vector<2560x128xf32>
    %get3A_36 = arith.constant 0 : index
    %get3A_37 = arith.constant 0 : index
    %get3A_38 = vector.load %arg5[%get3A_36, %get3A_37] : memref<128x128xf32, #tpu.memory_space<vmem>>, vector<128x128xf32>
    %dot_general3A = arith.constant dense<0.000000e+00> : vector<2560x128xf32>
    %dot_general3A_39 = tpu.matmul %div3A, %get3A_38, %dot_general3A {dimension_numbers = #tpu.dot_dimension_numbers<[1], [0], [0], [1], [0, 0, 1, 1], [], []>, transpose_lhs_hint = false} : vector<2560x128xf32>, vector<128x128xf32>, vector<2560x128xf32> -> vector<2560x128xf32>
    %broadcast_in_dim3A_40 = vector.shape_cast %rsqrt3A : vector<2560xf32> to vector<2560x1xf32>
    %mul3A_41 = vector.broadcast %broadcast_in_dim3A_40 : vector<2560x1xf32> to vector<2560x128xf32>
    %mul3A_42 = arith.mulf %dot_general3A_39, %mul3A_41 : vector<2560x128xf32>
    %swap3A = arith.constant 0 : index
    %swap3A_43 = arith.constant 0 : index
    %swap3A_44 = vector.load %arg6[%swap3A, %swap3A_43] : memref<2560x128xf32, #tpu.memory_space<vmem>>, vector<2560x128xf32>
    tpu.vector_store %arg6[%swap3A, %swap3A_43], %mul3A_42 {strides = array<i32>} : memref<2560x128xf32, #tpu.memory_space<vmem>>, vector<2560x128xf32>,
    return
  }
  func.func @transform_0(%arg0: i32) -> (i32, i32) {
    %c0_i32 = arith.constant 0 : i32
    %c0_i32_0 = arith.constant 0 : i32
    return %c0_i32, %arg0 : i32, i32
  }
  func.func @transform_1(%arg0: i32) -> (i32, i32, i32) {
    %c0_i32 = arith.constant 0 : i32
    %c0_i32_0 = arith.constant 0 : i32
    %c0_i32_1 = arith.constant 0 : i32
    return %c0_i32, %arg0, %c0_i32_0 : i32, i32, i32
  }
  func.func @transform_2(%arg0: i32) -> (i32, i32) {
    %c0_i32 = arith.constant 0 : i32
    %c0_i32_0 = arith.constant 0 : i32
    return %arg0, %c0_i32 : i32, i32
  }
  func.func @transform_3(%arg0: i32) -> (i32, i32) {
    %c0_i32 = arith.constant 0 : i32
    %c0_i32_0 = arith.constant 0 : i32
    %c0_i32_1 = arith.constant 0 : i32
    return %c0_i32, %c0_i32_0 : i32, i32
  }
  func.func @transform_4(%arg0: i32) -> (i32, i32) {
    %c0_i32 = arith.constant 0 : i32
    %c0_i32_0 = arith.constant 0 : i32
    %c0_i32_1 = arith.constant 0 : i32
    return %c0_i32, %c0_i32_0 : i32, i32
  }
  func.func @transform_5(%arg0: i32) -> (i32, i32) {
    %c0_i32 = arith.constant 0 : i32
    %c0_i32_0 = arith.constant 0 : i32
    return %arg0, %c0_i32 : i32, i32
  }
}

module attributes {stable_mosaic.version = 14 : i64} {
  func.func @_tcA_body(%arg0: i32, %arg1: memref<2x2560xf32, #tpu.memory_space<vmem>>, %arg2: memref<2560x128xf32, #tpu.memory_space<vmem>>, %arg3: memref<128x128xf32, #tpu.memory_space<vmem>>, %arg4: memref<2560x128xf32, #tpu.memory_space<vmem>>) attributes {dimension_semantics = [#tpu.dimension_semantics<arbitrary>], iteration_bounds = array<i64: 4>, scalar_prefetch = 0 : i64, scratch_operands = 0 : i64, tpu.core_type = #tpu.core_type<tc>, window_params = [{transform_indices = @transform_0, window_bounds = array<i64: 2, 2560>}, {transform_indices = @transform_1, window_bounds = array<i64: 2560, 128>}, {pipeline_mode = #tpu.pipeline_mode<synchronous>, transform_indices = @transform_2, window_bounds = array<i64: 128, 128>}, {transform_indices = @transform_3, window_bounds = array<i64: 2560, 128>}]} {
    %get3A = arith.constant 0 : index
    %get3A_0 = arith.constant 0 : index
    %get3A_1 = vector.load %arg1[%get3A, %get3A_0] : memref<2x2560xf32, #tpu.memory_space<vmem>>, vector<1x2560xf32>
    %get3A_2 = vector.shape_cast %get3A_1 : vector<1x2560xf32> to vector<2560xf32>
    %get3A_3 = arith.constant 1 : index
    %get3A_4 = arith.constant 0 : index
    %get3A_5 = vector.load %arg1[%get3A_3, %get3A_4] : memref<2x2560xf32, #tpu.memory_space<vmem>>, vector<1x2560xf32>
    %get3A_6 = vector.shape_cast %get3A_5 : vector<1x2560xf32> to vector<2560xf32>
    %add3A = arith.addf %get3A_2, %get3A_6 : vector<2560xf32>
    %add3A_7 = arith.constant 1.000000e+00 : f32
    %add3A_8 = vector.broadcast %add3A_7 : f32 to vector<2560xf32>
    %add3A_9 = arith.addf %add3A, %add3A_8 : vector<2560xf32>
    %rsqrt3A = math.rsqrt %add3A_9 : vector<2560xf32>
    %get3A_10 = arith.constant 0 : index
    %get3A_11 = arith.constant 0 : index
    %get3A_12 = vector.load %arg2[%get3A_10, %get3A_11] : memref<2560x128xf32, #tpu.memory_space<vmem>>, vector<2560x128xf32>
    %get3A_13 = arith.constant 0 : index
    %get3A_14 = arith.constant 0 : index
    %get3A_15 = vector.load %arg3[%get3A_13, %get3A_14] : memref<128x128xf32, #tpu.memory_space<vmem>>, vector<128x128xf32>
    %dot_general3A = arith.constant dense<0.000000e+00> : vector<2560x128xf32>
    %dot_general3A_16 = tpu.matmul %get3A_12, %get3A_15, %dot_general3A {dimension_numbers = #tpu.dot_dimension_numbers<[1], [0], [0], [1], [0, 0, 1, 1], [], []>, transpose_lhs_hint = false} : vector<2560x128xf32>, vector<128x128xf32>, vector<2560x128xf32> -> vector<2560x128xf32>
    %broadcast_in_dim3A = vector.shape_cast %rsqrt3A : vector<2560xf32> to vector<2560x1xf32>
    %mul3A = vector.broadcast %broadcast_in_dim3A : vector<2560x1xf32> to vector<2560x128xf32>
    %mul3A_17 = arith.mulf %dot_general3A_16, %mul3A : vector<2560x128xf32>
    %swap3A = arith.constant 0 : index
    %swap3A_18 = arith.constant 0 : index
    %swap3A_19 = vector.load %arg4[%swap3A, %swap3A_18] : memref<2560x128xf32, #tpu.memory_space<vmem>>, vector<2560x128xf32>
    tpu.vector_store %arg4[%swap3A, %swap3A_18], %mul3A_17 {strides = array<i32>} : memref<2560x128xf32, #tpu.memory_space<vmem>>, vector<2560x128xf32>,
    return
  }
  func.func @transform_0(%arg0: i32) -> (i32, i32) {
    %c0_i32 = arith.constant 0 : i32
    %c0_i32_0 = arith.constant 0 : i32
    return %c0_i32, %arg0 : i32, i32
  }
  func.func @transform_1(%arg0: i32) -> (i32, i32) {
    %c0_i32 = arith.constant 0 : i32
    %c0_i32_0 = arith.constant 0 : i32
    return %arg0, %c0_i32 : i32, i32
  }
  func.func @transform_2(%arg0: i32) -> (i32, i32) {
    %c0_i32 = arith.constant 0 : i32
    %c0_i32_0 = arith.constant 0 : i32
    %c0_i32_1 = arith.constant 0 : i32
    return %c0_i32, %c0_i32_0 : i32, i32
  }
  func.func @transform_3(%arg0: i32) -> (i32, i32) {
    %c0_i32 = arith.constant 0 : i32
    %c0_i32_0 = arith.constant 0 : i32
    return %arg0, %c0_i32 : i32, i32
  }
}

module attributes {stable_mosaic.version = 14 : i64} {
  func.func @_tcC_body(%arg0: i32, %arg1: memref<2x2560xf32, #tpu.memory_space<vmem>>, %arg2: memref<2x2560x128xf32, #tpu.memory_space<vmem>>, %arg3: memref<2560x128xf32, #tpu.memory_space<vmem>>, %arg4: memref<1x128xf32, #tpu.memory_space<vmem>>, %arg5: memref<2560x128xf32, #tpu.memory_space<vmem>>) attributes {dimension_semantics = [#tpu.dimension_semantics<arbitrary>], iteration_bounds = array<i64: 4>, scalar_prefetch = 0 : i64, scratch_operands = 0 : i64, tpu.core_type = #tpu.core_type<tc>, window_params = [{transform_indices = @transform_0, window_bounds = array<i64: 2, 2560>}, {transform_indices = @transform_1, window_bounds = array<i64: 2, 2560, 128>}, {transform_indices = @transform_2, window_bounds = array<i64: 2560, 128>}, {pipeline_mode = #tpu.pipeline_mode<synchronous>, transform_indices = @transform_3, window_bounds = array<i64: 1, 128>}, {transform_indices = @transform_4, window_bounds = array<i64: 2560, 128>}]} {
    %get3A = arith.constant 0 : index
    %get3A_0 = arith.constant 0 : index
    %get3A_1 = vector.load %arg1[%get3A, %get3A_0] : memref<2x2560xf32, #tpu.memory_space<vmem>>, vector<1x2560xf32>
    %get3A_2 = vector.shape_cast %get3A_1 : vector<1x2560xf32> to vector<2560xf32>
    %get3A_3 = arith.constant 1 : index
    %get3A_4 = arith.constant 0 : index
    %get3A_5 = vector.load %arg1[%get3A_3, %get3A_4] : memref<2x2560xf32, #tpu.memory_space<vmem>>, vector<1x2560xf32>
    %get3A_6 = vector.shape_cast %get3A_5 : vector<1x2560xf32> to vector<2560xf32>
    %add3A = arith.addf %get3A_2, %get3A_6 : vector<2560xf32>
    %add3A_7 = arith.constant 1.000000e+00 : f32
    %add3A_8 = vector.broadcast %add3A_7 : f32 to vector<2560xf32>
    %add3A_9 = arith.addf %add3A, %add3A_8 : vector<2560xf32>
    %rsqrt3A = math.rsqrt %add3A_9 : vector<2560xf32>
    %get3A_10 = arith.constant 0 : index
    %get3A_11 = arith.constant 0 : index
    %get3A_12 = arith.constant 0 : index
    %get3A_13 = vector.load %arg2[%get3A_10, %get3A_11, %get3A_12] : memref<2x2560x128xf32, #tpu.memory_space<vmem>>, vector<1x2560x128xf32>
    %get3A_14 = vector.shape_cast %get3A_13 : vector<1x2560x128xf32> to vector<2560x128xf32>
    %get3A_15 = arith.constant 1 : index
    %get3A_16 = arith.constant 0 : index
    %get3A_17 = arith.constant 0 : index
    %get3A_18 = vector.load %arg2[%get3A_15, %get3A_16, %get3A_17] : memref<2x2560x128xf32, #tpu.memory_space<vmem>>, vector<1x2560x128xf32>
    %get3A_19 = vector.shape_cast %get3A_18 : vector<1x2560x128xf32> to vector<2560x128xf32>
    %add3A_20 = arith.addf %get3A_14, %get3A_19 : vector<2560x128xf32>
    %get3A_21 = arith.constant 0 : index
    %get3A_22 = arith.constant 0 : index
    %get3A_23 = vector.load %arg3[%get3A_21, %get3A_22] : memref<2560x128xf32, #tpu.memory_space<vmem>>, vector<2560x128xf32>
    %add3A_24 = arith.addf %add3A_20, %get3A_23 : vector<2560x128xf32>
    %broadcast_in_dim3A = vector.shape_cast %rsqrt3A : vector<2560xf32> to vector<2560x1xf32>
    %mul3A = vector.broadcast %broadcast_in_dim3A : vector<2560x1xf32> to vector<2560x128xf32>
    %mul3A_25 = arith.mulf %add3A_24, %mul3A : vector<2560x128xf32>
    %get3A_26 = arith.constant 0 : index
    %get3A_27 = arith.constant 0 : index
    %get3A_28 = vector.load %arg4[%get3A_26, %get3A_27] : memref<1x128xf32, #tpu.memory_space<vmem>>, vector<1x128xf32>
    %add3A_29 = vector.broadcast %get3A_28 : vector<1x128xf32> to vector<2560x128xf32>
    %add3A_30 = arith.addf %mul3A_25, %add3A_29 : vector<2560x128xf32>
    %neg3A = arith.constant 0.000000e+00 : f32
    %neg3A_31 = vector.broadcast %neg3A : f32 to vector<2560x128xf32>
    %neg3A_32 = arith.subf %neg3A_31, %add3A_30 : vector<2560x128xf32>
    %exp3A = math.exp %neg3A_32 : vector<2560x128xf32>
    %add3A_33 = arith.constant 1.000000e+00 : f32
    %add3A_34 = vector.broadcast %add3A_33 : f32 to vector<2560x128xf32>
    %add3A_35 = arith.addf %add3A_34, %exp3A : vector<2560x128xf32>
    %div3A = arith.divf %add3A_30, %add3A_35 : vector<2560x128xf32>
    %broadcast_in_dim3A_36 = vector.shape_cast %rsqrt3A : vector<2560xf32> to vector<2560x1xf32>
    %mul3A_37 = vector.broadcast %broadcast_in_dim3A_36 : vector<2560x1xf32> to vector<2560x128xf32>
    %mul3A_38 = arith.mulf %div3A, %mul3A_37 : vector<2560x128xf32>
    %swap3A = arith.constant 0 : index
    %swap3A_39 = arith.constant 0 : index
    %swap3A_40 = vector.load %arg5[%swap3A, %swap3A_39] : memref<2560x128xf32, #tpu.memory_space<vmem>>, vector<2560x128xf32>
    tpu.vector_store %arg5[%swap3A, %swap3A_39], %mul3A_38 {strides = array<i32>} : memref<2560x128xf32, #tpu.memory_space<vmem>>, vector<2560x128xf32>,
    return
  }
  func.func @transform_0(%arg0: i32) -> (i32, i32) {
    %c0_i32 = arith.constant 0 : i32
    %c0_i32_0 = arith.constant 0 : i32
    return %c0_i32, %arg0 : i32, i32
  }
  func.func @transform_1(%arg0: i32) -> (i32, i32, i32) {
    %c0_i32 = arith.constant 0 : i32
    %c0_i32_0 = arith.constant 0 : i32
    %c0_i32_1 = arith.constant 0 : i32
    return %c0_i32, %arg0, %c0_i32_0 : i32, i32, i32
  }
  func.func @transform_2(%arg0: i32) -> (i32, i32) {
    %c0_i32 = arith.constant 0 : i32
    %c0_i32_0 = arith.constant 0 : i32
    return %arg0, %c0_i32 : i32, i32
  }
  func.func @transform_3(%arg0: i32) -> (i32, i32) {
    %c0_i32 = arith.constant 0 : i32
    %c0_i32_0 = arith.constant 0 : i32
    %c0_i32_1 = arith.constant 0 : i32
    return %c0_i32, %c0_i32_0 : i32, i32
  }
  func.func @transform_4(%arg0: i32) -> (i32, i32) {
    %c0_i32 = arith.constant 0 : i32
    %c0_i32_0 = arith.constant 0 : i32
    return %arg0, %c0_i32 : i32, i32
  }
}

module attributes {stable_mosaic.version = 14 : i64} {
  func.func @_tcD_body(%arg0: i32, %arg1: memref<2x2560xf32, #tpu.memory_space<vmem>>, %arg2: memref<2x2560x128xf32, #tpu.memory_space<vmem>>, %arg3: memref<2560x128xf32, #tpu.memory_space<vmem>>, %arg4: memref<1x2560xi32, #tpu.memory_space<vmem>>, %arg5: memref<128x64xf32, #tpu.memory_space<vmem>>, %arg6: memref<1x64xf32, #tpu.memory_space<vmem>>, %arg7: memref<128x64xf32, #tpu.memory_space<vmem>>, %arg8: memref<1x64xf32, #tpu.memory_space<vmem>>, %arg9: memref<64x64xf32, #tpu.memory_space<vmem>>, %arg10: memref<64x256xf32, #tpu.memory_space<vmem>>, %arg11: memref<1x256xf32, #tpu.memory_space<vmem>>, %arg12: memref<256x256xf32, #tpu.memory_space<vmem>>, %arg13: memref<1x256xf32, #tpu.memory_space<vmem>>, %arg14: memref<256x231xf32, #tpu.memory_space<vmem>>, %arg15: memref<1x231xf32, #tpu.memory_space<vmem>>, %arg16: memref<1x231xf32, #tpu.memory_space<vmem>>, %arg17: memref<64x64xf32, #tpu.memory_space<vmem>>, %arg18: memref<64x64xf32, #tpu.memory_space<vmem>>, %arg19: memref<64x231xf32, #tpu.memory_space<vmem>>, %arg20: memref<64x231xf32, #tpu.memory_space<vmem>>, %arg21: memref<64x128xf32, #tpu.memory_space<vmem>>, %arg22: memref<1x64xf32, #tpu.memory_space<vmem>>) attributes {dimension_semantics = [#tpu.dimension_semantics<arbitrary>], iteration_bounds = array<i64: 4>, scalar_prefetch = 0 : i64, scratch_operands = 2 : i64, tpu.core_type = #tpu.core_type<tc>, window_params = [{transform_indices = @transform_0, window_bounds = array<i64: 2, 2560>}, {transform_indices = @transform_1, window_bounds = array<i64: 2, 2560, 128>}, {transform_indices = @transform_2, window_bounds = array<i64: 2560, 128>}, {transform_indices = @transform_3, window_bounds = array<i64: 1, 2560>}, {pipeline_mode = #tpu.pipeline_mode<synchronous>, transform_indices = @transform_4, window_bounds = array<i64: 128, 64>}, {pipeline_mode = #tpu.pipeline_mode<synchronous>, transform_indices = @transform_5, window_bounds = array<i64: 1, 64>}, {pipeline_mode = #tpu.pipeline_mode<synchronous>, transform_indices = @transform_6, window_bounds = array<i64: 128, 64>}, {pipeline_mode = #tpu.pipeline_mode<synchronous>, transform_indices = @transform_7, window_bounds = array<i64: 1, 64>}, {pipeline_mode = #tpu.pipeline_mode<synchronous>, transform_indices = @transform_8, window_bounds = array<i64: 64, 64>}, {pipeline_mode = #tpu.pipeline_mode<synchronous>, transform_indices = @transform_9, window_bounds = array<i64: 64, 256>}, {pipeline_mode = #tpu.pipeline_mode<synchronous>, transform_indices = @transform_10, window_bounds = array<i64: 1, 256>}, {pipeline_mode = #tpu.pipeline_mode<synchronous>, transform_indices = @transform_11, window_bounds = array<i64: 256, 256>}, {pipeline_mode = #tpu.pipeline_mode<synchronous>, transform_indices = @transform_12, window_bounds = array<i64: 1, 256>}, {pipeline_mode = #tpu.pipeline_mode<synchronous>, transform_indices = @transform_13, window_bounds = array<i64: 256, 231>}, {pipeline_mode = #tpu.pipeline_mode<synchronous>, transform_indices = @transform_14, window_bounds = array<i64: 1, 231>}, {pipeline_mode = #tpu.pipeline_mode<synchronous>, transform_indices = @transform_15, window_bounds = array<i64: 1, 231>}, {pipeline_mode = #tpu.pipeline_mode<synchronous>, transform_indices = @transform_16, window_bounds = array<i64: 64, 64>}, {pipeline_mode = #tpu.pipeline_mode<synchronous>, transform_indices = @transform_17, window_bounds = array<i64: 64, 64>}, {pipeline_mode = #tpu.pipeline_mode<synchronous>, transform_indices = @transform_18, window_bounds = array<i64: 64, 231>}, {pipeline_mode = #tpu.pipeline_mode<synchronous>, transform_indices = @transform_19, window_bounds = array<i64: 64, 231>}]} {
    %eq3A = arith.constant 0 : i32
    %eq3A_0 = arith.cmpi eq, %arg0, %eq3A : i32
    %convert_element_type3A = arith.extui %eq3A_0 : i1 to i32
    %cond3A = arith.constant 0 : i32
    %cond3A_1 = arith.cmpi ne, %convert_element_type3A, %cond3A : i32
    scf.if %cond3A_1 {
      %broadcast_in_dim3A_56 = arith.constant 0.000000e+00 : f32
      %broadcast_in_dim3A_57 = vector.broadcast %broadcast_in_dim3A_56 : f32 to vector<64x128xf32>
      %swap3A_58 = arith.constant 0 : index
      %swap3A_59 = arith.constant 0 : index
      %swap3A_60 = vector.load %arg21[%swap3A_58, %swap3A_59] : memref<64x128xf32, #tpu.memory_space<vmem>>, vector<64x128xf32>
      tpu.vector_store %arg21[%swap3A_58, %swap3A_59], %broadcast_in_dim3A_57 {strides = array<i32>} : memref<64x128xf32, #tpu.memory_space<vmem>>, vector<64x128xf32>,
      %broadcast_in_dim3A_61 = arith.constant 0.000000e+00 : f32
      %broadcast_in_dim3A_62 = vector.broadcast %broadcast_in_dim3A_61 : f32 to vector<1x64xf32>
      %swap3A_63 = arith.constant 0 : index
      %swap3A_64 = arith.constant 0 : index
      %swap3A_65 = vector.load %arg22[%swap3A_63, %swap3A_64] : memref<1x64xf32, #tpu.memory_space<vmem>>, vector<1x64xf32>
      tpu.vector_store %arg22[%swap3A_63, %swap3A_64], %broadcast_in_dim3A_62 {strides = array<i32>} : memref<1x64xf32, #tpu.memory_space<vmem>>, vector<1x64xf32>,
    } else {
    }
    %get3A = arith.constant 0 : index
    %get3A_2 = arith.constant 0 : index
    %get3A_3 = vector.load %arg1[%get3A, %get3A_2] : memref<2x2560xf32, #tpu.memory_space<vmem>>, vector<1x2560xf32>
    %get3A_4 = vector.shape_cast %get3A_3 : vector<1x2560xf32> to vector<2560xf32>
    %get3A_5 = arith.constant 1 : index
    %get3A_6 = arith.constant 0 : index
    %get3A_7 = vector.load %arg1[%get3A_5, %get3A_6] : memref<2x2560xf32, #tpu.memory_space<vmem>>, vector<1x2560xf32>
    %get3A_8 = vector.shape_cast %get3A_7 : vector<1x2560xf32> to vector<2560xf32>
    %add3A = arith.addf %get3A_4, %get3A_8 : vector<2560xf32>
    %add3A_9 = arith.constant 1.000000e+00 : f32
    %add3A_10 = vector.broadcast %add3A_9 : f32 to vector<2560xf32>
    %add3A_11 = arith.addf %add3A, %add3A_10 : vector<2560xf32>
    %rsqrt3A = math.rsqrt %add3A_11 : vector<2560xf32>
    %get3A_12 = arith.constant 0 : index
    %get3A_13 = arith.constant 0 : index
    %get3A_14 = arith.constant 0 : index
    %get3A_15 = vector.load %arg2[%get3A_12, %get3A_13, %get3A_14] : memref<2x2560x128xf32, #tpu.memory_space<vmem>>, vector<1x2560x128xf32>
    %get3A_16 = vector.shape_cast %get3A_15 : vector<1x2560x128xf32> to vector<2560x128xf32>
    %get3A_17 = arith.constant 1 : index
    %get3A_18 = arith.constant 0 : index
    %get3A_19 = arith.constant 0 : index
    %get3A_20 = vector.load %arg2[%get3A_17, %get3A_18, %get3A_19] : memref<2x2560x128xf32, #tpu.memory_space<vmem>>, vector<1x2560x128xf32>
    %get3A_21 = vector.shape_cast %get3A_20 : vector<1x2560x128xf32> to vector<2560x128xf32>
    %add3A_22 = arith.addf %get3A_16, %get3A_21 : vector<2560x128xf32>
    %get3A_23 = arith.constant 0 : index
    %get3A_24 = arith.constant 0 : index
    %get3A_25 = vector.load %arg3[%get3A_23, %get3A_24] : memref<2560x128xf32, #tpu.memory_space<vmem>>, vector<2560x128xf32>
    %add3A_26 = arith.addf %add3A_22, %get3A_25 : vector<2560x128xf32>
    %broadcast_in_dim3A = vector.shape_cast %rsqrt3A : vector<2560xf32> to vector<2560x1xf32>
    %mul3A = vector.broadcast %broadcast_in_dim3A : vector<2560x1xf32> to vector<2560x128xf32>
    %mul3A_27 = arith.mulf %add3A_26, %mul3A : vector<2560x128xf32>
    %iota3A = tpu.iota {dimensions = array<i32: 0>} : vector<64x2560xi32>
    %get3A_28 = arith.constant 0 : index
    %get3A_29 = arith.constant 0 : index
    %get3A_30 = vector.load %arg4[%get3A_28, %get3A_29] : memref<1x2560xi32, #tpu.memory_space<vmem>>, vector<1x2560xi32>
    %eq3A_31 = vector.broadcast %get3A_30 : vector<1x2560xi32> to vector<64x2560xi32>
    %eq3A_32 = arith.cmpi eq, %eq3A_31, %iota3A : vector<64x2560xi32>
    %convert_element_type3A_33 = arith.extui %eq3A_32 : vector<64x2560xi1> to vector<64x2560xi32>
    %convert_element_type3A_34 = arith.sitofp %convert_element_type3A_33 : vector<64x2560xi32> to vector<64x2560xf32>
    %get3A_35 = arith.constant 0 : index
    %get3A_36 = arith.constant 0 : index
    %get3A_37 = vector.load %arg21[%get3A_35, %get3A_36] : memref<64x128xf32, #tpu.memory_space<vmem>>, vector<64x128xf32>
    %dot_general3A = arith.constant dense<0.000000e+00> : vector<64x128xf32>
    %dot_general3A_38 = tpu.matmul %convert_element_type3A_34, %mul3A_27, %dot_general3A {dimension_numbers = #tpu.dot_dimension_numbers<[1], [0], [0], [1], [0, 0, 1, 1], [], []>, transpose_lhs_hint = false} : vector<64x2560xf32>, vector<2560x128xf32>, vector<64x128xf32> -> vector<64x128xf32>
    %add3A_39 = arith.addf %get3A_37, %dot_general3A_38 : vector<64x128xf32>
    %swap3A = arith.constant 0 : index
    %swap3A_40 = arith.constant 0 : index
    %swap3A_41 = vector.load %arg21[%swap3A, %swap3A_40] : memref<64x128xf32, #tpu.memory_space<vmem>>, vector<64x128xf32>
    tpu.vector_store %arg21[%swap3A, %swap3A_40], %add3A_39 {strides = array<i32>} : memref<64x128xf32, #tpu.memory_space<vmem>>, vector<64x128xf32>,
    %get3A_42 = arith.constant 0 : index
    %get3A_43 = arith.constant 0 : index
    %get3A_44 = vector.load %arg22[%get3A_42, %get3A_43] : memref<1x64xf32, #tpu.memory_space<vmem>>, vector<1x64xf32>
    %reduce_sum3A = arith.constant dense<0.000000e+00> : vector<64xf32>
    %reduce_sum3A_45 = vector.multi_reduction <add>, %convert_element_type3A_34, %reduce_sum3A [1] : vector<64x2560xf32> to vector<64xf32>
    %broadcast_in_dim3A_46 = vector.shape_cast %reduce_sum3A_45 : vector<64xf32> to vector<1x64xf32>
    %add3A_47 = arith.addf %get3A_44, %broadcast_in_dim3A_46 : vector<1x64xf32>
    %swap3A_48 = arith.constant 0 : index
    %swap3A_49 = arith.constant 0 : index
    %swap3A_50 = vector.load %arg22[%swap3A_48, %swap3A_49] : memref<1x64xf32, #tpu.memory_space<vmem>>, vector<1x64xf32>
    tpu.vector_store %arg22[%swap3A_48, %swap3A_49], %add3A_47 {strides = array<i32>} : memref<1x64xf32, #tpu.memory_space<vmem>>, vector<1x64xf32>,
    %eq3A_51 = arith.constant 3 : i32
    %eq3A_52 = arith.cmpi eq, %arg0, %eq3A_51 : i32
    %convert_element_type3A_53 = arith.extui %eq3A_52 : i1 to i32
    %cond3A_54 = arith.constant 0 : i32
    %cond3A_55 = arith.cmpi ne, %convert_element_type3A_53, %cond3A_54 : i32
    scf.if %cond3A_55 {
      %get3A_56 = arith.constant 0 : index
      %get3A_57 = arith.constant 0 : index
      %get3A_58 = vector.load %arg21[%get3A_56, %get3A_57] : memref<64x128xf32, #tpu.memory_space<vmem>>, vector<64x128xf32>
      %get3A_59 = arith.constant 0 : index
      %get3A_60 = arith.constant 0 : index
      %get3A_61 = vector.load %arg22[%get3A_59, %get3A_60] : memref<1x64xf32, #tpu.memory_space<vmem>>, vector<1x64xf32>
      %get3A_62 = vector.shape_cast %get3A_61 : vector<1x64xf32> to vector<64xf32>
      %max3A = arith.constant 1.000000e+00 : f32
      %max3A_63 = vector.broadcast %max3A : f32 to vector<64xf32>
      %max3A_64 = arith.maximumf %get3A_62, %max3A_63 : vector<64xf32>
      %broadcast_in_dim3A_65 = vector.shape_cast %max3A_64 : vector<64xf32> to vector<64x1xf32>
      %div3A = vector.broadcast %broadcast_in_dim3A_65 : vector<64x1xf32> to vector<64x128xf32>
      %div3A_66 = arith.divf %get3A_58, %div3A : vector<64x128xf32>
      %get3A_67 = arith.constant 0 : index
      %get3A_68 = arith.constant 0 : index
      %get3A_69 = vector.load %arg5[%get3A_67, %get3A_68] : memref<128x64xf32, #tpu.memory_space<vmem>>, vector<128x64xf32>
      %dot_general3A_70 = arith.constant dense<0.000000e+00> : vector<64x64xf32>
      %dot_general3A_71 = tpu.matmul %div3A_66, %get3A_69, %dot_general3A_70 {dimension_numbers = #tpu.dot_dimension_numbers<[1], [0], [0], [1], [0, 0, 1, 1], [], []>, transpose_lhs_hint = false} : vector<64x128xf32>, vector<128x64xf32>, vector<64x64xf32> -> vector<64x64xf32>
      %get3A_72 = arith.constant 0 : index
      %get3A_73 = arith.constant 0 : index
      %get3A_74 = vector.load %arg6[%get3A_72, %get3A_73] : memref<1x64xf32, #tpu.memory_space<vmem>>, vector<1x64xf32>
      %add3A_75 = vector.broadcast %get3A_74 : vector<1x64xf32> to vector<64x64xf32>
      %add3A_76 = arith.addf %dot_general3A_71, %add3A_75 : vector<64x64xf32>
      %get3A_77 = arith.constant 0 : index
      %get3A_78 = arith.constant 0 : index
      %get3A_79 = vector.load %arg7[%get3A_77, %get3A_78] : memref<128x64xf32, #tpu.memory_space<vmem>>, vector<128x64xf32>
      %dot_general3A_80 = arith.constant dense<0.000000e+00> : vector<64x64xf32>
      %dot_general3A_81 = tpu.matmul %div3A_66, %get3A_79, %dot_general3A_80 {dimension_numbers = #tpu.dot_dimension_numbers<[1], [0], [0], [1], [0, 0, 1, 1], [], []>, transpose_lhs_hint = false} : vector<64x128xf32>, vector<128x64xf32>, vector<64x64xf32> -> vector<64x64xf32>
      %get3A_82 = arith.constant 0 : index
      %get3A_83 = arith.constant 0 : index
      %get3A_84 = vector.load %arg8[%get3A_82, %get3A_83] : memref<1x64xf32, #tpu.memory_space<vmem>>, vector<1x64xf32>
      %add3A_85 = vector.broadcast %get3A_84 : vector<1x64xf32> to vector<64x64xf32>
      %add3A_86 = arith.addf %dot_general3A_81, %add3A_85 : vector<64x64xf32>
      %mul3A_87 = arith.constant 5.000000e-01 : f32
      %mul3A_88 = vector.broadcast %mul3A_87 : f32 to vector<64x64xf32>
      %mul3A_89 = arith.mulf %mul3A_88, %add3A_86 : vector<64x64xf32>
      %exp3A = math.exp %mul3A_89 : vector<64x64xf32>
      %get3A_90 = arith.constant 0 : index
      %get3A_91 = arith.constant 0 : index
      %get3A_92 = vector.load %arg9[%get3A_90, %get3A_91] : memref<64x64xf32, #tpu.memory_space<vmem>>, vector<64x64xf32>
      %mul3A_93 = arith.mulf %exp3A, %get3A_92 : vector<64x64xf32>
      %add3A_94 = arith.addf %add3A_76, %mul3A_93 : vector<64x64xf32>
      %get3A_95 = arith.constant 0 : index
      %get3A_96 = arith.constant 0 : index
      %get3A_97 = vector.load %arg10[%get3A_95, %get3A_96] : memref<64x256xf32, #tpu.memory_space<vmem>>, vector<64x256xf32>
      %dot_general3A_98 = arith.constant dense<0.000000e+00> : vector<64x256xf32>
      %dot_general3A_99 = tpu.matmul %add3A_94, %get3A_97, %dot_general3A_98 {dimension_numbers = #tpu.dot_dimension_numbers<[1], [0], [0], [1], [0, 0, 1, 1], [], []>, transpose_lhs_hint = false} : vector<64x64xf32>, vector<64x256xf32>, vector<64x256xf32> -> vector<64x256xf32>
      %get3A_100 = arith.constant 0 : index
      %get3A_101 = arith.constant 0 : index
      %get3A_102 = vector.load %arg11[%get3A_100, %get3A_101] : memref<1x256xf32, #tpu.memory_space<vmem>>, vector<1x256xf32>
      %add3A_103 = vector.broadcast %get3A_102 : vector<1x256xf32> to vector<64x256xf32>
      %add3A_104 = arith.addf %dot_general3A_99, %add3A_103 : vector<64x256xf32>
      %tanh3A = math.tanh %add3A_104 : vector<64x256xf32>
      %get3A_105 = arith.constant 0 : index
      %get3A_106 = arith.constant 0 : index
      %get3A_107 = vector.load %arg12[%get3A_105, %get3A_106] : memref<256x256xf32, #tpu.memory_space<vmem>>, vector<256x256xf32>
      %dot_general3A_108 = arith.constant dense<0.000000e+00> : vector<64x256xf32>
      %dot_general3A_109 = tpu.matmul %tanh3A, %get3A_107, %dot_general3A_108 {dimension_numbers = #tpu.dot_dimension_numbers<[1], [0], [0], [1], [0, 0, 1, 1], [], []>, transpose_lhs_hint = false} : vector<64x256xf32>, vector<256x256xf32>, vector<64x256xf32> -> vector<64x256xf32>
      %get3A_110 = arith.constant 0 : index
      %get3A_111 = arith.constant 0 : index
      %get3A_112 = vector.load %arg13[%get3A_110, %get3A_111] : memref<1x256xf32, #tpu.memory_space<vmem>>, vector<1x256xf32>
      %add3A_113 = vector.broadcast %get3A_112 : vector<1x256xf32> to vector<64x256xf32>
      %add3A_114 = arith.addf %dot_general3A_109, %add3A_113 : vector<64x256xf32>
      %tanh3A_115 = math.tanh %add3A_114 : vector<64x256xf32>
      %get3A_116 = arith.constant 0 : index
      %get3A_117 = arith.constant 0 : index
      %get3A_118 = vector.load %arg14[%get3A_116, %get3A_117] : memref<256x231xf32, #tpu.memory_space<vmem>>, vector<256x231xf32>
      %dot_general3A_119 = arith.constant dense<0.000000e+00> : vector<64x231xf32>
      %dot_general3A_120 = tpu.matmul %tanh3A_115, %get3A_118, %dot_general3A_119 {dimension_numbers = #tpu.dot_dimension_numbers<[1], [0], [0], [1], [0, 0, 1, 1], [], []>, transpose_lhs_hint = false} : vector<64x256xf32>, vector<256x231xf32>, vector<64x231xf32> -> vector<64x231xf32>
      %get3A_121 = arith.constant 0 : index
      %get3A_122 = arith.constant 0 : index
      %get3A_123 = vector.load %arg15[%get3A_121, %get3A_122] : memref<1x231xf32, #tpu.memory_space<vmem>>, vector<1x231xf32>
      %add3A_124 = vector.broadcast %get3A_123 : vector<1x231xf32> to vector<64x231xf32>
      %add3A_125 = arith.addf %dot_general3A_120, %add3A_124 : vector<64x231xf32>
      %swap3A_126 = arith.constant 0 : index
      %swap3A_127 = arith.constant 0 : index
      %swap3A_128 = vector.load %arg17[%swap3A_126, %swap3A_127] : memref<64x64xf32, #tpu.memory_space<vmem>>, vector<64x64xf32>
      tpu.vector_store %arg17[%swap3A_126, %swap3A_127], %add3A_76 {strides = array<i32>} : memref<64x64xf32, #tpu.memory_space<vmem>>, vector<64x64xf32>,
      %swap3A_129 = arith.constant 0 : index
      %swap3A_130 = arith.constant 0 : index
      %swap3A_131 = vector.load %arg18[%swap3A_129, %swap3A_130] : memref<64x64xf32, #tpu.memory_space<vmem>>, vector<64x64xf32>
      tpu.vector_store %arg18[%swap3A_129, %swap3A_130], %add3A_86 {strides = array<i32>} : memref<64x64xf32, #tpu.memory_space<vmem>>, vector<64x64xf32>,
      %swap3A_132 = arith.constant 0 : index
      %swap3A_133 = arith.constant 0 : index
      %swap3A_134 = vector.load %arg19[%swap3A_132, %swap3A_133] : memref<64x231xf32, #tpu.memory_space<vmem>>, vector<64x231xf32>
      tpu.vector_store %arg19[%swap3A_132, %swap3A_133], %add3A_125 {strides = array<i32>} : memref<64x231xf32, #tpu.memory_space<vmem>>, vector<64x231xf32>,
      %get3A_135 = arith.constant 0 : index
      %get3A_136 = arith.constant 0 : index
      %get3A_137 = vector.load %arg16[%get3A_135, %get3A_136] : memref<1x231xf32, #tpu.memory_space<vmem>>, vector<1x231xf32>
      %broadcast_in_dim3A_138 = vector.shape_cast %get3A_137 : vector<1x231xf32> to vector<1x231xf32>
      %broadcast_in_dim3A_139 = vector.broadcast %broadcast_in_dim3A_138 : vector<1x231xf32> to vector<64x231xf32>
      %swap3A_140 = arith.constant 0 : index
      %swap3A_141 = arith.constant 0 : index
      %swap3A_142 = vector.load %arg20[%swap3A_140, %swap3A_141] : memref<64x231xf32, #tpu.memory_space<vmem>>, vector<64x231xf32>
      tpu.vector_store %arg20[%swap3A_140, %swap3A_141], %broadcast_in_dim3A_139 {strides = array<i32>} : memref<64x231xf32, #tpu.memory_space<vmem>>, vector<64x231xf32>,
    } else {
    }
    return
  }
  func.func @transform_0(%arg0: i32) -> (i32, i32) {
    %c0_i32 = arith.constant 0 : i32
    %c0_i32_0 = arith.constant 0 : i32
    return %c0_i32, %arg0 : i32, i32
  }
  func.func @transform_1(%arg0: i32) -> (i32, i32, i32) {
    %c0_i32 = arith.constant 0 : i32
    %c0_i32_0 = arith.constant 0 : i32
    %c0_i32_1 = arith.constant 0 : i32
    return %c0_i32, %arg0, %c0_i32_0 : i32, i32, i32
  }
  func.func @transform_2(%arg0: i32) -> (i32, i32) {
    %c0_i32 = arith.constant 0 : i32
    %c0_i32_0 = arith.constant 0 : i32
    return %arg0, %c0_i32 : i32, i32
  }
  func.func @transform_3(%arg0: i32) -> (i32, i32) {
    %c0_i32 = arith.constant 0 : i32
    %c0_i32_0 = arith.constant 0 : i32
    return %c0_i32, %arg0 : i32, i32
  }
  func.func @transform_4(%arg0: i32) -> (i32, i32) {
    %c0_i32 = arith.constant 0 : i32
    %c0_i32_0 = arith.constant 0 : i32
    %c0_i32_1 = arith.constant 0 : i32
    return %c0_i32, %c0_i32_0 : i32, i32
  }
  func.func @transform_5(%arg0: i32) -> (i32, i32) {
    %c0_i32 = arith.constant 0 : i32
    %c0_i32_0 = arith.constant 0 : i32
    %c0_i32_1 = arith.constant 0 : i32
    return %c0_i32, %c0_i32_0 : i32, i32
  }
  func.func @transform_6(%arg0: i32) -> (i32, i32) {
    %c0_i32 = arith.constant 0 : i32
    %c0_i32_0 = arith.constant 0 : i32
    %c0_i32_1 = arith.constant 0 : i32
    return %c0_i32, %c0_i32_0 : i32, i32
  }
  func.func @transform_7(%arg0: i32) -> (i32, i32) {
    %c0_i32 = arith.constant 0 : i32
    %c0_i32_0 = arith.constant 0 : i32
    %c0_i32_1 = arith.constant 0 : i32
    return %c0_i32, %c0_i32_0 : i32, i32
  }
  func.func @transform_8(%arg0: i32) -> (i32, i32) {
    %c0_i32 = arith.constant 0 : i32
    %c0_i32_0 = arith.constant 0 : i32
    %c0_i32_1 = arith.constant 0 : i32
    return %c0_i32, %c0_i32_0 : i32, i32
  }
  func.func @transform_9(%arg0: i32) -> (i32, i32) {
    %c0_i32 = arith.constant 0 : i32
    %c0_i32_0 = arith.constant 0 : i32
    %c0_i32_1 = arith.constant 0 : i32
    return %c0_i32, %c0_i32_0 : i32, i32
  }
  func.func @transform_10(%arg0: i32) -> (i32, i32) {
    %c0_i32 = arith.constant 0 : i32
    %c0_i32_0 = arith.constant 0 : i32
    %c0_i32_1 = arith.constant 0 : i32
    return %c0_i32, %c0_i32_0 : i32, i32
  }
  func.func @transform_11(%arg0: i32) -> (i32, i32) {
    %c0_i32 = arith.constant 0 : i32
    %c0_i32_0 = arith.constant 0 : i32
    %c0_i32_1 = arith.constant 0 : i32
    return %c0_i32, %c0_i32_0 : i32, i32
  }
  func.func @transform_12(%arg0: i32) -> (i32, i32) {
    %c0_i32 = arith.constant 0 : i32
    %c0_i32_0 = arith.constant 0 : i32
    %c0_i32_1 = arith.constant 0 : i32
    return %c0_i32, %c0_i32_0 : i32, i32
  }
  func.func @transform_13(%arg0: i32) -> (i32, i32) {
    %c0_i32 = arith.constant 0 : i32
    %c0_i32_0 = arith.constant 0 : i32
    %c0_i32_1 = arith.constant 0 : i32
    return %c0_i32, %c0_i32_0 : i32, i32
  }
  func.func @transform_14(%arg0: i32) -> (i32, i32) {
    %c0_i32 = arith.constant 0 : i32
    %c0_i32_0 = arith.constant 0 : i32
    %c0_i32_1 = arith.constant 0 : i32
    return %c0_i32, %c0_i32_0 : i32, i32
  }
  func.func @transform_15(%arg0: i32) -> (i32, i32) {
    %c0_i32 = arith.constant 0 : i32
    %c0_i32_0 = arith.constant 0 : i32
    %c0_i32_1 = arith.constant 0 : i32
    return %c0_i32, %c0_i32_0 : i32, i32
  }
  func.func @transform_16(%arg0: i32) -> (i32, i32) {
    %c0_i32 = arith.constant 0 : i32
    %c0_i32_0 = arith.constant 0 : i32
    %c0_i32_1 = arith.constant 0 : i32
    return %c0_i32, %c0_i32_0 : i32, i32
  }
  func.func @transform_17(%arg0: i32) -> (i32, i32) {
    %c0_i32 = arith.constant 0 : i32
    %c0_i32_0 = arith.constant 0 : i32
    %c0_i32_1 = arith.constant 0 : i32
    return %c0_i32, %c0_i32_0 : i32, i32
  }
  func.func @transform_18(%arg0: i32) -> (i32, i32) {
    %c0_i32 = arith.constant 0 : i32
    %c0_i32_0 = arith.constant 0 : i32
    %c0_i32_1 = arith.constant 0 : i32
    return %c0_i32, %c0_i32_0 : i32, i32
  }
  func.func @transform_19(%arg0: i32) -> (i32, i32) {
    %c0_i32 = arith.constant 0 : i32
    %c0_i32_0 = arith.constant 0 : i32
    %c0_i32_1 = arith.constant 0 : i32
    return %c0_i32, %c0_i32_0 : i32, i32
  }
}

</mosaic_0001>

<sc_bundles>
// kernel: kernel.10.cloned.1.call-start
scs
__scs_entry_jumppad:
0x0: {  	(pc) =	sbr.rel $0x88, $3  }
0x1: {  	(tag) =	ssettag $0x0;
	lr =	simm.s32 $0x1  }
0x2: {  	[smem:$0x3F8F] =	sst lr;
	_ =	strace $0xD0000000  }
0x3: {  	_ = 	snop  }
0x4: {  	_ = 	snop  }
0x5: {  	_ = 	snop  }
0x6: {  	_ = 	snop  }
0x7: {  	_ = 	snop  }
__scs_overlays_trampoline_lowered:
0x8: {  	[smem:$0x3F9E] =	sst s0  }
0x9: {  	[smem:$0x3F9F] =	sst s1  }
0xa: {  	[smem:$0x3FA0] =	sst s2  }
0xb: {  	[smem:$0x3FA1] =	sst s3  }
0xc: {  	[smem:$0x3FA2] =	sst s4  }
0xd: {  	[smem:$0x3FA3] =	sst s5  }
0xe: {  	[smem:$0x3FA4] =	sst s6  }
0xf: {  	[smem:$0x3FA5] =	sst s7  }
0x10: {  	[smem:$0x3FA6] =	sst s8  }
0x11: {  	[smem:$0x3FA7] =	sst s9;
	s0 =	simm.s32 @!p0 $0x0  }
0x12: {  	s1 =	sld [smem:$0x3F8D];
	s0 =	simm.s32 @p0 $0x1  }
0x13: {  	[smem:$0x3FA8] =	sst s0;
	s0 =	simm.s32 @!p1 $0x0  }
0x14: {  	s2 =	sld [smem:$0x3F8C];
	s0 =	simm.s32 @p1 $0x1  }
0x15: {  	[smem:$0x3FA9] =	sst s0;
	s0 =	simm.s32 @!p2 $0x0  }
0x16: {  	s3 =	sld [smem:$0x3FDB];
	s0 =	simm.s32 @p2 $0x1  }
0x17: {  	s4 =	simm.s32 $0x1BF5;
	[smem:$0x3FAB] =	sst s0  }
0x18: {  	s0 =	sld [smem:$0x3F8E];
	_ =	swait.ge [sflag:s4], $0x0  }
0x19: {  	s7 =	sld [smem:$0x3F8F]  }
0x1a: {  	s8 =	sadd.s32 $0xFFFFE003, lr  }
0x1b: {  	s9 =	sadd.s32 $0xFFFFFEF7, lr;
	s5 =	simm.s32 $0xFFFFFFFF;
	p2 =	slt.u32 s8, $0xFFFFF086  }
0x1c: {  	p1 =	slt.u32 s9, $0xF7A;
	s5 =	simm.s32 @!p2 $0x0  }
0x1d: {  	s5 =	simm.s32 @p1 $0x1;
	p0 =	seq.s32 s7, s2  }
0x1e: {  	s7 =	smul.u32 @!p0 $0xF7A, s2;
	p2 =	seq.s32 @!p0 s5, $0x0  }
0x1f: {  	s9 =	smul.u32 $0xF7A, s1;
	s8 =	simm.s32 @!p0 $0x1BF5;
	p2 =	por !p2, p0  }
0x20: {  	[sflag:s8] =	ssyncset.s32 @!p0 $0xFFFFF086;
	s6 =	sadd.s32 @!p0 s3, s7;
	s7 =	simm.s32 @!p0 $0x108  }
0x21: {  	s3 =	sadd.s32 s3, s9;
	s6 =	sadd.s32 @!p0 $0x88, s6;
	s7 =	simm.s32 @p2 $0x1082  }
0x22: {  	[simem:s7], [sflag:s8] =	dma.local @!p0 [hbm:s6], $0xF7A  }
0x23: {  	s9 =	sor.u32 $0xD0000000, s2;
	s6 =	simm.s32 $0x108;
	_ =	swait.ge @!p0 [sflag:s8], $0x0  }
0x24: {  	s3 =	sadd.s32 $0x88, s3;
	s6 =	simm.s32 @!p1 $0x1082;
	[sflag:s4] =	ssyncset.s32 $0xFFFFF086  }
0x25: {  	[simem:s6], [sflag:s4] =	dma.local [hbm:s3], $0xF7A  }
0x26: {  	[smem:$0x3F8F] =	sst s1;
	(tag) =	ssettag s2;
	_ =	strace s9  }
0x27: {  	s1 =	sld [smem:$0x3F9F]  }
0x28: {  	s2 =	sld [smem:$0x3FA0]  }
0x29: {  	s4 =	sld [smem:$0x3FA2]  }
0x2a: {  	p0 =	seq.s32 s5, $0x0;
	s5 =	sld [smem:$0x3FA3]  }
0x2b: {  	s6 =	sld [smem:$0x3FA4]  }
0x2c: {  	s7 =	sld [smem:$0x3FA5]  }
0x2d: {  	s3 =	simm.s32 $0x108;
	s8 =	sld [smem:$0x3FA6]  }
0x2e: {  	s3 =	simm.s32 @!p0 $0x1082;
	s9 =	sld [smem:$0x3FA7]  }
0x2f: {  	lr =	sadd.s32 s0, s3;
	s0 =	sld [smem:$0x3F9E]  }
0x30: {  	s3 =	sld [smem:$0x3FA1]  }
0x31: {  	[smem:$0x3FAA] =	sst s10  }
0x32: {  	s10 =	sld [smem:$0x3FA8];
	_ =	sdelay $0x3  }
0x33: {  	p0 =	seq.s32 s10, $0x1;
	s10 =	sld [smem:$0x3FAA];
	_ =	sdelay $0x3  }
0x34: {  	[smem:$0x3FAA] =	sst s10  }
0x35: {  	s10 =	sld [smem:$0x3FA9];
	_ =	sdelay $0x3  }
0x36: {  	p1 =	seq.s32 s10, $0x1;
	s10 =	sld [smem:$0x3FAA];
	_ =	sdelay $0x3  }
0x37: {  	[smem:$0x3FAA] =	sst s10  }
0x38: {  	s10 =	sld [smem:$0x3FAB]  }
0x39: {  	_ = 	snop;
	(pc) =	sbr.ind lr, $3  }
0x3a: {  	_ = 	snop  }
0x3b: {  	_ = 	snop  }
0x3c: {  	p2 =	seq.s32 s10, $0x1;
	s10 =	sld [smem:$0x3FAA]  }
0x3d: {  	_ =	shalt  }
0x3e: {  	_ =	shalt  }
0x3f: {  	_ =	shalt  }
0x40: {  	_ =	shalt  }
0x41: {  	_ =	shalt  }
0x42: {  	_ =	shalt  }
0x43: {  	_ =	shalt  }
0x44: {  	_ =	shalt  }
0x45: {  	_ =	shalt  }
0x46: {  	_ =	shalt  }
0x47: {  	_ =	shalt  }
0x48: {  	_ =	shalt  }
0x49: {  	_ =	shalt  }
0x4a: {  	_ =	shalt  }
0x4b: {  	_ =	shalt  }
0x4c: {  	_ =	shalt  }
0x4d: {  	_ =	shalt  }
0x4e: {  	_ =	shalt  }
0x4f: {  	_ =	shalt  }
0x50: {  	_ =	shalt  }
0x51: {  	_ =	shalt  }
0x52: {  	_ =	shalt  }
0x53: {  	_ =	shalt  }
0x54: {  	_ =	shalt  }
0x55: {  	_ =	shalt  }
0x56: {  	_ =	shalt  }
0x57: {  	_ =	shalt  }
0x58: {  	_ =	shalt  }
0x59: {  	_ =	shalt  }
0x5a: {  	_ =	shalt  }
0x5b: {  	_ =	shalt  }
0x5c: {  	_ =	shalt  }
0x5d: {  	_ =	shalt  }
0x5e: {  	_ =	shalt  }
0x5f: {  	_ =	shalt  }
0x60: {  	_ =	shalt  }
0x61: {  	_ =	shalt  }
0x62: {  	_ =	shalt  }
0x63: {  	_ =	shalt  }
0x64: {  	_ =	shalt  }
0x65: {  	_ =	shalt  }
0x66: {  	_ =	shalt  }
0x67: {  	_ =	shalt  }
0x68: {  	_ =	shalt  }
0x69: {  	_ =	shalt  }
0x6a: {  	_ =	shalt  }
0x6b: {  	_ =	shalt  }
0x6c: {  	_ =	shalt  }
0x6d: {  	_ =	shalt  }
0x6e: {  	_ =	shalt  }
0x6f: {  	_ =	shalt  }
0x70: {  	_ =	shalt  }
0x71: {  	_ =	shalt  }
0x72: {  	_ =	shalt  }
0x73: {  	_ =	shalt  }
0x74: {  	_ =	shalt  }
0x75: {  	_ =	shalt  }
0x76: {  	_ =	shalt  }
0x77: {  	_ =	shalt  }
0x78: {  	_ =	shalt  }
0x79: {  	_ =	shalt  }
0x7a: {  	_ =	shalt  }
0x7b: {  	_ =	shalt  }
0x7c: {  	_ =	shalt  }
0x7d: {  	_ =	shalt  }
0x7e: {  	_ =	shalt  }
0x7f: {  	_ =	shalt  }
0x80: {  	_ =	shalt  }
0x81: {  	_ =	shalt  }
0x82: {  	_ =	shalt  }
0x83: {  	_ =	shalt  }
0x84: {  	_ =	shalt  }
0x85: {  	_ =	shalt  }
0x86: {  	_ =	shalt  }
0x87: {  	_ =	shalt  }
.Lfunc_end0:
.L_simem_size_0:
called_computation_lowered:
.L_overlay_start_0:
0x88: {  	s2 =	sld [smem:$0x3FD9]  }
0x89: {  	s3 =	sld [smem:$0x3FFE];
	_ =	sdelay $0x1  }
0x8a: {  	s1 =	srdreg.scid  }
0x8b: {  	s0 =	sand.u32 $0x1, s1  }
0x8c: {  	s16 =	sshll.u32 s0, $0xA;
	s2 =	sadd.s32 s3, s2  }
0x8d: {  	s2 =	sadd.s32 s2, s16  }
0x8e: {  	[smem:$0x3FB6] =	sst s2  }
0x8f: {  	_ = 	snop  }
0x90: {  	(tm) =	ssettm $0x1  }
0x91: {  	s17 =	sld [smem:$0x3FFB];
	_ =	sdelay $0x3  }
0x92: {  	_ =	strace s17  }
0x93: {  	s2 =	sld [smem:$0x3FFC];
	_ =	sdelay $0x3  }
0x94: {  	_ =	strace s2  }
0x95: {  	s2 =	sld [smem:$0x3FFD];
	_ =	sdelay $0x3  }
0x96: {  	_ =	strace s2  }
0x97: {  	_ =	strace $0x8FFFFFFF  }
0x98: {  	s18 =	sld [smem:$0x3FDB];
	_ =	sdelay $0x1  }
0x99: {  	s19 =	simm.s32 $_scs_section_size  }
0x9a: {  	s4 =	simm.s32 $_size__tile_overlayer_lowered;
	s5 =	simm.s32 $_tile_overlayer_lowered  }
0x9b: {  	s22 =	simm.s32 $0x1BFF;
	s21 =	sshll.u32 s5, $0x1;
	s2 =	sadd.s32 s19, s18  }
0x9c: {  	s6 =	simm.s32 $0x0;
	s20 =	sshll.u32 s4, $0x1;
	s4 =	sadd.s32 s21, s2  }
0x9d: {  	[timem:s6], [sflag:s22] =	dma.local [hbm:s4], s20  }
0x9e: {  	_ =	swait.ge [sflag:s22], s20  }
0x9f: {  	s3 =	ssub.s32 $0x0, s20;
	[sflag:s22] =	ssyncset.done $0x0  }
0xa0: {  	[sflag:s22] =	ssyncadd.s32 s3;
	_ =	sdelay $0x1  }
0xa1: {  	s23 =	simm.s32 $0x1B8B  }
0xa2: {  	_ =	swait.ge [sflag:s23], $0x1  }
0xa3: {  	[sflag:s23] =	ssyncset.done $0x0  }
0xa4: {  	s25 =	simm.s32 $0x1B8E;
	s24 =	sld [smem:$0x3FFE];
	[sflag:s23] =	ssyncadd.s32 $0xFFFFFFFF  }
0xa5: {  	s26 =	simm.s32 $execute0_lowered;
	[smem:$0x3FD2] =	sst s25  }
0xa6: {  	s4 =	sshll.u32 s26, $0x1;
	_ =	strace $0x80000046;
	[dreg:$0x1] =	wrdreg $0xFFFFFFFF  }
0xa7: {  	s28 =	simm.s32 $_size_execute0_lowered;
	s2 =	sadd.s32 s2, s4;
	[dreg:$0x0] =	wrdreg $0x0  }
0xa8: {  	s4 =	sshll.u32 s28, $0x1;
	[dreg:$0x2] =	wrdreg s2  }
0xa9: {  	[dreg:$0x3] =	wrdreg s4  }
0xaa: {  	[dreg:$0x4] =	wrdreg $0xC0  }
0xab: {  	_ =	task [dreg:s6], $0x5FFFF  }
0xac: {  	[dreg:$0x1] =	wrdreg $0xFFFFFFFF  }
0xad: {  	[dreg:$0x0] =	wrdreg $0x60  }
0xae: {  	[dreg:$0x2] =	wrdreg s24  }
0xaf: {  	[dreg:$0x3] =	wrdreg $0x2B000  }
0xb0: {  	[dreg:$0x4] =	wrdreg $0x9  }
0xb1: {  	_ =	task.clear_ibuf [dreg:s6], $0x5FFFF;
	_ =	strace $0x90000046  }
0xb2: {  	s29 =	simm.s32 $0x9;
	_ =	strace $0x80000048  }
0xb3: {  	_ =	swait.ge [sflag:s29], $0x1  }
0xb4: {  	[sflag:s29] =	ssyncadd.s32 $0xFFFFFFFF  }
0xb5: {  	_ =	strace $0x90000048  }
0xb6: {  	_ =	sfence  }
0xb7: {  	s30 =	sld [smem:$0x0];
	_ =	sdelay $0x2  }
0xb8: {  	s31 =	sshll.u32 s1, $0xD;
	s1 =	sshrl.u32 s1, $0x2  }
0xb9: {  	s3 =	sand.u32 $0x4000, s31;
	s1 =	sadd.s32 s1, s30  }
0xba: {  	s0 =	sor.u32 s3, s0;
	s1 =	sshll.u32 s1, $0x11  }
0xbb: {  	s0 =	sor.u32 s1, s0  }
0xbc: {  	s0 =	sadd.s32 $0x8F2B, s0  }
0xbd: {  	[sflag:s0] =	ssyncadd.remote.s32 $0x1  }
0xbe: {  	_ =	sfence.sel $0xFFFF  }
0xbf: {  	[dreg:$0x0] =	wrdreg $0xFFFFFFFF;
	(pc) =	sbr.abs _section_cstart, $3  }
0xc0: {  	[dreg:$0x1] =	wrdreg $0xFFFFFFFF  }
0xc1: {  	_ =	task.clear_ibuf [dreg:s6], $0x2FFFF;
	_ =	strace $0x9FFFFFFF  }
0xc2: {  	(tm) =	ssettm $0x7FFFFFFF  }
0xc3: {  	_ =	shalt  }
tec
execute0_lowered:
.L_overlay_start_1:
0x0: {  	(tag) =	ssettag $0x1  }
0x1: {  	s9 =	rddreg [dreg:$0x0]  }
0x2: {  	s2 =	rddreg [dreg:$0x1]  }
0x3: {  	s0 =	rddreg [dreg:$0x2]  }
0x4: {  	s3 =	srdreg.scid;
	s1 =	stileid.u32  }
0x5: {  	s14 =	simm.s32 $0x3;
	s15 =	simm.s32 $0x80;
	s16 =	simm.s32 $0x2800  }
0x6: {  	s17 =	simm.s32 $0x1;
	s18 =	simm.s32 $0x2;
	s19 =	simm.s32 $0x100  }
0x7: {  	s4 =	sand.u32 $0x1, s3;
	s5 =	smul.u32 $0x500, s1;
	s6 =	sshll.u32 s1, $0x1  }
0x8: {  	s3 =	simm.s32 $0x0;
	s10 =	smul.u32 $0xA00, s1;
	s8 =	sadd.s32 $0x186A0, s9  }
0x9: {  	s7 =	sshll.u32 s4, $0x7;
	s13 =	sor.u32 s4, s6;
	[smem:$0x7FF] =	sst s3  }
0xa: {  	s4 =	ssub.s32 $0x2, s4;
	s5 =	sor.u32 s7, s5;
	s6 =	smul.u32 $0x2800, s13  }
0xb: {  	_ =	strace $0x80000047;
	s30 =	sshrl.u32 s4, $0x1;
	s7 =	sadd.s32 $0x18690, s9  }
0xc: {  	s10 =	sshrl.u32 s10, $0x2;
	p0 =	seq.s32 s13, $0x1F;
	s13 =	simm.s32 $0x2880  }
0xd: {  	s5 =	sshrl.u32 s5, $0x3;
	s12 =	ssub.s32 s4, s30;
	s10 =	sadd.s32 s10, s2  }
0xe: {  	s11 =	sadd.s32 s5, s9;
	s6 =	sshrl.u32 s6, $0x3;
	s5 =	sadd.s32 $0x18580, s9  }
0xf: {  	s12 =	smax.u32 s12, $0x1;
	s31 =	sadd.s32 s9, s6;
	s6 =	sadd.s32 $0x18680, s9  }
0x10: {  	v0 =	vimm.f32 $0.0e+00;
	v1 =	vimm.f32 $1.000000000e+00;
	s9 =	sadd.s32 $0x186B0, s9;
	s11 =	sadd.s32 $0x18800, s11;
	s4 =	sadd.s32 $0xEA80, s31  }
.LBB2_1:
0x11: {  	s20 =	simm.s32 @p0 $0x0  }
0x12: {  	[tilespmem:s20], [sflag:$0x1] =	stream.linear.gather @p0 [hbm4b:s5+s20], $0x800, $0x38;
	[tilespmem:$0x2D80] =	vst v63  }
0x13: {  	s21 =	simm.s32 @p0 $0x800  }
0x14: {  	[tilespmem:s21], [sflag:$0x1] =	stream.linear.gather @p0 [hbm4b:s6+s20], $0x80, $0x38;
	[tilespmem:$0x2D80] =	vst v63  }
0x15: {  	s21 =	simm.s32 @p0 $0x880  }
0x16: {  	[tilespmem:s21], [sflag:$0x1] =	stream.linear.gather @p0 [hbm4b:s7+s20], $0x80, $0x38;
	[tilespmem:$0x2D80] =	vst v63  }
0x17: {  	s21 =	simm.s32 @p0 $0x900  }
0x18: {  	[tilespmem:s21], [sflag:$0x1] =	stream.linear.gather @p0 [hbm4b:s8+s20], $0x80, $0x38;
	[tilespmem:$0x2D80] =	vst v63  }
0x19: {  	s21 =	simm.s32 @p0 $0x980  }
0x1a: {  	[tilespmem:s21], [sflag:$0x1] =	stream.linear.gather @p0 [hbm4b:s9+s20], $0x80, $0x38;
	[tilespmem:$0x2D80] =	vst v63  }
0x1b: {  	s20 =	simm.s32 @!p0 $0x0  }
0x1c: {  	[tilespmem:s20], [sflag:$0x1] =	stream.linear.gather @!p0 [hbm4b:s4+s20], $0x2800, $0x38;
	[tilespmem:$0x2D80] =	vst v63  }
0x1d: {  	[tilespmem:$0x2880] =	vst v0  }
0x1e: {  	[tilespmem:$0x2890] =	vst v0  }
0x1f: {  	[tilespmem:$0x28A0] =	vst v0  }
0x20: {  	[tilespmem:$0x28B0] =	vst v0  }
0x21: {  	[tilespmem:$0x28C0] =	vst v0  }
0x22: {  	[tilespmem:$0x28D0] =	vst v0  }
0x23: {  	[tilespmem:$0x28E0] =	vst v0  }
0x24: {  	[tilespmem:$0x28F0] =	vst v0  }
0x25: {  	[tilespmem:$0x2900] =	vst v0  }
0x26: {  	[tilespmem:$0x2910] =	vst v0  }
0x27: {  	[tilespmem:$0x2920] =	vst v0  }
0x28: {  	[tilespmem:$0x2930] =	vst v0  }
0x29: {  	[tilespmem:$0x2940] =	vst v0  }
0x2a: {  	[tilespmem:$0x2950] =	vst v0  }
0x2b: {  	[tilespmem:$0x2960] =	vst v0  }
0x2c: {  	[tilespmem:$0x2970] =	vst v0  }
0x2d: {  	[tilespmem:$0x2980] =	vst v0  }
0x2e: {  	[tilespmem:$0x2990] =	vst v0  }
0x2f: {  	[tilespmem:$0x29A0] =	vst v0  }
0x30: {  	[tilespmem:$0x29B0] =	vst v0  }
0x31: {  	[tilespmem:$0x29C0] =	vst v0  }
0x32: {  	[tilespmem:$0x29D0] =	vst v0  }
0x33: {  	[tilespmem:$0x29E0] =	vst v0  }
0x34: {  	[tilespmem:$0x29F0] =	vst v0  }
0x35: {  	[tilespmem:$0x2A00] =	vst v0  }
0x36: {  	[tilespmem:$0x2A10] =	vst v0  }
0x37: {  	[tilespmem:$0x2A20] =	vst v0  }
0x38: {  	[tilespmem:$0x2A30] =	vst v0  }
0x39: {  	[tilespmem:$0x2A40] =	vst v0  }
0x3a: {  	[tilespmem:$0x2A50] =	vst v0  }
0x3b: {  	[tilespmem:$0x2A60] =	vst v0  }
0x3c: {  	[tilespmem:$0x2A70] =	vst v0  }
0x3d: {  	[tilespmem:$0x2A80] =	vst v0  }
0x3e: {  	[tilespmem:$0x2A90] =	vst v0  }
0x3f: {  	[tilespmem:$0x2AA0] =	vst v0  }
0x40: {  	[tilespmem:$0x2AB0] =	vst v0  }
0x41: {  	[tilespmem:$0x2AC0] =	vst v0  }
0x42: {  	[tilespmem:$0x2AD0] =	vst v0  }
0x43: {  	[tilespmem:$0x2AE0] =	vst v0  }
0x44: {  	[tilespmem:$0x2AF0] =	vst v0  }
0x45: {  	[tilespmem:$0x2800] =	vst v1  }
0x46: {  	[tilespmem:$0x2810] =	vst v1  }
0x47: {  	[tilespmem:$0x2820] =	vst v1  }
0x48: {  	[tilespmem:$0x2830] =	vst v1  }
0x49: {  	[tilespmem:$0x2840] =	vst v1  }
0x4a: {  	[tilespmem:$0x2850] =	vst v1  }
0x4b: {  	[tilespmem:$0x2860] =	vst v1  }
0x4c: {  	[tilespmem:$0x2870] =	vst v1  }
0x4d: {  	[spmem:s10] =	stream.linear.scatter [tilespmem:s13], [sflag:$0x3], $0x280, $0x38;
	[tilespmem:$0x2D80] =	vst v63  }
0x4e: {  	_ =	swait.ge [sflag:s14], $0x280  }
0x4f: {  	[sflag:s14] =	ssyncset.done $0x0  }
0x50: {  	s20 =	simm.s32 @p0 $0x1;
	[sflag:s14] =	ssyncadd.s32 $0xFFFFFD80  }
0x51: {  	_ =	swait.ge @p0 [sflag:s20], $0x800  }
0x52: {  	[sflag:s20] =	ssyncset.done @p0 $0x0  }
0x53: {  	[sflag:s20] =	ssyncadd.s32 @p0 $0xFFFFF800  }
0x54: {  	_ =	swait.ge @p0 [sflag:s20], $0x80  }
0x55: {  	[sflag:s20] =	ssyncset.done @p0 $0x0  }
0x56: {  	[sflag:s20] =	ssyncadd.s32 @p0 $0xFFFFFF80  }
0x57: {  	_ =	swait.ge @p0 [sflag:s20], $0x80  }
0x58: {  	[sflag:s20] =	ssyncset.done @p0 $0x0  }
0x59: {  	[sflag:s20] =	ssyncadd.s32 @p0 $0xFFFFFF80  }
0x5a: {  	_ =	swait.ge @p0 [sflag:s20], $0x80  }
0x5b: {  	[sflag:s20] =	ssyncset.done @p0 $0x0  }
0x5c: {  	[sflag:s20] =	ssyncadd.s32 @p0 $0xFFFFFF80  }
0x5d: {  	s21 =	simm.s32 @!p0 $0x28;
	_ =	swait.ge @p0 [sflag:s20], $0x80  }
0x5e: {  	s21 =	simm.s32 @p0 $0xA;
	[sflag:s20] =	ssyncset.done @p0 $0x0  }
0x5f: {  	p2 =	sne.s32 s21, $0x1;
	[sflag:s20] =	ssyncadd.s32 @p0 $0xFFFFFF80;
	s20 =	simm.s32 @!p0 $0x1  }
.Ltmp0:
0x60: {  	_ =	swait.ge @!p0 [sflag:s20], $0x2800;
	(pc) =	sbr.rel @!p2 .LBB2_4-.Ltmp0, $4  }
0x61: {  	[sflag:s20] =	ssyncset.done @!p0 $0x0  }
0x62: {  	[sflag:s20] =	ssyncadd.s32 @!p0 $0xFFFFD800  }
0x63: {  	[bflag:$0x0] =	sbarrier.arrive $0xFFFF  }
0x64: {  	p1 =	por $0x0, $0x0;
	s21 =	sadd.s32 $0xFFFFFFFF, s21;
	s20 =	simm.s32 $0x80  }
0x65: {  	s20 =	simm.s32 $0x0  }
0x66: {  	[spmem:s2] =	stream.indirect.scatter.add.f32 [tilespmem:s16], [sflag:$0x1], $0x1, s20, s15, $0xb8;
	[tilespmem:$0x2D80] =	vst v63  }
0x67: {  	p2 =	sne.s32 s21, $0x1  }
0x68: {  	[spmem:s2] =	stream.indirect.scatter.add.f32 [tilespmem:s16], [sflag:$0x2], $0x1, s15, s15, $0xb8;
	[tilespmem:$0x2D80] =	vst v63  }
.Ltmp1:
0x69: {  	_ =	swait.ge [sflag:s17], $0x80;
	(pc) =	sbr.rel @!p2 .LBB2_4-.Ltmp1, $4  }
0x6a: {  	[sflag:s17] =	ssyncset.done $0x0  }
0x6b: {  	[sflag:s17] =	ssyncadd.s32 $0xFFFFFF80  }
0x6c: {  	s21 =	sadd.s32 $0xFFFFFFFF, s21;
	_ =	swait.ge [sflag:s18], $0x80  }
0x6d: {  	p1 =	por $0x1, $0x1;
	s20 =	simm.s32 $0x180;
	[sflag:s18] =	ssyncset.done $0x0  }
.LBB2_3:
0x6e: {  	p2 =	sne.s32 s21, $0x1;
	s22 =	sadd.s32 $0xFFFFFF80, s20;
	[sflag:s18] =	ssyncadd.s32 $0xFFFFFF80  }
0x6f: {  	[spmem:s2] =	stream.indirect.scatter.add.f32 [tilespmem:s16], [sflag:$0x1], $0x1, s22, s15, $0xb8;
	[tilespmem:$0x2D80] =	vst v63  }
0x70: {  	s21 =	sadd.s32 $0xFFFFFFFF, s21  }
0x71: {  	[spmem:s2] =	stream.indirect.scatter.add.f32 [tilespmem:s16], [sflag:$0x2], $0x1, s20, s15, $0xb8;
	[tilespmem:$0x2D80] =	vst v63  }
.Ltmp2:
0x72: {  	_ =	swait.ge [sflag:s17], $0x80;
	(pc) =	sbr.rel @p2 .LBB2_3-.Ltmp2, $4  }
0x73: {  	[sflag:s17] =	ssyncset.done $0x0  }
0x74: {  	[sflag:s17] =	ssyncadd.s32 $0xFFFFFF80  }
0x75: {  	_ =	swait.ge [sflag:s18], $0x80  }
0x76: {  	s20 =	sadd.s32 $0x100, s20;
	[sflag:s18] =	ssyncset.done $0x0  }
.LBB2_4:
0x77: {  	s21 =	sadd.s32 $0xFFFFFF80, s20;
	[sflag:s18] =	ssyncadd.s32 @p1 $0xFFFFFF80  }
0x78: {  	[spmem:s2] =	stream.indirect.scatter.add.f32 [tilespmem:s16], [sflag:$0x1], $0x1, s21, s15, $0xb8;
	[tilespmem:$0x2D80] =	vst v63  }
0x79: {  	_ = 	snop  }
0x7a: {  	[spmem:s2] =	stream.indirect.scatter.add.f32 [tilespmem:s16], [sflag:$0x2], $0x1, s20, s15, $0xb8;
	[tilespmem:$0x2D80] =	vst v63  }
0x7b: {  	_ =	swait.ge [sflag:s17], $0x80  }
0x7c: {  	[sflag:s17] =	ssyncset.done $0x0  }
0x7d: {  	[sflag:s17] =	ssyncadd.s32 $0xFFFFFF80  }
0x7e: {  	_ =	swait.ge [sflag:s18], $0x80  }
0x7f: {  	[sflag:s18] =	ssyncset.done $0x0  }
0x80: {  	[sflag:s18] =	ssyncadd.s32 $0xFFFFFF80  }
0x81: {  	[bflag:$0x0] =	sbarrier.arrive $0xFFFF  }
0x82: {  	[tilespmem:s13], [sflag:$0x3] =	stream.linear.gather [spmem:s10], $0x280, $0x38;
	[tilespmem:$0x2D80] =	vst v63  }
0x83: {  	s3 =	sadd.s32 $0x1, s3;
	_ =	swait.ge [sflag:s14], $0x280  }
0x84: {  	p1 =	sne.s32 s3, s12;
	[sflag:s14] =	ssyncset.done $0x0  }
.Ltmp3:
0x85: {  	[sflag:s14] =	ssyncadd.s32 $0xFFFFFD80;
	(pc) =	sbr.rel @p1 .LBB2_1-.Ltmp3, $4  }
0x86: {  	[hbm4b:s11+s15] =	stream.strided.scatter [tilespmem:s13], [sflag:$0x3], $0x280, s19, s15, $0x38;
	[tilespmem:$0x2D80] =	vst v63  }
0x87: {  	_ =	swait.ge [sflag:s14], $0x280  }
0x88: {  	[sflag:s14] =	ssyncset.done $0x0  }
0x89: {  	[sflag:s14] =	ssyncadd.s32 $0xFFFFFD80  }
0x8a: {  	_ =	sfence.sel $0x180000  }
0x8b: {  	[bflag:$0x0] =	sbarrier.arrive $0xFFFF  }
0x8c: {  	p0 =	sne.s32 s1, $0x0;
	_ =	strace $0x90000047  }
0x8d: {  	s0 =	sadd.s32 @!p0 $0x100000, s0;
	[bflag:$0x2] =	sbarrier.arrive $0xFFFF  }
0x8e: {  	[sflag:s0] =	ssyncadd.tile.s32 @!p0 $0x1;
	_ =	shalt  }
.Lfunc_end2:
_tile_overlayer_lowered:
.L_overlay_start_2:
0x8f: {  	(tag) =	ssettag $0x2  }
0x90: {  	s0 =	rddreg [dreg:$0x0];
	s2 =	stileid.u32  }
0x91: {  	s1 =	rddreg [dreg:$0x1];
	p0 =	sne.s32 s2, $0x0  }
0x92: {  	s3 =	rddreg [dreg:$0x2];
	[bflag:$0x3] =	sbarrier.arrive $0xFFFF;
	s2 =	simm.s32 @!p0 $0x1C03  }
0x93: {  	[timem:s3], [sflag:s2] =	dma.local @!p0 [hbm:s0], s1  }
0x94: {  	s0 =	simm.s32 @!p0 $0x3  }
0x95: {  	_ =	swait.ge @!p0 [sflag:s0], s1  }
0x96: {  	s1 =	ssub.s32 @!p0 $0x0, s1;
	[sflag:s0] =	ssyncset.done @!p0 $0x0  }
0x97: {  	[sflag:s0] =	ssyncadd.s32 @!p0 s1  }
0x98: {  	[bflag:$0x3] =	sbarrier.arrive $0xFFFF  }
0x99: {  	_ =	shalt  }

// kernel: kernel.13.cloned.1.call-start
scs
__scs_entry_jumppad:
0x0: {  	(pc) =	sbr.rel $0x88, $3  }
0x1: {  	(tag) =	ssettag $0x0;
	lr =	simm.s32 $0x1  }
0x2: {  	[smem:$0x3F8F] =	sst lr;
	_ =	strace $0xD0000000  }
0x3: {  	_ = 	snop  }
0x4: {  	_ = 	snop  }
0x5: {  	_ = 	snop  }
0x6: {  	_ = 	snop  }
0x7: {  	_ = 	snop  }
__scs_overlays_trampoline_lowered:
0x8: {  	[smem:$0x3F9E] =	sst s0  }
0x9: {  	[smem:$0x3F9F] =	sst s1  }
0xa: {  	[smem:$0x3FA0] =	sst s2  }
0xb: {  	[smem:$0x3FA1] =	sst s3  }
0xc: {  	[smem:$0x3FA2] =	sst s4  }
0xd: {  	[smem:$0x3FA3] =	sst s5  }
0xe: {  	[smem:$0x3FA4] =	sst s6  }
0xf: {  	[smem:$0x3FA5] =	sst s7  }
0x10: {  	[smem:$0x3FA6] =	sst s8  }
0x11: {  	[smem:$0x3FA7] =	sst s9;
	s0 =	simm.s32 @!p0 $0x0  }
0x12: {  	s1 =	sld [smem:$0x3F8D];
	s0 =	simm.s32 @p0 $0x1  }
0x13: {  	[smem:$0x3FA8] =	sst s0;
	s0 =	simm.s32 @!p1 $0x0  }
0x14: {  	s2 =	sld [smem:$0x3F8C];
	s0 =	simm.s32 @p1 $0x1  }
0x15: {  	[smem:$0x3FA9] =	sst s0;
	s0 =	simm.s32 @!p2 $0x0  }
0x16: {  	s3 =	sld [smem:$0x3FDB];
	s0 =	simm.s32 @p2 $0x1  }
0x17: {  	s4 =	simm.s32 $0x1BF5;
	[smem:$0x3FAB] =	sst s0  }
0x18: {  	s0 =	sld [smem:$0x3F8E];
	_ =	swait.ge [sflag:s4], $0x0  }
0x19: {  	s7 =	sld [smem:$0x3F8F]  }
0x1a: {  	s8 =	sadd.s32 $0xFFFFE003, lr  }
0x1b: {  	s9 =	sadd.s32 $0xFFFFFEF7, lr;
	s5 =	simm.s32 $0xFFFFFFFF;
	p2 =	slt.u32 s8, $0xFFFFF086  }
0x1c: {  	p1 =	slt.u32 s9, $0xF7A;
	s5 =	simm.s32 @!p2 $0x0  }
0x1d: {  	s5 =	simm.s32 @p1 $0x1;
	p0 =	seq.s32 s7, s2  }
0x1e: {  	s7 =	smul.u32 @!p0 $0xF7A, s2;
	p2 =	seq.s32 @!p0 s5, $0x0  }
0x1f: {  	s9 =	smul.u32 $0xF7A, s1;
	s8 =	simm.s32 @!p0 $0x1BF5;
	p2 =	por !p2, p0  }
0x20: {  	[sflag:s8] =	ssyncset.s32 @!p0 $0xFFFFF086;
	s6 =	sadd.s32 @!p0 s3, s7;
	s7 =	simm.s32 @!p0 $0x108  }
0x21: {  	s3 =	sadd.s32 s3, s9;
	s6 =	sadd.s32 @!p0 $0x88, s6;
	s7 =	simm.s32 @p2 $0x1082  }
0x22: {  	[simem:s7], [sflag:s8] =	dma.local @!p0 [hbm:s6], $0xF7A  }
0x23: {  	s9 =	sor.u32 $0xD0000000, s2;
	s6 =	simm.s32 $0x108;
	_ =	swait.ge @!p0 [sflag:s8], $0x0  }
0x24: {  	s3 =	sadd.s32 $0x88, s3;
	s6 =	simm.s32 @!p1 $0x1082;
	[sflag:s4] =	ssyncset.s32 $0xFFFFF086  }
0x25: {  	[simem:s6], [sflag:s4] =	dma.local [hbm:s3], $0xF7A  }
0x26: {  	[smem:$0x3F8F] =	sst s1;
	(tag) =	ssettag s2;
	_ =	strace s9  }
0x27: {  	s1 =	sld [smem:$0x3F9F]  }
0x28: {  	s2 =	sld [smem:$0x3FA0]  }
0x29: {  	s4 =	sld [smem:$0x3FA2]  }
0x2a: {  	p0 =	seq.s32 s5, $0x0;
	s5 =	sld [smem:$0x3FA3]  }
0x2b: {  	s6 =	sld [smem:$0x3FA4]  }
0x2c: {  	s7 =	sld [smem:$0x3FA5]  }
0x2d: {  	s3 =	simm.s32 $0x108;
	s8 =	sld [smem:$0x3FA6]  }
0x2e: {  	s3 =	simm.s32 @!p0 $0x1082;
	s9 =	sld [smem:$0x3FA7]  }
0x2f: {  	lr =	sadd.s32 s0, s3;
	s0 =	sld [smem:$0x3F9E]  }
0x30: {  	s3 =	sld [smem:$0x3FA1]  }
0x31: {  	[smem:$0x3FAA] =	sst s10  }
0x32: {  	s10 =	sld [smem:$0x3FA8];
	_ =	sdelay $0x3  }
0x33: {  	p0 =	seq.s32 s10, $0x1;
	s10 =	sld [smem:$0x3FAA];
	_ =	sdelay $0x3  }
0x34: {  	[smem:$0x3FAA] =	sst s10  }
0x35: {  	s10 =	sld [smem:$0x3FA9];
	_ =	sdelay $0x3  }
0x36: {  	p1 =	seq.s32 s10, $0x1;
	s10 =	sld [smem:$0x3FAA];
	_ =	sdelay $0x3  }
0x37: {  	[smem:$0x3FAA] =	sst s10  }
0x38: {  	s10 =	sld [smem:$0x3FAB]  }
0x39: {  	_ = 	snop;
	(pc) =	sbr.ind lr, $3  }
0x3a: {  	_ = 	snop  }
0x3b: {  	_ = 	snop  }
0x3c: {  	p2 =	seq.s32 s10, $0x1;
	s10 =	sld [smem:$0x3FAA]  }
0x3d: {  	_ =	shalt  }
0x3e: {  	_ =	shalt  }
0x3f: {  	_ =	shalt  }
0x40: {  	_ =	shalt  }
0x41: {  	_ =	shalt  }
0x42: {  	_ =	shalt  }
0x43: {  	_ =	shalt  }
0x44: {  	_ =	shalt  }
0x45: {  	_ =	shalt  }
0x46: {  	_ =	shalt  }
0x47: {  	_ =	shalt  }
0x48: {  	_ =	shalt  }
0x49: {  	_ =	shalt  }
0x4a: {  	_ =	shalt  }
0x4b: {  	_ =	shalt  }
0x4c: {  	_ =	shalt  }
0x4d: {  	_ =	shalt  }
0x4e: {  	_ =	shalt  }
0x4f: {  	_ =	shalt  }
0x50: {  	_ =	shalt  }
0x51: {  	_ =	shalt  }
0x52: {  	_ =	shalt  }
0x53: {  	_ =	shalt  }
0x54: {  	_ =	shalt  }
0x55: {  	_ =	shalt  }
0x56: {  	_ =	shalt  }
0x57: {  	_ =	shalt  }
0x58: {  	_ =	shalt  }
0x59: {  	_ =	shalt  }
0x5a: {  	_ =	shalt  }
0x5b: {  	_ =	shalt  }
0x5c: {  	_ =	shalt  }
0x5d: {  	_ =	shalt  }
0x5e: {  	_ =	shalt  }
0x5f: {  	_ =	shalt  }
0x60: {  	_ =	shalt  }
0x61: {  	_ =	shalt  }
0x62: {  	_ =	shalt  }
0x63: {  	_ =	shalt  }
0x64: {  	_ =	shalt  }
0x65: {  	_ =	shalt  }
0x66: {  	_ =	shalt  }
0x67: {  	_ =	shalt  }
0x68: {  	_ =	shalt  }
0x69: {  	_ =	shalt  }
0x6a: {  	_ =	shalt  }
0x6b: {  	_ =	shalt  }
0x6c: {  	_ =	shalt  }
0x6d: {  	_ =	shalt  }
0x6e: {  	_ =	shalt  }
0x6f: {  	_ =	shalt  }
0x70: {  	_ =	shalt  }
0x71: {  	_ =	shalt  }
0x72: {  	_ =	shalt  }
0x73: {  	_ =	shalt  }
0x74: {  	_ =	shalt  }
0x75: {  	_ =	shalt  }
0x76: {  	_ =	shalt  }
0x77: {  	_ =	shalt  }
0x78: {  	_ =	shalt  }
0x79: {  	_ =	shalt  }
0x7a: {  	_ =	shalt  }
0x7b: {  	_ =	shalt  }
0x7c: {  	_ =	shalt  }
0x7d: {  	_ =	shalt  }
0x7e: {  	_ =	shalt  }
0x7f: {  	_ =	shalt  }
0x80: {  	_ =	shalt  }
0x81: {  	_ =	shalt  }
0x82: {  	_ =	shalt  }
0x83: {  	_ =	shalt  }
0x84: {  	_ =	shalt  }
0x85: {  	_ =	shalt  }
0x86: {  	_ =	shalt  }
0x87: {  	_ =	shalt  }
.Lfunc_end0:
.L_simem_size_0:
called_computation.1_lowered:
.L_overlay_start_0:
0x88: {  	s2 =	sld [smem:$0x3FD9]  }
0x89: {  	s3 =	sld [smem:$0x3FFE];
	_ =	sdelay $0x1  }
0x8a: {  	s1 =	srdreg.scid  }
0x8b: {  	s0 =	sand.u32 $0x1, s1  }
0x8c: {  	s16 =	sshll.u32 s0, $0xA;
	s2 =	sadd.s32 s3, s2  }
0x8d: {  	s2 =	sadd.s32 s2, s16  }
0x8e: {  	[smem:$0x3FB6] =	sst s2  }
0x8f: {  	_ = 	snop  }
0x90: {  	(tm) =	ssettm $0x1  }
0x91: {  	s17 =	sld [smem:$0x3FFB];
	_ =	sdelay $0x3  }
0x92: {  	_ =	strace s17  }
0x93: {  	s2 =	sld [smem:$0x3FFC];
	_ =	sdelay $0x3  }
0x94: {  	_ =	strace s2  }
0x95: {  	s2 =	sld [smem:$0x3FFD];
	_ =	sdelay $0x3  }
0x96: {  	_ =	strace s2  }
0x97: {  	_ =	strace $0x8FFFFFFF  }
0x98: {  	s18 =	sld [smem:$0x3FDB];
	_ =	sdelay $0x1  }
0x99: {  	s19 =	simm.s32 $_scs_section_size  }
0x9a: {  	s4 =	simm.s32 $_size__tile_overlayer_lowered;
	s5 =	simm.s32 $_tile_overlayer_lowered  }
0x9b: {  	s22 =	simm.s32 $0x1BFF;
	s21 =	sshll.u32 s5, $0x1;
	s2 =	sadd.s32 s19, s18  }
0x9c: {  	s6 =	simm.s32 $0x0;
	s20 =	sshll.u32 s4, $0x1;
	s4 =	sadd.s32 s21, s2  }
0x9d: {  	[timem:s6], [sflag:s22] =	dma.local [hbm:s4], s20  }
0x9e: {  	_ =	swait.ge [sflag:s22], s20  }
0x9f: {  	s3 =	ssub.s32 $0x0, s20;
	[sflag:s22] =	ssyncset.done $0x0  }
0xa0: {  	[sflag:s22] =	ssyncadd.s32 s3;
	_ =	sdelay $0x1  }
0xa1: {  	s23 =	simm.s32 $0x1B8B  }
0xa2: {  	_ =	swait.ge [sflag:s23], $0x1  }
0xa3: {  	[sflag:s23] =	ssyncset.done $0x0  }
0xa4: {  	s25 =	simm.s32 $0x1B8E;
	s24 =	sld [smem:$0x3FFE];
	[sflag:s23] =	ssyncadd.s32 $0xFFFFFFFF  }
0xa5: {  	s26 =	simm.s32 $execute0_lowered;
	[smem:$0x3FD2] =	sst s25  }
0xa6: {  	s4 =	sshll.u32 s26, $0x1;
	_ =	strace $0x80000049;
	[dreg:$0x1] =	wrdreg $0xFFFFFFFF  }
0xa7: {  	s28 =	simm.s32 $_size_execute0_lowered;
	s2 =	sadd.s32 s2, s4;
	[dreg:$0x0] =	wrdreg $0x0  }
0xa8: {  	s4 =	sshll.u32 s28, $0x1;
	[dreg:$0x2] =	wrdreg s2  }
0xa9: {  	[dreg:$0x3] =	wrdreg s4  }
0xaa: {  	[dreg:$0x4] =	wrdreg $0xC0  }
0xab: {  	_ =	task [dreg:s6], $0x5FFFF  }
0xac: {  	[dreg:$0x1] =	wrdreg $0xFFFFFFFF  }
0xad: {  	[dreg:$0x0] =	wrdreg $0x60  }
0xae: {  	[dreg:$0x2] =	wrdreg s24  }
0xaf: {  	[dreg:$0x3] =	wrdreg $0xA9000  }
0xb0: {  	[dreg:$0x4] =	wrdreg $0x9  }
0xb1: {  	_ =	task.clear_ibuf [dreg:s6], $0x5FFFF;
	_ =	strace $0x90000049  }
0xb2: {  	s29 =	simm.s32 $0x9;
	_ =	strace $0x8000004B  }
0xb3: {  	_ =	swait.ge [sflag:s29], $0x1  }
0xb4: {  	[sflag:s29] =	ssyncadd.s32 $0xFFFFFFFF  }
0xb5: {  	_ =	strace $0x9000004B  }
0xb6: {  	_ =	sfence  }
0xb7: {  	s30 =	sld [smem:$0x0];
	_ =	sdelay $0x2  }
0xb8: {  	s31 =	sshll.u32 s1, $0xD;
	s1 =	sshrl.u32 s1, $0x2  }
0xb9: {  	s3 =	sand.u32 $0x4000, s31;
	s1 =	sadd.s32 s1, s30  }
0xba: {  	s0 =	sor.u32 s3, s0;
	s1 =	sshll.u32 s1, $0x11  }
0xbb: {  	s0 =	sor.u32 s1, s0  }
0xbc: {  	s0 =	sadd.s32 $0x8F2B, s0  }
0xbd: {  	[sflag:s0] =	ssyncadd.remote.s32 $0x1  }
0xbe: {  	_ =	sfence.sel $0xFFFF  }
0xbf: {  	[dreg:$0x0] =	wrdreg $0xFFFFFFFF;
	(pc) =	sbr.abs _section_cstart, $3  }
0xc0: {  	[dreg:$0x1] =	wrdreg $0xFFFFFFFF  }
0xc1: {  	_ =	task.clear_ibuf [dreg:s6], $0x2FFFF;
	_ =	strace $0x9FFFFFFF  }
0xc2: {  	(tm) =	ssettm $0x7FFFFFFF  }
0xc3: {  	_ =	shalt  }
tec
execute0_lowered:
.L_overlay_start_1:
0x0: {  	(tag) =	ssettag $0x1  }
0x1: {  	s0 =	rddreg [dreg:$0x0]  }
0x2: {  	s2 =	rddreg [dreg:$0x1];
	s3 =	simm.s32 $0x0;
	s1 =	srdreg.scid  }
0x3: {  	s19 =	stileid.u32;
	[smem:$0x7FF] =	sst s3;
	s1 =	sand.u32 $0x1, s1  }
0x4: {  	s4 =	sshll.u32 s19, $0x1;
	s5 =	sadd.s32 $0x4E00, s0;
	s11 =	smul.u32 $0x50000, s19  }
0x5: {  	s10 =	sadd.s32 $0x40800, s0;
	s18 =	smul.u32 $0x14000, s19;
	s12 =	sadd.s32 $0x18580, s0  }
0x6: {  	s20 =	sadd.s32 $0x18680, s0;
	s25 =	smul.u32 $0x5000, s19;
	s30 =	sadd.s32 $0x18690, s0  }
0x7: {  	_ =	strace $0x8000004A;
	s6 =	ssub.s32 $0x2, s1;
	[dreg:$0x4] =	wrdreg s12  }
0x8: {  	s7 =	sor.u32 s1, s4;
	[dreg:$0x5] =	wrdreg s20;
	s21 =	smul.u32 $0x140000, s1  }
0x9: {  	s4 =	sadd.s32 $0x18800, s0;
	s1 =	smul.u32 $0x2800, s1;
	[dreg:$0xb] =	wrdreg s30  }
0xa: {  	s8 =	sshrl.u32 s6, $0x1;
	s9 =	smul.u32 $0x2800, s7;
	p0 =	seq.s32 s7, $0x1F  }
0xb: {  	s7 =	smul.u32 $0x500, s7;
	s13 =	sadd.s32 $0x4000, s18;
	s14 =	sadd.s32 $0x8000, s18  }
0xc: {  	s15 =	sadd.s32 $0xC000, s18;
	s16 =	sadd.s32 $0x10000, s18;
	s6 =	ssub.s32 s6, s8  }
0xd: {  	s24 =	sadd.s32 s21, s15;
	s12 =	sadd.s32 s21, s16;
	s1 =	sadd.s32 s1, s25  }
0xe: {  	s20 =	sadd.s32 s13, s2;
	s17 =	sshrl.u32 s9, $0x3;
	s9 =	simm.s32 $0xA  }
0xf: {  	s12 =	sshrl.u32 s12, $0x3;
	s28 =	sor.u32 $0x100, s1;
	s8 =	sadd.s32 s5, s17  }
0x10: {  	s9 =	simm.s32 @!p0 $0x28;
	s17 =	sadd.s32 s21, s13;
	s29 =	sadd.s32 s10, s12  }
0x11: {  	s12 =	sshrl.u32 s11, $0x2;
	s13 =	smax.u32 s6, $0x1;
	s6 =	simm.s32 $0x80  }
0x12: {  	s11 =	simm.s32 $0x2;
	s8 =	sadd.s32 $0x9C80, s8;
	[dreg:$0xa] =	wrdreg s29  }
0x13: {  	s17 =	sshrl.u32 s17, $0x3;
	s19 =	sadd.s32 s12, s2;
	[dreg:$0xe] =	wrdreg s13  }
0x14: {  	s12 =	simm.s32 $0x1;
	[dreg:$0x3] =	wrdreg s8;
	s8 =	sadd.s32 s18, s21  }
0x15: {  	s18 =	sadd.s32 s21, s14;
	s22 =	sadd.s32 s10, s17;
	s17 =	sshrl.u32 s24, $0x3  }
0x16: {  	s21 =	sadd.s32 s14, s2;
	s14 =	sadd.s32 $0xFFFFFFFF, s9;
	s24 =	sor.u32 $0x200, s1  }
0x17: {  	s8 =	sshrl.u32 s8, $0x3;
	[dreg:$0x7] =	wrdreg s22;
	s23 =	sshrl.u32 s18, $0x3  }
0x18: {  	s26 =	sadd.s32 s10, s17;
	s18 =	sadd.s32 s5, s7;
	s22 =	sadd.s32 s15, s2  }
0x19: {  	[dreg:$0xf] =	wrdreg s14;
	s15 =	sshll.u32 s9, $0x8;
	s25 =	sshrl.u32 s24, $0x3  }
0x1a: {  	s7 =	simm.s32 $0x2900;
	s9 =	simm.s32 $0x4;
	s14 =	simm.s32 $0x0  }
0x1b: {  	s8 =	sadd.s32 s10, s8;
	[dreg:$0x9] =	wrdreg s26;
	s26 =	sadd.s32 $0xFFFFFE00, s15  }
0x1c: {  	s29 =	sadd.s32 $0x10, s18;
	s30 =	sadd.s32 $0x20, s18;
	[dreg:$0x6] =	wrdreg s8  }
0x1d: {  	s8 =	sadd.s32 s10, s23;
	s10 =	sadd.s32 $0x186A0, s0;
	[dreg:$0x11] =	wrdreg s29  }
0x1e: {  	s23 =	sadd.s32 s16, s2;
	s16 =	sor.u32 $0x300, s1;
	[dreg:$0x12] =	wrdreg s30  }
0x1f: {  	s0 =	sadd.s32 $0x186B0, s0;
	[dreg:$0x8] =	wrdreg s8;
	s17 =	sshrl.u32 s16, $0x3  }
0x20: {  	s25 =	sadd.s32 s25, s5;
	[dreg:$0xd] =	wrdreg s0;
	s0 =	sadd.s32 s17, s5  }
0x21: {  	s1 =	simm.s32 $0x6;
	[dreg:$0xc] =	wrdreg s10;
	s0 =	ssub.s32 $0x20, s0  }
0x22: {  	v0 =	vimm.f32 $0.0e+00;
	s8 =	simm.s32 $0x6900;
	s10 =	simm.s32 $0x3;
	[dreg:$0x10] =	wrdreg s0  }
.LBB2_1:
0x23: {  	s0 =	simm.s32 @p0 $0x0;
	s13 =	simm.s32 @p0 $0x100;
	s15 =	rddreg [dreg:$0x4]  }
0x24: {  	[tilespmem:s13], [sflag:$0x5] =	stream.linear.gather @p0 [hbm4b:s15+s0], $0x800, $0x38;
	[tilespmem:$0x1E900] =	vst v63  }
0x25: {  	s13 =	simm.s32 @p0 $0x900;
	s15 =	rddreg [dreg:$0x5]  }
0x26: {  	[tilespmem:s13], [sflag:$0x5] =	stream.linear.gather @p0 [hbm4b:s15+s0], $0x80, $0x38;
	[tilespmem:$0x1E900] =	vst v63  }
0x27: {  	s13 =	simm.s32 @p0 $0x980;
	s15 =	rddreg [dreg:$0xb]  }
0x28: {  	[tilespmem:s13], [sflag:$0x5] =	stream.linear.gather @p0 [hbm4b:s15+s0], $0x80, $0x38;
	[tilespmem:$0x1E900] =	vst v63  }
0x29: {  	s13 =	simm.s32 @p0 $0xA00;
	s15 =	rddreg [dreg:$0xc]  }
0x2a: {  	[tilespmem:s13], [sflag:$0x5] =	stream.linear.gather @p0 [hbm4b:s15+s0], $0x80, $0x38;
	[tilespmem:$0x1E900] =	vst v63  }
0x2b: {  	s13 =	simm.s32 @p0 $0xA80;
	s15 =	rddreg [dreg:$0xd]  }
0x2c: {  	[tilespmem:s13], [sflag:$0x5] =	stream.linear.gather @p0 [hbm4b:s15+s0], $0x80, $0x38;
	[tilespmem:$0x1E900] =	vst v63  }
0x2d: {  	s0 =	simm.s32 @!p0 $0x0;
	s13 =	simm.s32 @!p0 $0x100;
	s15 =	rddreg [dreg:$0x3]  }
0x2e: {  	[tilespmem:s13], [sflag:$0x5] =	stream.linear.gather @!p0 [hbm4b:s15+s0], $0x2800, $0x38;
	[tilespmem:$0x1E900] =	vst v63  }
0x2f: {  	_ = 	snop  }
0x30: {  	[tilespmem:s3], [sflag:$0x6] =	stream.linear.gather [hbm4b:s18+s3], $0x80, $0x38;
	[tilespmem:$0x1E900] =	vst v63  }
0x31: {  	_ =	swait.ge [sflag:s1], $0x80  }
0x32: {  	[sflag:s1] =	ssyncset.done $0x0  }
0x33: {  	s0 =	simm.s32 $0x0;
	s13 =	simm.s32 $0x200;
	[sflag:s1] =	ssyncadd.s32 $0xFFFFFF80  }
0x34: {  	[tilespmem:s7], [sflag:$0x1] =	stream.indirect.gather [hbm4b:s4+s6], $0x80, s3, s6, $0xb8;
	[tilespmem:$0x1E900] =	vst v63  }
.LBB2_2:
0x35: {  	p1 =	sne.s32 s13, $0xFE00;
	[tilespmem:s0+$0x6970] =	vst v0  }
0x36: {  	[tilespmem:s0+$0x6900] =	vst v0  }
0x37: {  	[tilespmem:s0+$0x6910] =	vst v0  }
.Ltmp0:
0x38: {  	[tilespmem:s0+$0x6920] =	vst v0;
	(pc) =	sbr.rel @p1 .LBB2_2-.Ltmp0, $4  }
0x39: {  	[tilespmem:s0+$0x6930] =	vst v0  }
0x3a: {  	[tilespmem:s0+$0x6940] =	vst v0  }
0x3b: {  	[tilespmem:s0+$0x6950] =	vst v0  }
0x3c: {  	[tilespmem:s0+$0x6960] =	vst v0;
	s0 =	sshra.s32 s13, $0x2;
	s13 =	sadd.s32 $0x200, s13  }
0x3d: {  	[tilespmem:s0+$0x6970] =	vst v0  }
0x3e: {  	[tilespmem:s0+$0x6900] =	vst v0  }
0x3f: {  	[tilespmem:s0+$0x6910] =	vst v0  }
0x40: {  	[tilespmem:s0+$0x6920] =	vst v0  }
0x41: {  	[tilespmem:s0+$0x6930] =	vst v0  }
0x42: {  	[tilespmem:s0+$0x6940] =	vst v0  }
0x43: {  	[tilespmem:s0+$0x6950] =	vst v0  }
0x44: {  	[tilespmem:s0+$0x6960] =	vst v0  }
0x45: {  	[spmem:s19] =	stream.linear.scatter [tilespmem:s8], [sflag:$0x4], $0x4000, $0x38;
	[tilespmem:$0x1E900] =	vst v63  }
0x46: {  	_ = 	snop  }
0x47: {  	[spmem:s20] =	stream.linear.scatter [tilespmem:s8], [sflag:$0x4], $0x4000, $0x38;
	[tilespmem:$0x1E900] =	vst v63  }
0x48: {  	_ = 	snop  }
0x49: {  	[spmem:s21] =	stream.linear.scatter [tilespmem:s8], [sflag:$0x4], $0x4000, $0x38;
	[tilespmem:$0x1E900] =	vst v63  }
0x4a: {  	_ = 	snop  }
0x4b: {  	[spmem:s22] =	stream.linear.scatter [tilespmem:s8], [sflag:$0x4], $0x4000, $0x38;
	[tilespmem:$0x1E900] =	vst v63  }
0x4c: {  	_ = 	snop  }
0x4d: {  	[spmem:s23] =	stream.linear.scatter [tilespmem:s8], [sflag:$0x4], $0x4000, $0x38;
	[tilespmem:$0x1E900] =	vst v63  }
0x4e: {  	_ =	swait.ge [sflag:s9], $0x4000  }
0x4f: {  	[sflag:s9] =	ssyncset.done $0x0  }
0x50: {  	[sflag:s9] =	ssyncadd.s32 $0xFFFFC000  }
0x51: {  	_ =	swait.ge [sflag:s9], $0x4000  }
0x52: {  	[sflag:s9] =	ssyncset.done $0x0  }
0x53: {  	[sflag:s9] =	ssyncadd.s32 $0xFFFFC000  }
0x54: {  	_ =	swait.ge [sflag:s9], $0x4000  }
0x55: {  	[sflag:s9] =	ssyncset.done $0x0  }
0x56: {  	[sflag:s9] =	ssyncadd.s32 $0xFFFFC000  }
0x57: {  	_ =	swait.ge [sflag:s9], $0x4000  }
0x58: {  	[sflag:s9] =	ssyncset.done $0x0  }
0x59: {  	[sflag:s9] =	ssyncadd.s32 $0xFFFFC000  }
0x5a: {  	_ =	swait.ge [sflag:s9], $0x4000  }
0x5b: {  	[sflag:s9] =	ssyncset.done $0x0  }
0x5c: {  	s0 =	simm.s32 @p0 $0x5;
	[sflag:s9] =	ssyncadd.s32 $0xFFFFC000  }
0x5d: {  	_ =	swait.ge @p0 [sflag:s0], $0x800  }
0x5e: {  	[sflag:s0] =	ssyncset.done @p0 $0x0  }
0x5f: {  	[sflag:s0] =	ssyncadd.s32 @p0 $0xFFFFF800  }
0x60: {  	_ =	swait.ge @p0 [sflag:s0], $0x80  }
0x61: {  	[sflag:s0] =	ssyncset.done @p0 $0x0  }
0x62: {  	[sflag:s0] =	ssyncadd.s32 @p0 $0xFFFFFF80  }
0x63: {  	_ =	swait.ge @p0 [sflag:s0], $0x80  }
0x64: {  	[sflag:s0] =	ssyncset.done @p0 $0x0  }
0x65: {  	[sflag:s0] =	ssyncadd.s32 @p0 $0xFFFFFF80  }
0x66: {  	_ =	swait.ge @p0 [sflag:s0], $0x80  }
0x67: {  	[sflag:s0] =	ssyncset.done @p0 $0x0  }
0x68: {  	[sflag:s0] =	ssyncadd.s32 @p0 $0xFFFFFF80  }
0x69: {  	_ =	swait.ge @p0 [sflag:s0], $0x80  }
0x6a: {  	[sflag:s0] =	ssyncset.done @p0 $0x0  }
0x6b: {  	[sflag:s0] =	ssyncadd.s32 @p0 $0xFFFFFF80;
	s0 =	simm.s32 @!p0 $0x5  }
0x6c: {  	_ =	swait.ge @!p0 [sflag:s0], $0x2800  }
0x6d: {  	[sflag:s0] =	ssyncset.done @!p0 $0x0  }
0x6e: {  	[sflag:s0] =	ssyncadd.s32 @!p0 $0xFFFFD800  }
0x6f: {  	[bflag:$0x0] =	sbarrier.arrive $0xFFFF  }
0x70: {  	s30 =	simm.s32 $0x0;
	s13 =	rddreg [dreg:$0x11]  }
0x71: {  	[tilespmem:s6], [sflag:$0x6] =	stream.linear.gather [hbm4b:s13+s30], $0x80, $0x38;
	[tilespmem:$0x1E900] =	vst v63  }
0x72: {  	_ =	swait.ge [sflag:s1], $0x80  }
0x73: {  	[sflag:s1] =	ssyncset.done $0x0  }
0x74: {  	s16 =	simm.s32 $0x1;
	[sflag:s1] =	ssyncadd.s32 $0xFFFFFF80  }
0x75: {  	[tilespmem:s8], [sflag:$0x2] =	stream.indirect.gather [hbm4b:s4+s6], $0x80, s6, s6, $0xb8;
	[tilespmem:$0x1E900] =	vst v63  }
0x76: {  	_ =	swait.ge [sflag:s16], $0x4000  }
0x77: {  	[sflag:s16] =	ssyncset.done $0x0  }
0x78: {  	s15 =	simm.s32 $0x100;
	[sflag:s16] =	ssyncadd.s32 $0xFFFFC000  }
0x79: {  	[spmem:s2] =	stream.indirect.scatter.add.f32 [tilespmem:s7], [sflag:$0x3], $0x80, s15, s6, $0xb8;
	[tilespmem:$0x1E900] =	vst v63  }
0x7a: {  	s17 =	rddreg [dreg:$0x12]  }
0x7b: {  	[tilespmem:s30], [sflag:$0x6] =	stream.linear.gather [hbm4b:s17+s30], $0x80, $0x38;
	[tilespmem:$0x1E900] =	vst v63  }
0x7c: {  	_ =	swait.ge [sflag:s1], $0x80  }
0x7d: {  	[sflag:s1] =	ssyncset.done $0x0  }
0x7e: {  	[sflag:s1] =	ssyncadd.s32 $0xFFFFFF80  }
0x7f: {  	_ =	swait.ge [sflag:s10], $0x4000  }
0x80: {  	[sflag:s10] =	ssyncset.done $0x0  }
0x81: {  	[sflag:s10] =	ssyncadd.s32 $0xFFFFC000  }
0x82: {  	[tilespmem:s7], [sflag:$0x1] =	stream.indirect.gather [hbm4b:s4+s6], $0x80, s30, s6, $0xb8;
	[tilespmem:$0x1E900] =	vst v63  }
0x83: {  	_ =	swait.ge [sflag:s11], $0x4000  }
0x84: {  	[sflag:s11] =	ssyncset.done $0x0  }
0x85: {  	s24 =	simm.s32 $0x180;
	p1 =	sne.s32 s26, $0x100;
	[sflag:s11] =	ssyncadd.s32 $0xFFFFC000  }
0x86: {  	[spmem:s2] =	stream.indirect.scatter.add.f32 [tilespmem:s8], [sflag:$0x4], $0x80, s24, s6, $0xb8;
	[tilespmem:$0x1E900] =	vst v63  }
.Ltmp1:
0x87: {  	_ = 	snop;
	(pc) =	sbr.rel @!p1 .LBB2_4-.Ltmp1, $4  }
0x88: {  	s29 =	sadd.s32 $0x0, s28;
	s24 =	simm.s32 $0x100  }
0x89: {  	s0 =	sand.u32 $0xFFFFFC00, s29;
	s30 =	sand.u32 $0x300, s24  }
0x8a: {  	s0 =	sor.u32 s0, s30  }
0x8b: {  	p2 =	por $0x0, $0x0;
	s13 =	simm.s32 $0x280;
	s0 =	sshrl.u32 s0, $0x3  }
0x8c: {  	s0 =	sadd.s32 s0, s5  }
0x8d: {  	s0 =	sadd.s32 $0x10, s0  }
0x8e: {  	[tilespmem:s6], [sflag:$0x6] =	stream.linear.gather [hbm4b:s0+s3], $0x80, $0x38;
	[tilespmem:$0x1E900] =	vst v63  }
0x8f: {  	_ =	swait.ge [sflag:s1], $0x80  }
0x90: {  	[sflag:s1] =	ssyncset.done $0x0  }
0x91: {  	[sflag:s1] =	ssyncadd.s32 $0xFFFFFF80  }
0x92: {  	_ =	swait.ge [sflag:s9], $0x4000  }
0x93: {  	[sflag:s9] =	ssyncset.done $0x0  }
0x94: {  	[sflag:s9] =	ssyncadd.s32 $0xFFFFC000  }
0x95: {  	[tilespmem:s8], [sflag:$0x2] =	stream.indirect.gather [hbm4b:s4+s6], $0x80, s6, s6, $0xb8;
	[tilespmem:$0x1E900] =	vst v63  }
0x96: {  	_ =	swait.ge [sflag:s12], $0x4000  }
0x97: {  	[sflag:s12] =	ssyncset.done $0x0  }
0x98: {  	s16 =	simm.s32 $0x200;
	[sflag:s12] =	ssyncadd.s32 $0xFFFFC000  }
0x99: {  	[spmem:s2] =	stream.indirect.scatter.add.f32 [tilespmem:s7], [sflag:$0x3], $0x80, s16, s6, $0xb8;
	[tilespmem:$0x1E900] =	vst v63  }
0x9a: {  	s24 =	simm.s32 $0x200;
	p1 =	sne.s32 s26, $0x200  }
0x9b: {  	[tilespmem:s3], [sflag:$0x6] =	stream.linear.gather [hbm4b:s25+s3], $0x80, $0x38;
	[tilespmem:$0x1E900] =	vst v63  }
0x9c: {  	s15 =	simm.s32 $0x380;
	s17 =	sadd.s32 $0x100, s28;
	_ =	swait.ge [sflag:s1], $0x80  }
.Ltmp2:
0x9d: {  	s29 =	sadd.s32 $0x20, s25;
	[sflag:s1] =	ssyncset.done $0x0;
	(pc) =	sbr.rel @!p1 .LBB2_6-.Ltmp2, $4  }
0x9e: {  	p2 =	por $0x1, $0x1;
	s0 =	sand.u32 $0xFFFFFC00, s17;
	[sflag:s1] =	ssyncadd.s32 $0xFFFFFF80  }
0x9f: {  	s16 =	sand.u32 $0x300, s24;
	s17 =	rddreg [dreg:$0x10];
	_ =	swait.ge [sflag:s10], $0x4000  }
0xa0: {  	s0 =	sor.u32 s0, s16;
	s16 =	simm.s32 $0x2;
	[sflag:s10] =	ssyncset.done $0x0  }
0xa1: {  	s0 =	sshrl.u32 s0, $0x3;
	s30 =	sadd.s32 $0xFFFFFFE0, s17;
	[sflag:s10] =	ssyncadd.s32 $0xFFFFC000  }
.LBB2_7:
0xa2: {  	[tilespmem:s7], [sflag:$0x1] =	stream.indirect.gather [hbm4b:s4+s6], $0x80, s3, s6, $0xb8;
	[tilespmem:$0x1E900] =	vst v63  }
0xa3: {  	s17 =	smov.u32 s24  }
0xa4: {  	s24 =	sadd.s32 $0x100, s24;
	s0 =	sadd.s32 s0, s5;
	_ =	swait.ge [sflag:s11], $0x4000  }
0xa5: {  	p1 =	sne.s32 s26, s24;
	s0 =	sadd.s32 $0x10, s0;
	[sflag:s11] =	ssyncset.done $0x0  }
0xa6: {  	[sflag:s11] =	ssyncadd.s32 $0xFFFFC000  }
0xa7: {  	[spmem:s2] =	stream.indirect.scatter.add.f32 [tilespmem:s8], [sflag:$0x4], $0x80, s13, s6, $0xb8;
	[tilespmem:$0x1E900] =	vst v63  }
0xa8: {  	s13 =	smov.u32 s15  }
0xa9: {  	[tilespmem:s6], [sflag:$0x6] =	stream.linear.gather [hbm4b:s0+s3], $0x80, $0x38;
	[tilespmem:$0x1E900] =	vst v63  }
0xaa: {  	_ =	swait.ge [sflag:s1], $0x80  }
0xab: {  	[sflag:s1] =	ssyncset.done $0x0  }
0xac: {  	[sflag:s1] =	ssyncadd.s32 $0xFFFFFF80  }
0xad: {  	_ =	swait.ge [sflag:s9], $0x4000  }
0xae: {  	[sflag:s9] =	ssyncset.done $0x0  }
0xaf: {  	[sflag:s9] =	ssyncadd.s32 $0xFFFFC000  }
0xb0: {  	[tilespmem:s8], [sflag:$0x2] =	stream.indirect.gather [hbm4b:s4+s6], $0x80, s6, s6, $0xb8;
	[tilespmem:$0x1E900] =	vst v63  }
0xb1: {  	_ =	swait.ge [sflag:s12], $0x4000  }
0xb2: {  	[sflag:s12] =	ssyncset.done $0x0  }
0xb3: {  	s0 =	sadd.s32 $0xFFFFFF80, s15;
	[sflag:s12] =	ssyncadd.s32 $0xFFFFC000  }
0xb4: {  	[spmem:s2] =	stream.indirect.scatter.add.f32 [tilespmem:s7], [sflag:$0x3], $0x80, s0, s6, $0xb8;
	[tilespmem:$0x1E900] =	vst v63  }
0xb5: {  	_ = 	snop  }
0xb6: {  	[tilespmem:s3], [sflag:$0x6] =	stream.linear.gather [hbm4b:s29+s3], $0x80, $0x38;
	[tilespmem:$0x1E900] =	vst v63  }
0xb7: {  	s31 =	sadd.s32 $0x100, s15;
	_ =	swait.ge [sflag:s1], $0x80  }
.Ltmp3:
0xb8: {  	s30 =	sadd.s32 $0xFFFFFFE0, s30;
	[sflag:s1] =	ssyncset.done $0x0;
	(pc) =	sbr.rel @p1 .LBB2_7-.Ltmp3, $4  }
0xb9: {  	s16 =	sadd.s32 $0x1, s16;
	s0 =	sadd.s32 s17, s28;
	[sflag:s1] =	ssyncadd.s32 $0xFFFFFF80  }
0xba: {  	s15 =	sand.u32 $0x300, s24;
	s0 =	sand.u32 $0xFFFFFC00, s0;
	_ =	swait.ge [sflag:s10], $0x4000  }
0xbb: {  	s0 =	sor.u32 s0, s15;
	s29 =	sadd.s32 $0x20, s29;
	[sflag:s10] =	ssyncset.done $0x0  }
0xbc: {  	s15 =	smov.u32 s31;
	s0 =	sshrl.u32 s0, $0x3;
	[sflag:s10] =	ssyncadd.s32 $0xFFFFC000  }
0xbd: {  	s15 =	smov.u32 s13;
	s13 =	smov.u32 s31  }
.LBB2_9:
0xbe: {  	[tilespmem:s7], [sflag:$0x1] =	stream.indirect.gather @p2 [hbm4b:s4+s6], $0x80, s3, s6, $0xb8;
	[tilespmem:$0x1E900] =	vst v63  }
0xbf: {  	_ =	swait.ge @p2 [sflag:s11], $0x4000  }
0xc0: {  	[sflag:s11] =	ssyncset.done @p2 $0x0  }
0xc1: {  	s0 =	sadd.s32 s0, s5;
	[sflag:s11] =	ssyncadd.s32 @p2 $0xFFFFC000  }
0xc2: {  	[spmem:s2] =	stream.indirect.scatter.add.f32 @p2 [tilespmem:s8], [sflag:$0x4], $0x80, s15, s6, $0xb8;
	[tilespmem:$0x1E900] =	vst v63  }
0xc3: {  	s0 =	sadd.s32 $0x10, s0  }
0xc4: {  	[tilespmem:s6], [sflag:$0x6] =	stream.linear.gather [hbm4b:s0+s3], $0x80, $0x38;
	[tilespmem:$0x1E900] =	vst v63  }
0xc5: {  	_ =	swait.ge [sflag:s1], $0x80  }
0xc6: {  	[sflag:s1] =	ssyncset.done $0x0  }
0xc7: {  	[sflag:s1] =	ssyncadd.s32 $0xFFFFFF80  }
0xc8: {  	_ =	swait.ge [sflag:s9], $0x4000  }
0xc9: {  	[sflag:s9] =	ssyncset.done $0x0  }
0xca: {  	[sflag:s9] =	ssyncadd.s32 $0xFFFFC000  }
0xcb: {  	[tilespmem:s8], [sflag:$0x2] =	stream.indirect.gather [hbm4b:s4+s6], $0x80, s6, s6, $0xb8;
	[tilespmem:$0x1E900] =	vst v63  }
0xcc: {  	_ =	swait.ge [sflag:s12], $0x4000  }
0xcd: {  	[sflag:s12] =	ssyncset.done $0x0  }
0xce: {  	s17 =	sadd.s32 $0xFFFFFF80, s13;
	[sflag:s12] =	ssyncadd.s32 $0xFFFFC000  }
0xcf: {  	[spmem:s2] =	stream.indirect.scatter.add.f32 [tilespmem:s7], [sflag:$0x3], $0x80, s17, s6, $0xb8;
	[tilespmem:$0x1E900] =	vst v63  }
0xd0: {  	_ = 	snop  }
0xd1: {  	[tilespmem:s3], [sflag:$0x6] =	stream.linear.gather [hbm4b:s29+s3], $0x80, $0x38;
	[tilespmem:$0x1E900] =	vst v63  }
0xd2: {  	_ =	swait.ge [sflag:s1], $0x80  }
0xd3: {  	[sflag:s1] =	ssyncset.done $0x0  }
0xd4: {  	[sflag:s1] =	ssyncadd.s32 $0xFFFFFF80  }
0xd5: {  	_ =	swait.ge [sflag:s10], $0x4000  }
0xd6: {  	s17 =	sadd.s32 s24, s28;
	s29 =	sadd.s32 $0x100, s24;
	[sflag:s10] =	ssyncset.done $0x0  }
0xd7: {  	s15 =	sand.u32 $0xFFFFFC00, s17;
	s0 =	sand.u32 $0x300, s29;
	[sflag:s10] =	ssyncadd.s32 $0xFFFFC000  }
0xd8: {  	[tilespmem:s7], [sflag:$0x1] =	stream.indirect.gather [hbm4b:s4+s6], $0x80, s3, s6, $0xb8;
	[tilespmem:$0x1E900] =	vst v63  }
0xd9: {  	s0 =	sor.u32 s15, s0;
	_ =	swait.ge [sflag:s11], $0x4000  }
0xda: {  	s0 =	sshrl.u32 s0, $0x3;
	[sflag:s11] =	ssyncset.done $0x0  }
0xdb: {  	s0 =	sadd.s32 s0, s5;
	[sflag:s11] =	ssyncadd.s32 $0xFFFFC000  }
0xdc: {  	[spmem:s2] =	stream.indirect.scatter.add.f32 [tilespmem:s8], [sflag:$0x4], $0x80, s13, s6, $0xb8;
	[tilespmem:$0x1E900] =	vst v63  }
0xdd: {  	s0 =	sadd.s32 $0x10, s0  }
0xde: {  	[tilespmem:s6], [sflag:$0x6] =	stream.linear.gather [hbm4b:s0+s3], $0x80, $0x38;
	[tilespmem:$0x1E900] =	vst v63  }
0xdf: {  	_ =	swait.ge [sflag:s1], $0x80  }
0xe0: {  	[sflag:s1] =	ssyncset.done $0x0  }
0xe1: {  	[sflag:s1] =	ssyncadd.s32 $0xFFFFFF80  }
0xe2: {  	_ =	swait.ge [sflag:s9], $0x4000  }
0xe3: {  	[sflag:s9] =	ssyncset.done $0x0  }
0xe4: {  	[sflag:s9] =	ssyncadd.s32 $0xFFFFC000  }
0xe5: {  	[tilespmem:s8], [sflag:$0x2] =	stream.indirect.gather [hbm4b:s4+s6], $0x80, s6, s6, $0xb8;
	[tilespmem:$0x1E900] =	vst v63  }
0xe6: {  	s24 =	sadd.s32 $0x1, s16;
	_ =	swait.ge [sflag:s12], $0x4000  }
0xe7: {  	s15 =	sadd.s32 $0xFFFFFFE0, s30;
	[sflag:s12] =	ssyncset.done $0x0;
	s30 =	rddreg [dreg:$0xf]  }
0xe8: {  	s29 =	sadd.s32 $0x80, s31;
	[sflag:s12] =	ssyncadd.s32 $0xFFFFC000;
	p2 =	sge.u32 s24, s30  }
0xe9: {  	[spmem:s2] =	stream.indirect.scatter.add.f32 [tilespmem:s7], [sflag:$0x3], $0x80, s29, s6, $0xb8;
	[tilespmem:$0x1E900] =	vst v63  }
0xea: {  	s0 =	ssub.s32 @!p2 $0x0, s15;
	s15 =	simm.s32 @!p2 $0x0  }
0xeb: {  	[tilespmem:s15], [sflag:$0x6] =	stream.linear.gather @!p2 [hbm4b:s0+s15], $0x80, $0x38;
	[tilespmem:$0x1E900] =	vst v63  }
0xec: {  	s0 =	simm.s32 @!p2 $0x6  }
0xed: {  	_ =	swait.ge @!p2 [sflag:s0], $0x80  }
0xee: {  	[sflag:s0] =	ssyncset.done @!p2 $0x0  }
0xef: {  	[sflag:s0] =	ssyncadd.s32 @!p2 $0xFFFFFF80;
	s0 =	simm.s32 @!p2 $0x3  }
0xf0: {  	_ =	swait.ge @!p2 [sflag:s0], $0x4000  }
0xf1: {  	[sflag:s0] =	ssyncset.done @!p2 $0x0  }
0xf2: {  	s16 =	simm.s32 @!p2 $0x2900;
	[sflag:s0] =	ssyncadd.s32 @!p2 $0xFFFFC000;
	s0 =	simm.s32 @!p2 $0x80  }
0xf3: {  	[tilespmem:s16], [sflag:$0x1] =	stream.indirect.gather @!p2 [hbm4b:s4+s0], $0x80, s15, s0, $0xb8;
	[tilespmem:$0x1E900] =	vst v63  }
0xf4: {  	s0 =	simm.s32 @!p1 $0x3  }
0xf5: {  	_ =	swait.ge @!p1 [sflag:s0], $0x4000  }
0xf6: {  	[sflag:s0] =	ssyncset.done @!p1 $0x0  }
0xf7: {  	[sflag:s0] =	ssyncadd.s32 @!p1 $0xFFFFC000  }
0xf8: {  	_ =	swait.ge [sflag:s11], $0x4000  }
0xf9: {  	[sflag:s11] =	ssyncset.done $0x0  }
0xfa: {  	s13 =	sadd.s32 $0x100, s13;
	[sflag:s11] =	ssyncadd.s32 $0xFFFFC000  }
0xfb: {  	[spmem:s2] =	stream.indirect.scatter.add.f32 [tilespmem:s8], [sflag:$0x4], $0x80, s13, s6, $0xb8;
	[tilespmem:$0x1E900] =	vst v63  }
0xfc: {  	_ =	swait.ge [sflag:s9], $0x4000  }
0xfd: {  	[sflag:s9] =	ssyncset.done $0x0  }
0xfe: {  	[sflag:s9] =	ssyncadd.s32 $0xFFFFC000  }
0xff: {  	[bflag:$0x0] =	sbarrier.arrive $0xFFFF  }
0x100: {  	[tilespmem:s7], [sflag:$0x6] =	stream.linear.gather [spmem:s19], $0x4000, $0x38;
	[tilespmem:$0x1E900] =	vst v63  }
0x101: {  	_ =	swait.ge [sflag:s1], $0x4000  }
0x102: {  	[sflag:s1] =	ssyncset.done $0x0  }
0x103: {  	s15 =	rddreg [dreg:$0x6];
	[sflag:s1] =	ssyncadd.s32 $0xFFFFC000  }
0x104: {  	[hbm4b:s15+s3] =	stream.linear.scatter [tilespmem:s7], [sflag:$0x3], $0x4000, $0x38;
	[tilespmem:$0x1E900] =	vst v63  }
0x105: {  	_ = 	snop  }
0x106: {  	[tilespmem:s8], [sflag:$0x6] =	stream.linear.gather [spmem:s20], $0x4000, $0x38;
	[tilespmem:$0x1E900] =	vst v63  }
0x107: {  	_ =	swait.ge [sflag:s1], $0x4000  }
0x108: {  	[sflag:s1] =	ssyncset.done $0x0  }
0x109: {  	s16 =	rddreg [dreg:$0x7];
	[sflag:s1] =	ssyncadd.s32 $0xFFFFC000  }
0x10a: {  	[hbm4b:s16+s3] =	stream.linear.scatter [tilespmem:s8], [sflag:$0x4], $0x4000, $0x38;
	[tilespmem:$0x1E900] =	vst v63  }
0x10b: {  	_ =	swait.ge [sflag:s10], $0x4000  }
0x10c: {  	[sflag:s10] =	ssyncset.done $0x0  }
0x10d: {  	[sflag:s10] =	ssyncadd.s32 $0xFFFFC000  }
0x10e: {  	[tilespmem:s7], [sflag:$0x6] =	stream.linear.gather [spmem:s21], $0x4000, $0x38;
	[tilespmem:$0x1E900] =	vst v63  }
0x10f: {  	_ =	swait.ge [sflag:s1], $0x4000  }
0x110: {  	[sflag:s1] =	ssyncset.done $0x0  }
0x111: {  	s17 =	rddreg [dreg:$0x8];
	[sflag:s1] =	ssyncadd.s32 $0xFFFFC000  }
0x112: {  	[hbm4b:s17+s3] =	stream.linear.scatter [tilespmem:s7], [sflag:$0x3], $0x4000, $0x38;
	[tilespmem:$0x1E900] =	vst v63  }
0x113: {  	_ =	swait.ge [sflag:s9], $0x4000  }
0x114: {  	[sflag:s9] =	ssyncset.done $0x0  }
0x115: {  	[sflag:s9] =	ssyncadd.s32 $0xFFFFC000  }
0x116: {  	[tilespmem:s8], [sflag:$0x6] =	stream.linear.gather [spmem:s22], $0x4000, $0x38;
	[tilespmem:$0x1E900] =	vst v63  }
0x117: {  	_ =	swait.ge [sflag:s1], $0x4000  }
0x118: {  	[sflag:s1] =	ssyncset.done $0x0  }
0x119: {  	s24 =	rddreg [dreg:$0x9];
	[sflag:s1] =	ssyncadd.s32 $0xFFFFC000  }
0x11a: {  	[hbm4b:s24+s3] =	stream.linear.scatter [tilespmem:s8], [sflag:$0x4], $0x4000, $0x38;
	[tilespmem:$0x1E900] =	vst v63  }
0x11b: {  	_ =	swait.ge [sflag:s10], $0x4000  }
0x11c: {  	[sflag:s10] =	ssyncset.done $0x0  }
0x11d: {  	[sflag:s10] =	ssyncadd.s32 $0xFFFFC000  }
0x11e: {  	[tilespmem:s7], [sflag:$0x6] =	stream.linear.gather [spmem:s23], $0x4000, $0x38;
	[tilespmem:$0x1E900] =	vst v63  }
0x11f: {  	_ =	swait.ge [sflag:s1], $0x4000  }
0x120: {  	[sflag:s1] =	ssyncset.done $0x0  }
0x121: {  	s29 =	rddreg [dreg:$0xa];
	[sflag:s1] =	ssyncadd.s32 $0xFFFFC000  }
0x122: {  	[hbm4b:s29+s3] =	stream.linear.scatter [tilespmem:s7], [sflag:$0x3], $0x4000, $0x38;
	[tilespmem:$0x1E900] =	vst v63  }
0x123: {  	_ =	swait.ge [sflag:s9], $0x4000  }
0x124: {  	[sflag:s9] =	ssyncset.done $0x0  }
0x125: {  	[sflag:s9] =	ssyncadd.s32 $0xFFFFC000  }
0x126: {  	_ =	swait.ge [sflag:s10], $0x4000  }
0x127: {  	s14 =	sadd.s32 $0x1, s14;
	s30 =	rddreg [dreg:$0xe]  }
0x128: {  	p1 =	sne.s32 s14, s30  }
.Ltmp4:
0x129: {  	_ = 	snop;
	(pc) =	sbr.rel @p1 .LBB2_1-.Ltmp4, $4  }
.Ltmp5:
0x12a: {  	_ = 	snop;
	(pc) =	sbr.rel @!p1 .LBB2_10-.Ltmp5, $4  }
0x12b: {  	_ = 	snop  }
0x12c: {  	[sflag:s10] =	ssyncset.done $0x0  }
0x12d: {  	[sflag:s10] =	ssyncadd.s32 $0xFFFFC000  }
0x12e: {  	_ = 	snop  }
.LBB2_4:
.Ltmp6:
0x12f: {  	(pc) =	sbr.rel .LBB2_9-.Ltmp6, $2  }
0x130: {  	_ =	sdelay $0x2  }
0x131: {  	s29 =	smov.u32 s25;
	s30 =	rddreg [dreg:$0x10]  }
.LBB2_6:
.Ltmp7:
0x132: {  	(pc) =	sbr.rel .LBB2_9-.Ltmp7, $2  }
0x133: {  	_ =	sdelay $0x2  }
0x134: {  	s15 =	simm.s32 $0x280;
	s13 =	simm.s32 $0x380  }
.LBB2_10:
0x135: {  	_ =	sfence.sel $0x180000  }
0x136: {  	[bflag:$0x0] =	sbarrier.arrive $0xFFFF  }
0x137: {  	_ =	strace $0x9000004A  }
0x138: {  	s0 =	stileid.u32;
	[bflag:$0x2] =	sbarrier.arrive $0xFFFF  }
0x139: {  	p0 =	sne.s32 s0, $0x0;
	s0 =	rddreg [dreg:$0x2]  }
0x13a: {  	s0 =	sadd.s32 @!p0 $0x100000, s0  }
0x13b: {  	[sflag:s0] =	ssyncadd.tile.s32 @!p0 $0x1;
	_ =	shalt  }
.Lfunc_end2:
_tile_overlayer_lowered:
.L_overlay_start_2:
0x13c: {  	(tag) =	ssettag $0x2  }
0x13d: {  	s0 =	rddreg [dreg:$0x0];
	s2 =	stileid.u32  }
0x13e: {  	s1 =	rddreg [dreg:$0x1];
	p0 =	sne.s32 s2, $0x0  }
0x13f: {  	s3 =	rddreg [dreg:$0x2];
	[bflag:$0x3] =	sbarrier.arrive $0xFFFF;
	s2 =	simm.s32 @!p0 $0x1C06  }
0x140: {  	[timem:s3], [sflag:s2] =	dma.local @!p0 [hbm:s0], s1  }
0x141: {  	s0 =	simm.s32 @!p0 $0x6  }
0x142: {  	_ =	swait.ge @!p0 [sflag:s0], s1  }
0x143: {  	s1 =	ssub.s32 @!p0 $0x0, s1;
	[sflag:s0] =	ssyncset.done @!p0 $0x0  }
0x144: {  	[sflag:s0] =	ssyncadd.s32 @!p0 s1  }
0x145: {  	[bflag:$0x3] =	sbarrier.arrive $0xFFFF  }
0x146: {  	_ =	shalt  }

// kernel: kernel.16.cloned.1.call-start
scs
__scs_entry_jumppad:
0x0: {  	(pc) =	sbr.rel $0x88, $3  }
0x1: {  	(tag) =	ssettag $0x0;
	lr =	simm.s32 $0x1  }
0x2: {  	[smem:$0x3F8F] =	sst lr;
	_ =	strace $0xD0000000  }
0x3: {  	_ = 	snop  }
0x4: {  	_ = 	snop  }
0x5: {  	_ = 	snop  }
0x6: {  	_ = 	snop  }
0x7: {  	_ = 	snop  }
__scs_overlays_trampoline_lowered:
0x8: {  	[smem:$0x3F9E] =	sst s0  }
0x9: {  	[smem:$0x3F9F] =	sst s1  }
0xa: {  	[smem:$0x3FA0] =	sst s2  }
0xb: {  	[smem:$0x3FA1] =	sst s3  }
0xc: {  	[smem:$0x3FA2] =	sst s4  }
0xd: {  	[smem:$0x3FA3] =	sst s5  }
0xe: {  	[smem:$0x3FA4] =	sst s6  }
0xf: {  	[smem:$0x3FA5] =	sst s7  }
0x10: {  	[smem:$0x3FA6] =	sst s8  }
0x11: {  	[smem:$0x3FA7] =	sst s9;
	s0 =	simm.s32 @!p0 $0x0  }
0x12: {  	s1 =	sld [smem:$0x3F8D];
	s0 =	simm.s32 @p0 $0x1  }
0x13: {  	[smem:$0x3FA8] =	sst s0;
	s0 =	simm.s32 @!p1 $0x0  }
0x14: {  	s2 =	sld [smem:$0x3F8C];
	s0 =	simm.s32 @p1 $0x1  }
0x15: {  	[smem:$0x3FA9] =	sst s0;
	s0 =	simm.s32 @!p2 $0x0  }
0x16: {  	s3 =	sld [smem:$0x3FDB];
	s0 =	simm.s32 @p2 $0x1  }
0x17: {  	s4 =	simm.s32 $0x1BF5;
	[smem:$0x3FAB] =	sst s0  }
0x18: {  	s0 =	sld [smem:$0x3F8E];
	_ =	swait.ge [sflag:s4], $0x0  }
0x19: {  	s7 =	sld [smem:$0x3F8F]  }
0x1a: {  	s8 =	sadd.s32 $0xFFFFE003, lr  }
0x1b: {  	s9 =	sadd.s32 $0xFFFFFEF7, lr;
	s5 =	simm.s32 $0xFFFFFFFF;
	p2 =	slt.u32 s8, $0xFFFFF086  }
0x1c: {  	p1 =	slt.u32 s9, $0xF7A;
	s5 =	simm.s32 @!p2 $0x0  }
0x1d: {  	s5 =	simm.s32 @p1 $0x1;
	p0 =	seq.s32 s7, s2  }
0x1e: {  	s7 =	smul.u32 @!p0 $0xF7A, s2;
	p2 =	seq.s32 @!p0 s5, $0x0  }
0x1f: {  	s9 =	smul.u32 $0xF7A, s1;
	s8 =	simm.s32 @!p0 $0x1BF5;
	p2 =	por !p2, p0  }
0x20: {  	[sflag:s8] =	ssyncset.s32 @!p0 $0xFFFFF086;
	s6 =	sadd.s32 @!p0 s3, s7;
	s7 =	simm.s32 @!p0 $0x108  }
0x21: {  	s3 =	sadd.s32 s3, s9;
	s6 =	sadd.s32 @!p0 $0x88, s6;
	s7 =	simm.s32 @p2 $0x1082  }
0x22: {  	[simem:s7], [sflag:s8] =	dma.local @!p0 [hbm:s6], $0xF7A  }
0x23: {  	s9 =	sor.u32 $0xD0000000, s2;
	s6 =	simm.s32 $0x108;
	_ =	swait.ge @!p0 [sflag:s8], $0x0  }
0x24: {  	s3 =	sadd.s32 $0x88, s3;
	s6 =	simm.s32 @!p1 $0x1082;
	[sflag:s4] =	ssyncset.s32 $0xFFFFF086  }
0x25: {  	[simem:s6], [sflag:s4] =	dma.local [hbm:s3], $0xF7A  }
0x26: {  	[smem:$0x3F8F] =	sst s1;
	(tag) =	ssettag s2;
	_ =	strace s9  }
0x27: {  	s1 =	sld [smem:$0x3F9F]  }
0x28: {  	s2 =	sld [smem:$0x3FA0]  }
0x29: {  	s4 =	sld [smem:$0x3FA2]  }
0x2a: {  	p0 =	seq.s32 s5, $0x0;
	s5 =	sld [smem:$0x3FA3]  }
0x2b: {  	s6 =	sld [smem:$0x3FA4]  }
0x2c: {  	s7 =	sld [smem:$0x3FA5]  }
0x2d: {  	s3 =	simm.s32 $0x108;
	s8 =	sld [smem:$0x3FA6]  }
0x2e: {  	s3 =	simm.s32 @!p0 $0x1082;
	s9 =	sld [smem:$0x3FA7]  }
0x2f: {  	lr =	sadd.s32 s0, s3;
	s0 =	sld [smem:$0x3F9E]  }
0x30: {  	s3 =	sld [smem:$0x3FA1]  }
0x31: {  	[smem:$0x3FAA] =	sst s10  }
0x32: {  	s10 =	sld [smem:$0x3FA8];
	_ =	sdelay $0x3  }
0x33: {  	p0 =	seq.s32 s10, $0x1;
	s10 =	sld [smem:$0x3FAA];
	_ =	sdelay $0x3  }
0x34: {  	[smem:$0x3FAA] =	sst s10  }
0x35: {  	s10 =	sld [smem:$0x3FA9];
	_ =	sdelay $0x3  }
0x36: {  	p1 =	seq.s32 s10, $0x1;
	s10 =	sld [smem:$0x3FAA];
	_ =	sdelay $0x3  }
0x37: {  	[smem:$0x3FAA] =	sst s10  }
0x38: {  	s10 =	sld [smem:$0x3FAB]  }
0x39: {  	_ = 	snop;
	(pc) =	sbr.ind lr, $3  }
0x3a: {  	_ = 	snop  }
0x3b: {  	_ = 	snop  }
0x3c: {  	p2 =	seq.s32 s10, $0x1;
	s10 =	sld [smem:$0x3FAA]  }
0x3d: {  	_ =	shalt  }
0x3e: {  	_ =	shalt  }
0x3f: {  	_ =	shalt  }
0x40: {  	_ =	shalt  }
0x41: {  	_ =	shalt  }
0x42: {  	_ =	shalt  }
0x43: {  	_ =	shalt  }
0x44: {  	_ =	shalt  }
0x45: {  	_ =	shalt  }
0x46: {  	_ =	shalt  }
0x47: {  	_ =	shalt  }
0x48: {  	_ =	shalt  }
0x49: {  	_ =	shalt  }
0x4a: {  	_ =	shalt  }
0x4b: {  	_ =	shalt  }
0x4c: {  	_ =	shalt  }
0x4d: {  	_ =	shalt  }
0x4e: {  	_ =	shalt  }
0x4f: {  	_ =	shalt  }
0x50: {  	_ =	shalt  }
0x51: {  	_ =	shalt  }
0x52: {  	_ =	shalt  }
0x53: {  	_ =	shalt  }
0x54: {  	_ =	shalt  }
0x55: {  	_ =	shalt  }
0x56: {  	_ =	shalt  }
0x57: {  	_ =	shalt  }
0x58: {  	_ =	shalt  }
0x59: {  	_ =	shalt  }
0x5a: {  	_ =	shalt  }
0x5b: {  	_ =	shalt  }
0x5c: {  	_ =	shalt  }
0x5d: {  	_ =	shalt  }
0x5e: {  	_ =	shalt  }
0x5f: {  	_ =	shalt  }
0x60: {  	_ =	shalt  }
0x61: {  	_ =	shalt  }
0x62: {  	_ =	shalt  }
0x63: {  	_ =	shalt  }
0x64: {  	_ =	shalt  }
0x65: {  	_ =	shalt  }
0x66: {  	_ =	shalt  }
0x67: {  	_ =	shalt  }
0x68: {  	_ =	shalt  }
0x69: {  	_ =	shalt  }
0x6a: {  	_ =	shalt  }
0x6b: {  	_ =	shalt  }
0x6c: {  	_ =	shalt  }
0x6d: {  	_ =	shalt  }
0x6e: {  	_ =	shalt  }
0x6f: {  	_ =	shalt  }
0x70: {  	_ =	shalt  }
0x71: {  	_ =	shalt  }
0x72: {  	_ =	shalt  }
0x73: {  	_ =	shalt  }
0x74: {  	_ =	shalt  }
0x75: {  	_ =	shalt  }
0x76: {  	_ =	shalt  }
0x77: {  	_ =	shalt  }
0x78: {  	_ =	shalt  }
0x79: {  	_ =	shalt  }
0x7a: {  	_ =	shalt  }
0x7b: {  	_ =	shalt  }
0x7c: {  	_ =	shalt  }
0x7d: {  	_ =	shalt  }
0x7e: {  	_ =	shalt  }
0x7f: {  	_ =	shalt  }
0x80: {  	_ =	shalt  }
0x81: {  	_ =	shalt  }
0x82: {  	_ =	shalt  }
0x83: {  	_ =	shalt  }
0x84: {  	_ =	shalt  }
0x85: {  	_ =	shalt  }
0x86: {  	_ =	shalt  }
0x87: {  	_ =	shalt  }
.Lfunc_end0:
.L_simem_size_0:
called_computation.2_lowered:
.L_overlay_start_0:
0x88: {  	s2 =	sld [smem:$0x3FD9]  }
0x89: {  	s3 =	sld [smem:$0x3FFE];
	_ =	sdelay $0x1  }
0x8a: {  	s1 =	srdreg.scid  }
0x8b: {  	s0 =	sand.u32 $0x1, s1  }
0x8c: {  	s16 =	sshll.u32 s0, $0xA;
	s2 =	sadd.s32 s3, s2  }
0x8d: {  	s2 =	sadd.s32 s2, s16  }
0x8e: {  	[smem:$0x3FB6] =	sst s2  }
0x8f: {  	_ = 	snop  }
0x90: {  	(tm) =	ssettm $0x1  }
0x91: {  	s17 =	sld [smem:$0x3FFB];
	_ =	sdelay $0x3  }
0x92: {  	_ =	strace s17  }
0x93: {  	s2 =	sld [smem:$0x3FFC];
	_ =	sdelay $0x3  }
0x94: {  	_ =	strace s2  }
0x95: {  	s2 =	sld [smem:$0x3FFD];
	_ =	sdelay $0x3  }
0x96: {  	_ =	strace s2  }
0x97: {  	_ =	strace $0x8FFFFFFF  }
0x98: {  	s18 =	sld [smem:$0x3FDB];
	_ =	sdelay $0x1  }
0x99: {  	s19 =	simm.s32 $_scs_section_size  }
0x9a: {  	s4 =	simm.s32 $_size__tile_overlayer_lowered;
	s5 =	simm.s32 $_tile_overlayer_lowered  }
0x9b: {  	s22 =	simm.s32 $0x1BFF;
	s21 =	sshll.u32 s5, $0x1;
	s2 =	sadd.s32 s19, s18  }
0x9c: {  	s6 =	simm.s32 $0x0;
	s20 =	sshll.u32 s4, $0x1;
	s4 =	sadd.s32 s21, s2  }
0x9d: {  	[timem:s6], [sflag:s22] =	dma.local [hbm:s4], s20  }
0x9e: {  	_ =	swait.ge [sflag:s22], s20  }
0x9f: {  	s3 =	ssub.s32 $0x0, s20;
	[sflag:s22] =	ssyncset.done $0x0  }
0xa0: {  	[sflag:s22] =	ssyncadd.s32 s3;
	_ =	sdelay $0x1  }
0xa1: {  	s23 =	simm.s32 $0x1B8B  }
0xa2: {  	_ =	swait.ge [sflag:s23], $0x1  }
0xa3: {  	[sflag:s23] =	ssyncset.done $0x0  }
0xa4: {  	s25 =	simm.s32 $0x1B8E;
	s24 =	sld [smem:$0x3FFE];
	[sflag:s23] =	ssyncadd.s32 $0xFFFFFFFF  }
0xa5: {  	s26 =	simm.s32 $execute0_lowered;
	[smem:$0x3FD2] =	sst s25  }
0xa6: {  	s4 =	sshll.u32 s26, $0x1;
	_ =	strace $0x8000004C;
	[dreg:$0x1] =	wrdreg $0xFFFFFFFF  }
0xa7: {  	s28 =	simm.s32 $_size_execute0_lowered;
	s2 =	sadd.s32 s2, s4;
	[dreg:$0x0] =	wrdreg $0x0  }
0xa8: {  	s4 =	sshll.u32 s28, $0x1;
	[dreg:$0x2] =	wrdreg s2  }
0xa9: {  	[dreg:$0x3] =	wrdreg s4  }
0xaa: {  	[dreg:$0x4] =	wrdreg $0xC0  }
0xab: {  	_ =	task [dreg:s6], $0x5FFFF  }
0xac: {  	[dreg:$0x1] =	wrdreg $0xFFFFFFFF  }
0xad: {  	[dreg:$0x0] =	wrdreg $0x60  }
0xae: {  	[dreg:$0x2] =	wrdreg s24  }
0xaf: {  	[dreg:$0x3] =	wrdreg $0xA9000  }
0xb0: {  	[dreg:$0x4] =	wrdreg $0x9  }
0xb1: {  	_ =	task.clear_ibuf [dreg:s6], $0x5FFFF;
	_ =	strace $0x9000004C  }
0xb2: {  	s29 =	simm.s32 $0x9;
	_ =	strace $0x8000004E  }
0xb3: {  	_ =	swait.ge [sflag:s29], $0x1  }
0xb4: {  	[sflag:s29] =	ssyncadd.s32 $0xFFFFFFFF  }
0xb5: {  	_ =	strace $0x9000004E  }
0xb6: {  	_ =	sfence  }
0xb7: {  	s30 =	sld [smem:$0x0];
	_ =	sdelay $0x2  }
0xb8: {  	s31 =	sshll.u32 s1, $0xD;
	s1 =	sshrl.u32 s1, $0x2  }
0xb9: {  	s3 =	sand.u32 $0x4000, s31;
	s1 =	sadd.s32 s1, s30  }
0xba: {  	s0 =	sor.u32 s3, s0;
	s1 =	sshll.u32 s1, $0x11  }
0xbb: {  	s0 =	sor.u32 s1, s0  }
0xbc: {  	s0 =	sadd.s32 $0x8F2B, s0  }
0xbd: {  	[sflag:s0] =	ssyncadd.remote.s32 $0x1  }
0xbe: {  	_ =	sfence.sel $0xFFFF  }
0xbf: {  	[dreg:$0x0] =	wrdreg $0xFFFFFFFF;
	(pc) =	sbr.abs _section_cstart, $3  }
0xc0: {  	[dreg:$0x1] =	wrdreg $0xFFFFFFFF  }
0xc1: {  	_ =	task.clear_ibuf [dreg:s6], $0x2FFFF;
	_ =	strace $0x9FFFFFFF  }
0xc2: {  	(tm) =	ssettm $0x7FFFFFFF  }
0xc3: {  	_ =	shalt  }
tec
execute0_lowered:
.L_overlay_start_1:
0x0: {  	(tag) =	ssettag $0x1  }
0x1: {  	s0 =	rddreg [dreg:$0x0]  }
0x2: {  	s2 =	rddreg [dreg:$0x1];
	s3 =	simm.s32 $0x0;
	s1 =	srdreg.scid  }
0x3: {  	s19 =	stileid.u32;
	[smem:$0x7FF] =	sst s3;
	s1 =	sand.u32 $0x1, s1  }
0x4: {  	s4 =	sshll.u32 s19, $0x1;
	s5 =	sadd.s32 $0x4E00, s0;
	s11 =	smul.u32 $0x50000, s19  }
0x5: {  	s10 =	sadd.s32 $0x40800, s0;
	s18 =	smul.u32 $0x14000, s19;
	s12 =	sadd.s32 $0x18580, s0  }
0x6: {  	s20 =	sadd.s32 $0x18680, s0;
	s25 =	smul.u32 $0x5000, s19;
	s30 =	sadd.s32 $0x18690, s0  }
0x7: {  	_ =	strace $0x8000004D;
	s6 =	ssub.s32 $0x2, s1;
	[dreg:$0x4] =	wrdreg s12  }
0x8: {  	s7 =	sor.u32 s1, s4;
	[dreg:$0x5] =	wrdreg s20;
	s21 =	smul.u32 $0x140000, s1  }
0x9: {  	s4 =	sadd.s32 $0x18800, s0;
	s1 =	smul.u32 $0x2800, s1;
	[dreg:$0xb] =	wrdreg s30  }
0xa: {  	s8 =	sshrl.u32 s6, $0x1;
	s9 =	smul.u32 $0x2800, s7;
	p0 =	seq.s32 s7, $0x1F  }
0xb: {  	s7 =	smul.u32 $0x500, s7;
	s13 =	sadd.s32 $0x4000, s18;
	s14 =	sadd.s32 $0x8000, s18  }
0xc: {  	s15 =	sadd.s32 $0xC000, s18;
	s16 =	sadd.s32 $0x10000, s18;
	s6 =	ssub.s32 s6, s8  }
0xd: {  	s24 =	sadd.s32 s21, s15;
	s12 =	sadd.s32 s21, s16;
	s1 =	sadd.s32 s1, s25  }
0xe: {  	s20 =	sadd.s32 s13, s2;
	s17 =	sshrl.u32 s9, $0x3;
	s9 =	simm.s32 $0xA  }
0xf: {  	s12 =	sshrl.u32 s12, $0x3;
	s28 =	sor.u32 $0x100, s1;
	s8 =	sadd.s32 s5, s17  }
0x10: {  	s9 =	simm.s32 @!p0 $0x28;
	s17 =	sadd.s32 s21, s13;
	s29 =	sadd.s32 s10, s12  }
0x11: {  	s12 =	sshrl.u32 s11, $0x2;
	s13 =	smax.u32 s6, $0x1;
	s6 =	simm.s32 $0x80  }
0x12: {  	s11 =	simm.s32 $0x2;
	s8 =	sadd.s32 $0x9C80, s8;
	[dreg:$0xa] =	wrdreg s29  }
0x13: {  	s17 =	sshrl.u32 s17, $0x3;
	s19 =	sadd.s32 s12, s2;
	[dreg:$0xe] =	wrdreg s13  }
0x14: {  	s12 =	simm.s32 $0x1;
	[dreg:$0x3] =	wrdreg s8;
	s8 =	sadd.s32 s18, s21  }
0x15: {  	s18 =	sadd.s32 s21, s14;
	s22 =	sadd.s32 s10, s17;
	s17 =	sshrl.u32 s24, $0x3  }
0x16: {  	s21 =	sadd.s32 s14, s2;
	s14 =	sadd.s32 $0xFFFFFFFF, s9;
	s24 =	sor.u32 $0x200, s1  }
0x17: {  	s8 =	sshrl.u32 s8, $0x3;
	[dreg:$0x7] =	wrdreg s22;
	s23 =	sshrl.u32 s18, $0x3  }
0x18: {  	s26 =	sadd.s32 s10, s17;
	s18 =	sadd.s32 s5, s7;
	s22 =	sadd.s32 s15, s2  }
0x19: {  	[dreg:$0xf] =	wrdreg s14;
	s15 =	sshll.u32 s9, $0x8;
	s25 =	sshrl.u32 s24, $0x3  }
0x1a: {  	s7 =	simm.s32 $0x2900;
	s9 =	simm.s32 $0x4;
	s14 =	simm.s32 $0x0  }
0x1b: {  	s8 =	sadd.s32 s10, s8;
	[dreg:$0x9] =	wrdreg s26;
	s26 =	sadd.s32 $0xFFFFFE00, s15  }
0x1c: {  	s29 =	sadd.s32 $0x10, s18;
	s30 =	sadd.s32 $0x20, s18;
	[dreg:$0x6] =	wrdreg s8  }
0x1d: {  	s8 =	sadd.s32 s10, s23;
	s10 =	sadd.s32 $0x186A0, s0;
	[dreg:$0x11] =	wrdreg s29  }
0x1e: {  	s23 =	sadd.s32 s16, s2;
	s16 =	sor.u32 $0x300, s1;
	[dreg:$0x12] =	wrdreg s30  }
0x1f: {  	s0 =	sadd.s32 $0x186B0, s0;
	[dreg:$0x8] =	wrdreg s8;
	s17 =	sshrl.u32 s16, $0x3  }
0x20: {  	s25 =	sadd.s32 s25, s5;
	[dreg:$0xd] =	wrdreg s0;
	s0 =	sadd.s32 s17, s5  }
0x21: {  	s1 =	simm.s32 $0x6;
	[dreg:$0xc] =	wrdreg s10;
	s0 =	ssub.s32 $0x20, s0  }
0x22: {  	v0 =	vimm.f32 $0.0e+00;
	s8 =	simm.s32 $0x6900;
	s10 =	simm.s32 $0x3;
	[dreg:$0x10] =	wrdreg s0  }
.LBB2_1:
0x23: {  	s0 =	simm.s32 @p0 $0x0;
	s13 =	simm.s32 @p0 $0x100;
	s15 =	rddreg [dreg:$0x4]  }
0x24: {  	[tilespmem:s13], [sflag:$0x5] =	stream.linear.gather @p0 [hbm4b:s15+s0], $0x800, $0x38;
	[tilespmem:$0x1E900] =	vst v63  }
0x25: {  	s13 =	simm.s32 @p0 $0x900;
	s15 =	rddreg [dreg:$0x5]  }
0x26: {  	[tilespmem:s13], [sflag:$0x5] =	stream.linear.gather @p0 [hbm4b:s15+s0], $0x80, $0x38;
	[tilespmem:$0x1E900] =	vst v63  }
0x27: {  	s13 =	simm.s32 @p0 $0x980;
	s15 =	rddreg [dreg:$0xb]  }
0x28: {  	[tilespmem:s13], [sflag:$0x5] =	stream.linear.gather @p0 [hbm4b:s15+s0], $0x80, $0x38;
	[tilespmem:$0x1E900] =	vst v63  }
0x29: {  	s13 =	simm.s32 @p0 $0xA00;
	s15 =	rddreg [dreg:$0xc]  }
0x2a: {  	[tilespmem:s13], [sflag:$0x5] =	stream.linear.gather @p0 [hbm4b:s15+s0], $0x80, $0x38;
	[tilespmem:$0x1E900] =	vst v63  }
0x2b: {  	s13 =	simm.s32 @p0 $0xA80;
	s15 =	rddreg [dreg:$0xd]  }
0x2c: {  	[tilespmem:s13], [sflag:$0x5] =	stream.linear.gather @p0 [hbm4b:s15+s0], $0x80, $0x38;
	[tilespmem:$0x1E900] =	vst v63  }
0x2d: {  	s0 =	simm.s32 @!p0 $0x0;
	s13 =	simm.s32 @!p0 $0x100;
	s15 =	rddreg [dreg:$0x3]  }
0x2e: {  	[tilespmem:s13], [sflag:$0x5] =	stream.linear.gather @!p0 [hbm4b:s15+s0], $0x2800, $0x38;
	[tilespmem:$0x1E900] =	vst v63  }
0x2f: {  	_ = 	snop  }
0x30: {  	[tilespmem:s3], [sflag:$0x6] =	stream.linear.gather [hbm4b:s18+s3], $0x80, $0x38;
	[tilespmem:$0x1E900] =	vst v63  }
0x31: {  	_ =	swait.ge [sflag:s1], $0x80  }
0x32: {  	[sflag:s1] =	ssyncset.done $0x0  }
0x33: {  	s0 =	simm.s32 $0x0;
	s13 =	simm.s32 $0x200;
	[sflag:s1] =	ssyncadd.s32 $0xFFFFFF80  }
0x34: {  	[tilespmem:s7], [sflag:$0x1] =	stream.indirect.gather [hbm4b:s4+s6], $0x80, s3, s6, $0xb8;
	[tilespmem:$0x1E900] =	vst v63  }
.LBB2_2:
0x35: {  	p1 =	sne.s32 s13, $0xFE00;
	[tilespmem:s0+$0x6970] =	vst v0  }
0x36: {  	[tilespmem:s0+$0x6900] =	vst v0  }
0x37: {  	[tilespmem:s0+$0x6910] =	vst v0  }
.Ltmp0:
0x38: {  	[tilespmem:s0+$0x6920] =	vst v0;
	(pc) =	sbr.rel @p1 .LBB2_2-.Ltmp0, $4  }
0x39: {  	[tilespmem:s0+$0x6930] =	vst v0  }
0x3a: {  	[tilespmem:s0+$0x6940] =	vst v0  }
0x3b: {  	[tilespmem:s0+$0x6950] =	vst v0  }
0x3c: {  	[tilespmem:s0+$0x6960] =	vst v0;
	s0 =	sshra.s32 s13, $0x2;
	s13 =	sadd.s32 $0x200, s13  }
0x3d: {  	[tilespmem:s0+$0x6970] =	vst v0  }
0x3e: {  	[tilespmem:s0+$0x6900] =	vst v0  }
0x3f: {  	[tilespmem:s0+$0x6910] =	vst v0  }
0x40: {  	[tilespmem:s0+$0x6920] =	vst v0  }
0x41: {  	[tilespmem:s0+$0x6930] =	vst v0  }
0x42: {  	[tilespmem:s0+$0x6940] =	vst v0  }
0x43: {  	[tilespmem:s0+$0x6950] =	vst v0  }
0x44: {  	[tilespmem:s0+$0x6960] =	vst v0  }
0x45: {  	[spmem:s19] =	stream.linear.scatter [tilespmem:s8], [sflag:$0x4], $0x4000, $0x38;
	[tilespmem:$0x1E900] =	vst v63  }
0x46: {  	_ = 	snop  }
0x47: {  	[spmem:s20] =	stream.linear.scatter [tilespmem:s8], [sflag:$0x4], $0x4000, $0x38;
	[tilespmem:$0x1E900] =	vst v63  }
0x48: {  	_ = 	snop  }
0x49: {  	[spmem:s21] =	stream.linear.scatter [tilespmem:s8], [sflag:$0x4], $0x4000, $0x38;
	[tilespmem:$0x1E900] =	vst v63  }
0x4a: {  	_ = 	snop  }
0x4b: {  	[spmem:s22] =	stream.linear.scatter [tilespmem:s8], [sflag:$0x4], $0x4000, $0x38;
	[tilespmem:$0x1E900] =	vst v63  }
0x4c: {  	_ = 	snop  }
0x4d: {  	[spmem:s23] =	stream.linear.scatter [tilespmem:s8], [sflag:$0x4], $0x4000, $0x38;
	[tilespmem:$0x1E900] =	vst v63  }
0x4e: {  	_ =	swait.ge [sflag:s9], $0x4000  }
0x4f: {  	[sflag:s9] =	ssyncset.done $0x0  }
0x50: {  	[sflag:s9] =	ssyncadd.s32 $0xFFFFC000  }
0x51: {  	_ =	swait.ge [sflag:s9], $0x4000  }
0x52: {  	[sflag:s9] =	ssyncset.done $0x0  }
0x53: {  	[sflag:s9] =	ssyncadd.s32 $0xFFFFC000  }
0x54: {  	_ =	swait.ge [sflag:s9], $0x4000  }
0x55: {  	[sflag:s9] =	ssyncset.done $0x0  }
0x56: {  	[sflag:s9] =	ssyncadd.s32 $0xFFFFC000  }
0x57: {  	_ =	swait.ge [sflag:s9], $0x4000  }
0x58: {  	[sflag:s9] =	ssyncset.done $0x0  }
0x59: {  	[sflag:s9] =	ssyncadd.s32 $0xFFFFC000  }
0x5a: {  	_ =	swait.ge [sflag:s9], $0x4000  }
0x5b: {  	[sflag:s9] =	ssyncset.done $0x0  }
0x5c: {  	s0 =	simm.s32 @p0 $0x5;
	[sflag:s9] =	ssyncadd.s32 $0xFFFFC000  }
0x5d: {  	_ =	swait.ge @p0 [sflag:s0], $0x800  }
0x5e: {  	[sflag:s0] =	ssyncset.done @p0 $0x0  }
0x5f: {  	[sflag:s0] =	ssyncadd.s32 @p0 $0xFFFFF800  }
0x60: {  	_ =	swait.ge @p0 [sflag:s0], $0x80  }
0x61: {  	[sflag:s0] =	ssyncset.done @p0 $0x0  }
0x62: {  	[sflag:s0] =	ssyncadd.s32 @p0 $0xFFFFFF80  }
0x63: {  	_ =	swait.ge @p0 [sflag:s0], $0x80  }
0x64: {  	[sflag:s0] =	ssyncset.done @p0 $0x0  }
0x65: {  	[sflag:s0] =	ssyncadd.s32 @p0 $0xFFFFFF80  }
0x66: {  	_ =	swait.ge @p0 [sflag:s0], $0x80  }
0x67: {  	[sflag:s0] =	ssyncset.done @p0 $0x0  }
0x68: {  	[sflag:s0] =	ssyncadd.s32 @p0 $0xFFFFFF80  }
0x69: {  	_ =	swait.ge @p0 [sflag:s0], $0x80  }
0x6a: {  	[sflag:s0] =	ssyncset.done @p0 $0x0  }
0x6b: {  	[sflag:s0] =	ssyncadd.s32 @p0 $0xFFFFFF80;
	s0 =	simm.s32 @!p0 $0x5  }
0x6c: {  	_ =	swait.ge @!p0 [sflag:s0], $0x2800  }
0x6d: {  	[sflag:s0] =	ssyncset.done @!p0 $0x0  }
0x6e: {  	[sflag:s0] =	ssyncadd.s32 @!p0 $0xFFFFD800  }
0x6f: {  	[bflag:$0x0] =	sbarrier.arrive $0xFFFF  }
0x70: {  	s30 =	simm.s32 $0x0;
	s13 =	rddreg [dreg:$0x11]  }
0x71: {  	[tilespmem:s6], [sflag:$0x6] =	stream.linear.gather [hbm4b:s13+s30], $0x80, $0x38;
	[tilespmem:$0x1E900] =	vst v63  }
0x72: {  	_ =	swait.ge [sflag:s1], $0x80  }
0x73: {  	[sflag:s1] =	ssyncset.done $0x0  }
0x74: {  	s16 =	simm.s32 $0x1;
	[sflag:s1] =	ssyncadd.s32 $0xFFFFFF80  }
0x75: {  	[tilespmem:s8], [sflag:$0x2] =	stream.indirect.gather [hbm4b:s4+s6], $0x80, s6, s6, $0xb8;
	[tilespmem:$0x1E900] =	vst v63  }
0x76: {  	_ =	swait.ge [sflag:s16], $0x4000  }
0x77: {  	[sflag:s16] =	ssyncset.done $0x0  }
0x78: {  	s15 =	simm.s32 $0x100;
	[sflag:s16] =	ssyncadd.s32 $0xFFFFC000  }
0x79: {  	[spmem:s2] =	stream.indirect.scatter.add.f32 [tilespmem:s7], [sflag:$0x3], $0x80, s15, s6, $0xb8;
	[tilespmem:$0x1E900] =	vst v63  }
0x7a: {  	s17 =	rddreg [dreg:$0x12]  }
0x7b: {  	[tilespmem:s30], [sflag:$0x6] =	stream.linear.gather [hbm4b:s17+s30], $0x80, $0x38;
	[tilespmem:$0x1E900] =	vst v63  }
0x7c: {  	_ =	swait.ge [sflag:s1], $0x80  }
0x7d: {  	[sflag:s1] =	ssyncset.done $0x0  }
0x7e: {  	[sflag:s1] =	ssyncadd.s32 $0xFFFFFF80  }
0x7f: {  	_ =	swait.ge [sflag:s10], $0x4000  }
0x80: {  	[sflag:s10] =	ssyncset.done $0x0  }
0x81: {  	[sflag:s10] =	ssyncadd.s32 $0xFFFFC000  }
0x82: {  	[tilespmem:s7], [sflag:$0x1] =	stream.indirect.gather [hbm4b:s4+s6], $0x80, s30, s6, $0xb8;
	[tilespmem:$0x1E900] =	vst v63  }
0x83: {  	_ =	swait.ge [sflag:s11], $0x4000  }
0x84: {  	[sflag:s11] =	ssyncset.done $0x0  }
0x85: {  	s24 =	simm.s32 $0x180;
	p1 =	sne.s32 s26, $0x100;
	[sflag:s11] =	ssyncadd.s32 $0xFFFFC000  }
0x86: {  	[spmem:s2] =	stream.indirect.scatter.add.f32 [tilespmem:s8], [sflag:$0x4], $0x80, s24, s6, $0xb8;
	[tilespmem:$0x1E900] =	vst v63  }
.Ltmp1:
0x87: {  	_ = 	snop;
	(pc) =	sbr.rel @!p1 .LBB2_4-.Ltmp1, $4  }
0x88: {  	s29 =	sadd.s32 $0x0, s28;
	s24 =	simm.s32 $0x100  }
0x89: {  	s0 =	sand.u32 $0xFFFFFC00, s29;
	s30 =	sand.u32 $0x300, s24  }
0x8a: {  	s0 =	sor.u32 s0, s30  }
0x8b: {  	p2 =	por $0x0, $0x0;
	s13 =	simm.s32 $0x280;
	s0 =	sshrl.u32 s0, $0x3  }
0x8c: {  	s0 =	sadd.s32 s0, s5  }
0x8d: {  	s0 =	sadd.s32 $0x10, s0  }
0x8e: {  	[tilespmem:s6], [sflag:$0x6] =	stream.linear.gather [hbm4b:s0+s3], $0x80, $0x38;
	[tilespmem:$0x1E900] =	vst v63  }
0x8f: {  	_ =	swait.ge [sflag:s1], $0x80  }
0x90: {  	[sflag:s1] =	ssyncset.done $0x0  }
0x91: {  	[sflag:s1] =	ssyncadd.s32 $0xFFFFFF80  }
0x92: {  	_ =	swait.ge [sflag:s9], $0x4000  }
0x93: {  	[sflag:s9] =	ssyncset.done $0x0  }
0x94: {  	[sflag:s9] =	ssyncadd.s32 $0xFFFFC000  }
0x95: {  	[tilespmem:s8], [sflag:$0x2] =	stream.indirect.gather [hbm4b:s4+s6], $0x80, s6, s6, $0xb8;
	[tilespmem:$0x1E900] =	vst v63  }
0x96: {  	_ =	swait.ge [sflag:s12], $0x4000  }
0x97: {  	[sflag:s12] =	ssyncset.done $0x0  }
0x98: {  	s16 =	simm.s32 $0x200;
	[sflag:s12] =	ssyncadd.s32 $0xFFFFC000  }
0x99: {  	[spmem:s2] =	stream.indirect.scatter.add.f32 [tilespmem:s7], [sflag:$0x3], $0x80, s16, s6, $0xb8;
	[tilespmem:$0x1E900] =	vst v63  }
0x9a: {  	s24 =	simm.s32 $0x200;
	p1 =	sne.s32 s26, $0x200  }
0x9b: {  	[tilespmem:s3], [sflag:$0x6] =	stream.linear.gather [hbm4b:s25+s3], $0x80, $0x38;
	[tilespmem:$0x1E900] =	vst v63  }
0x9c: {  	s15 =	simm.s32 $0x380;
	s17 =	sadd.s32 $0x100, s28;
	_ =	swait.ge [sflag:s1], $0x80  }
.Ltmp2:
0x9d: {  	s29 =	sadd.s32 $0x20, s25;
	[sflag:s1] =	ssyncset.done $0x0;
	(pc) =	sbr.rel @!p1 .LBB2_6-.Ltmp2, $4  }
0x9e: {  	p2 =	por $0x1, $0x1;
	s0 =	sand.u32 $0xFFFFFC00, s17;
	[sflag:s1] =	ssyncadd.s32 $0xFFFFFF80  }
0x9f: {  	s16 =	sand.u32 $0x300, s24;
	s17 =	rddreg [dreg:$0x10];
	_ =	swait.ge [sflag:s10], $0x4000  }
0xa0: {  	s0 =	sor.u32 s0, s16;
	s16 =	simm.s32 $0x2;
	[sflag:s10] =	ssyncset.done $0x0  }
0xa1: {  	s0 =	sshrl.u32 s0, $0x3;
	s30 =	sadd.s32 $0xFFFFFFE0, s17;
	[sflag:s10] =	ssyncadd.s32 $0xFFFFC000  }
.LBB2_7:
0xa2: {  	[tilespmem:s7], [sflag:$0x1] =	stream.indirect.gather [hbm4b:s4+s6], $0x80, s3, s6, $0xb8;
	[tilespmem:$0x1E900] =	vst v63  }
0xa3: {  	s17 =	smov.u32 s24  }
0xa4: {  	s24 =	sadd.s32 $0x100, s24;
	s0 =	sadd.s32 s0, s5;
	_ =	swait.ge [sflag:s11], $0x4000  }
0xa5: {  	p1 =	sne.s32 s26, s24;
	s0 =	sadd.s32 $0x10, s0;
	[sflag:s11] =	ssyncset.done $0x0  }
0xa6: {  	[sflag:s11] =	ssyncadd.s32 $0xFFFFC000  }
0xa7: {  	[spmem:s2] =	stream.indirect.scatter.add.f32 [tilespmem:s8], [sflag:$0x4], $0x80, s13, s6, $0xb8;
	[tilespmem:$0x1E900] =	vst v63  }
0xa8: {  	s13 =	smov.u32 s15  }
0xa9: {  	[tilespmem:s6], [sflag:$0x6] =	stream.linear.gather [hbm4b:s0+s3], $0x80, $0x38;
	[tilespmem:$0x1E900] =	vst v63  }
0xaa: {  	_ =	swait.ge [sflag:s1], $0x80  }
0xab: {  	[sflag:s1] =	ssyncset.done $0x0  }
0xac: {  	[sflag:s1] =	ssyncadd.s32 $0xFFFFFF80  }
0xad: {  	_ =	swait.ge [sflag:s9], $0x4000  }
0xae: {  	[sflag:s9] =	ssyncset.done $0x0  }
0xaf: {  	[sflag:s9] =	ssyncadd.s32 $0xFFFFC000  }
0xb0: {  	[tilespmem:s8], [sflag:$0x2] =	stream.indirect.gather [hbm4b:s4+s6], $0x80, s6, s6, $0xb8;
	[tilespmem:$0x1E900] =	vst v63  }
0xb1: {  	_ =	swait.ge [sflag:s12], $0x4000  }
0xb2: {  	[sflag:s12] =	ssyncset.done $0x0  }
0xb3: {  	s0 =	sadd.s32 $0xFFFFFF80, s15;
	[sflag:s12] =	ssyncadd.s32 $0xFFFFC000  }
0xb4: {  	[spmem:s2] =	stream.indirect.scatter.add.f32 [tilespmem:s7], [sflag:$0x3], $0x80, s0, s6, $0xb8;
	[tilespmem:$0x1E900] =	vst v63  }
0xb5: {  	_ = 	snop  }
0xb6: {  	[tilespmem:s3], [sflag:$0x6] =	stream.linear.gather [hbm4b:s29+s3], $0x80, $0x38;
	[tilespmem:$0x1E900] =	vst v63  }
0xb7: {  	s31 =	sadd.s32 $0x100, s15;
	_ =	swait.ge [sflag:s1], $0x80  }
.Ltmp3:
0xb8: {  	s30 =	sadd.s32 $0xFFFFFFE0, s30;
	[sflag:s1] =	ssyncset.done $0x0;
	(pc) =	sbr.rel @p1 .LBB2_7-.Ltmp3, $4  }
0xb9: {  	s16 =	sadd.s32 $0x1, s16;
	s0 =	sadd.s32 s17, s28;
	[sflag:s1] =	ssyncadd.s32 $0xFFFFFF80  }
0xba: {  	s15 =	sand.u32 $0x300, s24;
	s0 =	sand.u32 $0xFFFFFC00, s0;
	_ =	swait.ge [sflag:s10], $0x4000  }
0xbb: {  	s0 =	sor.u32 s0, s15;
	s29 =	sadd.s32 $0x20, s29;
	[sflag:s10] =	ssyncset.done $0x0  }
0xbc: {  	s15 =	smov.u32 s31;
	s0 =	sshrl.u32 s0, $0x3;
	[sflag:s10] =	ssyncadd.s32 $0xFFFFC000  }
0xbd: {  	s15 =	smov.u32 s13;
	s13 =	smov.u32 s31  }
.LBB2_9:
0xbe: {  	[tilespmem:s7], [sflag:$0x1] =	stream.indirect.gather @p2 [hbm4b:s4+s6], $0x80, s3, s6, $0xb8;
	[tilespmem:$0x1E900] =	vst v63  }
0xbf: {  	_ =	swait.ge @p2 [sflag:s11], $0x4000  }
0xc0: {  	[sflag:s11] =	ssyncset.done @p2 $0x0  }
0xc1: {  	s0 =	sadd.s32 s0, s5;
	[sflag:s11] =	ssyncadd.s32 @p2 $0xFFFFC000  }
0xc2: {  	[spmem:s2] =	stream.indirect.scatter.add.f32 @p2 [tilespmem:s8], [sflag:$0x4], $0x80, s15, s6, $0xb8;
	[tilespmem:$0x1E900] =	vst v63  }
0xc3: {  	s0 =	sadd.s32 $0x10, s0  }
0xc4: {  	[tilespmem:s6], [sflag:$0x6] =	stream.linear.gather [hbm4b:s0+s3], $0x80, $0x38;
	[tilespmem:$0x1E900] =	vst v63  }
0xc5: {  	_ =	swait.ge [sflag:s1], $0x80  }
0xc6: {  	[sflag:s1] =	ssyncset.done $0x0  }
0xc7: {  	[sflag:s1] =	ssyncadd.s32 $0xFFFFFF80  }
0xc8: {  	_ =	swait.ge [sflag:s9], $0x4000  }
0xc9: {  	[sflag:s9] =	ssyncset.done $0x0  }
0xca: {  	[sflag:s9] =	ssyncadd.s32 $0xFFFFC000  }
0xcb: {  	[tilespmem:s8], [sflag:$0x2] =	stream.indirect.gather [hbm4b:s4+s6], $0x80, s6, s6, $0xb8;
	[tilespmem:$0x1E900] =	vst v63  }
0xcc: {  	_ =	swait.ge [sflag:s12], $0x4000  }
0xcd: {  	[sflag:s12] =	ssyncset.done $0x0  }
0xce: {  	s17 =	sadd.s32 $0xFFFFFF80, s13;
	[sflag:s12] =	ssyncadd.s32 $0xFFFFC000  }
0xcf: {  	[spmem:s2] =	stream.indirect.scatter.add.f32 [tilespmem:s7], [sflag:$0x3], $0x80, s17, s6, $0xb8;
	[tilespmem:$0x1E900] =	vst v63  }
0xd0: {  	_ = 	snop  }
0xd1: {  	[tilespmem:s3], [sflag:$0x6] =	stream.linear.gather [hbm4b:s29+s3], $0x80, $0x38;
	[tilespmem:$0x1E900] =	vst v63  }
0xd2: {  	_ =	swait.ge [sflag:s1], $0x80  }
0xd3: {  	[sflag:s1] =	ssyncset.done $0x0  }
0xd4: {  	[sflag:s1] =	ssyncadd.s32 $0xFFFFFF80  }
0xd5: {  	_ =	swait.ge [sflag:s10], $0x4000  }
0xd6: {  	s17 =	sadd.s32 s24, s28;
	s29 =	sadd.s32 $0x100, s24;
	[sflag:s10] =	ssyncset.done $0x0  }
0xd7: {  	s15 =	sand.u32 $0xFFFFFC00, s17;
	s0 =	sand.u32 $0x300, s29;
	[sflag:s10] =	ssyncadd.s32 $0xFFFFC000  }
0xd8: {  	[tilespmem:s7], [sflag:$0x1] =	stream.indirect.gather [hbm4b:s4+s6], $0x80, s3, s6, $0xb8;
	[tilespmem:$0x1E900] =	vst v63  }
0xd9: {  	s0 =	sor.u32 s15, s0;
	_ =	swait.ge [sflag:s11], $0x4000  }
0xda: {  	s0 =	sshrl.u32 s0, $0x3;
	[sflag:s11] =	ssyncset.done $0x0  }
0xdb: {  	s0 =	sadd.s32 s0, s5;
	[sflag:s11] =	ssyncadd.s32 $0xFFFFC000  }
0xdc: {  	[spmem:s2] =	stream.indirect.scatter.add.f32 [tilespmem:s8], [sflag:$0x4], $0x80, s13, s6, $0xb8;
	[tilespmem:$0x1E900] =	vst v63  }
0xdd: {  	s0 =	sadd.s32 $0x10, s0  }
0xde: {  	[tilespmem:s6], [sflag:$0x6] =	stream.linear.gather [hbm4b:s0+s3], $0x80, $0x38;
	[tilespmem:$0x1E900] =	vst v63  }
0xdf: {  	_ =	swait.ge [sflag:s1], $0x80  }
0xe0: {  	[sflag:s1] =	ssyncset.done $0x0  }
0xe1: {  	[sflag:s1] =	ssyncadd.s32 $0xFFFFFF80  }
0xe2: {  	_ =	swait.ge [sflag:s9], $0x4000  }
0xe3: {  	[sflag:s9] =	ssyncset.done $0x0  }
0xe4: {  	[sflag:s9] =	ssyncadd.s32 $0xFFFFC000  }
0xe5: {  	[tilespmem:s8], [sflag:$0x2] =	stream.indirect.gather [hbm4b:s4+s6], $0x80, s6, s6, $0xb8;
	[tilespmem:$0x1E900] =	vst v63  }
0xe6: {  	s24 =	sadd.s32 $0x1, s16;
	_ =	swait.ge [sflag:s12], $0x4000  }
0xe7: {  	s15 =	sadd.s32 $0xFFFFFFE0, s30;
	[sflag:s12] =	ssyncset.done $0x0;
	s30 =	rddreg [dreg:$0xf]  }
0xe8: {  	s29 =	sadd.s32 $0x80, s31;
	[sflag:s12] =	ssyncadd.s32 $0xFFFFC000;
	p2 =	sge.u32 s24, s30  }
0xe9: {  	[spmem:s2] =	stream.indirect.scatter.add.f32 [tilespmem:s7], [sflag:$0x3], $0x80, s29, s6, $0xb8;
	[tilespmem:$0x1E900] =	vst v63  }
0xea: {  	s0 =	ssub.s32 @!p2 $0x0, s15;
	s15 =	simm.s32 @!p2 $0x0  }
0xeb: {  	[tilespmem:s15], [sflag:$0x6] =	stream.linear.gather @!p2 [hbm4b:s0+s15], $0x80, $0x38;
	[tilespmem:$0x1E900] =	vst v63  }
0xec: {  	s0 =	simm.s32 @!p2 $0x6  }
0xed: {  	_ =	swait.ge @!p2 [sflag:s0], $0x80  }
0xee: {  	[sflag:s0] =	ssyncset.done @!p2 $0x0  }
0xef: {  	[sflag:s0] =	ssyncadd.s32 @!p2 $0xFFFFFF80;
	s0 =	simm.s32 @!p2 $0x3  }
0xf0: {  	_ =	swait.ge @!p2 [sflag:s0], $0x4000  }
0xf1: {  	[sflag:s0] =	ssyncset.done @!p2 $0x0  }
0xf2: {  	s16 =	simm.s32 @!p2 $0x2900;
	[sflag:s0] =	ssyncadd.s32 @!p2 $0xFFFFC000;
	s0 =	simm.s32 @!p2 $0x80  }
0xf3: {  	[tilespmem:s16], [sflag:$0x1] =	stream.indirect.gather @!p2 [hbm4b:s4+s0], $0x80, s15, s0, $0xb8;
	[tilespmem:$0x1E900] =	vst v63  }
0xf4: {  	s0 =	simm.s32 @!p1 $0x3  }
0xf5: {  	_ =	swait.ge @!p1 [sflag:s0], $0x4000  }
0xf6: {  	[sflag:s0] =	ssyncset.done @!p1 $0x0  }
0xf7: {  	[sflag:s0] =	ssyncadd.s32 @!p1 $0xFFFFC000  }
0xf8: {  	_ =	swait.ge [sflag:s11], $0x4000  }
0xf9: {  	[sflag:s11] =	ssyncset.done $0x0  }
0xfa: {  	s13 =	sadd.s32 $0x100, s13;
	[sflag:s11] =	ssyncadd.s32 $0xFFFFC000  }
0xfb: {  	[spmem:s2] =	stream.indirect.scatter.add.f32 [tilespmem:s8], [sflag:$0x4], $0x80, s13, s6, $0xb8;
	[tilespmem:$0x1E900] =	vst v63  }
0xfc: {  	_ =	swait.ge [sflag:s9], $0x4000  }
0xfd: {  	[sflag:s9] =	ssyncset.done $0x0  }
0xfe: {  	[sflag:s9] =	ssyncadd.s32 $0xFFFFC000  }
0xff: {  	[bflag:$0x0] =	sbarrier.arrive $0xFFFF  }
0x100: {  	[tilespmem:s7], [sflag:$0x6] =	stream.linear.gather [spmem:s19], $0x4000, $0x38;
	[tilespmem:$0x1E900] =	vst v63  }
0x101: {  	_ =	swait.ge [sflag:s1], $0x4000  }
0x102: {  	[sflag:s1] =	ssyncset.done $0x0  }
0x103: {  	s15 =	rddreg [dreg:$0x6];
	[sflag:s1] =	ssyncadd.s32 $0xFFFFC000  }
0x104: {  	[hbm4b:s15+s3] =	stream.linear.scatter [tilespmem:s7], [sflag:$0x3], $0x4000, $0x38;
	[tilespmem:$0x1E900] =	vst v63  }
0x105: {  	_ = 	snop  }
0x106: {  	[tilespmem:s8], [sflag:$0x6] =	stream.linear.gather [spmem:s20], $0x4000, $0x38;
	[tilespmem:$0x1E900] =	vst v63  }
0x107: {  	_ =	swait.ge [sflag:s1], $0x4000  }
0x108: {  	[sflag:s1] =	ssyncset.done $0x0  }
0x109: {  	s16 =	rddreg [dreg:$0x7];
	[sflag:s1] =	ssyncadd.s32 $0xFFFFC000  }
0x10a: {  	[hbm4b:s16+s3] =	stream.linear.scatter [tilespmem:s8], [sflag:$0x4], $0x4000, $0x38;
	[tilespmem:$0x1E900] =	vst v63  }
0x10b: {  	_ =	swait.ge [sflag:s10], $0x4000  }
0x10c: {  	[sflag:s10] =	ssyncset.done $0x0  }
0x10d: {  	[sflag:s10] =	ssyncadd.s32 $0xFFFFC000  }
0x10e: {  	[tilespmem:s7], [sflag:$0x6] =	stream.linear.gather [spmem:s21], $0x4000, $0x38;
	[tilespmem:$0x1E900] =	vst v63  }
0x10f: {  	_ =	swait.ge [sflag:s1], $0x4000  }
0x110: {  	[sflag:s1] =	ssyncset.done $0x0  }
0x111: {  	s17 =	rddreg [dreg:$0x8];
	[sflag:s1] =	ssyncadd.s32 $0xFFFFC000  }
0x112: {  	[hbm4b:s17+s3] =	stream.linear.scatter [tilespmem:s7], [sflag:$0x3], $0x4000, $0x38;
	[tilespmem:$0x1E900] =	vst v63  }
0x113: {  	_ =	swait.ge [sflag:s9], $0x4000  }
0x114: {  	[sflag:s9] =	ssyncset.done $0x0  }
0x115: {  	[sflag:s9] =	ssyncadd.s32 $0xFFFFC000  }
0x116: {  	[tilespmem:s8], [sflag:$0x6] =	stream.linear.gather [spmem:s22], $0x4000, $0x38;
	[tilespmem:$0x1E900] =	vst v63  }
0x117: {  	_ =	swait.ge [sflag:s1], $0x4000  }
0x118: {  	[sflag:s1] =	ssyncset.done $0x0  }
0x119: {  	s24 =	rddreg [dreg:$0x9];
	[sflag:s1] =	ssyncadd.s32 $0xFFFFC000  }
0x11a: {  	[hbm4b:s24+s3] =	stream.linear.scatter [tilespmem:s8], [sflag:$0x4], $0x4000, $0x38;
	[tilespmem:$0x1E900] =	vst v63  }
0x11b: {  	_ =	swait.ge [sflag:s10], $0x4000  }
0x11c: {  	[sflag:s10] =	ssyncset.done $0x0  }
0x11d: {  	[sflag:s10] =	ssyncadd.s32 $0xFFFFC000  }
0x11e: {  	[tilespmem:s7], [sflag:$0x6] =	stream.linear.gather [spmem:s23], $0x4000, $0x38;
	[tilespmem:$0x1E900] =	vst v63  }
0x11f: {  	_ =	swait.ge [sflag:s1], $0x4000  }
0x120: {  	[sflag:s1] =	ssyncset.done $0x0  }
0x121: {  	s29 =	rddreg [dreg:$0xa];
	[sflag:s1] =	ssyncadd.s32 $0xFFFFC000  }
0x122: {  	[hbm4b:s29+s3] =	stream.linear.scatter [tilespmem:s7], [sflag:$0x3], $0x4000, $0x38;
	[tilespmem:$0x1E900] =	vst v63  }
0x123: {  	_ =	swait.ge [sflag:s9], $0x4000  }
0x124: {  	[sflag:s9] =	ssyncset.done $0x0  }
0x125: {  	[sflag:s9] =	ssyncadd.s32 $0xFFFFC000  }
0x126: {  	_ =	swait.ge [sflag:s10], $0x4000  }
0x127: {  	s14 =	sadd.s32 $0x1, s14;
	s30 =	rddreg [dreg:$0xe]  }
0x128: {  	p1 =	sne.s32 s14, s30  }
.Ltmp4:
0x129: {  	_ = 	snop;
	(pc) =	sbr.rel @p1 .LBB2_1-.Ltmp4, $4  }
.Ltmp5:
0x12a: {  	_ = 	snop;
	(pc) =	sbr.rel @!p1 .LBB2_10-.Ltmp5, $4  }
0x12b: {  	_ = 	snop  }
0x12c: {  	[sflag:s10] =	ssyncset.done $0x0  }
0x12d: {  	[sflag:s10] =	ssyncadd.s32 $0xFFFFC000  }
0x12e: {  	_ = 	snop  }
.LBB2_4:
.Ltmp6:
0x12f: {  	(pc) =	sbr.rel .LBB2_9-.Ltmp6, $2  }
0x130: {  	_ =	sdelay $0x2  }
0x131: {  	s29 =	smov.u32 s25;
	s30 =	rddreg [dreg:$0x10]  }
.LBB2_6:
.Ltmp7:
0x132: {  	(pc) =	sbr.rel .LBB2_9-.Ltmp7, $2  }
0x133: {  	_ =	sdelay $0x2  }
0x134: {  	s15 =	simm.s32 $0x280;
	s13 =	simm.s32 $0x380  }
.LBB2_10:
0x135: {  	_ =	sfence.sel $0x180000  }
0x136: {  	[bflag:$0x0] =	sbarrier.arrive $0xFFFF  }
0x137: {  	_ =	strace $0x9000004D  }
0x138: {  	s0 =	stileid.u32;
	[bflag:$0x2] =	sbarrier.arrive $0xFFFF  }
0x139: {  	p0 =	sne.s32 s0, $0x0;
	s0 =	rddreg [dreg:$0x2]  }
0x13a: {  	s0 =	sadd.s32 @!p0 $0x100000, s0  }
0x13b: {  	[sflag:s0] =	ssyncadd.tile.s32 @!p0 $0x1;
	_ =	shalt  }
.Lfunc_end2:
_tile_overlayer_lowered:
.L_overlay_start_2:
0x13c: {  	(tag) =	ssettag $0x2  }
0x13d: {  	s0 =	rddreg [dreg:$0x0];
	s2 =	stileid.u32  }
0x13e: {  	s1 =	rddreg [dreg:$0x1];
	p0 =	sne.s32 s2, $0x0  }
0x13f: {  	s3 =	rddreg [dreg:$0x2];
	[bflag:$0x3] =	sbarrier.arrive $0xFFFF;
	s2 =	simm.s32 @!p0 $0x1C06  }
0x140: {  	[timem:s3], [sflag:s2] =	dma.local @!p0 [hbm:s0], s1  }
0x141: {  	s0 =	simm.s32 @!p0 $0x6  }
0x142: {  	_ =	swait.ge @!p0 [sflag:s0], s1  }
0x143: {  	s1 =	ssub.s32 @!p0 $0x0, s1;
	[sflag:s0] =	ssyncset.done @!p0 $0x0  }
0x144: {  	[sflag:s0] =	ssyncadd.s32 @!p0 s1  }
0x145: {  	[bflag:$0x3] =	sbarrier.arrive $0xFFFF  }
0x146: {  	_ =	shalt  }

// kernel: kernel.19.cloned.1.call-start
scs
__scs_entry_jumppad:
0x0: {  	(pc) =	sbr.rel $0x88, $3  }
0x1: {  	(tag) =	ssettag $0x0;
	lr =	simm.s32 $0x1  }
0x2: {  	[smem:$0x3F8F] =	sst lr;
	_ =	strace $0xD0000000  }
0x3: {  	_ = 	snop  }
0x4: {  	_ = 	snop  }
0x5: {  	_ = 	snop  }
0x6: {  	_ = 	snop  }
0x7: {  	_ = 	snop  }
__scs_overlays_trampoline_lowered:
0x8: {  	[smem:$0x3F9E] =	sst s0  }
0x9: {  	[smem:$0x3F9F] =	sst s1  }
0xa: {  	[smem:$0x3FA0] =	sst s2  }
0xb: {  	[smem:$0x3FA1] =	sst s3  }
0xc: {  	[smem:$0x3FA2] =	sst s4  }
0xd: {  	[smem:$0x3FA3] =	sst s5  }
0xe: {  	[smem:$0x3FA4] =	sst s6  }
0xf: {  	[smem:$0x3FA5] =	sst s7  }
0x10: {  	[smem:$0x3FA6] =	sst s8  }
0x11: {  	[smem:$0x3FA7] =	sst s9;
	s0 =	simm.s32 @!p0 $0x0  }
0x12: {  	s1 =	sld [smem:$0x3F8D];
	s0 =	simm.s32 @p0 $0x1  }
0x13: {  	[smem:$0x3FA8] =	sst s0;
	s0 =	simm.s32 @!p1 $0x0  }
0x14: {  	s2 =	sld [smem:$0x3F8C];
	s0 =	simm.s32 @p1 $0x1  }
0x15: {  	[smem:$0x3FA9] =	sst s0;
	s0 =	simm.s32 @!p2 $0x0  }
0x16: {  	s3 =	sld [smem:$0x3FDB];
	s0 =	simm.s32 @p2 $0x1  }
0x17: {  	s4 =	simm.s32 $0x1BF5;
	[smem:$0x3FAB] =	sst s0  }
0x18: {  	s0 =	sld [smem:$0x3F8E];
	_ =	swait.ge [sflag:s4], $0x0  }
0x19: {  	s7 =	sld [smem:$0x3F8F]  }
0x1a: {  	s8 =	sadd.s32 $0xFFFFE003, lr  }
0x1b: {  	s9 =	sadd.s32 $0xFFFFFEF7, lr;
	s5 =	simm.s32 $0xFFFFFFFF;
	p2 =	slt.u32 s8, $0xFFFFF086  }
0x1c: {  	p1 =	slt.u32 s9, $0xF7A;
	s5 =	simm.s32 @!p2 $0x0  }
0x1d: {  	s5 =	simm.s32 @p1 $0x1;
	p0 =	seq.s32 s7, s2  }
0x1e: {  	s7 =	smul.u32 @!p0 $0xF7A, s2;
	p2 =	seq.s32 @!p0 s5, $0x0  }
0x1f: {  	s9 =	smul.u32 $0xF7A, s1;
	s8 =	simm.s32 @!p0 $0x1BF5;
	p2 =	por !p2, p0  }
0x20: {  	[sflag:s8] =	ssyncset.s32 @!p0 $0xFFFFF086;
	s6 =	sadd.s32 @!p0 s3, s7;
	s7 =	simm.s32 @!p0 $0x108  }
0x21: {  	s3 =	sadd.s32 s3, s9;
	s6 =	sadd.s32 @!p0 $0x88, s6;
	s7 =	simm.s32 @p2 $0x1082  }
0x22: {  	[simem:s7], [sflag:s8] =	dma.local @!p0 [hbm:s6], $0xF7A  }
0x23: {  	s9 =	sor.u32 $0xD0000000, s2;
	s6 =	simm.s32 $0x108;
	_ =	swait.ge @!p0 [sflag:s8], $0x0  }
0x24: {  	s3 =	sadd.s32 $0x88, s3;
	s6 =	simm.s32 @!p1 $0x1082;
	[sflag:s4] =	ssyncset.s32 $0xFFFFF086  }
0x25: {  	[simem:s6], [sflag:s4] =	dma.local [hbm:s3], $0xF7A  }
0x26: {  	[smem:$0x3F8F] =	sst s1;
	(tag) =	ssettag s2;
	_ =	strace s9  }
0x27: {  	s1 =	sld [smem:$0x3F9F]  }
0x28: {  	s2 =	sld [smem:$0x3FA0]  }
0x29: {  	s4 =	sld [smem:$0x3FA2]  }
0x2a: {  	p0 =	seq.s32 s5, $0x0;
	s5 =	sld [smem:$0x3FA3]  }
0x2b: {  	s6 =	sld [smem:$0x3FA4]  }
0x2c: {  	s7 =	sld [smem:$0x3FA5]  }
0x2d: {  	s3 =	simm.s32 $0x108;
	s8 =	sld [smem:$0x3FA6]  }
0x2e: {  	s3 =	simm.s32 @!p0 $0x1082;
	s9 =	sld [smem:$0x3FA7]  }
0x2f: {  	lr =	sadd.s32 s0, s3;
	s0 =	sld [smem:$0x3F9E]  }
0x30: {  	s3 =	sld [smem:$0x3FA1]  }
0x31: {  	[smem:$0x3FAA] =	sst s10  }
0x32: {  	s10 =	sld [smem:$0x3FA8];
	_ =	sdelay $0x3  }
0x33: {  	p0 =	seq.s32 s10, $0x1;
	s10 =	sld [smem:$0x3FAA];
	_ =	sdelay $0x3  }
0x34: {  	[smem:$0x3FAA] =	sst s10  }
0x35: {  	s10 =	sld [smem:$0x3FA9];
	_ =	sdelay $0x3  }
0x36: {  	p1 =	seq.s32 s10, $0x1;
	s10 =	sld [smem:$0x3FAA];
	_ =	sdelay $0x3  }
0x37: {  	[smem:$0x3FAA] =	sst s10  }
0x38: {  	s10 =	sld [smem:$0x3FAB]  }
0x39: {  	_ = 	snop;
	(pc) =	sbr.ind lr, $3  }
0x3a: {  	_ = 	snop  }
0x3b: {  	_ = 	snop  }
0x3c: {  	p2 =	seq.s32 s10, $0x1;
	s10 =	sld [smem:$0x3FAA]  }
0x3d: {  	_ =	shalt  }
0x3e: {  	_ =	shalt  }
0x3f: {  	_ =	shalt  }
0x40: {  	_ =	shalt  }
0x41: {  	_ =	shalt  }
0x42: {  	_ =	shalt  }
0x43: {  	_ =	shalt  }
0x44: {  	_ =	shalt  }
0x45: {  	_ =	shalt  }
0x46: {  	_ =	shalt  }
0x47: {  	_ =	shalt  }
0x48: {  	_ =	shalt  }
0x49: {  	_ =	shalt  }
0x4a: {  	_ =	shalt  }
0x4b: {  	_ =	shalt  }
0x4c: {  	_ =	shalt  }
0x4d: {  	_ =	shalt  }
0x4e: {  	_ =	shalt  }
0x4f: {  	_ =	shalt  }
0x50: {  	_ =	shalt  }
0x51: {  	_ =	shalt  }
0x52: {  	_ =	shalt  }
0x53: {  	_ =	shalt  }
0x54: {  	_ =	shalt  }
0x55: {  	_ =	shalt  }
0x56: {  	_ =	shalt  }
0x57: {  	_ =	shalt  }
0x58: {  	_ =	shalt  }
0x59: {  	_ =	shalt  }
0x5a: {  	_ =	shalt  }
0x5b: {  	_ =	shalt  }
0x5c: {  	_ =	shalt  }
0x5d: {  	_ =	shalt  }
0x5e: {  	_ =	shalt  }
0x5f: {  	_ =	shalt  }
0x60: {  	_ =	shalt  }
0x61: {  	_ =	shalt  }
0x62: {  	_ =	shalt  }
0x63: {  	_ =	shalt  }
0x64: {  	_ =	shalt  }
0x65: {  	_ =	shalt  }
0x66: {  	_ =	shalt  }
0x67: {  	_ =	shalt  }
0x68: {  	_ =	shalt  }
0x69: {  	_ =	shalt  }
0x6a: {  	_ =	shalt  }
0x6b: {  	_ =	shalt  }
0x6c: {  	_ =	shalt  }
0x6d: {  	_ =	shalt  }
0x6e: {  	_ =	shalt  }
0x6f: {  	_ =	shalt  }
0x70: {  	_ =	shalt  }
0x71: {  	_ =	shalt  }
0x72: {  	_ =	shalt  }
0x73: {  	_ =	shalt  }
0x74: {  	_ =	shalt  }
0x75: {  	_ =	shalt  }
0x76: {  	_ =	shalt  }
0x77: {  	_ =	shalt  }
0x78: {  	_ =	shalt  }
0x79: {  	_ =	shalt  }
0x7a: {  	_ =	shalt  }
0x7b: {  	_ =	shalt  }
0x7c: {  	_ =	shalt  }
0x7d: {  	_ =	shalt  }
0x7e: {  	_ =	shalt  }
0x7f: {  	_ =	shalt  }
0x80: {  	_ =	shalt  }
0x81: {  	_ =	shalt  }
0x82: {  	_ =	shalt  }
0x83: {  	_ =	shalt  }
0x84: {  	_ =	shalt  }
0x85: {  	_ =	shalt  }
0x86: {  	_ =	shalt  }
0x87: {  	_ =	shalt  }
.Lfunc_end0:
.L_simem_size_0:
called_computation.3_lowered:
.L_overlay_start_0:
0x88: {  	s2 =	sld [smem:$0x3FD9]  }
0x89: {  	s3 =	sld [smem:$0x3FFE];
	_ =	sdelay $0x1  }
0x8a: {  	s1 =	srdreg.scid  }
0x8b: {  	s0 =	sand.u32 $0x1, s1  }
0x8c: {  	s16 =	sshll.u32 s0, $0xA;
	s2 =	sadd.s32 s3, s2  }
0x8d: {  	s2 =	sadd.s32 s2, s16  }
0x8e: {  	[smem:$0x3FB6] =	sst s2  }
0x8f: {  	_ = 	snop  }
0x90: {  	(tm) =	ssettm $0x1  }
0x91: {  	s17 =	sld [smem:$0x3FFB];
	_ =	sdelay $0x3  }
0x92: {  	_ =	strace s17  }
0x93: {  	s2 =	sld [smem:$0x3FFC];
	_ =	sdelay $0x3  }
0x94: {  	_ =	strace s2  }
0x95: {  	s2 =	sld [smem:$0x3FFD];
	_ =	sdelay $0x3  }
0x96: {  	_ =	strace s2  }
0x97: {  	_ =	strace $0x8FFFFFFF  }
0x98: {  	s18 =	sld [smem:$0x3FDB];
	_ =	sdelay $0x1  }
0x99: {  	s19 =	simm.s32 $_scs_section_size  }
0x9a: {  	s4 =	simm.s32 $_size__tile_overlayer_lowered;
	s5 =	simm.s32 $_tile_overlayer_lowered  }
0x9b: {  	s22 =	simm.s32 $0x1BFF;
	s21 =	sshll.u32 s5, $0x1;
	s2 =	sadd.s32 s19, s18  }
0x9c: {  	s6 =	simm.s32 $0x0;
	s20 =	sshll.u32 s4, $0x1;
	s4 =	sadd.s32 s21, s2  }
0x9d: {  	[timem:s6], [sflag:s22] =	dma.local [hbm:s4], s20  }
0x9e: {  	_ =	swait.ge [sflag:s22], s20  }
0x9f: {  	s3 =	ssub.s32 $0x0, s20;
	[sflag:s22] =	ssyncset.done $0x0  }
0xa0: {  	[sflag:s22] =	ssyncadd.s32 s3;
	_ =	sdelay $0x1  }
0xa1: {  	s23 =	simm.s32 $0x1B8B  }
0xa2: {  	_ =	swait.ge [sflag:s23], $0x1  }
0xa3: {  	[sflag:s23] =	ssyncset.done $0x0  }
0xa4: {  	s25 =	simm.s32 $0x1B8E;
	s24 =	sld [smem:$0x3FFE];
	[sflag:s23] =	ssyncadd.s32 $0xFFFFFFFF  }
0xa5: {  	s26 =	simm.s32 $execute0_lowered;
	[smem:$0x3FD2] =	sst s25  }
0xa6: {  	s4 =	sshll.u32 s26, $0x1;
	_ =	strace $0x8000004F;
	[dreg:$0x1] =	wrdreg $0xFFFFFFFF  }
0xa7: {  	s28 =	simm.s32 $_size_execute0_lowered;
	s2 =	sadd.s32 s2, s4;
	[dreg:$0x0] =	wrdreg $0x0  }
0xa8: {  	s4 =	sshll.u32 s28, $0x1;
	[dreg:$0x2] =	wrdreg s2  }
0xa9: {  	[dreg:$0x3] =	wrdreg s4  }
0xaa: {  	[dreg:$0x4] =	wrdreg $0xC0  }
0xab: {  	_ =	task [dreg:s6], $0x5FFFF  }
0xac: {  	[dreg:$0x1] =	wrdreg $0xFFFFFFFF  }
0xad: {  	[dreg:$0x0] =	wrdreg $0x60  }
0xae: {  	[dreg:$0x2] =	wrdreg s24  }
0xaf: {  	[dreg:$0x3] =	wrdreg $0xA9000  }
0xb0: {  	[dreg:$0x4] =	wrdreg $0x9  }
0xb1: {  	_ =	task.clear_ibuf [dreg:s6], $0x5FFFF;
	_ =	strace $0x9000004F  }
0xb2: {  	s29 =	simm.s32 $0x9;
	_ =	strace $0x80000051  }
0xb3: {  	_ =	swait.ge [sflag:s29], $0x1  }
0xb4: {  	[sflag:s29] =	ssyncadd.s32 $0xFFFFFFFF  }
0xb5: {  	_ =	strace $0x90000051  }
0xb6: {  	_ =	sfence  }
0xb7: {  	s30 =	sld [smem:$0x0];
	_ =	sdelay $0x2  }
0xb8: {  	s31 =	sshll.u32 s1, $0xD;
	s1 =	sshrl.u32 s1, $0x2  }
0xb9: {  	s3 =	sand.u32 $0x4000, s31;
	s1 =	sadd.s32 s1, s30  }
0xba: {  	s0 =	sor.u32 s3, s0;
	s1 =	sshll.u32 s1, $0x11  }
0xbb: {  	s0 =	sor.u32 s1, s0  }
0xbc: {  	s0 =	sadd.s32 $0x8F2B, s0  }
0xbd: {  	[sflag:s0] =	ssyncadd.remote.s32 $0x1  }
0xbe: {  	_ =	sfence.sel $0xFFFF  }
0xbf: {  	[dreg:$0x0] =	wrdreg $0xFFFFFFFF;
	(pc) =	sbr.abs _section_cstart, $3  }
0xc0: {  	[dreg:$0x1] =	wrdreg $0xFFFFFFFF  }
0xc1: {  	_ =	task.clear_ibuf [dreg:s6], $0x2FFFF;
	_ =	strace $0x9FFFFFFF  }
0xc2: {  	(tm) =	ssettm $0x7FFFFFFF  }
0xc3: {  	_ =	shalt  }
tec
execute0_lowered:
.L_overlay_start_1:
0x0: {  	(tag) =	ssettag $0x1  }
0x1: {  	s0 =	rddreg [dreg:$0x0]  }
0x2: {  	s2 =	rddreg [dreg:$0x1];
	s3 =	simm.s32 $0x0;
	s1 =	srdreg.scid  }
0x3: {  	s19 =	stileid.u32;
	[smem:$0x7FF] =	sst s3;
	s1 =	sand.u32 $0x1, s1  }
0x4: {  	s4 =	sshll.u32 s19, $0x1;
	s5 =	sadd.s32 $0x4E00, s0;
	s11 =	smul.u32 $0x50000, s19  }
0x5: {  	s10 =	sadd.s32 $0x40800, s0;
	s18 =	smul.u32 $0x14000, s19;
	s12 =	sadd.s32 $0x18580, s0  }
0x6: {  	s20 =	sadd.s32 $0x18680, s0;
	s25 =	smul.u32 $0x5000, s19;
	s30 =	sadd.s32 $0x18690, s0  }
0x7: {  	_ =	strace $0x80000050;
	s6 =	ssub.s32 $0x2, s1;
	[dreg:$0x4] =	wrdreg s12  }
0x8: {  	s7 =	sor.u32 s1, s4;
	[dreg:$0x5] =	wrdreg s20;
	s21 =	smul.u32 $0x140000, s1  }
0x9: {  	s4 =	sadd.s32 $0x18800, s0;
	s1 =	smul.u32 $0x2800, s1;
	[dreg:$0xb] =	wrdreg s30  }
0xa: {  	s8 =	sshrl.u32 s6, $0x1;
	s9 =	smul.u32 $0x2800, s7;
	p0 =	seq.s32 s7, $0x1F  }
0xb: {  	s7 =	smul.u32 $0x500, s7;
	s13 =	sadd.s32 $0x4000, s18;
	s14 =	sadd.s32 $0x8000, s18  }
0xc: {  	s15 =	sadd.s32 $0xC000, s18;
	s16 =	sadd.s32 $0x10000, s18;
	s6 =	ssub.s32 s6, s8  }
0xd: {  	s24 =	sadd.s32 s21, s15;
	s12 =	sadd.s32 s21, s16;
	s1 =	sadd.s32 s1, s25  }
0xe: {  	s20 =	sadd.s32 s13, s2;
	s17 =	sshrl.u32 s9, $0x3;
	s9 =	simm.s32 $0xA  }
0xf: {  	s12 =	sshrl.u32 s12, $0x3;
	s28 =	sor.u32 $0x100, s1;
	s8 =	sadd.s32 s5, s17  }
0x10: {  	s9 =	simm.s32 @!p0 $0x28;
	s17 =	sadd.s32 s21, s13;
	s29 =	sadd.s32 s10, s12  }
0x11: {  	s12 =	sshrl.u32 s11, $0x2;
	s13 =	smax.u32 s6, $0x1;
	s6 =	simm.s32 $0x80  }
0x12: {  	s11 =	simm.s32 $0x2;
	s8 =	sadd.s32 $0x9C80, s8;
	[dreg:$0xa] =	wrdreg s29  }
0x13: {  	s17 =	sshrl.u32 s17, $0x3;
	s19 =	sadd.s32 s12, s2;
	[dreg:$0xe] =	wrdreg s13  }
0x14: {  	s12 =	simm.s32 $0x1;
	[dreg:$0x3] =	wrdreg s8;
	s8 =	sadd.s32 s18, s21  }
0x15: {  	s18 =	sadd.s32 s21, s14;
	s22 =	sadd.s32 s10, s17;
	s17 =	sshrl.u32 s24, $0x3  }
0x16: {  	s21 =	sadd.s32 s14, s2;
	s14 =	sadd.s32 $0xFFFFFFFF, s9;
	s24 =	sor.u32 $0x200, s1  }
0x17: {  	s8 =	sshrl.u32 s8, $0x3;
	[dreg:$0x7] =	wrdreg s22;
	s23 =	sshrl.u32 s18, $0x3  }
0x18: {  	s26 =	sadd.s32 s10, s17;
	s18 =	sadd.s32 s5, s7;
	s22 =	sadd.s32 s15, s2  }
0x19: {  	[dreg:$0xf] =	wrdreg s14;
	s15 =	sshll.u32 s9, $0x8;
	s25 =	sshrl.u32 s24, $0x3  }
0x1a: {  	s7 =	simm.s32 $0x2900;
	s9 =	simm.s32 $0x4;
	s14 =	simm.s32 $0x0  }
0x1b: {  	s8 =	sadd.s32 s10, s8;
	[dreg:$0x9] =	wrdreg s26;
	s26 =	sadd.s32 $0xFFFFFE00, s15  }
0x1c: {  	s29 =	sadd.s32 $0x10, s18;
	s30 =	sadd.s32 $0x20, s18;
	[dreg:$0x6] =	wrdreg s8  }
0x1d: {  	s8 =	sadd.s32 s10, s23;
	s10 =	sadd.s32 $0x186A0, s0;
	[dreg:$0x11] =	wrdreg s29  }
0x1e: {  	s23 =	sadd.s32 s16, s2;
	s16 =	sor.u32 $0x300, s1;
	[dreg:$0x12] =	wrdreg s30  }
0x1f: {  	s0 =	sadd.s32 $0x186B0, s0;
	[dreg:$0x8] =	wrdreg s8;
	s17 =	sshrl.u32 s16, $0x3  }
0x20: {  	s25 =	sadd.s32 s25, s5;
	[dreg:$0xd] =	wrdreg s0;
	s0 =	sadd.s32 s17, s5  }
0x21: {  	s1 =	simm.s32 $0x6;
	[dreg:$0xc] =	wrdreg s10;
	s0 =	ssub.s32 $0x20, s0  }
0x22: {  	v0 =	vimm.f32 $0.0e+00;
	s8 =	simm.s32 $0x6900;
	s10 =	simm.s32 $0x3;
	[dreg:$0x10] =	wrdreg s0  }
.LBB2_1:
0x23: {  	s0 =	simm.s32 @p0 $0x0;
	s13 =	simm.s32 @p0 $0x100;
	s15 =	rddreg [dreg:$0x4]  }
0x24: {  	[tilespmem:s13], [sflag:$0x5] =	stream.linear.gather @p0 [hbm4b:s15+s0], $0x800, $0x38;
	[tilespmem:$0x1E900] =	vst v63  }
0x25: {  	s13 =	simm.s32 @p0 $0x900;
	s15 =	rddreg [dreg:$0x5]  }
0x26: {  	[tilespmem:s13], [sflag:$0x5] =	stream.linear.gather @p0 [hbm4b:s15+s0], $0x80, $0x38;
	[tilespmem:$0x1E900] =	vst v63  }
0x27: {  	s13 =	simm.s32 @p0 $0x980;
	s15 =	rddreg [dreg:$0xb]  }
0x28: {  	[tilespmem:s13], [sflag:$0x5] =	stream.linear.gather @p0 [hbm4b:s15+s0], $0x80, $0x38;
	[tilespmem:$0x1E900] =	vst v63  }
0x29: {  	s13 =	simm.s32 @p0 $0xA00;
	s15 =	rddreg [dreg:$0xc]  }
0x2a: {  	[tilespmem:s13], [sflag:$0x5] =	stream.linear.gather @p0 [hbm4b:s15+s0], $0x80, $0x38;
	[tilespmem:$0x1E900] =	vst v63  }
0x2b: {  	s13 =	simm.s32 @p0 $0xA80;
	s15 =	rddreg [dreg:$0xd]  }
0x2c: {  	[tilespmem:s13], [sflag:$0x5] =	stream.linear.gather @p0 [hbm4b:s15+s0], $0x80, $0x38;
	[tilespmem:$0x1E900] =	vst v63  }
0x2d: {  	s0 =	simm.s32 @!p0 $0x0;
	s13 =	simm.s32 @!p0 $0x100;
	s15 =	rddreg [dreg:$0x3]  }
0x2e: {  	[tilespmem:s13], [sflag:$0x5] =	stream.linear.gather @!p0 [hbm4b:s15+s0], $0x2800, $0x38;
	[tilespmem:$0x1E900] =	vst v63  }
0x2f: {  	_ = 	snop  }
0x30: {  	[tilespmem:s3], [sflag:$0x6] =	stream.linear.gather [hbm4b:s18+s3], $0x80, $0x38;
	[tilespmem:$0x1E900] =	vst v63  }
0x31: {  	_ =	swait.ge [sflag:s1], $0x80  }
0x32: {  	[sflag:s1] =	ssyncset.done $0x0  }
0x33: {  	s0 =	simm.s32 $0x0;
	s13 =	simm.s32 $0x200;
	[sflag:s1] =	ssyncadd.s32 $0xFFFFFF80  }
0x34: {  	[tilespmem:s7], [sflag:$0x1] =	stream.indirect.gather [hbm4b:s4+s6], $0x80, s3, s6, $0xb8;
	[tilespmem:$0x1E900] =	vst v63  }
.LBB2_2:
0x35: {  	p1 =	sne.s32 s13, $0xFE00;
	[tilespmem:s0+$0x6970] =	vst v0  }
0x36: {  	[tilespmem:s0+$0x6900] =	vst v0  }
0x37: {  	[tilespmem:s0+$0x6910] =	vst v0  }
.Ltmp0:
0x38: {  	[tilespmem:s0+$0x6920] =	vst v0;
	(pc) =	sbr.rel @p1 .LBB2_2-.Ltmp0, $4  }
0x39: {  	[tilespmem:s0+$0x6930] =	vst v0  }
0x3a: {  	[tilespmem:s0+$0x6940] =	vst v0  }
0x3b: {  	[tilespmem:s0+$0x6950] =	vst v0  }
0x3c: {  	[tilespmem:s0+$0x6960] =	vst v0;
	s0 =	sshra.s32 s13, $0x2;
	s13 =	sadd.s32 $0x200, s13  }
0x3d: {  	[tilespmem:s0+$0x6970] =	vst v0  }
0x3e: {  	[tilespmem:s0+$0x6900] =	vst v0  }
0x3f: {  	[tilespmem:s0+$0x6910] =	vst v0  }
0x40: {  	[tilespmem:s0+$0x6920] =	vst v0  }
0x41: {  	[tilespmem:s0+$0x6930] =	vst v0  }
0x42: {  	[tilespmem:s0+$0x6940] =	vst v0  }
0x43: {  	[tilespmem:s0+$0x6950] =	vst v0  }
0x44: {  	[tilespmem:s0+$0x6960] =	vst v0  }
0x45: {  	[spmem:s19] =	stream.linear.scatter [tilespmem:s8], [sflag:$0x4], $0x4000, $0x38;
	[tilespmem:$0x1E900] =	vst v63  }
0x46: {  	_ = 	snop  }
0x47: {  	[spmem:s20] =	stream.linear.scatter [tilespmem:s8], [sflag:$0x4], $0x4000, $0x38;
	[tilespmem:$0x1E900] =	vst v63  }
0x48: {  	_ = 	snop  }
0x49: {  	[spmem:s21] =	stream.linear.scatter [tilespmem:s8], [sflag:$0x4], $0x4000, $0x38;
	[tilespmem:$0x1E900] =	vst v63  }
0x4a: {  	_ = 	snop  }
0x4b: {  	[spmem:s22] =	stream.linear.scatter [tilespmem:s8], [sflag:$0x4], $0x4000, $0x38;
	[tilespmem:$0x1E900] =	vst v63  }
0x4c: {  	_ = 	snop  }
0x4d: {  	[spmem:s23] =	stream.linear.scatter [tilespmem:s8], [sflag:$0x4], $0x4000, $0x38;
	[tilespmem:$0x1E900] =	vst v63  }
0x4e: {  	_ =	swait.ge [sflag:s9], $0x4000  }
0x4f: {  	[sflag:s9] =	ssyncset.done $0x0  }
0x50: {  	[sflag:s9] =	ssyncadd.s32 $0xFFFFC000  }
0x51: {  	_ =	swait.ge [sflag:s9], $0x4000  }
0x52: {  	[sflag:s9] =	ssyncset.done $0x0  }
0x53: {  	[sflag:s9] =	ssyncadd.s32 $0xFFFFC000  }
0x54: {  	_ =	swait.ge [sflag:s9], $0x4000  }
0x55: {  	[sflag:s9] =	ssyncset.done $0x0  }
0x56: {  	[sflag:s9] =	ssyncadd.s32 $0xFFFFC000  }
0x57: {  	_ =	swait.ge [sflag:s9], $0x4000  }
0x58: {  	[sflag:s9] =	ssyncset.done $0x0  }
0x59: {  	[sflag:s9] =	ssyncadd.s32 $0xFFFFC000  }
0x5a: {  	_ =	swait.ge [sflag:s9], $0x4000  }
0x5b: {  	[sflag:s9] =	ssyncset.done $0x0  }
0x5c: {  	s0 =	simm.s32 @p0 $0x5;
	[sflag:s9] =	ssyncadd.s32 $0xFFFFC000  }
0x5d: {  	_ =	swait.ge @p0 [sflag:s0], $0x800  }
0x5e: {  	[sflag:s0] =	ssyncset.done @p0 $0x0  }
0x5f: {  	[sflag:s0] =	ssyncadd.s32 @p0 $0xFFFFF800  }
0x60: {  	_ =	swait.ge @p0 [sflag:s0], $0x80  }
0x61: {  	[sflag:s0] =	ssyncset.done @p0 $0x0  }
0x62: {  	[sflag:s0] =	ssyncadd.s32 @p0 $0xFFFFFF80  }
0x63: {  	_ =	swait.ge @p0 [sflag:s0], $0x80  }
0x64: {  	[sflag:s0] =	ssyncset.done @p0 $0x0  }
0x65: {  	[sflag:s0] =	ssyncadd.s32 @p0 $0xFFFFFF80  }
0x66: {  	_ =	swait.ge @p0 [sflag:s0], $0x80  }
0x67: {  	[sflag:s0] =	ssyncset.done @p0 $0x0  }
0x68: {  	[sflag:s0] =	ssyncadd.s32 @p0 $0xFFFFFF80  }
0x69: {  	_ =	swait.ge @p0 [sflag:s0], $0x80  }
0x6a: {  	[sflag:s0] =	ssyncset.done @p0 $0x0  }
0x6b: {  	[sflag:s0] =	ssyncadd.s32 @p0 $0xFFFFFF80;
	s0 =	simm.s32 @!p0 $0x5  }
0x6c: {  	_ =	swait.ge @!p0 [sflag:s0], $0x2800  }
0x6d: {  	[sflag:s0] =	ssyncset.done @!p0 $0x0  }
0x6e: {  	[sflag:s0] =	ssyncadd.s32 @!p0 $0xFFFFD800  }
0x6f: {  	[bflag:$0x0] =	sbarrier.arrive $0xFFFF  }
0x70: {  	s30 =	simm.s32 $0x0;
	s13 =	rddreg [dreg:$0x11]  }
0x71: {  	[tilespmem:s6], [sflag:$0x6] =	stream.linear.gather [hbm4b:s13+s30], $0x80, $0x38;
	[tilespmem:$0x1E900] =	vst v63  }
0x72: {  	_ =	swait.ge [sflag:s1], $0x80  }
0x73: {  	[sflag:s1] =	ssyncset.done $0x0  }
0x74: {  	s16 =	simm.s32 $0x1;
	[sflag:s1] =	ssyncadd.s32 $0xFFFFFF80  }
0x75: {  	[tilespmem:s8], [sflag:$0x2] =	stream.indirect.gather [hbm4b:s4+s6], $0x80, s6, s6, $0xb8;
	[tilespmem:$0x1E900] =	vst v63  }
0x76: {  	_ =	swait.ge [sflag:s16], $0x4000  }
0x77: {  	[sflag:s16] =	ssyncset.done $0x0  }
0x78: {  	s15 =	simm.s32 $0x100;
	[sflag:s16] =	ssyncadd.s32 $0xFFFFC000  }
0x79: {  	[spmem:s2] =	stream.indirect.scatter.add.f32 [tilespmem:s7], [sflag:$0x3], $0x80, s15, s6, $0xb8;
	[tilespmem:$0x1E900] =	vst v63  }
0x7a: {  	s17 =	rddreg [dreg:$0x12]  }
0x7b: {  	[tilespmem:s30], [sflag:$0x6] =	stream.linear.gather [hbm4b:s17+s30], $0x80, $0x38;
	[tilespmem:$0x1E900] =	vst v63  }
0x7c: {  	_ =	swait.ge [sflag:s1], $0x80  }
0x7d: {  	[sflag:s1] =	ssyncset.done $0x0  }
0x7e: {  	[sflag:s1] =	ssyncadd.s32 $0xFFFFFF80  }
0x7f: {  	_ =	swait.ge [sflag:s10], $0x4000  }
0x80: {  	[sflag:s10] =	ssyncset.done $0x0  }
0x81: {  	[sflag:s10] =	ssyncadd.s32 $0xFFFFC000  }
0x82: {  	[tilespmem:s7], [sflag:$0x1] =	stream.indirect.gather [hbm4b:s4+s6], $0x80, s30, s6, $0xb8;
	[tilespmem:$0x1E900] =	vst v63  }
0x83: {  	_ =	swait.ge [sflag:s11], $0x4000  }
0x84: {  	[sflag:s11] =	ssyncset.done $0x0  }
0x85: {  	s24 =	simm.s32 $0x180;
	p1 =	sne.s32 s26, $0x100;
	[sflag:s11] =	ssyncadd.s32 $0xFFFFC000  }
0x86: {  	[spmem:s2] =	stream.indirect.scatter.add.f32 [tilespmem:s8], [sflag:$0x4], $0x80, s24, s6, $0xb8;
	[tilespmem:$0x1E900] =	vst v63  }
.Ltmp1:
0x87: {  	_ = 	snop;
	(pc) =	sbr.rel @!p1 .LBB2_4-.Ltmp1, $4  }
0x88: {  	s29 =	sadd.s32 $0x0, s28;
	s24 =	simm.s32 $0x100  }
0x89: {  	s0 =	sand.u32 $0xFFFFFC00, s29;
	s30 =	sand.u32 $0x300, s24  }
0x8a: {  	s0 =	sor.u32 s0, s30  }
0x8b: {  	p2 =	por $0x0, $0x0;
	s13 =	simm.s32 $0x280;
	s0 =	sshrl.u32 s0, $0x3  }
0x8c: {  	s0 =	sadd.s32 s0, s5  }
0x8d: {  	s0 =	sadd.s32 $0x10, s0  }
0x8e: {  	[tilespmem:s6], [sflag:$0x6] =	stream.linear.gather [hbm4b:s0+s3], $0x80, $0x38;
	[tilespmem:$0x1E900] =	vst v63  }
0x8f: {  	_ =	swait.ge [sflag:s1], $0x80  }
0x90: {  	[sflag:s1] =	ssyncset.done $0x0  }
0x91: {  	[sflag:s1] =	ssyncadd.s32 $0xFFFFFF80  }
0x92: {  	_ =	swait.ge [sflag:s9], $0x4000  }
0x93: {  	[sflag:s9] =	ssyncset.done $0x0  }
0x94: {  	[sflag:s9] =	ssyncadd.s32 $0xFFFFC000  }
0x95: {  	[tilespmem:s8], [sflag:$0x2] =	stream.indirect.gather [hbm4b:s4+s6], $0x80, s6, s6, $0xb8;
	[tilespmem:$0x1E900] =	vst v63  }
0x96: {  	_ =	swait.ge [sflag:s12], $0x4000  }
0x97: {  	[sflag:s12] =	ssyncset.done $0x0  }
0x98: {  	s16 =	simm.s32 $0x200;
	[sflag:s12] =	ssyncadd.s32 $0xFFFFC000  }
0x99: {  	[spmem:s2] =	stream.indirect.scatter.add.f32 [tilespmem:s7], [sflag:$0x3], $0x80, s16, s6, $0xb8;
	[tilespmem:$0x1E900] =	vst v63  }
0x9a: {  	s24 =	simm.s32 $0x200;
	p1 =	sne.s32 s26, $0x200  }
0x9b: {  	[tilespmem:s3], [sflag:$0x6] =	stream.linear.gather [hbm4b:s25+s3], $0x80, $0x38;
	[tilespmem:$0x1E900] =	vst v63  }
0x9c: {  	s15 =	simm.s32 $0x380;
	s17 =	sadd.s32 $0x100, s28;
	_ =	swait.ge [sflag:s1], $0x80  }
.Ltmp2:
0x9d: {  	s29 =	sadd.s32 $0x20, s25;
	[sflag:s1] =	ssyncset.done $0x0;
	(pc) =	sbr.rel @!p1 .LBB2_6-.Ltmp2, $4  }
0x9e: {  	p2 =	por $0x1, $0x1;
	s0 =	sand.u32 $0xFFFFFC00, s17;
	[sflag:s1] =	ssyncadd.s32 $0xFFFFFF80  }
0x9f: {  	s16 =	sand.u32 $0x300, s24;
	s17 =	rddreg [dreg:$0x10];
	_ =	swait.ge [sflag:s10], $0x4000  }
0xa0: {  	s0 =	sor.u32 s0, s16;
	s16 =	simm.s32 $0x2;
	[sflag:s10] =	ssyncset.done $0x0  }
0xa1: {  	s0 =	sshrl.u32 s0, $0x3;
	s30 =	sadd.s32 $0xFFFFFFE0, s17;
	[sflag:s10] =	ssyncadd.s32 $0xFFFFC000  }
.LBB2_7:
0xa2: {  	[tilespmem:s7], [sflag:$0x1] =	stream.indirect.gather [hbm4b:s4+s6], $0x80, s3, s6, $0xb8;
	[tilespmem:$0x1E900] =	vst v63  }
0xa3: {  	s17 =	smov.u32 s24  }
0xa4: {  	s24 =	sadd.s32 $0x100, s24;
	s0 =	sadd.s32 s0, s5;
	_ =	swait.ge [sflag:s11], $0x4000  }
0xa5: {  	p1 =	sne.s32 s26, s24;
	s0 =	sadd.s32 $0x10, s0;
	[sflag:s11] =	ssyncset.done $0x0  }
0xa6: {  	[sflag:s11] =	ssyncadd.s32 $0xFFFFC000  }
0xa7: {  	[spmem:s2] =	stream.indirect.scatter.add.f32 [tilespmem:s8], [sflag:$0x4], $0x80, s13, s6, $0xb8;
	[tilespmem:$0x1E900] =	vst v63  }
0xa8: {  	s13 =	smov.u32 s15  }
0xa9: {  	[tilespmem:s6], [sflag:$0x6] =	stream.linear.gather [hbm4b:s0+s3], $0x80, $0x38;
	[tilespmem:$0x1E900] =	vst v63  }
0xaa: {  	_ =	swait.ge [sflag:s1], $0x80  }
0xab: {  	[sflag:s1] =	ssyncset.done $0x0  }
0xac: {  	[sflag:s1] =	ssyncadd.s32 $0xFFFFFF80  }
0xad: {  	_ =	swait.ge [sflag:s9], $0x4000  }
0xae: {  	[sflag:s9] =	ssyncset.done $0x0  }
0xaf: {  	[sflag:s9] =	ssyncadd.s32 $0xFFFFC000  }
0xb0: {  	[tilespmem:s8], [sflag:$0x2] =	stream.indirect.gather [hbm4b:s4+s6], $0x80, s6, s6, $0xb8;
	[tilespmem:$0x1E900] =	vst v63  }
0xb1: {  	_ =	swait.ge [sflag:s12], $0x4000  }
0xb2: {  	[sflag:s12] =	ssyncset.done $0x0  }
0xb3: {  	s0 =	sadd.s32 $0xFFFFFF80, s15;
	[sflag:s12] =	ssyncadd.s32 $0xFFFFC000  }
0xb4: {  	[spmem:s2] =	stream.indirect.scatter.add.f32 [tilespmem:s7], [sflag:$0x3], $0x80, s0, s6, $0xb8;
	[tilespmem:$0x1E900] =	vst v63  }
0xb5: {  	_ = 	snop  }
0xb6: {  	[tilespmem:s3], [sflag:$0x6] =	stream.linear.gather [hbm4b:s29+s3], $0x80, $0x38;
	[tilespmem:$0x1E900] =	vst v63  }
0xb7: {  	s31 =	sadd.s32 $0x100, s15;
	_ =	swait.ge [sflag:s1], $0x80  }
.Ltmp3:
0xb8: {  	s30 =	sadd.s32 $0xFFFFFFE0, s30;
	[sflag:s1] =	ssyncset.done $0x0;
	(pc) =	sbr.rel @p1 .LBB2_7-.Ltmp3, $4  }
0xb9: {  	s16 =	sadd.s32 $0x1, s16;
	s0 =	sadd.s32 s17, s28;
	[sflag:s1] =	ssyncadd.s32 $0xFFFFFF80  }
0xba: {  	s15 =	sand.u32 $0x300, s24;
	s0 =	sand.u32 $0xFFFFFC00, s0;
	_ =	swait.ge [sflag:s10], $0x4000  }
0xbb: {  	s0 =	sor.u32 s0, s15;
	s29 =	sadd.s32 $0x20, s29;
	[sflag:s10] =	ssyncset.done $0x0  }
0xbc: {  	s15 =	smov.u32 s31;
	s0 =	sshrl.u32 s0, $0x3;
	[sflag:s10] =	ssyncadd.s32 $0xFFFFC000  }
0xbd: {  	s15 =	smov.u32 s13;
	s13 =	smov.u32 s31  }
.LBB2_9:
0xbe: {  	[tilespmem:s7], [sflag:$0x1] =	stream.indirect.gather @p2 [hbm4b:s4+s6], $0x80, s3, s6, $0xb8;
	[tilespmem:$0x1E900] =	vst v63  }
0xbf: {  	_ =	swait.ge @p2 [sflag:s11], $0x4000  }
0xc0: {  	[sflag:s11] =	ssyncset.done @p2 $0x0  }
0xc1: {  	s0 =	sadd.s32 s0, s5;
	[sflag:s11] =	ssyncadd.s32 @p2 $0xFFFFC000  }
0xc2: {  	[spmem:s2] =	stream.indirect.scatter.add.f32 @p2 [tilespmem:s8], [sflag:$0x4], $0x80, s15, s6, $0xb8;
	[tilespmem:$0x1E900] =	vst v63  }
0xc3: {  	s0 =	sadd.s32 $0x10, s0  }
0xc4: {  	[tilespmem:s6], [sflag:$0x6] =	stream.linear.gather [hbm4b:s0+s3], $0x80, $0x38;
	[tilespmem:$0x1E900] =	vst v63  }
0xc5: {  	_ =	swait.ge [sflag:s1], $0x80  }
0xc6: {  	[sflag:s1] =	ssyncset.done $0x0  }
0xc7: {  	[sflag:s1] =	ssyncadd.s32 $0xFFFFFF80  }
0xc8: {  	_ =	swait.ge [sflag:s9], $0x4000  }
0xc9: {  	[sflag:s9] =	ssyncset.done $0x0  }
0xca: {  	[sflag:s9] =	ssyncadd.s32 $0xFFFFC000  }
0xcb: {  	[tilespmem:s8], [sflag:$0x2] =	stream.indirect.gather [hbm4b:s4+s6], $0x80, s6, s6, $0xb8;
	[tilespmem:$0x1E900] =	vst v63  }
0xcc: {  	_ =	swait.ge [sflag:s12], $0x4000  }
0xcd: {  	[sflag:s12] =	ssyncset.done $0x0  }
0xce: {  	s17 =	sadd.s32 $0xFFFFFF80, s13;
	[sflag:s12] =	ssyncadd.s32 $0xFFFFC000  }
0xcf: {  	[spmem:s2] =	stream.indirect.scatter.add.f32 [tilespmem:s7], [sflag:$0x3], $0x80, s17, s6, $0xb8;
	[tilespmem:$0x1E900] =	vst v63  }
0xd0: {  	_ = 	snop  }
0xd1: {  	[tilespmem:s3], [sflag:$0x6] =	stream.linear.gather [hbm4b:s29+s3], $0x80, $0x38;
	[tilespmem:$0x1E900] =	vst v63  }
0xd2: {  	_ =	swait.ge [sflag:s1], $0x80  }
0xd3: {  	[sflag:s1] =	ssyncset.done $0x0  }
0xd4: {  	[sflag:s1] =	ssyncadd.s32 $0xFFFFFF80  }
0xd5: {  	_ =	swait.ge [sflag:s10], $0x4000  }
0xd6: {  	s17 =	sadd.s32 s24, s28;
	s29 =	sadd.s32 $0x100, s24;
	[sflag:s10] =	ssyncset.done $0x0  }
0xd7: {  	s15 =	sand.u32 $0xFFFFFC00, s17;
	s0 =	sand.u32 $0x300, s29;
	[sflag:s10] =	ssyncadd.s32 $0xFFFFC000  }
0xd8: {  	[tilespmem:s7], [sflag:$0x1] =	stream.indirect.gather [hbm4b:s4+s6], $0x80, s3, s6, $0xb8;
	[tilespmem:$0x1E900] =	vst v63  }
0xd9: {  	s0 =	sor.u32 s15, s0;
	_ =	swait.ge [sflag:s11], $0x4000  }
0xda: {  	s0 =	sshrl.u32 s0, $0x3;
	[sflag:s11] =	ssyncset.done $0x0  }
0xdb: {  	s0 =	sadd.s32 s0, s5;
	[sflag:s11] =	ssyncadd.s32 $0xFFFFC000  }
0xdc: {  	[spmem:s2] =	stream.indirect.scatter.add.f32 [tilespmem:s8], [sflag:$0x4], $0x80, s13, s6, $0xb8;
	[tilespmem:$0x1E900] =	vst v63  }
0xdd: {  	s0 =	sadd.s32 $0x10, s0  }
0xde: {  	[tilespmem:s6], [sflag:$0x6] =	stream.linear.gather [hbm4b:s0+s3], $0x80, $0x38;
	[tilespmem:$0x1E900] =	vst v63  }
0xdf: {  	_ =	swait.ge [sflag:s1], $0x80  }
0xe0: {  	[sflag:s1] =	ssyncset.done $0x0  }
0xe1: {  	[sflag:s1] =	ssyncadd.s32 $0xFFFFFF80  }
0xe2: {  	_ =	swait.ge [sflag:s9], $0x4000  }
0xe3: {  	[sflag:s9] =	ssyncset.done $0x0  }
0xe4: {  	[sflag:s9] =	ssyncadd.s32 $0xFFFFC000  }
0xe5: {  	[tilespmem:s8], [sflag:$0x2] =	stream.indirect.gather [hbm4b:s4+s6], $0x80, s6, s6, $0xb8;
	[tilespmem:$0x1E900] =	vst v63  }
0xe6: {  	s24 =	sadd.s32 $0x1, s16;
	_ =	swait.ge [sflag:s12], $0x4000  }
0xe7: {  	s15 =	sadd.s32 $0xFFFFFFE0, s30;
	[sflag:s12] =	ssyncset.done $0x0;
	s30 =	rddreg [dreg:$0xf]  }
0xe8: {  	s29 =	sadd.s32 $0x80, s31;
	[sflag:s12] =	ssyncadd.s32 $0xFFFFC000;
	p2 =	sge.u32 s24, s30  }
0xe9: {  	[spmem:s2] =	stream.indirect.scatter.add.f32 [tilespmem:s7], [sflag:$0x3], $0x80, s29, s6, $0xb8;
	[tilespmem:$0x1E900] =	vst v63  }
0xea: {  	s0 =	ssub.s32 @!p2 $0x0, s15;
	s15 =	simm.s32 @!p2 $0x0  }
0xeb: {  	[tilespmem:s15], [sflag:$0x6] =	stream.linear.gather @!p2 [hbm4b:s0+s15], $0x80, $0x38;
	[tilespmem:$0x1E900] =	vst v63  }
0xec: {  	s0 =	simm.s32 @!p2 $0x6  }
0xed: {  	_ =	swait.ge @!p2 [sflag:s0], $0x80  }
0xee: {  	[sflag:s0] =	ssyncset.done @!p2 $0x0  }
0xef: {  	[sflag:s0] =	ssyncadd.s32 @!p2 $0xFFFFFF80;
	s0 =	simm.s32 @!p2 $0x3  }
0xf0: {  	_ =	swait.ge @!p2 [sflag:s0], $0x4000  }
0xf1: {  	[sflag:s0] =	ssyncset.done @!p2 $0x0  }
0xf2: {  	s16 =	simm.s32 @!p2 $0x2900;
	[sflag:s0] =	ssyncadd.s32 @!p2 $0xFFFFC000;
	s0 =	simm.s32 @!p2 $0x80  }
0xf3: {  	[tilespmem:s16], [sflag:$0x1] =	stream.indirect.gather @!p2 [hbm4b:s4+s0], $0x80, s15, s0, $0xb8;
	[tilespmem:$0x1E900] =	vst v63  }
0xf4: {  	s0 =	simm.s32 @!p1 $0x3  }
0xf5: {  	_ =	swait.ge @!p1 [sflag:s0], $0x4000  }
0xf6: {  	[sflag:s0] =	ssyncset.done @!p1 $0x0  }
0xf7: {  	[sflag:s0] =	ssyncadd.s32 @!p1 $0xFFFFC000  }
0xf8: {  	_ =	swait.ge [sflag:s11], $0x4000  }
0xf9: {  	[sflag:s11] =	ssyncset.done $0x0  }
0xfa: {  	s13 =	sadd.s32 $0x100, s13;
	[sflag:s11] =	ssyncadd.s32 $0xFFFFC000  }
0xfb: {  	[spmem:s2] =	stream.indirect.scatter.add.f32 [tilespmem:s8], [sflag:$0x4], $0x80, s13, s6, $0xb8;
	[tilespmem:$0x1E900] =	vst v63  }
0xfc: {  	_ =	swait.ge [sflag:s9], $0x4000  }
0xfd: {  	[sflag:s9] =	ssyncset.done $0x0  }
0xfe: {  	[sflag:s9] =	ssyncadd.s32 $0xFFFFC000  }
0xff: {  	[bflag:$0x0] =	sbarrier.arrive $0xFFFF  }
0x100: {  	[tilespmem:s7], [sflag:$0x6] =	stream.linear.gather [spmem:s19], $0x4000, $0x38;
	[tilespmem:$0x1E900] =	vst v63  }
0x101: {  	_ =	swait.ge [sflag:s1], $0x4000  }
0x102: {  	[sflag:s1] =	ssyncset.done $0x0  }
0x103: {  	s15 =	rddreg [dreg:$0x6];
	[sflag:s1] =	ssyncadd.s32 $0xFFFFC000  }
0x104: {  	[hbm4b:s15+s3] =	stream.linear.scatter [tilespmem:s7], [sflag:$0x3], $0x4000, $0x38;
	[tilespmem:$0x1E900] =	vst v63  }
0x105: {  	_ = 	snop  }
0x106: {  	[tilespmem:s8], [sflag:$0x6] =	stream.linear.gather [spmem:s20], $0x4000, $0x38;
	[tilespmem:$0x1E900] =	vst v63  }
0x107: {  	_ =	swait.ge [sflag:s1], $0x4000  }
0x108: {  	[sflag:s1] =	ssyncset.done $0x0  }
0x109: {  	s16 =	rddreg [dreg:$0x7];
	[sflag:s1] =	ssyncadd.s32 $0xFFFFC000  }
0x10a: {  	[hbm4b:s16+s3] =	stream.linear.scatter [tilespmem:s8], [sflag:$0x4], $0x4000, $0x38;
	[tilespmem:$0x1E900] =	vst v63  }
0x10b: {  	_ =	swait.ge [sflag:s10], $0x4000  }
0x10c: {  	[sflag:s10] =	ssyncset.done $0x0  }
0x10d: {  	[sflag:s10] =	ssyncadd.s32 $0xFFFFC000  }
0x10e: {  	[tilespmem:s7], [sflag:$0x6] =	stream.linear.gather [spmem:s21], $0x4000, $0x38;
	[tilespmem:$0x1E900] =	vst v63  }
0x10f: {  	_ =	swait.ge [sflag:s1], $0x4000  }
0x110: {  	[sflag:s1] =	ssyncset.done $0x0  }
0x111: {  	s17 =	rddreg [dreg:$0x8];
	[sflag:s1] =	ssyncadd.s32 $0xFFFFC000  }
0x112: {  	[hbm4b:s17+s3] =	stream.linear.scatter [tilespmem:s7], [sflag:$0x3], $0x4000, $0x38;
	[tilespmem:$0x1E900] =	vst v63  }
0x113: {  	_ =	swait.ge [sflag:s9], $0x4000  }
0x114: {  	[sflag:s9] =	ssyncset.done $0x0  }
0x115: {  	[sflag:s9] =	ssyncadd.s32 $0xFFFFC000  }
0x116: {  	[tilespmem:s8], [sflag:$0x6] =	stream.linear.gather [spmem:s22], $0x4000, $0x38;
	[tilespmem:$0x1E900] =	vst v63  }
0x117: {  	_ =	swait.ge [sflag:s1], $0x4000  }
0x118: {  	[sflag:s1] =	ssyncset.done $0x0  }
0x119: {  	s24 =	rddreg [dreg:$0x9];
	[sflag:s1] =	ssyncadd.s32 $0xFFFFC000  }
0x11a: {  	[hbm4b:s24+s3] =	stream.linear.scatter [tilespmem:s8], [sflag:$0x4], $0x4000, $0x38;
	[tilespmem:$0x1E900] =	vst v63  }
0x11b: {  	_ =	swait.ge [sflag:s10], $0x4000  }
0x11c: {  	[sflag:s10] =	ssyncset.done $0x0  }
0x11d: {  	[sflag:s10] =	ssyncadd.s32 $0xFFFFC000  }
0x11e: {  	[tilespmem:s7], [sflag:$0x6] =	stream.linear.gather [spmem:s23], $0x4000, $0x38;
	[tilespmem:$0x1E900] =	vst v63  }
0x11f: {  	_ =	swait.ge [sflag:s1], $0x4000  }
0x120: {  	[sflag:s1] =	ssyncset.done $0x0  }
0x121: {  	s29 =	rddreg [dreg:$0xa];
	[sflag:s1] =	ssyncadd.s32 $0xFFFFC000  }
0x122: {  	[hbm4b:s29+s3] =	stream.linear.scatter [tilespmem:s7], [sflag:$0x3], $0x4000, $0x38;
	[tilespmem:$0x1E900] =	vst v63  }
0x123: {  	_ =	swait.ge [sflag:s9], $0x4000  }
0x124: {  	[sflag:s9] =	ssyncset.done $0x0  }
0x125: {  	[sflag:s9] =	ssyncadd.s32 $0xFFFFC000  }
0x126: {  	_ =	swait.ge [sflag:s10], $0x4000  }
0x127: {  	s14 =	sadd.s32 $0x1, s14;
	s30 =	rddreg [dreg:$0xe]  }
0x128: {  	p1 =	sne.s32 s14, s30  }
.Ltmp4:
0x129: {  	_ = 	snop;
	(pc) =	sbr.rel @p1 .LBB2_1-.Ltmp4, $4  }
.Ltmp5:
0x12a: {  	_ = 	snop;
	(pc) =	sbr.rel @!p1 .LBB2_10-.Ltmp5, $4  }
0x12b: {  	_ = 	snop  }
0x12c: {  	[sflag:s10] =	ssyncset.done $0x0  }
0x12d: {  	[sflag:s10] =	ssyncadd.s32 $0xFFFFC000  }
0x12e: {  	_ = 	snop  }
.LBB2_4:
.Ltmp6:
0x12f: {  	(pc) =	sbr.rel .LBB2_9-.Ltmp6, $2  }
0x130: {  	_ =	sdelay $0x2  }
0x131: {  	s29 =	smov.u32 s25;
	s30 =	rddreg [dreg:$0x10]  }
.LBB2_6:
.Ltmp7:
0x132: {  	(pc) =	sbr.rel .LBB2_9-.Ltmp7, $2  }
0x133: {  	_ =	sdelay $0x2  }
0x134: {  	s15 =	simm.s32 $0x280;
	s13 =	simm.s32 $0x380  }
.LBB2_10:
0x135: {  	_ =	sfence.sel $0x180000  }
0x136: {  	[bflag:$0x0] =	sbarrier.arrive $0xFFFF  }
0x137: {  	_ =	strace $0x90000050  }
0x138: {  	s0 =	stileid.u32;
	[bflag:$0x2] =	sbarrier.arrive $0xFFFF  }
0x139: {  	p0 =	sne.s32 s0, $0x0;
	s0 =	rddreg [dreg:$0x2]  }
0x13a: {  	s0 =	sadd.s32 @!p0 $0x100000, s0  }
0x13b: {  	[sflag:s0] =	ssyncadd.tile.s32 @!p0 $0x1;
	_ =	shalt  }
.Lfunc_end2:
_tile_overlayer_lowered:
.L_overlay_start_2:
0x13c: {  	(tag) =	ssettag $0x2  }
0x13d: {  	s0 =	rddreg [dreg:$0x0];
	s2 =	stileid.u32  }
0x13e: {  	s1 =	rddreg [dreg:$0x1];
	p0 =	sne.s32 s2, $0x0  }
0x13f: {  	s3 =	rddreg [dreg:$0x2];
	[bflag:$0x3] =	sbarrier.arrive $0xFFFF;
	s2 =	simm.s32 @!p0 $0x1C06  }
0x140: {  	[timem:s3], [sflag:s2] =	dma.local @!p0 [hbm:s0], s1  }
0x141: {  	s0 =	simm.s32 @!p0 $0x6  }
0x142: {  	_ =	swait.ge @!p0 [sflag:s0], s1  }
0x143: {  	s1 =	ssub.s32 @!p0 $0x0, s1;
	[sflag:s0] =	ssyncset.done @!p0 $0x0  }
0x144: {  	[sflag:s0] =	ssyncadd.s32 @!p0 s1  }
0x145: {  	[bflag:$0x3] =	sbarrier.arrive $0xFFFF  }
0x146: {  	_ =	shalt  }

</sc_bundles>
